<compile_context>
chip_gen: v7x
topology: tpu7x:2x2x1
jax: 0.10.2.dev20260603
libtpu: 0.0.44.dev20260713+nightly
codegen_flags: <defaults>
</compile_context>

<pallas_src>
import dataclasses
import functools

import jax
import jax.numpy as jnp
from jax import lax
from jax.experimental import pallas as pl
from jax.experimental.pallas import tpu as pltpu
from jax.experimental.pallas import tpu_sc as plsc

N = 10000
E = 320000
D = 768
L = 4
H = 128
NC = 2
NS = 16
NW = NC * NS
GW = 128
GH = GW // 2
GROUPS = 80
GA = GROUPS + 2
EP = NW * GA * GW
NP = 10240
RPT = NP // NS
DPT = NP // NS

BLK = 1000
GRID = N // BLK

_mesh = plsc.VectorSubcoreMesh(core_axis_name="core", subcore_axis_name="subcore")

_sc_params = pltpu.CompilerParams()
if "needs_layout_passes" in pltpu.CompilerParams.__dataclass_fields__:
    _sc_params = dataclasses.replace(_sc_params, needs_layout_passes=False)


@functools.partial(
    pl.kernel,
    out_type=jax.ShapeDtypeStruct((NC, 1, NP), jnp.float32),
    mesh=_mesh,
    scratch_types=[
        pltpu.VMEM((GA, GW), jnp.int32),
        pltpu.VMEM((GA, GW), jnp.float32),
        pltpu.VMEM_SHARED((NP,), jnp.float32),
    ],
)
def _sc_degree(dstg_hbm, ewg_hbm, zeros_hbm, out_hbm, dst_v, ew_v, acc_sh):
    c = lax.axis_index("core")
    s = lax.axis_index("subcore")
    wid = s * NC + c
    pltpu.sync_copy(zeros_hbm, acc_sh.at[pl.ds(s * DPT, DPT)])
    plsc.subcore_barrier()
    pltpu.sync_copy(dstg_hbm.at[wid], dst_v)
    pltpu.sync_copy(ewg_hbm.at[wid], ew_v)

    @pl.loop(0, GA)
    def _(g):
        pltpu.sync_copy(ew_v.at[g], acc_sh.at[dst_v.at[g]], add=True)

    plsc.subcore_barrier()
    pltpu.sync_copy(acc_sh.at[pl.ds(s * DPT, DPT)],
                    out_hbm.at[c, 0, pl.ds(s * DPT, DPT)])


@functools.partial(
    pl.kernel,
    out_type=jax.ShapeDtypeStruct((NC, NP, H), jnp.float32),
    mesh=_mesh,
    scratch_types=[
        pltpu.VMEM((3, GW), jnp.int32),
        pltpu.VMEM((3, GW), jnp.int32),
        pltpu.VMEM((2, GH), jnp.int32),
        pltpu.VMEM((GW, H), jnp.float32),
        pltpu.VMEM((GW, H), jnp.float32),
        pltpu.VMEM((GH, H), jnp.float32),
        pltpu.VMEM_SHARED((NP, H), jnp.float32),
        pltpu.SemaphoreType.DMA,
        pltpu.SemaphoreType.DMA,
        pltpu.SemaphoreType.DMA,
        pltpu.SemaphoreType.DMA,
    ],
    compiler_params=_sc_params,
)
def _sc_message(hs_hbm, packed_hbm, zrows_hbm, out_hbm,
                idx_a, idx_b, dst2, rows_a, rows_b, rows_s, acc_sh,
                sem_ia, sem_ib, sem_a, sem_b):
    c = lax.axis_index("core")
    s = lax.axis_index("subcore")
    wid = s * NC + c
    pltpu.sync_copy(zrows_hbm, acc_sh.at[pl.ds(s * RPT, RPT)])
    plsc.subcore_barrier()

    two = lax.broadcast(2, (16,))

    def idx_dma(g, idx, sem):
        pltpu.async_copy(packed_hbm.at[wid, g], idx, sem)

    def idx_wait(g, idx, sem):
        pltpu.make_async_copy(packed_hbm.at[wid, g], idx, sem).wait()

    def gather(idx, rows, sem):
        pltpu.async_copy(hs_hbm.at[idx.at[0]], rows, sem)

    def gather_wait(idx, rows, sem):
        pltpu.make_async_copy(hs_hbm.at[idx.at[0]], rows, sem).wait()

    def process(idx, rows, sem):
        gather_wait(idx, rows, sem)
        for t in range(2):
            base = t * GH
            for k in range(GH // 16):
                dst2[t, pl.ds(k * 16, 16)] = \
                    idx[1, pl.ds(base + k * 16, 16)]

            @pl.loop(0, GH // 2)
            def _(pp):
                for u in range(2):
                    e = pp * 2 + u
                    e2 = e + base
                    wvi = plsc.load_gather(
                        idx, [two, lax.broadcast(e2, (16,))])
                    wv = plsc.bitcast(wvi, jnp.float32)
                    for k in range(H // 16):
                        rows_s[e, pl.ds(k * 16, 16)] = \
                            rows[e2, pl.ds(k * 16, 16)] * wv

            pltpu.sync_copy(rows_s, acc_sh.at[dst2.at[t]], add=True)

    idx_dma(0, idx_a, sem_ia)
    idx_wait(0, idx_a, sem_ia)
    gather(idx_a, rows_a, sem_a)
    idx_dma(1, idx_b, sem_ib)

    @pl.loop(0, GROUPS, step=2)
    def _(g):
        idx_wait(g + 1, idx_b, sem_ib)
        gather(idx_b, rows_b, sem_b)
        process(idx_a, rows_a, sem_a)
        idx_dma(g + 2, idx_a, sem_ia)
        idx_wait(g + 2, idx_a, sem_ia)
        gather(idx_a, rows_a, sem_a)
        process(idx_b, rows_b, sem_b)
        idx_dma(g + 3, idx_b, sem_ib)

    gather_wait(idx_a, rows_a, sem_a)
    idx_wait(GROUPS + 1, idx_b, sem_ib)

    plsc.subcore_barrier()
    pltpu.sync_copy(acc_sh.at[pl.ds(s * RPT, RPT)],
                    out_hbm.at[c, pl.ds(s * RPT, RPT)])


def _tcb_body(x_ref, wa_ref, wp_ref, bp_ref, w1_ref, d0_ref, d1_ref,
              h_ref, hs1_ref, dinv_ref):
    wa = wa_ref[...]
    xs = [x_ref[:, pl.ds(l * D, D)] for l in range(L)]
    sc = [jnp.sum(xl * wa, axis=1, keepdims=True) for xl in xs]
    m = sc[0]
    for l in range(1, L):
        m = jnp.maximum(m, sc[l])
    es = [jnp.exp(s - m) for s in sc]
    den = es[0]
    for l in range(1, L):
        den = den + es[l]
    pooled = (es[0] / den) * xs[0]
    for l in range(1, L):
        pooled = pooled + (es[l] / den) * xs[l]
    h = jnp.dot(pooled, wp_ref[...], preferred_element_type=jnp.float32) \
        + bp_ref[...]
    deg = d0_ref[...] + d1_ref[...] + 1.0
    dinv = lax.rsqrt(deg)
    h_ref[...] = h
    dinv_ref[...] = dinv
    hs1_ref[...] = jnp.dot(h, w1_ref[...],
                           preferred_element_type=jnp.float32) * dinv


def _tc_pool(x2d, w_att2d, W_proj, b_proj2d, W1, d0, d1):
    return pl.pallas_call(
        _tcb_body,
        grid=(GRID,),
        in_specs=[
            pl.BlockSpec((BLK, L * D), lambda i: (i, 0)),
            pl.BlockSpec((1, D), lambda i: (0, 0)),
            pl.BlockSpec((D, H), lambda i: (0, 0)),
            pl.BlockSpec((1, H), lambda i: (0, 0)),
            pl.BlockSpec((H, H), lambda i: (0, 0)),
            pl.BlockSpec((BLK, 1), lambda i: (i, 0)),
            pl.BlockSpec((BLK, 1), lambda i: (i, 0)),
        ],
        out_specs=[
            pl.BlockSpec((BLK, H), lambda i: (i, 0)),
            pl.BlockSpec((BLK, H), lambda i: (i, 0)),
            pl.BlockSpec((BLK, 1), lambda i: (i, 0)),
        ],
        out_shape=[
            jax.ShapeDtypeStruct((N, H), jnp.float32),
            jax.ShapeDtypeStruct((N, H), jnp.float32),
            jax.ShapeDtypeStruct((N, 1), jnp.float32),
        ],
    )(x2d, w_att2d, W_proj, b_proj2d, W1, d0, d1)


def _tcc_body(p0_ref, p1_ref, hs1_ref, dinv_ref, b1_ref, w2_ref, hs2_ref):
    dinv = dinv_ref[...]
    g = dinv * (p0_ref[...] + p1_ref[...] + hs1_ref[...]) + b1_ref[...]
    g = jnp.maximum(g, 0.0)
    hs2_ref[...] = jnp.dot(g, w2_ref[...],
                           preferred_element_type=jnp.float32) * dinv


def _tc_mid(p0, p1, hs1, dinv, b1_2d, W2):
    return pl.pallas_call(
        _tcc_body,
        grid=(GRID,),
        in_specs=[
            pl.BlockSpec((BLK, H), lambda i: (i, 0)),
            pl.BlockSpec((BLK, H), lambda i: (i, 0)),
            pl.BlockSpec((BLK, H), lambda i: (i, 0)),
            pl.BlockSpec((BLK, 1), lambda i: (i, 0)),
            pl.BlockSpec((1, H), lambda i: (0, 0)),
            pl.BlockSpec((H, H), lambda i: (0, 0)),
        ],
        out_specs=[pl.BlockSpec((BLK, H), lambda i: (i, 0))],
        out_shape=[jax.ShapeDtypeStruct((N, H), jnp.float32)],
    )(p0, p1, hs1, dinv, b1_2d, W2)[0]


def _tcd_body(q0_ref, q1_ref, hs2_ref, dinv_ref, b2_ref, h_ref,
              wc_ref, bc_ref, wo_ref, bo_ref, out_ref):
    o2 = dinv_ref[...] * (q0_ref[...] + q1_ref[...] + hs2_ref[...]) \
        + b2_ref[...]
    hh = o2 + h_ref[...]
    ctr = jnp.dot(hh, wc_ref[...], preferred_element_type=jnp.float32) \
        + bc_ref[...]
    z = jnp.dot(hh, wo_ref[...], preferred_element_type=jnp.float32) \
        + bo_ref[...]
    off = jnp.maximum(z, 0.0) + jnp.log1p(jnp.exp(-jnp.abs(z)))
    out_ref[:, pl.ds(0, H)] = ctr - off
    out_ref[:, pl.ds(H, H)] = ctr + off


def _tc_box(q0, q1, hs2, dinv, b2_2d, h, Wc, bc_2d, Wo, bo_2d):
    return pl.pallas_call(
        _tcd_body,
        grid=(GRID,),
        in_specs=[
            pl.BlockSpec((BLK, H), lambda i: (i, 0)),
            pl.BlockSpec((BLK, H), lambda i: (i, 0)),
            pl.BlockSpec((BLK, H), lambda i: (i, 0)),
            pl.BlockSpec((BLK, 1), lambda i: (i, 0)),
            pl.BlockSpec((1, H), lambda i: (0, 0)),
            pl.BlockSpec((BLK, H), lambda i: (i, 0)),
            pl.BlockSpec((H, H), lambda i: (0, 0)),
            pl.BlockSpec((1, H), lambda i: (0, 0)),
            pl.BlockSpec((H, H), lambda i: (0, 0)),
            pl.BlockSpec((1, H), lambda i: (0, 0)),
        ],
        out_specs=[pl.BlockSpec((BLK, 2 * H), lambda i: (i, 0))],
        out_shape=[jax.ShapeDtypeStruct((N, 2 * H), jnp.float32)],
    )(q0, q1, hs2, dinv, b2_2d, h, Wc, bc_2d, Wo, bo_2d)[0]


def kernel(x, edge_index, edge_weight, w_att, W_proj, b_proj,
           W1, b1, W2, b2, Wc, bc, Wo, bo):
    x2d = x.reshape(N, L * D)
    pad = EP - E
    src = jnp.concatenate([edge_index[0], jnp.zeros((pad,), jnp.int32)])
    dst = jnp.concatenate([edge_index[1], jnp.zeros((pad,), jnp.int32)])
    ew = jnp.concatenate([edge_weight, jnp.zeros((pad,), jnp.float32)])
    ewb = lax.bitcast_convert_type(ew, jnp.int32)
    packed = jnp.stack([src.reshape(NW, GA, GW), dst.reshape(NW, GA, GW),
                        ewb.reshape(NW, GA, GW)], axis=2)
    dstg = dst.reshape(NW, GA, GW)
    ewg = ew.reshape(NW, GA, GW)
    zeros_deg = jnp.zeros((DPT,), jnp.float32)
    zeros_rows = jnp.zeros((RPT, H), jnp.float32)

    deg_parts = _sc_degree(dstg, ewg, zeros_deg)
    d0 = deg_parts[0, 0, :N].reshape(N, 1)
    d1 = deg_parts[1, 0, :N].reshape(N, 1)

    h, hs1, dinv = _tc_pool(x2d, w_att.reshape(1, D), W_proj,
                            b_proj.reshape(1, H), W1, d0, d1)

    m1 = _sc_message(hs1, packed, zeros_rows)
    hs2 = _tc_mid(m1[0], m1[1], hs1, dinv, b1.reshape(1, H), W2)

    m2 = _sc_message(hs2, packed, zeros_rows)
    return _tc_box(m2[0], m2[1], hs2, dinv, b2.reshape(1, H), h,
                   Wc, bc.reshape(1, H), Wo, bo.reshape(1, H))

# --- scband reference (transcript-rebuilt; emitter-appended) ---
"""Pipeline reference for scband-model-5463198400662 (READ-ONLY COPY).

The authoritative reference and input builder live on the scoring server;
editing this copy changes nothing except your own understanding.
"""

import jax, jax.numpy as jnp
import numpy as np

N = 10000
E = 320000
D = 768
L = 4
H = 128


def gcn_conv(x, src, dst, ew, W, b):
    n = x.shape[0]
    h = x @ W
    loop = jnp.arange(n, dtype=src.dtype)
    src_f = jnp.concatenate([src, loop])
    dst_f = jnp.concatenate([dst, loop])
    w_f = jnp.concatenate([ew, jnp.ones((n,), dtype=ew.dtype)])
    deg = jax.ops.segment_sum(w_f, dst_f, num_segments=n)
    dinv = jnp.where(deg > 0, 1.0 / jnp.sqrt(jnp.where(deg > 0, deg, 1.0)), 0.0)
    norm = dinv[src_f] * w_f * dinv[dst_f]
    msg = h[src_f] * norm[:, None]
    return jax.ops.segment_sum(msg, dst_f, num_segments=n) + b


def setup_inputs(seed: int = 0):
    key = jax.random.key(seed)
    ks = jax.random.split(key, 16)
    x = jax.random.normal(ks[0], (N, L, D), dtype=jnp.float32)
    edge_index = jax.random.randint(ks[1], (2, E), 0, N, dtype=jnp.int32)
    edge_weight = jax.random.uniform(ks[2], (E,), dtype=jnp.float32)
    w_att = jax.random.normal(ks[3], (D,), dtype=jnp.float32) * 0.02
    W_proj = jax.random.normal(ks[4], (D, H), dtype=jnp.float32) * 0.02
    b_proj = jnp.zeros((H,), dtype=jnp.float32)
    W1 = jax.random.normal(ks[5], (H, H), dtype=jnp.float32) * 0.08
    b1 = jnp.zeros((H,), dtype=jnp.float32)
    W2 = jax.random.normal(ks[6], (H, H), dtype=jnp.float32) * 0.08
    b2 = jnp.zeros((H,), dtype=jnp.float32)
    Wc = jax.random.normal(ks[7], (H, H), dtype=jnp.float32) * 0.08
    bc = jnp.zeros((H,), dtype=jnp.float32)
    Wo = jax.random.normal(ks[8], (H, H), dtype=jnp.float32) * 0.08
    bo = jnp.zeros((H,), dtype=jnp.float32)
    return {"x": x, "edge_index": edge_index, "edge_weight": edge_weight,
            "w_att": w_att, "W_proj": W_proj, "b_proj": b_proj,
            "W1": W1, "b1": b1, "W2": W2, "b2": b2,
            "Wc": Wc, "bc": bc, "Wo": Wo, "bo": bo}


def reference(x, edge_index, edge_weight, w_att, W_proj, b_proj, W1, b1, W2, b2, Wc, bc, Wo, bo):
    # Attention: pool L BERT token embeddings per node, project bert_dim -> hidden_dim
    scores = jnp.einsum('nld,d->nl', x, w_att)
    alpha = jax.nn.softmax(scores, axis=-1)
    pooled = jnp.einsum('nl,nld->nd', alpha, x)
    h = pooled @ W_proj + b_proj
    # GNN: two GCNConv layers (with self-loops, symmetric norm, edge weights),
    # relu in between (dropout = identity at eval), residual add
    src = edge_index[0]
    dst = edge_index[1]
    g = gcn_conv(h, src, dst, edge_weight, W1, b1)
    g = jax.nn.relu(g)
    g = gcn_conv(g, src, dst, edge_weight, W2, b2)
    h = g + h
    # GeometricBox: (min, max) corners via center/offset parameterization
    center = h @ Wc + bc
    offset = jax.nn.softplus(h @ Wo + bo)
    return jnp.concatenate([center - offset, center + offset], axis=-1)

if __name__ == "__main__":
    import jax
    _d = setup_inputs()
    print(jax.jit(kernel)(*tuple(_d.values())))

</pallas_src>

<mosaic_0001>
#map = affine_map<(d0, d1) -> (0, 0)>
#map1 = affine_map<(d0, d1) -> (0, 0, 0, 0)>
#map2 = affine_map<(d0, d1) -> (0, 0, 0)>
module attributes {stable_mosaic.version = 14 : i64} {
  func.func @_sc_message(%arg0: i32, %arg1: i32, %arg2: memref<10000x128xf32, #tpu.memory_space<hbm>>, %arg3: memref<32x82x3x128xi32, #tpu.memory_space<hbm>>, %arg4: memref<640x128xf32, #tpu.memory_space<hbm>>, %arg5: memref<2x10240x128xf32, #tpu.memory_space<hbm>>, %arg6: memref<3x128xi32, #tpu.memory_space<vmem>>, %arg7: memref<3x128xi32, #tpu.memory_space<vmem>>, %arg8: memref<2x64xi32, #tpu.memory_space<vmem>>, %arg9: memref<128x128xf32, #tpu.memory_space<vmem>>, %arg10: memref<128x128xf32, #tpu.memory_space<vmem>>, %arg11: memref<64x128xf32, #tpu.memory_space<vmem>>, %arg12: memref<10240x128xf32, #tpu.memory_space<vmem_shared>>, %arg13: memref<!tpu.dma_semaphore, #tpu.memory_space<semaphore_mem>>, %arg14: memref<!tpu.dma_semaphore, #tpu.memory_space<semaphore_mem>>, %arg15: memref<!tpu.dma_semaphore, #tpu.memory_space<semaphore_mem>>, %arg16: memref<!tpu.dma_semaphore, #tpu.memory_space<semaphore_mem>>) attributes {dimension_semantics = [#tpu.dimension_semantics<core_parallel>, #tpu.dimension_semantics<subcore_parallel>], iteration_bounds = array<i64: 2, 16>, scalar_prefetch = 0 : i64, scratch_operands = 11 : i64, tpu.core_type = #tpu.core_type<sc_vector_subcore>, window_params = [{transform_indices = #map}, {transform_indices = #map1}, {transform_indices = #map}, {transform_indices = #map2}]} {
    %mul3A = arith.constant 2 : i32
    %mul3A_0 = arith.muli %arg1, %mul3A : i32
    %add3A = arith.addi %mul3A_0, %arg0 : i32
    %mul3A_1 = arith.constant 640 : i32
    %mul3A_2 = arith.muli %arg1, %mul3A_1 : i32
    "tpu.region"() ({
      %run_scoped3A = tpu.sem_alloc : memref<!tpu.dma_semaphore, #tpu.memory_space<semaphore_mem>>
      %dma_start3A_61 = arith.constant 0 : i32
      %dma_start3A_62 = tpu.memref_slice %arg12[%mul3A_2, %dma_start3A_61] : memref<10240x128xf32, #tpu.memory_space<vmem_shared>> -> memref<640x128xf32, #tpu.memory_space<vmem_shared>>
      tpu.enqueue_dma source(%arg4 : memref<640x128xf32, #tpu.memory_space<hbm>>) target(%dma_start3A_62 : memref<640x128xf32, #tpu.memory_space<vmem_shared>>) target_semaphore(%run_scoped3A : memref<!tpu.dma_semaphore, #tpu.memory_space<semaphore_mem>>)
      %dma_wait3A_63 = arith.constant 0 : i32
      %dma_wait3A_64 = tpu.memref_slice %arg12[%mul3A_2, %dma_wait3A_63] : memref<10240x128xf32, #tpu.memory_space<vmem_shared>> -> memref<640x128xf32, #tpu.memory_space<vmem_shared>>
      tpu.wait_dma2 semaphore(%run_scoped3A : memref<!tpu.dma_semaphore, #tpu.memory_space<semaphore_mem>>) src(%arg4 : memref<640x128xf32, #tpu.memory_space<hbm>>) dst(%dma_wait3A_64 : memref<640x128xf32, #tpu.memory_space<vmem_shared>>)
      tpu.yield
    }) : () -> ()
    %barrier3A = arith.constant 0 : index
    tpu.barrier barrier_id(%barrier3A)
    %broadcast_in_dim3A = arith.constant 2 : i32
    %broadcast_in_dim3A_3 = vector.broadcast %broadcast_in_dim3A : i32 to vector<16xi32>
    %dma_start3A = arith.constant 0 : i32
    %dma_start3A_4 = arith.constant 0 : i32
    %dma_start3A_5 = arith.constant 0 : i32
    %dma_start3A_6 = tpu.memref_slice %arg3[%add3A, %dma_start3A, %dma_start3A_4, %dma_start3A_5] : memref<32x82x3x128xi32, #tpu.memory_space<hbm>> -> memref<1x1x3x128xi32, #tpu.memory_space<hbm>>
    %dma_start3A_7 = tpu.memref_squeeze %dma_start3A_6 : memref<1x1x3x128xi32, #tpu.memory_space<hbm>> -> memref<3x128xi32, #tpu.memory_space<hbm>>
    %dma_start3A_8 = arith.constant 0 : i32
    %dma_start3A_9 = arith.constant 0 : i32
    %dma_start3A_10 = tpu.memref_slice %arg3[%add3A, %dma_start3A, %dma_start3A_8, %dma_start3A_9] : memref<32x82x3x128xi32, #tpu.memory_space<hbm>> -> memref<1x1x3x128xi32, #tpu.memory_space<hbm>>
    %dma_start3A_11 = tpu.memref_squeeze %dma_start3A_10 : memref<1x1x3x128xi32, #tpu.memory_space<hbm>> -> memref<3x128xi32, #tpu.memory_space<hbm>>
    tpu.enqueue_dma source(%dma_start3A_11 : memref<3x128xi32, #tpu.memory_space<hbm>>) target(%arg6 : memref<3x128xi32, #tpu.memory_space<vmem>>) target_semaphore(%arg13 : memref<!tpu.dma_semaphore, #tpu.memory_space<semaphore_mem>>)
    %dma_wait3A = arith.constant 0 : i32
    %dma_wait3A_12 = arith.constant 0 : i32
    %dma_wait3A_13 = arith.constant 0 : i32
    %dma_wait3A_14 = tpu.memref_slice %arg3[%add3A, %dma_wait3A, %dma_wait3A_12, %dma_wait3A_13] : memref<32x82x3x128xi32, #tpu.memory_space<hbm>> -> memref<1x1x3x128xi32, #tpu.memory_space<hbm>>
    %dma_wait3A_15 = tpu.memref_squeeze %dma_wait3A_14 : memref<1x1x3x128xi32, #tpu.memory_space<hbm>> -> memref<3x128xi32, #tpu.memory_space<hbm>>
    %dma_wait3A_16 = arith.constant 0 : i32
    %dma_wait3A_17 = arith.constant 0 : i32
    %dma_wait3A_18 = tpu.memref_slice %arg3[%add3A, %dma_wait3A, %dma_wait3A_16, %dma_wait3A_17] : memref<32x82x3x128xi32, #tpu.memory_space<hbm>> -> memref<1x1x3x128xi32, #tpu.memory_space<hbm>>
    %dma_wait3A_19 = tpu.memref_squeeze %dma_wait3A_18 : memref<1x1x3x128xi32, #tpu.memory_space<hbm>> -> memref<3x128xi32, #tpu.memory_space<hbm>>
    tpu.wait_dma2 semaphore(%arg13 : memref<!tpu.dma_semaphore, #tpu.memory_space<semaphore_mem>>) src(%dma_wait3A_19 : memref<3x128xi32, #tpu.memory_space<hbm>>) dst(%arg6 : memref<3x128xi32, #tpu.memory_space<vmem>>)
    %dma_start3A_20 = arith.constant 0 : i32
    %dma_start3A_21 = arith.constant 0 : i32
    %dma_start3A_22 = tpu.memref_slice %arg6[%dma_start3A_20, %dma_start3A_21] : memref<3x128xi32, #tpu.memory_space<vmem>> -> memref<1x128xi32, #tpu.memory_space<vmem>>
    %dma_start3A_23 = tpu.memref_squeeze %dma_start3A_22 : memref<1x128xi32, #tpu.memory_space<vmem>> -> memref<128xi32, #tpu.memory_space<vmem>>
    %dma_start3A_24 = arith.constant 0 : i32
    %dma_start3A_25 = arith.constant 0 : i32
    %dma_start3A_26 = tpu.memref_slice %arg2[%dma_start3A_24, %dma_start3A_25] : memref<10000x128xf32, #tpu.memory_space<hbm>> -> memref<10000x128xf32, #tpu.memory_space<hbm>>
    tpu.enqueue_indirect_dma source(%dma_start3A_26 : memref<10000x128xf32, #tpu.memory_space<hbm>>) target(%arg9 : memref<128x128xf32, #tpu.memory_space<vmem>>) offsets(%dma_start3A_23 : memref<128xi32, #tpu.memory_space<vmem>>) semaphore(%arg15 : memref<!tpu.dma_semaphore, #tpu.memory_space<semaphore_mem>>)
    %dma_start3A_27 = arith.constant 1 : i32
    %dma_start3A_28 = arith.constant 0 : i32
    %dma_start3A_29 = arith.constant 0 : i32
    %dma_start3A_30 = tpu.memref_slice %arg3[%add3A, %dma_start3A_27, %dma_start3A_28, %dma_start3A_29] : memref<32x82x3x128xi32, #tpu.memory_space<hbm>> -> memref<1x1x3x128xi32, #tpu.memory_space<hbm>>
    %dma_start3A_31 = tpu.memref_squeeze %dma_start3A_30 : memref<1x1x3x128xi32, #tpu.memory_space<hbm>> -> memref<3x128xi32, #tpu.memory_space<hbm>>
    %dma_start3A_32 = arith.constant 0 : i32
    %dma_start3A_33 = arith.constant 0 : i32
    %dma_start3A_34 = tpu.memref_slice %arg3[%add3A, %dma_start3A_27, %dma_start3A_32, %dma_start3A_33] : memref<32x82x3x128xi32, #tpu.memory_space<hbm>> -> memref<1x1x3x128xi32, #tpu.memory_space<hbm>>
    %dma_start3A_35 = tpu.memref_squeeze %dma_start3A_34 : memref<1x1x3x128xi32, #tpu.memory_space<hbm>> -> memref<3x128xi32, #tpu.memory_space<hbm>>
    tpu.enqueue_dma source(%dma_start3A_35 : memref<3x128xi32, #tpu.memory_space<hbm>>) target(%arg7 : memref<3x128xi32, #tpu.memory_space<vmem>>) target_semaphore(%arg14 : memref<!tpu.dma_semaphore, #tpu.memory_space<semaphore_mem>>)
    %scan3A = arith.constant 0 : i32
    %scan3A_36 = arith.constant 40 : i32
    %scan3A_37 = arith.addi %scan3A, %scan3A_36 : i32
    %scan3A_38 = arith.constant 1 : i32
    scf.for %scan3A_61 = %scan3A to %scan3A_37 step %scan3A_38  : i32 {
      %mul3A_62 = arith.constant 2 : i32
      %mul3A_63 = arith.muli %scan3A_61, %mul3A_62 : i32
      %add3A_64 = arith.constant 0 : i32
      %add3A_65 = arith.addi %add3A_64, %mul3A_63 : i32
      %add3A_66 = arith.constant 1 : i32
      %add3A_67 = arith.addi %add3A_65, %add3A_66 : i32
      %dma_wait3A_68 = arith.constant 0 : i32
      %dma_wait3A_69 = arith.constant 0 : i32
      %dma_wait3A_70 = tpu.memref_slice %arg3[%add3A, %add3A_67, %dma_wait3A_68, %dma_wait3A_69] : memref<32x82x3x128xi32, #tpu.memory_space<hbm>> -> memref<1x1x3x128xi32, #tpu.memory_space<hbm>>
      %dma_wait3A_71 = tpu.memref_squeeze %dma_wait3A_70 : memref<1x1x3x128xi32, #tpu.memory_space<hbm>> -> memref<3x128xi32, #tpu.memory_space<hbm>>
      %dma_wait3A_72 = arith.constant 0 : i32
      %dma_wait3A_73 = arith.constant 0 : i32
      %dma_wait3A_74 = tpu.memref_slice %arg3[%add3A, %add3A_67, %dma_wait3A_72, %dma_wait3A_73] : memref<32x82x3x128xi32, #tpu.memory_space<hbm>> -> memref<1x1x3x128xi32, #tpu.memory_space<hbm>>
      %dma_wait3A_75 = tpu.memref_squeeze %dma_wait3A_74 : memref<1x1x3x128xi32, #tpu.memory_space<hbm>> -> memref<3x128xi32, #tpu.memory_space<hbm>>
      tpu.wait_dma2 semaphore(%arg14 : memref<!tpu.dma_semaphore, #tpu.memory_space<semaphore_mem>>) src(%dma_wait3A_75 : memref<3x128xi32, #tpu.memory_space<hbm>>) dst(%arg7 : memref<3x128xi32, #tpu.memory_space<vmem>>)
      %dma_start3A_76 = arith.constant 0 : i32
      %dma_start3A_77 = arith.constant 0 : i32
      %dma_start3A_78 = tpu.memref_slice %arg7[%dma_start3A_76, %dma_start3A_77] : memref<3x128xi32, #tpu.memory_space<vmem>> -> memref<1x128xi32, #tpu.memory_space<vmem>>
      %dma_start3A_79 = tpu.memref_squeeze %dma_start3A_78 : memref<1x128xi32, #tpu.memory_space<vmem>> -> memref<128xi32, #tpu.memory_space<vmem>>
      %dma_start3A_80 = arith.constant 0 : i32
      %dma_start3A_81 = arith.constant 0 : i32
      %dma_start3A_82 = tpu.memref_slice %arg2[%dma_start3A_80, %dma_start3A_81] : memref<10000x128xf32, #tpu.memory_space<hbm>> -> memref<10000x128xf32, #tpu.memory_space<hbm>>
      tpu.enqueue_indirect_dma source(%dma_start3A_82 : memref<10000x128xf32, #tpu.memory_space<hbm>>) target(%arg10 : memref<128x128xf32, #tpu.memory_space<vmem>>) offsets(%dma_start3A_79 : memref<128xi32, #tpu.memory_space<vmem>>) semaphore(%arg16 : memref<!tpu.dma_semaphore, #tpu.memory_space<semaphore_mem>>)
      %dma_wait3A_83 = arith.constant 0 : i32
      %dma_wait3A_84 = arith.constant 0 : i32
      %dma_wait3A_85 = tpu.memref_slice %arg6[%dma_wait3A_83, %dma_wait3A_84] : memref<3x128xi32, #tpu.memory_space<vmem>> -> memref<1x128xi32, #tpu.memory_space<vmem>>
      %dma_wait3A_86 = tpu.memref_squeeze %dma_wait3A_85 : memref<1x128xi32, #tpu.memory_space<vmem>> -> memref<128xi32, #tpu.memory_space<vmem>>
      %dma_wait3A_87 = arith.constant 0 : i32
      %dma_wait3A_88 = arith.constant 0 : i32
      %dma_wait3A_89 = tpu.memref_slice %arg2[%dma_wait3A_87, %dma_wait3A_88] : memref<10000x128xf32, #tpu.memory_space<hbm>> -> memref<10000x128xf32, #tpu.memory_space<hbm>>
      tpu.wait_indirect_dma semaphore(%arg15 : memref<!tpu.dma_semaphore, #tpu.memory_space<semaphore_mem>>) src(%dma_wait3A_89 : memref<10000x128xf32, #tpu.memory_space<hbm>>) dst(%arg9 : memref<128x128xf32, #tpu.memory_space<vmem>>)
      %get3A = arith.constant 1 : i32
      %get3A_90 = arith.index_cast %get3A : i32 to index
      %get3A_91 = arith.constant 0 : index
      %get3A_92 = tpu.vector_load %arg6[%get3A_90, %get3A_91] {strides = array<i32>} : memref<3x128xi32, #tpu.memory_space<vmem>>, vector<16xi32>,
      %swap3A = arith.constant 0 : i32
      %swap3A_93 = arith.index_cast %swap3A : i32 to index
      %swap3A_94 = arith.constant 0 : index
      %swap3A_95 = tpu.vector_load %arg8[%swap3A_93, %swap3A_94] {strides = array<i32>} : memref<2x64xi32, #tpu.memory_space<vmem>>, vector<16xi32>,
      tpu.vector_store %arg8[%swap3A_93, %swap3A_94], %get3A_92 {strides = array<i32>} : memref<2x64xi32, #tpu.memory_space<vmem>>, vector<16xi32>,
      %get3A_96 = arith.constant 1 : i32
      %get3A_97 = arith.index_cast %get3A_96 : i32 to index
      %get3A_98 = arith.constant 16 : index
      %get3A_99 = tpu.vector_load %arg6[%get3A_97, %get3A_98] {strides = array<i32>} : memref<3x128xi32, #tpu.memory_space<vmem>>, vector<16xi32>,
      %swap3A_100 = arith.constant 0 : i32
      %swap3A_101 = arith.index_cast %swap3A_100 : i32 to index
      %swap3A_102 = arith.constant 16 : index
      %swap3A_103 = tpu.vector_load %arg8[%swap3A_101, %swap3A_102] {strides = array<i32>} : memref<2x64xi32, #tpu.memory_space<vmem>>, vector<16xi32>,
      tpu.vector_store %arg8[%swap3A_101, %swap3A_102], %get3A_99 {strides = array<i32>} : memref<2x64xi32, #tpu.memory_space<vmem>>, vector<16xi32>,
      %get3A_104 = arith.constant 1 : i32
      %get3A_105 = arith.index_cast %get3A_104 : i32 to index
      %get3A_106 = arith.constant 32 : index
      %get3A_107 = tpu.vector_load %arg6[%get3A_105, %get3A_106] {strides = array<i32>} : memref<3x128xi32, #tpu.memory_space<vmem>>, vector<16xi32>,
      %swap3A_108 = arith.constant 0 : i32
      %swap3A_109 = arith.index_cast %swap3A_108 : i32 to index
      %swap3A_110 = arith.constant 32 : index
      %swap3A_111 = tpu.vector_load %arg8[%swap3A_109, %swap3A_110] {strides = array<i32>} : memref<2x64xi32, #tpu.memory_space<vmem>>, vector<16xi32>,
      tpu.vector_store %arg8[%swap3A_109, %swap3A_110], %get3A_107 {strides = array<i32>} : memref<2x64xi32, #tpu.memory_space<vmem>>, vector<16xi32>,
      %get3A_112 = arith.constant 1 : i32
      %get3A_113 = arith.index_cast %get3A_112 : i32 to index
      %get3A_114 = arith.constant 48 : index
      %get3A_115 = tpu.vector_load %arg6[%get3A_113, %get3A_114] {strides = array<i32>} : memref<3x128xi32, #tpu.memory_space<vmem>>, vector<16xi32>,
      %swap3A_116 = arith.constant 0 : i32
      %swap3A_117 = arith.index_cast %swap3A_116 : i32 to index
      %swap3A_118 = arith.constant 48 : index
      %swap3A_119 = tpu.vector_load %arg8[%swap3A_117, %swap3A_118] {strides = array<i32>} : memref<2x64xi32, #tpu.memory_space<vmem>>, vector<16xi32>,
      tpu.vector_store %arg8[%swap3A_117, %swap3A_118], %get3A_115 {strides = array<i32>} : memref<2x64xi32, #tpu.memory_space<vmem>>, vector<16xi32>,
      %scan3A_120 = arith.constant 0 : i32
      %scan3A_121 = arith.constant 32 : i32
      %scan3A_122 = arith.addi %scan3A_120, %scan3A_121 : i32
      %scan3A_123 = arith.constant 1 : i32
      scf.for %scan3A_283 = %scan3A_120 to %scan3A_122 step %scan3A_123  : i32 {
        %mul3A_284 = arith.constant 1 : i32
        %mul3A_285 = arith.muli %scan3A_283, %mul3A_284 : i32
        %add3A_286 = arith.constant 0 : i32
        %add3A_287 = arith.addi %add3A_286, %mul3A_285 : i32
        %mul3A_288 = arith.constant 2 : i32
        %mul3A_289 = arith.muli %add3A_287, %mul3A_288 : i32
        %add3A_290 = arith.constant 0 : i32
        %add3A_291 = arith.addi %mul3A_289, %add3A_290 : i32
        %add3A_292 = arith.constant 0 : i32
        %add3A_293 = arith.addi %add3A_291, %add3A_292 : i32
        %broadcast_in_dim3A_294 = vector.broadcast %add3A_293 : i32 to vector<16xi32>
        %gather3A = tpu.vector_load_idx %arg6[%broadcast_in_dim3A_3, %broadcast_in_dim3A_294] : memref<3x128xi32, #tpu.memory_space<vmem>>[vector<16xi32>, vector<16xi32>], vector<16xi32>,
        %bitcast3A = vector.bitcast %gather3A : vector<16xi32> to vector<16xf32>
        %get3A_295 = arith.index_cast %add3A_293 : i32 to index
        %get3A_296 = arith.constant 0 : index
        %get3A_297 = tpu.vector_load %arg9[%get3A_295, %get3A_296] {strides = array<i32>} : memref<128x128xf32, #tpu.memory_space<vmem>>, vector<16xf32>,
        %mul3A_298 = arith.mulf %get3A_297, %bitcast3A : vector<16xf32>
        %swap3A_299 = arith.index_cast %add3A_291 : i32 to index
        %swap3A_300 = arith.constant 0 : index
        %swap3A_301 = tpu.vector_load %arg11[%swap3A_299, %swap3A_300] {strides = array<i32>} : memref<64x128xf32, #tpu.memory_space<vmem>>, vector<16xf32>,
        tpu.vector_store %arg11[%swap3A_299, %swap3A_300], %mul3A_298 {strides = array<i32>} : memref<64x128xf32, #tpu.memory_space<vmem>>, vector<16xf32>,
        %get3A_302 = arith.index_cast %add3A_293 : i32 to index
        %get3A_303 = arith.constant 16 : index
        %get3A_304 = tpu.vector_load %arg9[%get3A_302, %get3A_303] {strides = array<i32>} : memref<128x128xf32, #tpu.memory_space<vmem>>, vector<16xf32>,
        %mul3A_305 = arith.mulf %get3A_304, %bitcast3A : vector<16xf32>
        %swap3A_306 = arith.index_cast %add3A_291 : i32 to index
        %swap3A_307 = arith.constant 16 : index
        %swap3A_308 = tpu.vector_load %arg11[%swap3A_306, %swap3A_307] {strides = array<i32>} : memref<64x128xf32, #tpu.memory_space<vmem>>, vector<16xf32>,
        tpu.vector_store %arg11[%swap3A_306, %swap3A_307], %mul3A_305 {strides = array<i32>} : memref<64x128xf32, #tpu.memory_space<vmem>>, vector<16xf32>,
        %get3A_309 = arith.index_cast %add3A_293 : i32 to index
        %get3A_310 = arith.constant 32 : index
        %get3A_311 = tpu.vector_load %arg9[%get3A_309, %get3A_310] {strides = array<i32>} : memref<128x128xf32, #tpu.memory_space<vmem>>, vector<16xf32>,
        %mul3A_312 = arith.mulf %get3A_311, %bitcast3A : vector<16xf32>
        %swap3A_313 = arith.index_cast %add3A_291 : i32 to index
        %swap3A_314 = arith.constant 32 : index
        %swap3A_315 = tpu.vector_load %arg11[%swap3A_313, %swap3A_314] {strides = array<i32>} : memref<64x128xf32, #tpu.memory_space<vmem>>, vector<16xf32>,
        tpu.vector_store %arg11[%swap3A_313, %swap3A_314], %mul3A_312 {strides = array<i32>} : memref<64x128xf32, #tpu.memory_space<vmem>>, vector<16xf32>,
        %get3A_316 = arith.index_cast %add3A_293 : i32 to index
        %get3A_317 = arith.constant 48 : index
        %get3A_318 = tpu.vector_load %arg9[%get3A_316, %get3A_317] {strides = array<i32>} : memref<128x128xf32, #tpu.memory_space<vmem>>, vector<16xf32>,
        %mul3A_319 = arith.mulf %get3A_318, %bitcast3A : vector<16xf32>
        %swap3A_320 = arith.index_cast %add3A_291 : i32 to index
        %swap3A_321 = arith.constant 48 : index
        %swap3A_322 = tpu.vector_load %arg11[%swap3A_320, %swap3A_321] {strides = array<i32>} : memref<64x128xf32, #tpu.memory_space<vmem>>, vector<16xf32>,
        tpu.vector_store %arg11[%swap3A_320, %swap3A_321], %mul3A_319 {strides = array<i32>} : memref<64x128xf32, #tpu.memory_space<vmem>>, vector<16xf32>,
        %get3A_323 = arith.index_cast %add3A_293 : i32 to index
        %get3A_324 = arith.constant 64 : index
        %get3A_325 = tpu.vector_load %arg9[%get3A_323, %get3A_324] {strides = array<i32>} : memref<128x128xf32, #tpu.memory_space<vmem>>, vector<16xf32>,
        %mul3A_326 = arith.mulf %get3A_325, %bitcast3A : vector<16xf32>
        %swap3A_327 = arith.index_cast %add3A_291 : i32 to index
        %swap3A_328 = arith.constant 64 : index
        %swap3A_329 = tpu.vector_load %arg11[%swap3A_327, %swap3A_328] {strides = array<i32>} : memref<64x128xf32, #tpu.memory_space<vmem>>, vector<16xf32>,
        tpu.vector_store %arg11[%swap3A_327, %swap3A_328], %mul3A_326 {strides = array<i32>} : memref<64x128xf32, #tpu.memory_space<vmem>>, vector<16xf32>,
        %get3A_330 = arith.index_cast %add3A_293 : i32 to index
        %get3A_331 = arith.constant 80 : index
        %get3A_332 = tpu.vector_load %arg9[%get3A_330, %get3A_331] {strides = array<i32>} : memref<128x128xf32, #tpu.memory_space<vmem>>, vector<16xf32>,
        %mul3A_333 = arith.mulf %get3A_332, %bitcast3A : vector<16xf32>
        %swap3A_334 = arith.index_cast %add3A_291 : i32 to index
        %swap3A_335 = arith.constant 80 : index
        %swap3A_336 = tpu.vector_load %arg11[%swap3A_334, %swap3A_335] {strides = array<i32>} : memref<64x128xf32, #tpu.memory_space<vmem>>, vector<16xf32>,
        tpu.vector_store %arg11[%swap3A_334, %swap3A_335], %mul3A_333 {strides = array<i32>} : memref<64x128xf32, #tpu.memory_space<vmem>>, vector<16xf32>,
        %get3A_337 = arith.index_cast %add3A_293 : i32 to index
        %get3A_338 = arith.constant 96 : index
        %get3A_339 = tpu.vector_load %arg9[%get3A_337, %get3A_338] {strides = array<i32>} : memref<128x128xf32, #tpu.memory_space<vmem>>, vector<16xf32>,
        %mul3A_340 = arith.mulf %get3A_339, %bitcast3A : vector<16xf32>
        %swap3A_341 = arith.index_cast %add3A_291 : i32 to index
        %swap3A_342 = arith.constant 96 : index
        %swap3A_343 = tpu.vector_load %arg11[%swap3A_341, %swap3A_342] {strides = array<i32>} : memref<64x128xf32, #tpu.memory_space<vmem>>, vector<16xf32>,
        tpu.vector_store %arg11[%swap3A_341, %swap3A_342], %mul3A_340 {strides = array<i32>} : memref<64x128xf32, #tpu.memory_space<vmem>>, vector<16xf32>,
        %get3A_344 = arith.index_cast %add3A_293 : i32 to index
        %get3A_345 = arith.constant 112 : index
        %get3A_346 = tpu.vector_load %arg9[%get3A_344, %get3A_345] {strides = array<i32>} : memref<128x128xf32, #tpu.memory_space<vmem>>, vector<16xf32>,
        %mul3A_347 = arith.mulf %get3A_346, %bitcast3A : vector<16xf32>
        %swap3A_348 = arith.index_cast %add3A_291 : i32 to index
        %swap3A_349 = arith.constant 112 : index
        %swap3A_350 = tpu.vector_load %arg11[%swap3A_348, %swap3A_349] {strides = array<i32>} : memref<64x128xf32, #tpu.memory_space<vmem>>, vector<16xf32>,
        tpu.vector_store %arg11[%swap3A_348, %swap3A_349], %mul3A_347 {strides = array<i32>} : memref<64x128xf32, #tpu.memory_space<vmem>>, vector<16xf32>,
        %mul3A_351 = arith.constant 2 : i32
        %mul3A_352 = arith.muli %add3A_287, %mul3A_351 : i32
        %add3A_353 = arith.constant 1 : i32
        %add3A_354 = arith.addi %mul3A_352, %add3A_353 : i32
        %add3A_355 = arith.constant 0 : i32
        %add3A_356 = arith.addi %add3A_354, %add3A_355 : i32
        %broadcast_in_dim3A_357 = vector.broadcast %add3A_356 : i32 to vector<16xi32>
        %gather3A_358 = tpu.vector_load_idx %arg6[%broadcast_in_dim3A_3, %broadcast_in_dim3A_357] : memref<3x128xi32, #tpu.memory_space<vmem>>[vector<16xi32>, vector<16xi32>], vector<16xi32>,
        %bitcast3A_359 = vector.bitcast %gather3A_358 : vector<16xi32> to vector<16xf32>
        %get3A_360 = arith.index_cast %add3A_356 : i32 to index
        %get3A_361 = arith.constant 0 : index
        %get3A_362 = tpu.vector_load %arg9[%get3A_360, %get3A_361] {strides = array<i32>} : memref<128x128xf32, #tpu.memory_space<vmem>>, vector<16xf32>,
        %mul3A_363 = arith.mulf %get3A_362, %bitcast3A_359 : vector<16xf32>
        %swap3A_364 = arith.index_cast %add3A_354 : i32 to index
        %swap3A_365 = arith.constant 0 : index
        %swap3A_366 = tpu.vector_load %arg11[%swap3A_364, %swap3A_365] {strides = array<i32>} : memref<64x128xf32, #tpu.memory_space<vmem>>, vector<16xf32>,
        tpu.vector_store %arg11[%swap3A_364, %swap3A_365], %mul3A_363 {strides = array<i32>} : memref<64x128xf32, #tpu.memory_space<vmem>>, vector<16xf32>,
        %get3A_367 = arith.index_cast %add3A_356 : i32 to index
        %get3A_368 = arith.constant 16 : index
        %get3A_369 = tpu.vector_load %arg9[%get3A_367, %get3A_368] {strides = array<i32>} : memref<128x128xf32, #tpu.memory_space<vmem>>, vector<16xf32>,
        %mul3A_370 = arith.mulf %get3A_369, %bitcast3A_359 : vector<16xf32>
        %swap3A_371 = arith.index_cast %add3A_354 : i32 to index
        %swap3A_372 = arith.constant 16 : index
        %swap3A_373 = tpu.vector_load %arg11[%swap3A_371, %swap3A_372] {strides = array<i32>} : memref<64x128xf32, #tpu.memory_space<vmem>>, vector<16xf32>,
        tpu.vector_store %arg11[%swap3A_371, %swap3A_372], %mul3A_370 {strides = array<i32>} : memref<64x128xf32, #tpu.memory_space<vmem>>, vector<16xf32>,
        %get3A_374 = arith.index_cast %add3A_356 : i32 to index
        %get3A_375 = arith.constant 32 : index
        %get3A_376 = tpu.vector_load %arg9[%get3A_374, %get3A_375] {strides = array<i32>} : memref<128x128xf32, #tpu.memory_space<vmem>>, vector<16xf32>,
        %mul3A_377 = arith.mulf %get3A_376, %bitcast3A_359 : vector<16xf32>
        %swap3A_378 = arith.index_cast %add3A_354 : i32 to index
        %swap3A_379 = arith.constant 32 : index
        %swap3A_380 = tpu.vector_load %arg11[%swap3A_378, %swap3A_379] {strides = array<i32>} : memref<64x128xf32, #tpu.memory_space<vmem>>, vector<16xf32>,
        tpu.vector_store %arg11[%swap3A_378, %swap3A_379], %mul3A_377 {strides = array<i32>} : memref<64x128xf32, #tpu.memory_space<vmem>>, vector<16xf32>,
        %get3A_381 = arith.index_cast %add3A_356 : i32 to index
        %get3A_382 = arith.constant 48 : index
        %get3A_383 = tpu.vector_load %arg9[%get3A_381, %get3A_382] {strides = array<i32>} : memref<128x128xf32, #tpu.memory_space<vmem>>, vector<16xf32>,
        %mul3A_384 = arith.mulf %get3A_383, %bitcast3A_359 : vector<16xf32>
        %swap3A_385 = arith.index_cast %add3A_354 : i32 to index
        %swap3A_386 = arith.constant 48 : index
        %swap3A_387 = tpu.vector_load %arg11[%swap3A_385, %swap3A_386] {strides = array<i32>} : memref<64x128xf32, #tpu.memory_space<vmem>>, vector<16xf32>,
        tpu.vector_store %arg11[%swap3A_385, %swap3A_386], %mul3A_384 {strides = array<i32>} : memref<64x128xf32, #tpu.memory_space<vmem>>, vector<16xf32>,
        %get3A_388 = arith.index_cast %add3A_356 : i32 to index
        %get3A_389 = arith.constant 64 : index
        %get3A_390 = tpu.vector_load %arg9[%get3A_388, %get3A_389] {strides = array<i32>} : memref<128x128xf32, #tpu.memory_space<vmem>>, vector<16xf32>,
        %mul3A_391 = arith.mulf %get3A_390, %bitcast3A_359 : vector<16xf32>
        %swap3A_392 = arith.index_cast %add3A_354 : i32 to index
        %swap3A_393 = arith.constant 64 : index
        %swap3A_394 = tpu.vector_load %arg11[%swap3A_392, %swap3A_393] {strides = array<i32>} : memref<64x128xf32, #tpu.memory_space<vmem>>, vector<16xf32>,
        tpu.vector_store %arg11[%swap3A_392, %swap3A_393], %mul3A_391 {strides = array<i32>} : memref<64x128xf32, #tpu.memory_space<vmem>>, vector<16xf32>,
        %get3A_395 = arith.index_cast %add3A_356 : i32 to index
        %get3A_396 = arith.constant 80 : index
        %get3A_397 = tpu.vector_load %arg9[%get3A_395, %get3A_396] {strides = array<i32>} : memref<128x128xf32, #tpu.memory_space<vmem>>, vector<16xf32>,
        %mul3A_398 = arith.mulf %get3A_397, %bitcast3A_359 : vector<16xf32>
        %swap3A_399 = arith.index_cast %add3A_354 : i32 to index
        %swap3A_400 = arith.constant 80 : index
        %swap3A_401 = tpu.vector_load %arg11[%swap3A_399, %swap3A_400] {strides = array<i32>} : memref<64x128xf32, #tpu.memory_space<vmem>>, vector<16xf32>,
        tpu.vector_store %arg11[%swap3A_399, %swap3A_400], %mul3A_398 {strides = array<i32>} : memref<64x128xf32, #tpu.memory_space<vmem>>, vector<16xf32>,
        %get3A_402 = arith.index_cast %add3A_356 : i32 to index
        %get3A_403 = arith.constant 96 : index
        %get3A_404 = tpu.vector_load %arg9[%get3A_402, %get3A_403] {strides = array<i32>} : memref<128x128xf32, #tpu.memory_space<vmem>>, vector<16xf32>,
        %mul3A_405 = arith.mulf %get3A_404, %bitcast3A_359 : vector<16xf32>
        %swap3A_406 = arith.index_cast %add3A_354 : i32 to index
        %swap3A_407 = arith.constant 96 : index
        %swap3A_408 = tpu.vector_load %arg11[%swap3A_406, %swap3A_407] {strides = array<i32>} : memref<64x128xf32, #tpu.memory_space<vmem>>, vector<16xf32>,
        tpu.vector_store %arg11[%swap3A_406, %swap3A_407], %mul3A_405 {strides = array<i32>} : memref<64x128xf32, #tpu.memory_space<vmem>>, vector<16xf32>,
        %get3A_409 = arith.index_cast %add3A_356 : i32 to index
        %get3A_410 = arith.constant 112 : index
        %get3A_411 = tpu.vector_load %arg9[%get3A_409, %get3A_410] {strides = array<i32>} : memref<128x128xf32, #tpu.memory_space<vmem>>, vector<16xf32>,
        %mul3A_412 = arith.mulf %get3A_411, %bitcast3A_359 : vector<16xf32>
        %swap3A_413 = arith.index_cast %add3A_354 : i32 to index
        %swap3A_414 = arith.constant 112 : index
        %swap3A_415 = tpu.vector_load %arg11[%swap3A_413, %swap3A_414] {strides = array<i32>} : memref<64x128xf32, #tpu.memory_space<vmem>>, vector<16xf32>,
        tpu.vector_store %arg11[%swap3A_413, %swap3A_414], %mul3A_412 {strides = array<i32>} : memref<64x128xf32, #tpu.memory_space<vmem>>, vector<16xf32>,
      }
      %scan3A_124 = arith.constant 32 : i32
      %run_scoped3A = arith.constant 0 : i32
      "tpu.region"() ({
        %run_scoped3A_283 = tpu.sem_alloc : memref<!tpu.dma_semaphore, #tpu.memory_space<semaphore_mem>>
        %dma_start3A_284 = arith.constant 0 : i32
        %dma_start3A_285 = tpu.memref_slice %arg8[%run_scoped3A, %dma_start3A_284] : memref<2x64xi32, #tpu.memory_space<vmem>> -> memref<1x64xi32, #tpu.memory_space<vmem>>
        %dma_start3A_286 = tpu.memref_squeeze %dma_start3A_285 : memref<1x64xi32, #tpu.memory_space<vmem>> -> memref<64xi32, #tpu.memory_space<vmem>>
        %dma_start3A_287 = arith.constant 0 : i32
        %dma_start3A_288 = arith.constant 0 : i32
        %dma_start3A_289 = tpu.memref_slice %arg12[%dma_start3A_287, %dma_start3A_288] : memref<10240x128xf32, #tpu.memory_space<vmem_shared>> -> memref<10240x128xf32, #tpu.memory_space<vmem_shared>>
        tpu.enqueue_indirect_dma source(%arg11 : memref<64x128xf32, #tpu.memory_space<vmem>>) target(%dma_start3A_289 : memref<10240x128xf32, #tpu.memory_space<vmem_shared>>) offsets(%dma_start3A_286 : memref<64xi32, #tpu.memory_space<vmem>>) semaphore(%run_scoped3A_283 : memref<!tpu.dma_semaphore, #tpu.memory_space<semaphore_mem>>) {add = true}
        %dma_wait3A_290 = arith.constant 0 : i32
        %dma_wait3A_291 = tpu.memref_slice %arg8[%run_scoped3A, %dma_wait3A_290] : memref<2x64xi32, #tpu.memory_space<vmem>> -> memref<1x64xi32, #tpu.memory_space<vmem>>
        %dma_wait3A_292 = tpu.memref_squeeze %dma_wait3A_291 : memref<1x64xi32, #tpu.memory_space<vmem>> -> memref<64xi32, #tpu.memory_space<vmem>>
        %dma_wait3A_293 = arith.constant 0 : i32
        %dma_wait3A_294 = arith.constant 0 : i32
        %dma_wait3A_295 = tpu.memref_slice %arg12[%dma_wait3A_293, %dma_wait3A_294] : memref<10240x128xf32, #tpu.memory_space<vmem_shared>> -> memref<10240x128xf32, #tpu.memory_space<vmem_shared>>
        tpu.wait_indirect_dma semaphore(%run_scoped3A_283 : memref<!tpu.dma_semaphore, #tpu.memory_space<semaphore_mem>>) src(%arg11 : memref<64x128xf32, #tpu.memory_space<vmem>>) dst(%dma_wait3A_295 : memref<10240x128xf32, #tpu.memory_space<vmem_shared>>)
        tpu.yield
      }) : () -> ()
      %get3A_125 = arith.constant 1 : i32
      %get3A_126 = arith.index_cast %get3A_125 : i32 to index
      %get3A_127 = arith.constant 64 : index
      %get3A_128 = tpu.vector_load %arg6[%get3A_126, %get3A_127] {strides = array<i32>} : memref<3x128xi32, #tpu.memory_space<vmem>>, vector<16xi32>,
      %swap3A_129 = arith.constant 1 : i32
      %swap3A_130 = arith.index_cast %swap3A_129 : i32 to index
      %swap3A_131 = arith.constant 0 : index
      %swap3A_132 = tpu.vector_load %arg8[%swap3A_130, %swap3A_131] {strides = array<i32>} : memref<2x64xi32, #tpu.memory_space<vmem>>, vector<16xi32>,
      tpu.vector_store %arg8[%swap3A_130, %swap3A_131], %get3A_128 {strides = array<i32>} : memref<2x64xi32, #tpu.memory_space<vmem>>, vector<16xi32>,
      %get3A_133 = arith.constant 1 : i32
      %get3A_134 = arith.index_cast %get3A_133 : i32 to index
      %get3A_135 = arith.constant 80 : index
      %get3A_136 = tpu.vector_load %arg6[%get3A_134, %get3A_135] {strides = array<i32>} : memref<3x128xi32, #tpu.memory_space<vmem>>, vector<16xi32>,
      %swap3A_137 = arith.constant 1 : i32
      %swap3A_138 = arith.index_cast %swap3A_137 : i32 to index
      %swap3A_139 = arith.constant 16 : index
      %swap3A_140 = tpu.vector_load %arg8[%swap3A_138, %swap3A_139] {strides = array<i32>} : memref<2x64xi32, #tpu.memory_space<vmem>>, vector<16xi32>,
      tpu.vector_store %arg8[%swap3A_138, %swap3A_139], %get3A_136 {strides = array<i32>} : memref<2x64xi32, #tpu.memory_space<vmem>>, vector<16xi32>,
      %get3A_141 = arith.constant 1 : i32
      %get3A_142 = arith.index_cast %get3A_141 : i32 to index
      %get3A_143 = arith.constant 96 : index
      %get3A_144 = tpu.vector_load %arg6[%get3A_142, %get3A_143] {strides = array<i32>} : memref<3x128xi32, #tpu.memory_space<vmem>>, vector<16xi32>,
      %swap3A_145 = arith.constant 1 : i32
      %swap3A_146 = arith.index_cast %swap3A_145 : i32 to index
      %swap3A_147 = arith.constant 32 : index
      %swap3A_148 = tpu.vector_load %arg8[%swap3A_146, %swap3A_147] {strides = array<i32>} : memref<2x64xi32, #tpu.memory_space<vmem>>, vector<16xi32>,
      tpu.vector_store %arg8[%swap3A_146, %swap3A_147], %get3A_144 {strides = array<i32>} : memref<2x64xi32, #tpu.memory_space<vmem>>, vector<16xi32>,
      %get3A_149 = arith.constant 1 : i32
      %get3A_150 = arith.index_cast %get3A_149 : i32 to index
      %get3A_151 = arith.constant 112 : index
      %get3A_152 = tpu.vector_load %arg6[%get3A_150, %get3A_151] {strides = array<i32>} : memref<3x128xi32, #tpu.memory_space<vmem>>, vector<16xi32>,
      %swap3A_153 = arith.constant 1 : i32
      %swap3A_154 = arith.index_cast %swap3A_153 : i32 to index
      %swap3A_155 = arith.constant 48 : index
      %swap3A_156 = tpu.vector_load %arg8[%swap3A_154, %swap3A_155] {strides = array<i32>} : memref<2x64xi32, #tpu.memory_space<vmem>>, vector<16xi32>,
      tpu.vector_store %arg8[%swap3A_154, %swap3A_155], %get3A_152 {strides = array<i32>} : memref<2x64xi32, #tpu.memory_space<vmem>>, vector<16xi32>,
      %scan3A_157 = arith.constant 0 : i32
      %scan3A_158 = arith.constant 32 : i32
      %scan3A_159 = arith.addi %scan3A_157, %scan3A_158 : i32
      %scan3A_160 = arith.constant 1 : i32
      scf.for %scan3A_283 = %scan3A_157 to %scan3A_159 step %scan3A_160  : i32 {
        %mul3A_284 = arith.constant 1 : i32
        %mul3A_285 = arith.muli %scan3A_283, %mul3A_284 : i32
        %add3A_286 = arith.constant 0 : i32
        %add3A_287 = arith.addi %add3A_286, %mul3A_285 : i32
        %mul3A_288 = arith.constant 2 : i32
        %mul3A_289 = arith.muli %add3A_287, %mul3A_288 : i32
        %add3A_290 = arith.constant 0 : i32
        %add3A_291 = arith.addi %mul3A_289, %add3A_290 : i32
        %add3A_292 = arith.constant 64 : i32
        %add3A_293 = arith.addi %add3A_291, %add3A_292 : i32
        %broadcast_in_dim3A_294 = vector.broadcast %add3A_293 : i32 to vector<16xi32>
        %gather3A = tpu.vector_load_idx %arg6[%broadcast_in_dim3A_3, %broadcast_in_dim3A_294] : memref<3x128xi32, #tpu.memory_space<vmem>>[vector<16xi32>, vector<16xi32>], vector<16xi32>,
        %bitcast3A = vector.bitcast %gather3A : vector<16xi32> to vector<16xf32>
        %get3A_295 = arith.index_cast %add3A_293 : i32 to index
        %get3A_296 = arith.constant 0 : index
        %get3A_297 = tpu.vector_load %arg9[%get3A_295, %get3A_296] {strides = array<i32>} : memref<128x128xf32, #tpu.memory_space<vmem>>, vector<16xf32>,
        %mul3A_298 = arith.mulf %get3A_297, %bitcast3A : vector<16xf32>
        %swap3A_299 = arith.index_cast %add3A_291 : i32 to index
        %swap3A_300 = arith.constant 0 : index
        %swap3A_301 = tpu.vector_load %arg11[%swap3A_299, %swap3A_300] {strides = array<i32>} : memref<64x128xf32, #tpu.memory_space<vmem>>, vector<16xf32>,
        tpu.vector_store %arg11[%swap3A_299, %swap3A_300], %mul3A_298 {strides = array<i32>} : memref<64x128xf32, #tpu.memory_space<vmem>>, vector<16xf32>,
        %get3A_302 = arith.index_cast %add3A_293 : i32 to index
        %get3A_303 = arith.constant 16 : index
        %get3A_304 = tpu.vector_load %arg9[%get3A_302, %get3A_303] {strides = array<i32>} : memref<128x128xf32, #tpu.memory_space<vmem>>, vector<16xf32>,
        %mul3A_305 = arith.mulf %get3A_304, %bitcast3A : vector<16xf32>
        %swap3A_306 = arith.index_cast %add3A_291 : i32 to index
        %swap3A_307 = arith.constant 16 : index
        %swap3A_308 = tpu.vector_load %arg11[%swap3A_306, %swap3A_307] {strides = array<i32>} : memref<64x128xf32, #tpu.memory_space<vmem>>, vector<16xf32>,
        tpu.vector_store %arg11[%swap3A_306, %swap3A_307], %mul3A_305 {strides = array<i32>} : memref<64x128xf32, #tpu.memory_space<vmem>>, vector<16xf32>,
        %get3A_309 = arith.index_cast %add3A_293 : i32 to index
        %get3A_310 = arith.constant 32 : index
        %get3A_311 = tpu.vector_load %arg9[%get3A_309, %get3A_310] {strides = array<i32>} : memref<128x128xf32, #tpu.memory_space<vmem>>, vector<16xf32>,
        %mul3A_312 = arith.mulf %get3A_311, %bitcast3A : vector<16xf32>
        %swap3A_313 = arith.index_cast %add3A_291 : i32 to index
        %swap3A_314 = arith.constant 32 : index
        %swap3A_315 = tpu.vector_load %arg11[%swap3A_313, %swap3A_314] {strides = array<i32>} : memref<64x128xf32, #tpu.memory_space<vmem>>, vector<16xf32>,
        tpu.vector_store %arg11[%swap3A_313, %swap3A_314], %mul3A_312 {strides = array<i32>} : memref<64x128xf32, #tpu.memory_space<vmem>>, vector<16xf32>,
        %get3A_316 = arith.index_cast %add3A_293 : i32 to index
        %get3A_317 = arith.constant 48 : index
        %get3A_318 = tpu.vector_load %arg9[%get3A_316, %get3A_317] {strides = array<i32>} : memref<128x128xf32, #tpu.memory_space<vmem>>, vector<16xf32>,
        %mul3A_319 = arith.mulf %get3A_318, %bitcast3A : vector<16xf32>
        %swap3A_320 = arith.index_cast %add3A_291 : i32 to index
        %swap3A_321 = arith.constant 48 : index
        %swap3A_322 = tpu.vector_load %arg11[%swap3A_320, %swap3A_321] {strides = array<i32>} : memref<64x128xf32, #tpu.memory_space<vmem>>, vector<16xf32>,
        tpu.vector_store %arg11[%swap3A_320, %swap3A_321], %mul3A_319 {strides = array<i32>} : memref<64x128xf32, #tpu.memory_space<vmem>>, vector<16xf32>,
        %get3A_323 = arith.index_cast %add3A_293 : i32 to index
        %get3A_324 = arith.constant 64 : index
        %get3A_325 = tpu.vector_load %arg9[%get3A_323, %get3A_324] {strides = array<i32>} : memref<128x128xf32, #tpu.memory_space<vmem>>, vector<16xf32>,
        %mul3A_326 = arith.mulf %get3A_325, %bitcast3A : vector<16xf32>
        %swap3A_327 = arith.index_cast %add3A_291 : i32 to index
        %swap3A_328 = arith.constant 64 : index
        %swap3A_329 = tpu.vector_load %arg11[%swap3A_327, %swap3A_328] {strides = array<i32>} : memref<64x128xf32, #tpu.memory_space<vmem>>, vector<16xf32>,
        tpu.vector_store %arg11[%swap3A_327, %swap3A_328], %mul3A_326 {strides = array<i32>} : memref<64x128xf32, #tpu.memory_space<vmem>>, vector<16xf32>,
        %get3A_330 = arith.index_cast %add3A_293 : i32 to index
        %get3A_331 = arith.constant 80 : index
        %get3A_332 = tpu.vector_load %arg9[%get3A_330, %get3A_331] {strides = array<i32>} : memref<128x128xf32, #tpu.memory_space<vmem>>, vector<16xf32>,
        %mul3A_333 = arith.mulf %get3A_332, %bitcast3A : vector<16xf32>
        %swap3A_334 = arith.index_cast %add3A_291 : i32 to index
        %swap3A_335 = arith.constant 80 : index
        %swap3A_336 = tpu.vector_load %arg11[%swap3A_334, %swap3A_335] {strides = array<i32>} : memref<64x128xf32, #tpu.memory_space<vmem>>, vector<16xf32>,
        tpu.vector_store %arg11[%swap3A_334, %swap3A_335], %mul3A_333 {strides = array<i32>} : memref<64x128xf32, #tpu.memory_space<vmem>>, vector<16xf32>,
        %get3A_337 = arith.index_cast %add3A_293 : i32 to index
        %get3A_338 = arith.constant 96 : index
        %get3A_339 = tpu.vector_load %arg9[%get3A_337, %get3A_338] {strides = array<i32>} : memref<128x128xf32, #tpu.memory_space<vmem>>, vector<16xf32>,
        %mul3A_340 = arith.mulf %get3A_339, %bitcast3A : vector<16xf32>
        %swap3A_341 = arith.index_cast %add3A_291 : i32 to index
        %swap3A_342 = arith.constant 96 : index
        %swap3A_343 = tpu.vector_load %arg11[%swap3A_341, %swap3A_342] {strides = array<i32>} : memref<64x128xf32, #tpu.memory_space<vmem>>, vector<16xf32>,
        tpu.vector_store %arg11[%swap3A_341, %swap3A_342], %mul3A_340 {strides = array<i32>} : memref<64x128xf32, #tpu.memory_space<vmem>>, vector<16xf32>,
        %get3A_344 = arith.index_cast %add3A_293 : i32 to index
        %get3A_345 = arith.constant 112 : index
        %get3A_346 = tpu.vector_load %arg9[%get3A_344, %get3A_345] {strides = array<i32>} : memref<128x128xf32, #tpu.memory_space<vmem>>, vector<16xf32>,
        %mul3A_347 = arith.mulf %get3A_346, %bitcast3A : vector<16xf32>
        %swap3A_348 = arith.index_cast %add3A_291 : i32 to index
        %swap3A_349 = arith.constant 112 : index
        %swap3A_350 = tpu.vector_load %arg11[%swap3A_348, %swap3A_349] {strides = array<i32>} : memref<64x128xf32, #tpu.memory_space<vmem>>, vector<16xf32>,
        tpu.vector_store %arg11[%swap3A_348, %swap3A_349], %mul3A_347 {strides = array<i32>} : memref<64x128xf32, #tpu.memory_space<vmem>>, vector<16xf32>,
        %mul3A_351 = arith.constant 2 : i32
        %mul3A_352 = arith.muli %add3A_287, %mul3A_351 : i32
        %add3A_353 = arith.constant 1 : i32
        %add3A_354 = arith.addi %mul3A_352, %add3A_353 : i32
        %add3A_355 = arith.constant 64 : i32
        %add3A_356 = arith.addi %add3A_354, %add3A_355 : i32
        %broadcast_in_dim3A_357 = vector.broadcast %add3A_356 : i32 to vector<16xi32>
        %gather3A_358 = tpu.vector_load_idx %arg6[%broadcast_in_dim3A_3, %broadcast_in_dim3A_357] : memref<3x128xi32, #tpu.memory_space<vmem>>[vector<16xi32>, vector<16xi32>], vector<16xi32>,
        %bitcast3A_359 = vector.bitcast %gather3A_358 : vector<16xi32> to vector<16xf32>
        %get3A_360 = arith.index_cast %add3A_356 : i32 to index
        %get3A_361 = arith.constant 0 : index
        %get3A_362 = tpu.vector_load %arg9[%get3A_360, %get3A_361] {strides = array<i32>} : memref<128x128xf32, #tpu.memory_space<vmem>>, vector<16xf32>,
        %mul3A_363 = arith.mulf %get3A_362, %bitcast3A_359 : vector<16xf32>
        %swap3A_364 = arith.index_cast %add3A_354 : i32 to index
        %swap3A_365 = arith.constant 0 : index
        %swap3A_366 = tpu.vector_load %arg11[%swap3A_364, %swap3A_365] {strides = array<i32>} : memref<64x128xf32, #tpu.memory_space<vmem>>, vector<16xf32>,
        tpu.vector_store %arg11[%swap3A_364, %swap3A_365], %mul3A_363 {strides = array<i32>} : memref<64x128xf32, #tpu.memory_space<vmem>>, vector<16xf32>,
        %get3A_367 = arith.index_cast %add3A_356 : i32 to index
        %get3A_368 = arith.constant 16 : index
        %get3A_369 = tpu.vector_load %arg9[%get3A_367, %get3A_368] {strides = array<i32>} : memref<128x128xf32, #tpu.memory_space<vmem>>, vector<16xf32>,
        %mul3A_370 = arith.mulf %get3A_369, %bitcast3A_359 : vector<16xf32>
        %swap3A_371 = arith.index_cast %add3A_354 : i32 to index
        %swap3A_372 = arith.constant 16 : index
        %swap3A_373 = tpu.vector_load %arg11[%swap3A_371, %swap3A_372] {strides = array<i32>} : memref<64x128xf32, #tpu.memory_space<vmem>>, vector<16xf32>,
        tpu.vector_store %arg11[%swap3A_371, %swap3A_372], %mul3A_370 {strides = array<i32>} : memref<64x128xf32, #tpu.memory_space<vmem>>, vector<16xf32>,
        %get3A_374 = arith.index_cast %add3A_356 : i32 to index
        %get3A_375 = arith.constant 32 : index
        %get3A_376 = tpu.vector_load %arg9[%get3A_374, %get3A_375] {strides = array<i32>} : memref<128x128xf32, #tpu.memory_space<vmem>>, vector<16xf32>,
        %mul3A_377 = arith.mulf %get3A_376, %bitcast3A_359 : vector<16xf32>
        %swap3A_378 = arith.index_cast %add3A_354 : i32 to index
        %swap3A_379 = arith.constant 32 : index
        %swap3A_380 = tpu.vector_load %arg11[%swap3A_378, %swap3A_379] {strides = array<i32>} : memref<64x128xf32, #tpu.memory_space<vmem>>, vector<16xf32>,
        tpu.vector_store %arg11[%swap3A_378, %swap3A_379], %mul3A_377 {strides = array<i32>} : memref<64x128xf32, #tpu.memory_space<vmem>>, vector<16xf32>,
        %get3A_381 = arith.index_cast %add3A_356 : i32 to index
        %get3A_382 = arith.constant 48 : index
        %get3A_383 = tpu.vector_load %arg9[%get3A_381, %get3A_382] {strides = array<i32>} : memref<128x128xf32, #tpu.memory_space<vmem>>, vector<16xf32>,
        %mul3A_384 = arith.mulf %get3A_383, %bitcast3A_359 : vector<16xf32>
        %swap3A_385 = arith.index_cast %add3A_354 : i32 to index
        %swap3A_386 = arith.constant 48 : index
        %swap3A_387 = tpu.vector_load %arg11[%swap3A_385, %swap3A_386] {strides = array<i32>} : memref<64x128xf32, #tpu.memory_space<vmem>>, vector<16xf32>,
        tpu.vector_store %arg11[%swap3A_385, %swap3A_386], %mul3A_384 {strides = array<i32>} : memref<64x128xf32, #tpu.memory_space<vmem>>, vector<16xf32>,
        %get3A_388 = arith.index_cast %add3A_356 : i32 to index
        %get3A_389 = arith.constant 64 : index
        %get3A_390 = tpu.vector_load %arg9[%get3A_388, %get3A_389] {strides = array<i32>} : memref<128x128xf32, #tpu.memory_space<vmem>>, vector<16xf32>,
        %mul3A_391 = arith.mulf %get3A_390, %bitcast3A_359 : vector<16xf32>
        %swap3A_392 = arith.index_cast %add3A_354 : i32 to index
        %swap3A_393 = arith.constant 64 : index
        %swap3A_394 = tpu.vector_load %arg11[%swap3A_392, %swap3A_393] {strides = array<i32>} : memref<64x128xf32, #tpu.memory_space<vmem>>, vector<16xf32>,
        tpu.vector_store %arg11[%swap3A_392, %swap3A_393], %mul3A_391 {strides = array<i32>} : memref<64x128xf32, #tpu.memory_space<vmem>>, vector<16xf32>,
        %get3A_395 = arith.index_cast %add3A_356 : i32 to index
        %get3A_396 = arith.constant 80 : index
        %get3A_397 = tpu.vector_load %arg9[%get3A_395, %get3A_396] {strides = array<i32>} : memref<128x128xf32, #tpu.memory_space<vmem>>, vector<16xf32>,
        %mul3A_398 = arith.mulf %get3A_397, %bitcast3A_359 : vector<16xf32>
        %swap3A_399 = arith.index_cast %add3A_354 : i32 to index
        %swap3A_400 = arith.constant 80 : index
        %swap3A_401 = tpu.vector_load %arg11[%swap3A_399, %swap3A_400] {strides = array<i32>} : memref<64x128xf32, #tpu.memory_space<vmem>>, vector<16xf32>,
        tpu.vector_store %arg11[%swap3A_399, %swap3A_400], %mul3A_398 {strides = array<i32>} : memref<64x128xf32, #tpu.memory_space<vmem>>, vector<16xf32>,
        %get3A_402 = arith.index_cast %add3A_356 : i32 to index
        %get3A_403 = arith.constant 96 : index
        %get3A_404 = tpu.vector_load %arg9[%get3A_402, %get3A_403] {strides = array<i32>} : memref<128x128xf32, #tpu.memory_space<vmem>>, vector<16xf32>,
        %mul3A_405 = arith.mulf %get3A_404, %bitcast3A_359 : vector<16xf32>
        %swap3A_406 = arith.index_cast %add3A_354 : i32 to index
        %swap3A_407 = arith.constant 96 : index
        %swap3A_408 = tpu.vector_load %arg11[%swap3A_406, %swap3A_407] {strides = array<i32>} : memref<64x128xf32, #tpu.memory_space<vmem>>, vector<16xf32>,
        tpu.vector_store %arg11[%swap3A_406, %swap3A_407], %mul3A_405 {strides = array<i32>} : memref<64x128xf32, #tpu.memory_space<vmem>>, vector<16xf32>,
        %get3A_409 = arith.index_cast %add3A_356 : i32 to index
        %get3A_410 = arith.constant 112 : index
        %get3A_411 = tpu.vector_load %arg9[%get3A_409, %get3A_410] {strides = array<i32>} : memref<128x128xf32, #tpu.memory_space<vmem>>, vector<16xf32>,
        %mul3A_412 = arith.mulf %get3A_411, %bitcast3A_359 : vector<16xf32>
        %swap3A_413 = arith.index_cast %add3A_354 : i32 to index
        %swap3A_414 = arith.constant 112 : index
        %swap3A_415 = tpu.vector_load %arg11[%swap3A_413, %swap3A_414] {strides = array<i32>} : memref<64x128xf32, #tpu.memory_space<vmem>>, vector<16xf32>,
        tpu.vector_store %arg11[%swap3A_413, %swap3A_414], %mul3A_412 {strides = array<i32>} : memref<64x128xf32, #tpu.memory_space<vmem>>, vector<16xf32>,
      }
      %scan3A_161 = arith.constant 32 : i32
      %run_scoped3A_162 = arith.constant 1 : i32
      "tpu.region"() ({
        %run_scoped3A_283 = tpu.sem_alloc : memref<!tpu.dma_semaphore, #tpu.memory_space<semaphore_mem>>
        %dma_start3A_284 = arith.constant 0 : i32
        %dma_start3A_285 = tpu.memref_slice %arg8[%run_scoped3A_162, %dma_start3A_284] : memref<2x64xi32, #tpu.memory_space<vmem>> -> memref<1x64xi32, #tpu.memory_space<vmem>>
        %dma_start3A_286 = tpu.memref_squeeze %dma_start3A_285 : memref<1x64xi32, #tpu.memory_space<vmem>> -> memref<64xi32, #tpu.memory_space<vmem>>
        %dma_start3A_287 = arith.constant 0 : i32
        %dma_start3A_288 = arith.constant 0 : i32
        %dma_start3A_289 = tpu.memref_slice %arg12[%dma_start3A_287, %dma_start3A_288] : memref<10240x128xf32, #tpu.memory_space<vmem_shared>> -> memref<10240x128xf32, #tpu.memory_space<vmem_shared>>
        tpu.enqueue_indirect_dma source(%arg11 : memref<64x128xf32, #tpu.memory_space<vmem>>) target(%dma_start3A_289 : memref<10240x128xf32, #tpu.memory_space<vmem_shared>>) offsets(%dma_start3A_286 : memref<64xi32, #tpu.memory_space<vmem>>) semaphore(%run_scoped3A_283 : memref<!tpu.dma_semaphore, #tpu.memory_space<semaphore_mem>>) {add = true}
        %dma_wait3A_290 = arith.constant 0 : i32
        %dma_wait3A_291 = tpu.memref_slice %arg8[%run_scoped3A_162, %dma_wait3A_290] : memref<2x64xi32, #tpu.memory_space<vmem>> -> memref<1x64xi32, #tpu.memory_space<vmem>>
        %dma_wait3A_292 = tpu.memref_squeeze %dma_wait3A_291 : memref<1x64xi32, #tpu.memory_space<vmem>> -> memref<64xi32, #tpu.memory_space<vmem>>
        %dma_wait3A_293 = arith.constant 0 : i32
        %dma_wait3A_294 = arith.constant 0 : i32
        %dma_wait3A_295 = tpu.memref_slice %arg12[%dma_wait3A_293, %dma_wait3A_294] : memref<10240x128xf32, #tpu.memory_space<vmem_shared>> -> memref<10240x128xf32, #tpu.memory_space<vmem_shared>>
        tpu.wait_indirect_dma semaphore(%run_scoped3A_283 : memref<!tpu.dma_semaphore, #tpu.memory_space<semaphore_mem>>) src(%arg11 : memref<64x128xf32, #tpu.memory_space<vmem>>) dst(%dma_wait3A_295 : memref<10240x128xf32, #tpu.memory_space<vmem_shared>>)
        tpu.yield
      }) : () -> ()
      %add3A_163 = arith.constant 2 : i32
      %add3A_164 = arith.addi %add3A_65, %add3A_163 : i32
      %dma_start3A_165 = arith.constant 0 : i32
      %dma_start3A_166 = arith.constant 0 : i32
      %dma_start3A_167 = tpu.memref_slice %arg3[%add3A, %add3A_164, %dma_start3A_165, %dma_start3A_166] : memref<32x82x3x128xi32, #tpu.memory_space<hbm>> -> memref<1x1x3x128xi32, #tpu.memory_space<hbm>>
      %dma_start3A_168 = tpu.memref_squeeze %dma_start3A_167 : memref<1x1x3x128xi32, #tpu.memory_space<hbm>> -> memref<3x128xi32, #tpu.memory_space<hbm>>
      %dma_start3A_169 = arith.constant 0 : i32
      %dma_start3A_170 = arith.constant 0 : i32
      %dma_start3A_171 = tpu.memref_slice %arg3[%add3A, %add3A_164, %dma_start3A_169, %dma_start3A_170] : memref<32x82x3x128xi32, #tpu.memory_space<hbm>> -> memref<1x1x3x128xi32, #tpu.memory_space<hbm>>
      %dma_start3A_172 = tpu.memref_squeeze %dma_start3A_171 : memref<1x1x3x128xi32, #tpu.memory_space<hbm>> -> memref<3x128xi32, #tpu.memory_space<hbm>>
      tpu.enqueue_dma source(%dma_start3A_172 : memref<3x128xi32, #tpu.memory_space<hbm>>) target(%arg6 : memref<3x128xi32, #tpu.memory_space<vmem>>) target_semaphore(%arg13 : memref<!tpu.dma_semaphore, #tpu.memory_space<semaphore_mem>>)
      %add3A_173 = arith.constant 2 : i32
      %add3A_174 = arith.addi %add3A_65, %add3A_173 : i32
      %dma_wait3A_175 = arith.constant 0 : i32
      %dma_wait3A_176 = arith.constant 0 : i32
      %dma_wait3A_177 = tpu.memref_slice %arg3[%add3A, %add3A_174, %dma_wait3A_175, %dma_wait3A_176] : memref<32x82x3x128xi32, #tpu.memory_space<hbm>> -> memref<1x1x3x128xi32, #tpu.memory_space<hbm>>
      %dma_wait3A_178 = tpu.memref_squeeze %dma_wait3A_177 : memref<1x1x3x128xi32, #tpu.memory_space<hbm>> -> memref<3x128xi32, #tpu.memory_space<hbm>>
      %dma_wait3A_179 = arith.constant 0 : i32
      %dma_wait3A_180 = arith.constant 0 : i32
      %dma_wait3A_181 = tpu.memref_slice %arg3[%add3A, %add3A_174, %dma_wait3A_179, %dma_wait3A_180] : memref<32x82x3x128xi32, #tpu.memory_space<hbm>> -> memref<1x1x3x128xi32, #tpu.memory_space<hbm>>
      %dma_wait3A_182 = tpu.memref_squeeze %dma_wait3A_181 : memref<1x1x3x128xi32, #tpu.memory_space<hbm>> -> memref<3x128xi32, #tpu.memory_space<hbm>>
      tpu.wait_dma2 semaphore(%arg13 : memref<!tpu.dma_semaphore, #tpu.memory_space<semaphore_mem>>) src(%dma_wait3A_182 : memref<3x128xi32, #tpu.memory_space<hbm>>) dst(%arg6 : memref<3x128xi32, #tpu.memory_space<vmem>>)
      %dma_start3A_183 = arith.constant 0 : i32
      %dma_start3A_184 = arith.constant 0 : i32
      %dma_start3A_185 = tpu.memref_slice %arg6[%dma_start3A_183, %dma_start3A_184] : memref<3x128xi32, #tpu.memory_space<vmem>> -> memref<1x128xi32, #tpu.memory_space<vmem>>
      %dma_start3A_186 = tpu.memref_squeeze %dma_start3A_185 : memref<1x128xi32, #tpu.memory_space<vmem>> -> memref<128xi32, #tpu.memory_space<vmem>>
      %dma_start3A_187 = arith.constant 0 : i32
      %dma_start3A_188 = arith.constant 0 : i32
      %dma_start3A_189 = tpu.memref_slice %arg2[%dma_start3A_187, %dma_start3A_188] : memref<10000x128xf32, #tpu.memory_space<hbm>> -> memref<10000x128xf32, #tpu.memory_space<hbm>>
      tpu.enqueue_indirect_dma source(%dma_start3A_189 : memref<10000x128xf32, #tpu.memory_space<hbm>>) target(%arg9 : memref<128x128xf32, #tpu.memory_space<vmem>>) offsets(%dma_start3A_186 : memref<128xi32, #tpu.memory_space<vmem>>) semaphore(%arg15 : memref<!tpu.dma_semaphore, #tpu.memory_space<semaphore_mem>>)
      %dma_wait3A_190 = arith.constant 0 : i32
      %dma_wait3A_191 = arith.constant 0 : i32
      %dma_wait3A_192 = tpu.memref_slice %arg7[%dma_wait3A_190, %dma_wait3A_191] : memref<3x128xi32, #tpu.memory_space<vmem>> -> memref<1x128xi32, #tpu.memory_space<vmem>>
      %dma_wait3A_193 = tpu.memref_squeeze %dma_wait3A_192 : memref<1x128xi32, #tpu.memory_space<vmem>> -> memref<128xi32, #tpu.memory_space<vmem>>
      %dma_wait3A_194 = arith.constant 0 : i32
      %dma_wait3A_195 = arith.constant 0 : i32
      %dma_wait3A_196 = tpu.memref_slice %arg2[%dma_wait3A_194, %dma_wait3A_195] : memref<10000x128xf32, #tpu.memory_space<hbm>> -> memref<10000x128xf32, #tpu.memory_space<hbm>>
      tpu.wait_indirect_dma semaphore(%arg16 : memref<!tpu.dma_semaphore, #tpu.memory_space<semaphore_mem>>) src(%dma_wait3A_196 : memref<10000x128xf32, #tpu.memory_space<hbm>>) dst(%arg10 : memref<128x128xf32, #tpu.memory_space<vmem>>)
      %get3A_197 = arith.constant 1 : i32
      %get3A_198 = arith.index_cast %get3A_197 : i32 to index
      %get3A_199 = arith.constant 0 : index
      %get3A_200 = tpu.vector_load %arg7[%get3A_198, %get3A_199] {strides = array<i32>} : memref<3x128xi32, #tpu.memory_space<vmem>>, vector<16xi32>,
      %swap3A_201 = arith.constant 0 : i32
      %swap3A_202 = arith.index_cast %swap3A_201 : i32 to index
      %swap3A_203 = arith.constant 0 : index
      %swap3A_204 = tpu.vector_load %arg8[%swap3A_202, %swap3A_203] {strides = array<i32>} : memref<2x64xi32, #tpu.memory_space<vmem>>, vector<16xi32>,
      tpu.vector_store %arg8[%swap3A_202, %swap3A_203], %get3A_200 {strides = array<i32>} : memref<2x64xi32, #tpu.memory_space<vmem>>, vector<16xi32>,
      %get3A_205 = arith.constant 1 : i32
      %get3A_206 = arith.index_cast %get3A_205 : i32 to index
      %get3A_207 = arith.constant 16 : index
      %get3A_208 = tpu.vector_load %arg7[%get3A_206, %get3A_207] {strides = array<i32>} : memref<3x128xi32, #tpu.memory_space<vmem>>, vector<16xi32>,
      %swap3A_209 = arith.constant 0 : i32
      %swap3A_210 = arith.index_cast %swap3A_209 : i32 to index
      %swap3A_211 = arith.constant 16 : index
      %swap3A_212 = tpu.vector_load %arg8[%swap3A_210, %swap3A_211] {strides = array<i32>} : memref<2x64xi32, #tpu.memory_space<vmem>>, vector<16xi32>,
      tpu.vector_store %arg8[%swap3A_210, %swap3A_211], %get3A_208 {strides = array<i32>} : memref<2x64xi32, #tpu.memory_space<vmem>>, vector<16xi32>,
      %get3A_213 = arith.constant 1 : i32
      %get3A_214 = arith.index_cast %get3A_213 : i32 to index
      %get3A_215 = arith.constant 32 : index
      %get3A_216 = tpu.vector_load %arg7[%get3A_214, %get3A_215] {strides = array<i32>} : memref<3x128xi32, #tpu.memory_space<vmem>>, vector<16xi32>,
      %swap3A_217 = arith.constant 0 : i32
      %swap3A_218 = arith.index_cast %swap3A_217 : i32 to index
      %swap3A_219 = arith.constant 32 : index
      %swap3A_220 = tpu.vector_load %arg8[%swap3A_218, %swap3A_219] {strides = array<i32>} : memref<2x64xi32, #tpu.memory_space<vmem>>, vector<16xi32>,
      tpu.vector_store %arg8[%swap3A_218, %swap3A_219], %get3A_216 {strides = array<i32>} : memref<2x64xi32, #tpu.memory_space<vmem>>, vector<16xi32>,
      %get3A_221 = arith.constant 1 : i32
      %get3A_222 = arith.index_cast %get3A_221 : i32 to index
      %get3A_223 = arith.constant 48 : index
      %get3A_224 = tpu.vector_load %arg7[%get3A_222, %get3A_223] {strides = array<i32>} : memref<3x128xi32, #tpu.memory_space<vmem>>, vector<16xi32>,
      %swap3A_225 = arith.constant 0 : i32
      %swap3A_226 = arith.index_cast %swap3A_225 : i32 to index
      %swap3A_227 = arith.constant 48 : index
      %swap3A_228 = tpu.vector_load %arg8[%swap3A_226, %swap3A_227] {strides = array<i32>} : memref<2x64xi32, #tpu.memory_space<vmem>>, vector<16xi32>,
      tpu.vector_store %arg8[%swap3A_226, %swap3A_227], %get3A_224 {strides = array<i32>} : memref<2x64xi32, #tpu.memory_space<vmem>>, vector<16xi32>,
      %scan3A_229 = arith.constant 0 : i32
      %scan3A_230 = arith.constant 32 : i32
      %scan3A_231 = arith.addi %scan3A_229, %scan3A_230 : i32
      %scan3A_232 = arith.constant 1 : i32
      scf.for %scan3A_283 = %scan3A_229 to %scan3A_231 step %scan3A_232  : i32 {
        %mul3A_284 = arith.constant 1 : i32
        %mul3A_285 = arith.muli %scan3A_283, %mul3A_284 : i32
        %add3A_286 = arith.constant 0 : i32
        %add3A_287 = arith.addi %add3A_286, %mul3A_285 : i32
        %mul3A_288 = arith.constant 2 : i32
        %mul3A_289 = arith.muli %add3A_287, %mul3A_288 : i32
        %add3A_290 = arith.constant 0 : i32
        %add3A_291 = arith.addi %mul3A_289, %add3A_290 : i32
        %add3A_292 = arith.constant 0 : i32
        %add3A_293 = arith.addi %add3A_291, %add3A_292 : i32
        %broadcast_in_dim3A_294 = vector.broadcast %add3A_293 : i32 to vector<16xi32>
        %gather3A = tpu.vector_load_idx %arg7[%broadcast_in_dim3A_3, %broadcast_in_dim3A_294] : memref<3x128xi32, #tpu.memory_space<vmem>>[vector<16xi32>, vector<16xi32>], vector<16xi32>,
        %bitcast3A = vector.bitcast %gather3A : vector<16xi32> to vector<16xf32>
        %get3A_295 = arith.index_cast %add3A_293 : i32 to index
        %get3A_296 = arith.constant 0 : index
        %get3A_297 = tpu.vector_load %arg10[%get3A_295, %get3A_296] {strides = array<i32>} : memref<128x128xf32, #tpu.memory_space<vmem>>, vector<16xf32>,
        %mul3A_298 = arith.mulf %get3A_297, %bitcast3A : vector<16xf32>
        %swap3A_299 = arith.index_cast %add3A_291 : i32 to index
        %swap3A_300 = arith.constant 0 : index
        %swap3A_301 = tpu.vector_load %arg11[%swap3A_299, %swap3A_300] {strides = array<i32>} : memref<64x128xf32, #tpu.memory_space<vmem>>, vector<16xf32>,
        tpu.vector_store %arg11[%swap3A_299, %swap3A_300], %mul3A_298 {strides = array<i32>} : memref<64x128xf32, #tpu.memory_space<vmem>>, vector<16xf32>,
        %get3A_302 = arith.index_cast %add3A_293 : i32 to index
        %get3A_303 = arith.constant 16 : index
        %get3A_304 = tpu.vector_load %arg10[%get3A_302, %get3A_303] {strides = array<i32>} : memref<128x128xf32, #tpu.memory_space<vmem>>, vector<16xf32>,
        %mul3A_305 = arith.mulf %get3A_304, %bitcast3A : vector<16xf32>
        %swap3A_306 = arith.index_cast %add3A_291 : i32 to index
        %swap3A_307 = arith.constant 16 : index
        %swap3A_308 = tpu.vector_load %arg11[%swap3A_306, %swap3A_307] {strides = array<i32>} : memref<64x128xf32, #tpu.memory_space<vmem>>, vector<16xf32>,
        tpu.vector_store %arg11[%swap3A_306, %swap3A_307], %mul3A_305 {strides = array<i32>} : memref<64x128xf32, #tpu.memory_space<vmem>>, vector<16xf32>,
        %get3A_309 = arith.index_cast %add3A_293 : i32 to index
        %get3A_310 = arith.constant 32 : index
        %get3A_311 = tpu.vector_load %arg10[%get3A_309, %get3A_310] {strides = array<i32>} : memref<128x128xf32, #tpu.memory_space<vmem>>, vector<16xf32>,
        %mul3A_312 = arith.mulf %get3A_311, %bitcast3A : vector<16xf32>
        %swap3A_313 = arith.index_cast %add3A_291 : i32 to index
        %swap3A_314 = arith.constant 32 : index
        %swap3A_315 = tpu.vector_load %arg11[%swap3A_313, %swap3A_314] {strides = array<i32>} : memref<64x128xf32, #tpu.memory_space<vmem>>, vector<16xf32>,
        tpu.vector_store %arg11[%swap3A_313, %swap3A_314], %mul3A_312 {strides = array<i32>} : memref<64x128xf32, #tpu.memory_space<vmem>>, vector<16xf32>,
        %get3A_316 = arith.index_cast %add3A_293 : i32 to index
        %get3A_317 = arith.constant 48 : index
        %get3A_318 = tpu.vector_load %arg10[%get3A_316, %get3A_317] {strides = array<i32>} : memref<128x128xf32, #tpu.memory_space<vmem>>, vector<16xf32>,
        %mul3A_319 = arith.mulf %get3A_318, %bitcast3A : vector<16xf32>
        %swap3A_320 = arith.index_cast %add3A_291 : i32 to index
        %swap3A_321 = arith.constant 48 : index
        %swap3A_322 = tpu.vector_load %arg11[%swap3A_320, %swap3A_321] {strides = array<i32>} : memref<64x128xf32, #tpu.memory_space<vmem>>, vector<16xf32>,
        tpu.vector_store %arg11[%swap3A_320, %swap3A_321], %mul3A_319 {strides = array<i32>} : memref<64x128xf32, #tpu.memory_space<vmem>>, vector<16xf32>,
        %get3A_323 = arith.index_cast %add3A_293 : i32 to index
        %get3A_324 = arith.constant 64 : index
        %get3A_325 = tpu.vector_load %arg10[%get3A_323, %get3A_324] {strides = array<i32>} : memref<128x128xf32, #tpu.memory_space<vmem>>, vector<16xf32>,
        %mul3A_326 = arith.mulf %get3A_325, %bitcast3A : vector<16xf32>
        %swap3A_327 = arith.index_cast %add3A_291 : i32 to index
        %swap3A_328 = arith.constant 64 : index
        %swap3A_329 = tpu.vector_load %arg11[%swap3A_327, %swap3A_328] {strides = array<i32>} : memref<64x128xf32, #tpu.memory_space<vmem>>, vector<16xf32>,
        tpu.vector_store %arg11[%swap3A_327, %swap3A_328], %mul3A_326 {strides = array<i32>} : memref<64x128xf32, #tpu.memory_space<vmem>>, vector<16xf32>,
        %get3A_330 = arith.index_cast %add3A_293 : i32 to index
        %get3A_331 = arith.constant 80 : index
        %get3A_332 = tpu.vector_load %arg10[%get3A_330, %get3A_331] {strides = array<i32>} : memref<128x128xf32, #tpu.memory_space<vmem>>, vector<16xf32>,
        %mul3A_333 = arith.mulf %get3A_332, %bitcast3A : vector<16xf32>
        %swap3A_334 = arith.index_cast %add3A_291 : i32 to index
        %swap3A_335 = arith.constant 80 : index
        %swap3A_336 = tpu.vector_load %arg11[%swap3A_334, %swap3A_335] {strides = array<i32>} : memref<64x128xf32, #tpu.memory_space<vmem>>, vector<16xf32>,
        tpu.vector_store %arg11[%swap3A_334, %swap3A_335], %mul3A_333 {strides = array<i32>} : memref<64x128xf32, #tpu.memory_space<vmem>>, vector<16xf32>,
        %get3A_337 = arith.index_cast %add3A_293 : i32 to index
        %get3A_338 = arith.constant 96 : index
        %get3A_339 = tpu.vector_load %arg10[%get3A_337, %get3A_338] {strides = array<i32>} : memref<128x128xf32, #tpu.memory_space<vmem>>, vector<16xf32>,
        %mul3A_340 = arith.mulf %get3A_339, %bitcast3A : vector<16xf32>
        %swap3A_341 = arith.index_cast %add3A_291 : i32 to index
        %swap3A_342 = arith.constant 96 : index
        %swap3A_343 = tpu.vector_load %arg11[%swap3A_341, %swap3A_342] {strides = array<i32>} : memref<64x128xf32, #tpu.memory_space<vmem>>, vector<16xf32>,
        tpu.vector_store %arg11[%swap3A_341, %swap3A_342], %mul3A_340 {strides = array<i32>} : memref<64x128xf32, #tpu.memory_space<vmem>>, vector<16xf32>,
        %get3A_344 = arith.index_cast %add3A_293 : i32 to index
        %get3A_345 = arith.constant 112 : index
        %get3A_346 = tpu.vector_load %arg10[%get3A_344, %get3A_345] {strides = array<i32>} : memref<128x128xf32, #tpu.memory_space<vmem>>, vector<16xf32>,
        %mul3A_347 = arith.mulf %get3A_346, %bitcast3A : vector<16xf32>
        %swap3A_348 = arith.index_cast %add3A_291 : i32 to index
        %swap3A_349 = arith.constant 112 : index
        %swap3A_350 = tpu.vector_load %arg11[%swap3A_348, %swap3A_349] {strides = array<i32>} : memref<64x128xf32, #tpu.memory_space<vmem>>, vector<16xf32>,
        tpu.vector_store %arg11[%swap3A_348, %swap3A_349], %mul3A_347 {strides = array<i32>} : memref<64x128xf32, #tpu.memory_space<vmem>>, vector<16xf32>,
        %mul3A_351 = arith.constant 2 : i32
        %mul3A_352 = arith.muli %add3A_287, %mul3A_351 : i32
        %add3A_353 = arith.constant 1 : i32
        %add3A_354 = arith.addi %mul3A_352, %add3A_353 : i32
        %add3A_355 = arith.constant 0 : i32
        %add3A_356 = arith.addi %add3A_354, %add3A_355 : i32
        %broadcast_in_dim3A_357 = vector.broadcast %add3A_356 : i32 to vector<16xi32>
        %gather3A_358 = tpu.vector_load_idx %arg7[%broadcast_in_dim3A_3, %broadcast_in_dim3A_357] : memref<3x128xi32, #tpu.memory_space<vmem>>[vector<16xi32>, vector<16xi32>], vector<16xi32>,
        %bitcast3A_359 = vector.bitcast %gather3A_358 : vector<16xi32> to vector<16xf32>
        %get3A_360 = arith.index_cast %add3A_356 : i32 to index
        %get3A_361 = arith.constant 0 : index
        %get3A_362 = tpu.vector_load %arg10[%get3A_360, %get3A_361] {strides = array<i32>} : memref<128x128xf32, #tpu.memory_space<vmem>>, vector<16xf32>,
        %mul3A_363 = arith.mulf %get3A_362, %bitcast3A_359 : vector<16xf32>
        %swap3A_364 = arith.index_cast %add3A_354 : i32 to index
        %swap3A_365 = arith.constant 0 : index
        %swap3A_366 = tpu.vector_load %arg11[%swap3A_364, %swap3A_365] {strides = array<i32>} : memref<64x128xf32, #tpu.memory_space<vmem>>, vector<16xf32>,
        tpu.vector_store %arg11[%swap3A_364, %swap3A_365], %mul3A_363 {strides = array<i32>} : memref<64x128xf32, #tpu.memory_space<vmem>>, vector<16xf32>,
        %get3A_367 = arith.index_cast %add3A_356 : i32 to index
        %get3A_368 = arith.constant 16 : index
        %get3A_369 = tpu.vector_load %arg10[%get3A_367, %get3A_368] {strides = array<i32>} : memref<128x128xf32, #tpu.memory_space<vmem>>, vector<16xf32>,
        %mul3A_370 = arith.mulf %get3A_369, %bitcast3A_359 : vector<16xf32>
        %swap3A_371 = arith.index_cast %add3A_354 : i32 to index
        %swap3A_372 = arith.constant 16 : index
        %swap3A_373 = tpu.vector_load %arg11[%swap3A_371, %swap3A_372] {strides = array<i32>} : memref<64x128xf32, #tpu.memory_space<vmem>>, vector<16xf32>,
        tpu.vector_store %arg11[%swap3A_371, %swap3A_372], %mul3A_370 {strides = array<i32>} : memref<64x128xf32, #tpu.memory_space<vmem>>, vector<16xf32>,
        %get3A_374 = arith.index_cast %add3A_356 : i32 to index
        %get3A_375 = arith.constant 32 : index
        %get3A_376 = tpu.vector_load %arg10[%get3A_374, %get3A_375] {strides = array<i32>} : memref<128x128xf32, #tpu.memory_space<vmem>>, vector<16xf32>,
        %mul3A_377 = arith.mulf %get3A_376, %bitcast3A_359 : vector<16xf32>
        %swap3A_378 = arith.index_cast %add3A_354 : i32 to index
        %swap3A_379 = arith.constant 32 : index
        %swap3A_380 = tpu.vector_load %arg11[%swap3A_378, %swap3A_379] {strides = array<i32>} : memref<64x128xf32, #tpu.memory_space<vmem>>, vector<16xf32>,
        tpu.vector_store %arg11[%swap3A_378, %swap3A_379], %mul3A_377 {strides = array<i32>} : memref<64x128xf32, #tpu.memory_space<vmem>>, vector<16xf32>,
        %get3A_381 = arith.index_cast %add3A_356 : i32 to index
        %get3A_382 = arith.constant 48 : index
        %get3A_383 = tpu.vector_load %arg10[%get3A_381, %get3A_382] {strides = array<i32>} : memref<128x128xf32, #tpu.memory_space<vmem>>, vector<16xf32>,
        %mul3A_384 = arith.mulf %get3A_383, %bitcast3A_359 : vector<16xf32>
        %swap3A_385 = arith.index_cast %add3A_354 : i32 to index
        %swap3A_386 = arith.constant 48 : index
        %swap3A_387 = tpu.vector_load %arg11[%swap3A_385, %swap3A_386] {strides = array<i32>} : memref<64x128xf32, #tpu.memory_space<vmem>>, vector<16xf32>,
        tpu.vector_store %arg11[%swap3A_385, %swap3A_386], %mul3A_384 {strides = array<i32>} : memref<64x128xf32, #tpu.memory_space<vmem>>, vector<16xf32>,
        %get3A_388 = arith.index_cast %add3A_356 : i32 to index
        %get3A_389 = arith.constant 64 : index
        %get3A_390 = tpu.vector_load %arg10[%get3A_388, %get3A_389] {strides = array<i32>} : memref<128x128xf32, #tpu.memory_space<vmem>>, vector<16xf32>,
        %mul3A_391 = arith.mulf %get3A_390, %bitcast3A_359 : vector<16xf32>
        %swap3A_392 = arith.index_cast %add3A_354 : i32 to index
        %swap3A_393 = arith.constant 64 : index
        %swap3A_394 = tpu.vector_load %arg11[%swap3A_392, %swap3A_393] {strides = array<i32>} : memref<64x128xf32, #tpu.memory_space<vmem>>, vector<16xf32>,
        tpu.vector_store %arg11[%swap3A_392, %swap3A_393], %mul3A_391 {strides = array<i32>} : memref<64x128xf32, #tpu.memory_space<vmem>>, vector<16xf32>,
        %get3A_395 = arith.index_cast %add3A_356 : i32 to index
        %get3A_396 = arith.constant 80 : index
        %get3A_397 = tpu.vector_load %arg10[%get3A_395, %get3A_396] {strides = array<i32>} : memref<128x128xf32, #tpu.memory_space<vmem>>, vector<16xf32>,
        %mul3A_398 = arith.mulf %get3A_397, %bitcast3A_359 : vector<16xf32>
        %swap3A_399 = arith.index_cast %add3A_354 : i32 to index
        %swap3A_400 = arith.constant 80 : index
        %swap3A_401 = tpu.vector_load %arg11[%swap3A_399, %swap3A_400] {strides = array<i32>} : memref<64x128xf32, #tpu.memory_space<vmem>>, vector<16xf32>,
        tpu.vector_store %arg11[%swap3A_399, %swap3A_400], %mul3A_398 {strides = array<i32>} : memref<64x128xf32, #tpu.memory_space<vmem>>, vector<16xf32>,
        %get3A_402 = arith.index_cast %add3A_356 : i32 to index
        %get3A_403 = arith.constant 96 : index
        %get3A_404 = tpu.vector_load %arg10[%get3A_402, %get3A_403] {strides = array<i32>} : memref<128x128xf32, #tpu.memory_space<vmem>>, vector<16xf32>,
        %mul3A_405 = arith.mulf %get3A_404, %bitcast3A_359 : vector<16xf32>
        %swap3A_406 = arith.index_cast %add3A_354 : i32 to index
        %swap3A_407 = arith.constant 96 : index
        %swap3A_408 = tpu.vector_load %arg11[%swap3A_406, %swap3A_407] {strides = array<i32>} : memref<64x128xf32, #tpu.memory_space<vmem>>, vector<16xf32>,
        tpu.vector_store %arg11[%swap3A_406, %swap3A_407], %mul3A_405 {strides = array<i32>} : memref<64x128xf32, #tpu.memory_space<vmem>>, vector<16xf32>,
        %get3A_409 = arith.index_cast %add3A_356 : i32 to index
        %get3A_410 = arith.constant 112 : index
        %get3A_411 = tpu.vector_load %arg10[%get3A_409, %get3A_410] {strides = array<i32>} : memref<128x128xf32, #tpu.memory_space<vmem>>, vector<16xf32>,
        %mul3A_412 = arith.mulf %get3A_411, %bitcast3A_359 : vector<16xf32>
        %swap3A_413 = arith.index_cast %add3A_354 : i32 to index
        %swap3A_414 = arith.constant 112 : index
        %swap3A_415 = tpu.vector_load %arg11[%swap3A_413, %swap3A_414] {strides = array<i32>} : memref<64x128xf32, #tpu.memory_space<vmem>>, vector<16xf32>,
        tpu.vector_store %arg11[%swap3A_413, %swap3A_414], %mul3A_412 {strides = array<i32>} : memref<64x128xf32, #tpu.memory_space<vmem>>, vector<16xf32>,
      }
      %scan3A_233 = arith.constant 32 : i32
      %run_scoped3A_234 = arith.constant 0 : i32
      "tpu.region"() ({
        %run_scoped3A_283 = tpu.sem_alloc : memref<!tpu.dma_semaphore, #tpu.memory_space<semaphore_mem>>
        %dma_start3A_284 = arith.constant 0 : i32
        %dma_start3A_285 = tpu.memref_slice %arg8[%run_scoped3A_234, %dma_start3A_284] : memref<2x64xi32, #tpu.memory_space<vmem>> -> memref<1x64xi32, #tpu.memory_space<vmem>>
        %dma_start3A_286 = tpu.memref_squeeze %dma_start3A_285 : memref<1x64xi32, #tpu.memory_space<vmem>> -> memref<64xi32, #tpu.memory_space<vmem>>
        %dma_start3A_287 = arith.constant 0 : i32
        %dma_start3A_288 = arith.constant 0 : i32
        %dma_start3A_289 = tpu.memref_slice %arg12[%dma_start3A_287, %dma_start3A_288] : memref<10240x128xf32, #tpu.memory_space<vmem_shared>> -> memref<10240x128xf32, #tpu.memory_space<vmem_shared>>
        tpu.enqueue_indirect_dma source(%arg11 : memref<64x128xf32, #tpu.memory_space<vmem>>) target(%dma_start3A_289 : memref<10240x128xf32, #tpu.memory_space<vmem_shared>>) offsets(%dma_start3A_286 : memref<64xi32, #tpu.memory_space<vmem>>) semaphore(%run_scoped3A_283 : memref<!tpu.dma_semaphore, #tpu.memory_space<semaphore_mem>>) {add = true}
        %dma_wait3A_290 = arith.constant 0 : i32
        %dma_wait3A_291 = tpu.memref_slice %arg8[%run_scoped3A_234, %dma_wait3A_290] : memref<2x64xi32, #tpu.memory_space<vmem>> -> memref<1x64xi32, #tpu.memory_space<vmem>>
        %dma_wait3A_292 = tpu.memref_squeeze %dma_wait3A_291 : memref<1x64xi32, #tpu.memory_space<vmem>> -> memref<64xi32, #tpu.memory_space<vmem>>
        %dma_wait3A_293 = arith.constant 0 : i32
        %dma_wait3A_294 = arith.constant 0 : i32
        %dma_wait3A_295 = tpu.memref_slice %arg12[%dma_wait3A_293, %dma_wait3A_294] : memref<10240x128xf32, #tpu.memory_space<vmem_shared>> -> memref<10240x128xf32, #tpu.memory_space<vmem_shared>>
        tpu.wait_indirect_dma semaphore(%run_scoped3A_283 : memref<!tpu.dma_semaphore, #tpu.memory_space<semaphore_mem>>) src(%arg11 : memref<64x128xf32, #tpu.memory_space<vmem>>) dst(%dma_wait3A_295 : memref<10240x128xf32, #tpu.memory_space<vmem_shared>>)
        tpu.yield
      }) : () -> ()
      %get3A_235 = arith.constant 1 : i32
      %get3A_236 = arith.index_cast %get3A_235 : i32 to index
      %get3A_237 = arith.constant 64 : index
      %get3A_238 = tpu.vector_load %arg7[%get3A_236, %get3A_237] {strides = array<i32>} : memref<3x128xi32, #tpu.memory_space<vmem>>, vector<16xi32>,
      %swap3A_239 = arith.constant 1 : i32
      %swap3A_240 = arith.index_cast %swap3A_239 : i32 to index
      %swap3A_241 = arith.constant 0 : index
      %swap3A_242 = tpu.vector_load %arg8[%swap3A_240, %swap3A_241] {strides = array<i32>} : memref<2x64xi32, #tpu.memory_space<vmem>>, vector<16xi32>,
      tpu.vector_store %arg8[%swap3A_240, %swap3A_241], %get3A_238 {strides = array<i32>} : memref<2x64xi32, #tpu.memory_space<vmem>>, vector<16xi32>,
      %get3A_243 = arith.constant 1 : i32
      %get3A_244 = arith.index_cast %get3A_243 : i32 to index
      %get3A_245 = arith.constant 80 : index
      %get3A_246 = tpu.vector_load %arg7[%get3A_244, %get3A_245] {strides = array<i32>} : memref<3x128xi32, #tpu.memory_space<vmem>>, vector<16xi32>,
      %swap3A_247 = arith.constant 1 : i32
      %swap3A_248 = arith.index_cast %swap3A_247 : i32 to index
      %swap3A_249 = arith.constant 16 : index
      %swap3A_250 = tpu.vector_load %arg8[%swap3A_248, %swap3A_249] {strides = array<i32>} : memref<2x64xi32, #tpu.memory_space<vmem>>, vector<16xi32>,
      tpu.vector_store %arg8[%swap3A_248, %swap3A_249], %get3A_246 {strides = array<i32>} : memref<2x64xi32, #tpu.memory_space<vmem>>, vector<16xi32>,
      %get3A_251 = arith.constant 1 : i32
      %get3A_252 = arith.index_cast %get3A_251 : i32 to index
      %get3A_253 = arith.constant 96 : index
      %get3A_254 = tpu.vector_load %arg7[%get3A_252, %get3A_253] {strides = array<i32>} : memref<3x128xi32, #tpu.memory_space<vmem>>, vector<16xi32>,
      %swap3A_255 = arith.constant 1 : i32
      %swap3A_256 = arith.index_cast %swap3A_255 : i32 to index
      %swap3A_257 = arith.constant 32 : index
      %swap3A_258 = tpu.vector_load %arg8[%swap3A_256, %swap3A_257] {strides = array<i32>} : memref<2x64xi32, #tpu.memory_space<vmem>>, vector<16xi32>,
      tpu.vector_store %arg8[%swap3A_256, %swap3A_257], %get3A_254 {strides = array<i32>} : memref<2x64xi32, #tpu.memory_space<vmem>>, vector<16xi32>,
      %get3A_259 = arith.constant 1 : i32
      %get3A_260 = arith.index_cast %get3A_259 : i32 to index
      %get3A_261 = arith.constant 112 : index
      %get3A_262 = tpu.vector_load %arg7[%get3A_260, %get3A_261] {strides = array<i32>} : memref<3x128xi32, #tpu.memory_space<vmem>>, vector<16xi32>,
      %swap3A_263 = arith.constant 1 : i32
      %swap3A_264 = arith.index_cast %swap3A_263 : i32 to index
      %swap3A_265 = arith.constant 48 : index
      %swap3A_266 = tpu.vector_load %arg8[%swap3A_264, %swap3A_265] {strides = array<i32>} : memref<2x64xi32, #tpu.memory_space<vmem>>, vector<16xi32>,
      tpu.vector_store %arg8[%swap3A_264, %swap3A_265], %get3A_262 {strides = array<i32>} : memref<2x64xi32, #tpu.memory_space<vmem>>, vector<16xi32>,
      %scan3A_267 = arith.constant 0 : i32
      %scan3A_268 = arith.constant 32 : i32
      %scan3A_269 = arith.addi %scan3A_267, %scan3A_268 : i32
      %scan3A_270 = arith.constant 1 : i32
      scf.for %scan3A_283 = %scan3A_267 to %scan3A_269 step %scan3A_270  : i32 {
        %mul3A_284 = arith.constant 1 : i32
        %mul3A_285 = arith.muli %scan3A_283, %mul3A_284 : i32
        %add3A_286 = arith.constant 0 : i32
        %add3A_287 = arith.addi %add3A_286, %mul3A_285 : i32
        %mul3A_288 = arith.constant 2 : i32
        %mul3A_289 = arith.muli %add3A_287, %mul3A_288 : i32
        %add3A_290 = arith.constant 0 : i32
        %add3A_291 = arith.addi %mul3A_289, %add3A_290 : i32
        %add3A_292 = arith.constant 64 : i32
        %add3A_293 = arith.addi %add3A_291, %add3A_292 : i32
        %broadcast_in_dim3A_294 = vector.broadcast %add3A_293 : i32 to vector<16xi32>
        %gather3A = tpu.vector_load_idx %arg7[%broadcast_in_dim3A_3, %broadcast_in_dim3A_294] : memref<3x128xi32, #tpu.memory_space<vmem>>[vector<16xi32>, vector<16xi32>], vector<16xi32>,
        %bitcast3A = vector.bitcast %gather3A : vector<16xi32> to vector<16xf32>
        %get3A_295 = arith.index_cast %add3A_293 : i32 to index
        %get3A_296 = arith.constant 0 : index
        %get3A_297 = tpu.vector_load %arg10[%get3A_295, %get3A_296] {strides = array<i32>} : memref<128x128xf32, #tpu.memory_space<vmem>>, vector<16xf32>,
        %mul3A_298 = arith.mulf %get3A_297, %bitcast3A : vector<16xf32>
        %swap3A_299 = arith.index_cast %add3A_291 : i32 to index
        %swap3A_300 = arith.constant 0 : index
        %swap3A_301 = tpu.vector_load %arg11[%swap3A_299, %swap3A_300] {strides = array<i32>} : memref<64x128xf32, #tpu.memory_space<vmem>>, vector<16xf32>,
        tpu.vector_store %arg11[%swap3A_299, %swap3A_300], %mul3A_298 {strides = array<i32>} : memref<64x128xf32, #tpu.memory_space<vmem>>, vector<16xf32>,
        %get3A_302 = arith.index_cast %add3A_293 : i32 to index
        %get3A_303 = arith.constant 16 : index
        %get3A_304 = tpu.vector_load %arg10[%get3A_302, %get3A_303] {strides = array<i32>} : memref<128x128xf32, #tpu.memory_space<vmem>>, vector<16xf32>,
        %mul3A_305 = arith.mulf %get3A_304, %bitcast3A : vector<16xf32>
        %swap3A_306 = arith.index_cast %add3A_291 : i32 to index
        %swap3A_307 = arith.constant 16 : index
        %swap3A_308 = tpu.vector_load %arg11[%swap3A_306, %swap3A_307] {strides = array<i32>} : memref<64x128xf32, #tpu.memory_space<vmem>>, vector<16xf32>,
        tpu.vector_store %arg11[%swap3A_306, %swap3A_307], %mul3A_305 {strides = array<i32>} : memref<64x128xf32, #tpu.memory_space<vmem>>, vector<16xf32>,
        %get3A_309 = arith.index_cast %add3A_293 : i32 to index
        %get3A_310 = arith.constant 32 : index
        %get3A_311 = tpu.vector_load %arg10[%get3A_309, %get3A_310] {strides = array<i32>} : memref<128x128xf32, #tpu.memory_space<vmem>>, vector<16xf32>,
        %mul3A_312 = arith.mulf %get3A_311, %bitcast3A : vector<16xf32>
        %swap3A_313 = arith.index_cast %add3A_291 : i32 to index
        %swap3A_314 = arith.constant 32 : index
        %swap3A_315 = tpu.vector_load %arg11[%swap3A_313, %swap3A_314] {strides = array<i32>} : memref<64x128xf32, #tpu.memory_space<vmem>>, vector<16xf32>,
        tpu.vector_store %arg11[%swap3A_313, %swap3A_314], %mul3A_312 {strides = array<i32>} : memref<64x128xf32, #tpu.memory_space<vmem>>, vector<16xf32>,
        %get3A_316 = arith.index_cast %add3A_293 : i32 to index
        %get3A_317 = arith.constant 48 : index
        %get3A_318 = tpu.vector_load %arg10[%get3A_316, %get3A_317] {strides = array<i32>} : memref<128x128xf32, #tpu.memory_space<vmem>>, vector<16xf32>,
        %mul3A_319 = arith.mulf %get3A_318, %bitcast3A : vector<16xf32>
        %swap3A_320 = arith.index_cast %add3A_291 : i32 to index
        %swap3A_321 = arith.constant 48 : index
        %swap3A_322 = tpu.vector_load %arg11[%swap3A_320, %swap3A_321] {strides = array<i32>} : memref<64x128xf32, #tpu.memory_space<vmem>>, vector<16xf32>,
        tpu.vector_store %arg11[%swap3A_320, %swap3A_321], %mul3A_319 {strides = array<i32>} : memref<64x128xf32, #tpu.memory_space<vmem>>, vector<16xf32>,
        %get3A_323 = arith.index_cast %add3A_293 : i32 to index
        %get3A_324 = arith.constant 64 : index
        %get3A_325 = tpu.vector_load %arg10[%get3A_323, %get3A_324] {strides = array<i32>} : memref<128x128xf32, #tpu.memory_space<vmem>>, vector<16xf32>,
        %mul3A_326 = arith.mulf %get3A_325, %bitcast3A : vector<16xf32>
        %swap3A_327 = arith.index_cast %add3A_291 : i32 to index
        %swap3A_328 = arith.constant 64 : index
        %swap3A_329 = tpu.vector_load %arg11[%swap3A_327, %swap3A_328] {strides = array<i32>} : memref<64x128xf32, #tpu.memory_space<vmem>>, vector<16xf32>,
        tpu.vector_store %arg11[%swap3A_327, %swap3A_328], %mul3A_326 {strides = array<i32>} : memref<64x128xf32, #tpu.memory_space<vmem>>, vector<16xf32>,
        %get3A_330 = arith.index_cast %add3A_293 : i32 to index
        %get3A_331 = arith.constant 80 : index
        %get3A_332 = tpu.vector_load %arg10[%get3A_330, %get3A_331] {strides = array<i32>} : memref<128x128xf32, #tpu.memory_space<vmem>>, vector<16xf32>,
        %mul3A_333 = arith.mulf %get3A_332, %bitcast3A : vector<16xf32>
        %swap3A_334 = arith.index_cast %add3A_291 : i32 to index
        %swap3A_335 = arith.constant 80 : index
        %swap3A_336 = tpu.vector_load %arg11[%swap3A_334, %swap3A_335] {strides = array<i32>} : memref<64x128xf32, #tpu.memory_space<vmem>>, vector<16xf32>,
        tpu.vector_store %arg11[%swap3A_334, %swap3A_335], %mul3A_333 {strides = array<i32>} : memref<64x128xf32, #tpu.memory_space<vmem>>, vector<16xf32>,
        %get3A_337 = arith.index_cast %add3A_293 : i32 to index
        %get3A_338 = arith.constant 96 : index
        %get3A_339 = tpu.vector_load %arg10[%get3A_337, %get3A_338] {strides = array<i32>} : memref<128x128xf32, #tpu.memory_space<vmem>>, vector<16xf32>,
        %mul3A_340 = arith.mulf %get3A_339, %bitcast3A : vector<16xf32>
        %swap3A_341 = arith.index_cast %add3A_291 : i32 to index
        %swap3A_342 = arith.constant 96 : index
        %swap3A_343 = tpu.vector_load %arg11[%swap3A_341, %swap3A_342] {strides = array<i32>} : memref<64x128xf32, #tpu.memory_space<vmem>>, vector<16xf32>,
        tpu.vector_store %arg11[%swap3A_341, %swap3A_342], %mul3A_340 {strides = array<i32>} : memref<64x128xf32, #tpu.memory_space<vmem>>, vector<16xf32>,
        %get3A_344 = arith.index_cast %add3A_293 : i32 to index
        %get3A_345 = arith.constant 112 : index
        %get3A_346 = tpu.vector_load %arg10[%get3A_344, %get3A_345] {strides = array<i32>} : memref<128x128xf32, #tpu.memory_space<vmem>>, vector<16xf32>,
        %mul3A_347 = arith.mulf %get3A_346, %bitcast3A : vector<16xf32>
        %swap3A_348 = arith.index_cast %add3A_291 : i32 to index
        %swap3A_349 = arith.constant 112 : index
        %swap3A_350 = tpu.vector_load %arg11[%swap3A_348, %swap3A_349] {strides = array<i32>} : memref<64x128xf32, #tpu.memory_space<vmem>>, vector<16xf32>,
        tpu.vector_store %arg11[%swap3A_348, %swap3A_349], %mul3A_347 {strides = array<i32>} : memref<64x128xf32, #tpu.memory_space<vmem>>, vector<16xf32>,
        %mul3A_351 = arith.constant 2 : i32
        %mul3A_352 = arith.muli %add3A_287, %mul3A_351 : i32
        %add3A_353 = arith.constant 1 : i32
        %add3A_354 = arith.addi %mul3A_352, %add3A_353 : i32
        %add3A_355 = arith.constant 64 : i32
        %add3A_356 = arith.addi %add3A_354, %add3A_355 : i32
        %broadcast_in_dim3A_357 = vector.broadcast %add3A_356 : i32 to vector<16xi32>
        %gather3A_358 = tpu.vector_load_idx %arg7[%broadcast_in_dim3A_3, %broadcast_in_dim3A_357] : memref<3x128xi32, #tpu.memory_space<vmem>>[vector<16xi32>, vector<16xi32>], vector<16xi32>,
        %bitcast3A_359 = vector.bitcast %gather3A_358 : vector<16xi32> to vector<16xf32>
        %get3A_360 = arith.index_cast %add3A_356 : i32 to index
        %get3A_361 = arith.constant 0 : index
        %get3A_362 = tpu.vector_load %arg10[%get3A_360, %get3A_361] {strides = array<i32>} : memref<128x128xf32, #tpu.memory_space<vmem>>, vector<16xf32>,
        %mul3A_363 = arith.mulf %get3A_362, %bitcast3A_359 : vector<16xf32>
        %swap3A_364 = arith.index_cast %add3A_354 : i32 to index
        %swap3A_365 = arith.constant 0 : index
        %swap3A_366 = tpu.vector_load %arg11[%swap3A_364, %swap3A_365] {strides = array<i32>} : memref<64x128xf32, #tpu.memory_space<vmem>>, vector<16xf32>,
        tpu.vector_store %arg11[%swap3A_364, %swap3A_365], %mul3A_363 {strides = array<i32>} : memref<64x128xf32, #tpu.memory_space<vmem>>, vector<16xf32>,
        %get3A_367 = arith.index_cast %add3A_356 : i32 to index
        %get3A_368 = arith.constant 16 : index
        %get3A_369 = tpu.vector_load %arg10[%get3A_367, %get3A_368] {strides = array<i32>} : memref<128x128xf32, #tpu.memory_space<vmem>>, vector<16xf32>,
        %mul3A_370 = arith.mulf %get3A_369, %bitcast3A_359 : vector<16xf32>
        %swap3A_371 = arith.index_cast %add3A_354 : i32 to index
        %swap3A_372 = arith.constant 16 : index
        %swap3A_373 = tpu.vector_load %arg11[%swap3A_371, %swap3A_372] {strides = array<i32>} : memref<64x128xf32, #tpu.memory_space<vmem>>, vector<16xf32>,
        tpu.vector_store %arg11[%swap3A_371, %swap3A_372], %mul3A_370 {strides = array<i32>} : memref<64x128xf32, #tpu.memory_space<vmem>>, vector<16xf32>,
        %get3A_374 = arith.index_cast %add3A_356 : i32 to index
        %get3A_375 = arith.constant 32 : index
        %get3A_376 = tpu.vector_load %arg10[%get3A_374, %get3A_375] {strides = array<i32>} : memref<128x128xf32, #tpu.memory_space<vmem>>, vector<16xf32>,
        %mul3A_377 = arith.mulf %get3A_376, %bitcast3A_359 : vector<16xf32>
        %swap3A_378 = arith.index_cast %add3A_354 : i32 to index
        %swap3A_379 = arith.constant 32 : index
        %swap3A_380 = tpu.vector_load %arg11[%swap3A_378, %swap3A_379] {strides = array<i32>} : memref<64x128xf32, #tpu.memory_space<vmem>>, vector<16xf32>,
        tpu.vector_store %arg11[%swap3A_378, %swap3A_379], %mul3A_377 {strides = array<i32>} : memref<64x128xf32, #tpu.memory_space<vmem>>, vector<16xf32>,
        %get3A_381 = arith.index_cast %add3A_356 : i32 to index
        %get3A_382 = arith.constant 48 : index
        %get3A_383 = tpu.vector_load %arg10[%get3A_381, %get3A_382] {strides = array<i32>} : memref<128x128xf32, #tpu.memory_space<vmem>>, vector<16xf32>,
        %mul3A_384 = arith.mulf %get3A_383, %bitcast3A_359 : vector<16xf32>
        %swap3A_385 = arith.index_cast %add3A_354 : i32 to index
        %swap3A_386 = arith.constant 48 : index
        %swap3A_387 = tpu.vector_load %arg11[%swap3A_385, %swap3A_386] {strides = array<i32>} : memref<64x128xf32, #tpu.memory_space<vmem>>, vector<16xf32>,
        tpu.vector_store %arg11[%swap3A_385, %swap3A_386], %mul3A_384 {strides = array<i32>} : memref<64x128xf32, #tpu.memory_space<vmem>>, vector<16xf32>,
        %get3A_388 = arith.index_cast %add3A_356 : i32 to index
        %get3A_389 = arith.constant 64 : index
        %get3A_390 = tpu.vector_load %arg10[%get3A_388, %get3A_389] {strides = array<i32>} : memref<128x128xf32, #tpu.memory_space<vmem>>, vector<16xf32>,
        %mul3A_391 = arith.mulf %get3A_390, %bitcast3A_359 : vector<16xf32>
        %swap3A_392 = arith.index_cast %add3A_354 : i32 to index
        %swap3A_393 = arith.constant 64 : index
        %swap3A_394 = tpu.vector_load %arg11[%swap3A_392, %swap3A_393] {strides = array<i32>} : memref<64x128xf32, #tpu.memory_space<vmem>>, vector<16xf32>,
        tpu.vector_store %arg11[%swap3A_392, %swap3A_393], %mul3A_391 {strides = array<i32>} : memref<64x128xf32, #tpu.memory_space<vmem>>, vector<16xf32>,
        %get3A_395 = arith.index_cast %add3A_356 : i32 to index
        %get3A_396 = arith.constant 80 : index
        %get3A_397 = tpu.vector_load %arg10[%get3A_395, %get3A_396] {strides = array<i32>} : memref<128x128xf32, #tpu.memory_space<vmem>>, vector<16xf32>,
        %mul3A_398 = arith.mulf %get3A_397, %bitcast3A_359 : vector<16xf32>
        %swap3A_399 = arith.index_cast %add3A_354 : i32 to index
        %swap3A_400 = arith.constant 80 : index
        %swap3A_401 = tpu.vector_load %arg11[%swap3A_399, %swap3A_400] {strides = array<i32>} : memref<64x128xf32, #tpu.memory_space<vmem>>, vector<16xf32>,
        tpu.vector_store %arg11[%swap3A_399, %swap3A_400], %mul3A_398 {strides = array<i32>} : memref<64x128xf32, #tpu.memory_space<vmem>>, vector<16xf32>,
        %get3A_402 = arith.index_cast %add3A_356 : i32 to index
        %get3A_403 = arith.constant 96 : index
        %get3A_404 = tpu.vector_load %arg10[%get3A_402, %get3A_403] {strides = array<i32>} : memref<128x128xf32, #tpu.memory_space<vmem>>, vector<16xf32>,
        %mul3A_405 = arith.mulf %get3A_404, %bitcast3A_359 : vector<16xf32>
        %swap3A_406 = arith.index_cast %add3A_354 : i32 to index
        %swap3A_407 = arith.constant 96 : index
        %swap3A_408 = tpu.vector_load %arg11[%swap3A_406, %swap3A_407] {strides = array<i32>} : memref<64x128xf32, #tpu.memory_space<vmem>>, vector<16xf32>,
        tpu.vector_store %arg11[%swap3A_406, %swap3A_407], %mul3A_405 {strides = array<i32>} : memref<64x128xf32, #tpu.memory_space<vmem>>, vector<16xf32>,
        %get3A_409 = arith.index_cast %add3A_356 : i32 to index
        %get3A_410 = arith.constant 112 : index
        %get3A_411 = tpu.vector_load %arg10[%get3A_409, %get3A_410] {strides = array<i32>} : memref<128x128xf32, #tpu.memory_space<vmem>>, vector<16xf32>,
        %mul3A_412 = arith.mulf %get3A_411, %bitcast3A_359 : vector<16xf32>
        %swap3A_413 = arith.index_cast %add3A_354 : i32 to index
        %swap3A_414 = arith.constant 112 : index
        %swap3A_415 = tpu.vector_load %arg11[%swap3A_413, %swap3A_414] {strides = array<i32>} : memref<64x128xf32, #tpu.memory_space<vmem>>, vector<16xf32>,
        tpu.vector_store %arg11[%swap3A_413, %swap3A_414], %mul3A_412 {strides = array<i32>} : memref<64x128xf32, #tpu.memory_space<vmem>>, vector<16xf32>,
      }
      %scan3A_271 = arith.constant 32 : i32
      %run_scoped3A_272 = arith.constant 1 : i32
      "tpu.region"() ({
        %run_scoped3A_283 = tpu.sem_alloc : memref<!tpu.dma_semaphore, #tpu.memory_space<semaphore_mem>>
        %dma_start3A_284 = arith.constant 0 : i32
        %dma_start3A_285 = tpu.memref_slice %arg8[%run_scoped3A_272, %dma_start3A_284] : memref<2x64xi32, #tpu.memory_space<vmem>> -> memref<1x64xi32, #tpu.memory_space<vmem>>
        %dma_start3A_286 = tpu.memref_squeeze %dma_start3A_285 : memref<1x64xi32, #tpu.memory_space<vmem>> -> memref<64xi32, #tpu.memory_space<vmem>>
        %dma_start3A_287 = arith.constant 0 : i32
        %dma_start3A_288 = arith.constant 0 : i32
        %dma_start3A_289 = tpu.memref_slice %arg12[%dma_start3A_287, %dma_start3A_288] : memref<10240x128xf32, #tpu.memory_space<vmem_shared>> -> memref<10240x128xf32, #tpu.memory_space<vmem_shared>>
        tpu.enqueue_indirect_dma source(%arg11 : memref<64x128xf32, #tpu.memory_space<vmem>>) target(%dma_start3A_289 : memref<10240x128xf32, #tpu.memory_space<vmem_shared>>) offsets(%dma_start3A_286 : memref<64xi32, #tpu.memory_space<vmem>>) semaphore(%run_scoped3A_283 : memref<!tpu.dma_semaphore, #tpu.memory_space<semaphore_mem>>) {add = true}
        %dma_wait3A_290 = arith.constant 0 : i32
        %dma_wait3A_291 = tpu.memref_slice %arg8[%run_scoped3A_272, %dma_wait3A_290] : memref<2x64xi32, #tpu.memory_space<vmem>> -> memref<1x64xi32, #tpu.memory_space<vmem>>
        %dma_wait3A_292 = tpu.memref_squeeze %dma_wait3A_291 : memref<1x64xi32, #tpu.memory_space<vmem>> -> memref<64xi32, #tpu.memory_space<vmem>>
        %dma_wait3A_293 = arith.constant 0 : i32
        %dma_wait3A_294 = arith.constant 0 : i32
        %dma_wait3A_295 = tpu.memref_slice %arg12[%dma_wait3A_293, %dma_wait3A_294] : memref<10240x128xf32, #tpu.memory_space<vmem_shared>> -> memref<10240x128xf32, #tpu.memory_space<vmem_shared>>
        tpu.wait_indirect_dma semaphore(%run_scoped3A_283 : memref<!tpu.dma_semaphore, #tpu.memory_space<semaphore_mem>>) src(%arg11 : memref<64x128xf32, #tpu.memory_space<vmem>>) dst(%dma_wait3A_295 : memref<10240x128xf32, #tpu.memory_space<vmem_shared>>)
        tpu.yield
      }) : () -> ()
      %add3A_273 = arith.constant 3 : i32
      %add3A_274 = arith.addi %add3A_65, %add3A_273 : i32
      %dma_start3A_275 = arith.constant 0 : i32
      %dma_start3A_276 = arith.constant 0 : i32
      %dma_start3A_277 = tpu.memref_slice %arg3[%add3A, %add3A_274, %dma_start3A_275, %dma_start3A_276] : memref<32x82x3x128xi32, #tpu.memory_space<hbm>> -> memref<1x1x3x128xi32, #tpu.memory_space<hbm>>
      %dma_start3A_278 = tpu.memref_squeeze %dma_start3A_277 : memref<1x1x3x128xi32, #tpu.memory_space<hbm>> -> memref<3x128xi32, #tpu.memory_space<hbm>>
      %dma_start3A_279 = arith.constant 0 : i32
      %dma_start3A_280 = arith.constant 0 : i32
      %dma_start3A_281 = tpu.memref_slice %arg3[%add3A, %add3A_274, %dma_start3A_279, %dma_start3A_280] : memref<32x82x3x128xi32, #tpu.memory_space<hbm>> -> memref<1x1x3x128xi32, #tpu.memory_space<hbm>>
      %dma_start3A_282 = tpu.memref_squeeze %dma_start3A_281 : memref<1x1x3x128xi32, #tpu.memory_space<hbm>> -> memref<3x128xi32, #tpu.memory_space<hbm>>
      tpu.enqueue_dma source(%dma_start3A_282 : memref<3x128xi32, #tpu.memory_space<hbm>>) target(%arg7 : memref<3x128xi32, #tpu.memory_space<vmem>>) target_semaphore(%arg14 : memref<!tpu.dma_semaphore, #tpu.memory_space<semaphore_mem>>)
    }
    %scan3A_39 = arith.constant 40 : i32
    %dma_wait3A_40 = arith.constant 0 : i32
    %dma_wait3A_41 = arith.constant 0 : i32
    %dma_wait3A_42 = tpu.memref_slice %arg6[%dma_wait3A_40, %dma_wait3A_41] : memref<3x128xi32, #tpu.memory_space<vmem>> -> memref<1x128xi32, #tpu.memory_space<vmem>>
    %dma_wait3A_43 = tpu.memref_squeeze %dma_wait3A_42 : memref<1x128xi32, #tpu.memory_space<vmem>> -> memref<128xi32, #tpu.memory_space<vmem>>
    %dma_wait3A_44 = arith.constant 0 : i32
    %dma_wait3A_45 = arith.constant 0 : i32
    %dma_wait3A_46 = tpu.memref_slice %arg2[%dma_wait3A_44, %dma_wait3A_45] : memref<10000x128xf32, #tpu.memory_space<hbm>> -> memref<10000x128xf32, #tpu.memory_space<hbm>>
    tpu.wait_indirect_dma semaphore(%arg15 : memref<!tpu.dma_semaphore, #tpu.memory_space<semaphore_mem>>) src(%dma_wait3A_46 : memref<10000x128xf32, #tpu.memory_space<hbm>>) dst(%arg9 : memref<128x128xf32, #tpu.memory_space<vmem>>)
    %dma_wait3A_47 = arith.constant 81 : i32
    %dma_wait3A_48 = arith.constant 0 : i32
    %dma_wait3A_49 = arith.constant 0 : i32
    %dma_wait3A_50 = tpu.memref_slice %arg3[%add3A, %dma_wait3A_47, %dma_wait3A_48, %dma_wait3A_49] : memref<32x82x3x128xi32, #tpu.memory_space<hbm>> -> memref<1x1x3x128xi32, #tpu.memory_space<hbm>>
    %dma_wait3A_51 = tpu.memref_squeeze %dma_wait3A_50 : memref<1x1x3x128xi32, #tpu.memory_space<hbm>> -> memref<3x128xi32, #tpu.memory_space<hbm>>
    %dma_wait3A_52 = arith.constant 0 : i32
    %dma_wait3A_53 = arith.constant 0 : i32
    %dma_wait3A_54 = tpu.memref_slice %arg3[%add3A, %dma_wait3A_47, %dma_wait3A_52, %dma_wait3A_53] : memref<32x82x3x128xi32, #tpu.memory_space<hbm>> -> memref<1x1x3x128xi32, #tpu.memory_space<hbm>>
    %dma_wait3A_55 = tpu.memref_squeeze %dma_wait3A_54 : memref<1x1x3x128xi32, #tpu.memory_space<hbm>> -> memref<3x128xi32, #tpu.memory_space<hbm>>
    tpu.wait_dma2 semaphore(%arg14 : memref<!tpu.dma_semaphore, #tpu.memory_space<semaphore_mem>>) src(%dma_wait3A_55 : memref<3x128xi32, #tpu.memory_space<hbm>>) dst(%arg7 : memref<3x128xi32, #tpu.memory_space<vmem>>)
    %barrier3A_56 = arith.constant 0 : index
    tpu.barrier barrier_id(%barrier3A_56)
    %mul3A_57 = arith.constant 640 : i32
    %mul3A_58 = arith.muli %arg1, %mul3A_57 : i32
    %mul3A_59 = arith.constant 640 : i32
    %mul3A_60 = arith.muli %arg1, %mul3A_59 : i32
    "tpu.region"() ({
      %run_scoped3A = tpu.sem_alloc : memref<!tpu.dma_semaphore, #tpu.memory_space<semaphore_mem>>
      %dma_start3A_61 = arith.constant 0 : i32
      %dma_start3A_62 = tpu.memref_slice %arg5[%arg0, %mul3A_60, %dma_start3A_61] : memref<2x10240x128xf32, #tpu.memory_space<hbm>> -> memref<1x640x128xf32, #tpu.memory_space<hbm>>
      %dma_start3A_63 = tpu.memref_squeeze %dma_start3A_62 : memref<1x640x128xf32, #tpu.memory_space<hbm>> -> memref<640x128xf32, #tpu.memory_space<hbm>>
      %dma_start3A_64 = arith.constant 0 : i32
      %dma_start3A_65 = tpu.memref_slice %arg12[%mul3A_58, %dma_start3A_64] : memref<10240x128xf32, #tpu.memory_space<vmem_shared>> -> memref<640x128xf32, #tpu.memory_space<vmem_shared>>
      tpu.enqueue_dma source(%dma_start3A_65 : memref<640x128xf32, #tpu.memory_space<vmem_shared>>) target(%dma_start3A_63 : memref<640x128xf32, #tpu.memory_space<hbm>>) target_semaphore(%run_scoped3A : memref<!tpu.dma_semaphore, #tpu.memory_space<semaphore_mem>>)
      %dma_wait3A_66 = arith.constant 0 : i32
      %dma_wait3A_67 = tpu.memref_slice %arg5[%arg0, %mul3A_60, %dma_wait3A_66] : memref<2x10240x128xf32, #tpu.memory_space<hbm>> -> memref<1x640x128xf32, #tpu.memory_space<hbm>>
      %dma_wait3A_68 = tpu.memref_squeeze %dma_wait3A_67 : memref<1x640x128xf32, #tpu.memory_space<hbm>> -> memref<640x128xf32, #tpu.memory_space<hbm>>
      %dma_wait3A_69 = arith.constant 0 : i32
      %dma_wait3A_70 = tpu.memref_slice %arg12[%mul3A_58, %dma_wait3A_69] : memref<10240x128xf32, #tpu.memory_space<vmem_shared>> -> memref<640x128xf32, #tpu.memory_space<vmem_shared>>
      tpu.wait_dma2 semaphore(%run_scoped3A : memref<!tpu.dma_semaphore, #tpu.memory_space<semaphore_mem>>) src(%dma_wait3A_70 : memref<640x128xf32, #tpu.memory_space<vmem_shared>>) dst(%dma_wait3A_68 : memref<640x128xf32, #tpu.memory_space<hbm>>)
      tpu.yield
    }) : () -> ()
    return
  }
}

#map = affine_map<(d0, d1) -> (0, 0)>
#map1 = affine_map<(d0, d1) -> (0, 0, 0, 0)>
#map2 = affine_map<(d0, d1) -> (0, 0, 0)>
module attributes {stable_mosaic.version = 14 : i64} {
  func.func @_sc_message(%arg0: i32, %arg1: i32, %arg2: memref<10000x128xf32, #tpu.memory_space<hbm>>, %arg3: memref<32x82x3x128xi32, #tpu.memory_space<hbm>>, %arg4: memref<640x128xf32, #tpu.memory_space<hbm>>, %arg5: memref<2x10240x128xf32, #tpu.memory_space<hbm>>, %arg6: memref<3x128xi32, #tpu.memory_space<vmem>>, %arg7: memref<3x128xi32, #tpu.memory_space<vmem>>, %arg8: memref<2x64xi32, #tpu.memory_space<vmem>>, %arg9: memref<128x128xf32, #tpu.memory_space<vmem>>, %arg10: memref<128x128xf32, #tpu.memory_space<vmem>>, %arg11: memref<64x128xf32, #tpu.memory_space<vmem>>, %arg12: memref<10240x128xf32, #tpu.memory_space<vmem_shared>>, %arg13: memref<!tpu.dma_semaphore, #tpu.memory_space<semaphore_mem>>, %arg14: memref<!tpu.dma_semaphore, #tpu.memory_space<semaphore_mem>>, %arg15: memref<!tpu.dma_semaphore, #tpu.memory_space<semaphore_mem>>, %arg16: memref<!tpu.dma_semaphore, #tpu.memory_space<semaphore_mem>>) attributes {dimension_semantics = [#tpu.dimension_semantics<core_parallel>, #tpu.dimension_semantics<subcore_parallel>], iteration_bounds = array<i64: 2, 16>, scalar_prefetch = 0 : i64, scratch_operands = 11 : i64, tpu.core_type = #tpu.core_type<sc_vector_subcore>, window_params = [{transform_indices = #map}, {transform_indices = #map1}, {transform_indices = #map}, {transform_indices = #map2}]} {
    %mul3A = arith.constant 2 : i32
    %mul3A_0 = arith.muli %arg1, %mul3A : i32
    %add3A = arith.addi %mul3A_0, %arg0 : i32
    %mul3A_1 = arith.constant 640 : i32
    %mul3A_2 = arith.muli %arg1, %mul3A_1 : i32
    "tpu.region"() ({
      %run_scoped3A = tpu.sem_alloc : memref<!tpu.dma_semaphore, #tpu.memory_space<semaphore_mem>>
      %dma_start3A_61 = arith.constant 0 : i32
      %dma_start3A_62 = tpu.memref_slice %arg12[%mul3A_2, %dma_start3A_61] : memref<10240x128xf32, #tpu.memory_space<vmem_shared>> -> memref<640x128xf32, #tpu.memory_space<vmem_shared>>
      tpu.enqueue_dma source(%arg4 : memref<640x128xf32, #tpu.memory_space<hbm>>) target(%dma_start3A_62 : memref<640x128xf32, #tpu.memory_space<vmem_shared>>) target_semaphore(%run_scoped3A : memref<!tpu.dma_semaphore, #tpu.memory_space<semaphore_mem>>)
      %dma_wait3A_63 = arith.constant 0 : i32
      %dma_wait3A_64 = tpu.memref_slice %arg12[%mul3A_2, %dma_wait3A_63] : memref<10240x128xf32, #tpu.memory_space<vmem_shared>> -> memref<640x128xf32, #tpu.memory_space<vmem_shared>>
      tpu.wait_dma2 semaphore(%run_scoped3A : memref<!tpu.dma_semaphore, #tpu.memory_space<semaphore_mem>>) src(%arg4 : memref<640x128xf32, #tpu.memory_space<hbm>>) dst(%dma_wait3A_64 : memref<640x128xf32, #tpu.memory_space<vmem_shared>>)
      tpu.yield
    }) : () -> ()
    %barrier3A = arith.constant 0 : index
    tpu.barrier barrier_id(%barrier3A)
    %broadcast_in_dim3A = arith.constant 2 : i32
    %broadcast_in_dim3A_3 = vector.broadcast %broadcast_in_dim3A : i32 to vector<16xi32>
    %dma_start3A = arith.constant 0 : i32
    %dma_start3A_4 = arith.constant 0 : i32
    %dma_start3A_5 = arith.constant 0 : i32
    %dma_start3A_6 = tpu.memref_slice %arg3[%add3A, %dma_start3A, %dma_start3A_4, %dma_start3A_5] : memref<32x82x3x128xi32, #tpu.memory_space<hbm>> -> memref<1x1x3x128xi32, #tpu.memory_space<hbm>>
    %dma_start3A_7 = tpu.memref_squeeze %dma_start3A_6 : memref<1x1x3x128xi32, #tpu.memory_space<hbm>> -> memref<3x128xi32, #tpu.memory_space<hbm>>
    %dma_start3A_8 = arith.constant 0 : i32
    %dma_start3A_9 = arith.constant 0 : i32
    %dma_start3A_10 = tpu.memref_slice %arg3[%add3A, %dma_start3A, %dma_start3A_8, %dma_start3A_9] : memref<32x82x3x128xi32, #tpu.memory_space<hbm>> -> memref<1x1x3x128xi32, #tpu.memory_space<hbm>>
    %dma_start3A_11 = tpu.memref_squeeze %dma_start3A_10 : memref<1x1x3x128xi32, #tpu.memory_space<hbm>> -> memref<3x128xi32, #tpu.memory_space<hbm>>
    tpu.enqueue_dma source(%dma_start3A_11 : memref<3x128xi32, #tpu.memory_space<hbm>>) target(%arg6 : memref<3x128xi32, #tpu.memory_space<vmem>>) target_semaphore(%arg13 : memref<!tpu.dma_semaphore, #tpu.memory_space<semaphore_mem>>)
    %dma_wait3A = arith.constant 0 : i32
    %dma_wait3A_12 = arith.constant 0 : i32
    %dma_wait3A_13 = arith.constant 0 : i32
    %dma_wait3A_14 = tpu.memref_slice %arg3[%add3A, %dma_wait3A, %dma_wait3A_12, %dma_wait3A_13] : memref<32x82x3x128xi32, #tpu.memory_space<hbm>> -> memref<1x1x3x128xi32, #tpu.memory_space<hbm>>
    %dma_wait3A_15 = tpu.memref_squeeze %dma_wait3A_14 : memref<1x1x3x128xi32, #tpu.memory_space<hbm>> -> memref<3x128xi32, #tpu.memory_space<hbm>>
    %dma_wait3A_16 = arith.constant 0 : i32
    %dma_wait3A_17 = arith.constant 0 : i32
    %dma_wait3A_18 = tpu.memref_slice %arg3[%add3A, %dma_wait3A, %dma_wait3A_16, %dma_wait3A_17] : memref<32x82x3x128xi32, #tpu.memory_space<hbm>> -> memref<1x1x3x128xi32, #tpu.memory_space<hbm>>
    %dma_wait3A_19 = tpu.memref_squeeze %dma_wait3A_18 : memref<1x1x3x128xi32, #tpu.memory_space<hbm>> -> memref<3x128xi32, #tpu.memory_space<hbm>>
    tpu.wait_dma2 semaphore(%arg13 : memref<!tpu.dma_semaphore, #tpu.memory_space<semaphore_mem>>) src(%dma_wait3A_19 : memref<3x128xi32, #tpu.memory_space<hbm>>) dst(%arg6 : memref<3x128xi32, #tpu.memory_space<vmem>>)
    %dma_start3A_20 = arith.constant 0 : i32
    %dma_start3A_21 = arith.constant 0 : i32
    %dma_start3A_22 = tpu.memref_slice %arg6[%dma_start3A_20, %dma_start3A_21] : memref<3x128xi32, #tpu.memory_space<vmem>> -> memref<1x128xi32, #tpu.memory_space<vmem>>
    %dma_start3A_23 = tpu.memref_squeeze %dma_start3A_22 : memref<1x128xi32, #tpu.memory_space<vmem>> -> memref<128xi32, #tpu.memory_space<vmem>>
    %dma_start3A_24 = arith.constant 0 : i32
    %dma_start3A_25 = arith.constant 0 : i32
    %dma_start3A_26 = tpu.memref_slice %arg2[%dma_start3A_24, %dma_start3A_25] : memref<10000x128xf32, #tpu.memory_space<hbm>> -> memref<10000x128xf32, #tpu.memory_space<hbm>>
    tpu.enqueue_indirect_dma source(%dma_start3A_26 : memref<10000x128xf32, #tpu.memory_space<hbm>>) target(%arg9 : memref<128x128xf32, #tpu.memory_space<vmem>>) offsets(%dma_start3A_23 : memref<128xi32, #tpu.memory_space<vmem>>) semaphore(%arg15 : memref<!tpu.dma_semaphore, #tpu.memory_space<semaphore_mem>>)
    %dma_start3A_27 = arith.constant 1 : i32
    %dma_start3A_28 = arith.constant 0 : i32
    %dma_start3A_29 = arith.constant 0 : i32
    %dma_start3A_30 = tpu.memref_slice %arg3[%add3A, %dma_start3A_27, %dma_start3A_28, %dma_start3A_29] : memref<32x82x3x128xi32, #tpu.memory_space<hbm>> -> memref<1x1x3x128xi32, #tpu.memory_space<hbm>>
    %dma_start3A_31 = tpu.memref_squeeze %dma_start3A_30 : memref<1x1x3x128xi32, #tpu.memory_space<hbm>> -> memref<3x128xi32, #tpu.memory_space<hbm>>
    %dma_start3A_32 = arith.constant 0 : i32
    %dma_start3A_33 = arith.constant 0 : i32
    %dma_start3A_34 = tpu.memref_slice %arg3[%add3A, %dma_start3A_27, %dma_start3A_32, %dma_start3A_33] : memref<32x82x3x128xi32, #tpu.memory_space<hbm>> -> memref<1x1x3x128xi32, #tpu.memory_space<hbm>>
    %dma_start3A_35 = tpu.memref_squeeze %dma_start3A_34 : memref<1x1x3x128xi32, #tpu.memory_space<hbm>> -> memref<3x128xi32, #tpu.memory_space<hbm>>
    tpu.enqueue_dma source(%dma_start3A_35 : memref<3x128xi32, #tpu.memory_space<hbm>>) target(%arg7 : memref<3x128xi32, #tpu.memory_space<vmem>>) target_semaphore(%arg14 : memref<!tpu.dma_semaphore, #tpu.memory_space<semaphore_mem>>)
    %scan3A = arith.constant 0 : i32
    %scan3A_36 = arith.constant 40 : i32
    %scan3A_37 = arith.addi %scan3A, %scan3A_36 : i32
    %scan3A_38 = arith.constant 1 : i32
    scf.for %scan3A_61 = %scan3A to %scan3A_37 step %scan3A_38  : i32 {
      %mul3A_62 = arith.constant 2 : i32
      %mul3A_63 = arith.muli %scan3A_61, %mul3A_62 : i32
      %add3A_64 = arith.constant 0 : i32
      %add3A_65 = arith.addi %add3A_64, %mul3A_63 : i32
      %add3A_66 = arith.constant 1 : i32
      %add3A_67 = arith.addi %add3A_65, %add3A_66 : i32
      %dma_wait3A_68 = arith.constant 0 : i32
      %dma_wait3A_69 = arith.constant 0 : i32
      %dma_wait3A_70 = tpu.memref_slice %arg3[%add3A, %add3A_67, %dma_wait3A_68, %dma_wait3A_69] : memref<32x82x3x128xi32, #tpu.memory_space<hbm>> -> memref<1x1x3x128xi32, #tpu.memory_space<hbm>>
      %dma_wait3A_71 = tpu.memref_squeeze %dma_wait3A_70 : memref<1x1x3x128xi32, #tpu.memory_space<hbm>> -> memref<3x128xi32, #tpu.memory_space<hbm>>
      %dma_wait3A_72 = arith.constant 0 : i32
      %dma_wait3A_73 = arith.constant 0 : i32
      %dma_wait3A_74 = tpu.memref_slice %arg3[%add3A, %add3A_67, %dma_wait3A_72, %dma_wait3A_73] : memref<32x82x3x128xi32, #tpu.memory_space<hbm>> -> memref<1x1x3x128xi32, #tpu.memory_space<hbm>>
      %dma_wait3A_75 = tpu.memref_squeeze %dma_wait3A_74 : memref<1x1x3x128xi32, #tpu.memory_space<hbm>> -> memref<3x128xi32, #tpu.memory_space<hbm>>
      tpu.wait_dma2 semaphore(%arg14 : memref<!tpu.dma_semaphore, #tpu.memory_space<semaphore_mem>>) src(%dma_wait3A_75 : memref<3x128xi32, #tpu.memory_space<hbm>>) dst(%arg7 : memref<3x128xi32, #tpu.memory_space<vmem>>)
      %dma_start3A_76 = arith.constant 0 : i32
      %dma_start3A_77 = arith.constant 0 : i32
      %dma_start3A_78 = tpu.memref_slice %arg7[%dma_start3A_76, %dma_start3A_77] : memref<3x128xi32, #tpu.memory_space<vmem>> -> memref<1x128xi32, #tpu.memory_space<vmem>>
      %dma_start3A_79 = tpu.memref_squeeze %dma_start3A_78 : memref<1x128xi32, #tpu.memory_space<vmem>> -> memref<128xi32, #tpu.memory_space<vmem>>
      %dma_start3A_80 = arith.constant 0 : i32
      %dma_start3A_81 = arith.constant 0 : i32
      %dma_start3A_82 = tpu.memref_slice %arg2[%dma_start3A_80, %dma_start3A_81] : memref<10000x128xf32, #tpu.memory_space<hbm>> -> memref<10000x128xf32, #tpu.memory_space<hbm>>
      tpu.enqueue_indirect_dma source(%dma_start3A_82 : memref<10000x128xf32, #tpu.memory_space<hbm>>) target(%arg10 : memref<128x128xf32, #tpu.memory_space<vmem>>) offsets(%dma_start3A_79 : memref<128xi32, #tpu.memory_space<vmem>>) semaphore(%arg16 : memref<!tpu.dma_semaphore, #tpu.memory_space<semaphore_mem>>)
      %dma_wait3A_83 = arith.constant 0 : i32
      %dma_wait3A_84 = arith.constant 0 : i32
      %dma_wait3A_85 = tpu.memref_slice %arg6[%dma_wait3A_83, %dma_wait3A_84] : memref<3x128xi32, #tpu.memory_space<vmem>> -> memref<1x128xi32, #tpu.memory_space<vmem>>
      %dma_wait3A_86 = tpu.memref_squeeze %dma_wait3A_85 : memref<1x128xi32, #tpu.memory_space<vmem>> -> memref<128xi32, #tpu.memory_space<vmem>>
      %dma_wait3A_87 = arith.constant 0 : i32
      %dma_wait3A_88 = arith.constant 0 : i32
      %dma_wait3A_89 = tpu.memref_slice %arg2[%dma_wait3A_87, %dma_wait3A_88] : memref<10000x128xf32, #tpu.memory_space<hbm>> -> memref<10000x128xf32, #tpu.memory_space<hbm>>
      tpu.wait_indirect_dma semaphore(%arg15 : memref<!tpu.dma_semaphore, #tpu.memory_space<semaphore_mem>>) src(%dma_wait3A_89 : memref<10000x128xf32, #tpu.memory_space<hbm>>) dst(%arg9 : memref<128x128xf32, #tpu.memory_space<vmem>>)
      %get3A = arith.constant 1 : i32
      %get3A_90 = arith.index_cast %get3A : i32 to index
      %get3A_91 = arith.constant 0 : index
      %get3A_92 = tpu.vector_load %arg6[%get3A_90, %get3A_91] {strides = array<i32>} : memref<3x128xi32, #tpu.memory_space<vmem>>, vector<16xi32>,
      %swap3A = arith.constant 0 : i32
      %swap3A_93 = arith.index_cast %swap3A : i32 to index
      %swap3A_94 = arith.constant 0 : index
      %swap3A_95 = tpu.vector_load %arg8[%swap3A_93, %swap3A_94] {strides = array<i32>} : memref<2x64xi32, #tpu.memory_space<vmem>>, vector<16xi32>,
      tpu.vector_store %arg8[%swap3A_93, %swap3A_94], %get3A_92 {strides = array<i32>} : memref<2x64xi32, #tpu.memory_space<vmem>>, vector<16xi32>,
      %get3A_96 = arith.constant 1 : i32
      %get3A_97 = arith.index_cast %get3A_96 : i32 to index
      %get3A_98 = arith.constant 16 : index
      %get3A_99 = tpu.vector_load %arg6[%get3A_97, %get3A_98] {strides = array<i32>} : memref<3x128xi32, #tpu.memory_space<vmem>>, vector<16xi32>,
      %swap3A_100 = arith.constant 0 : i32
      %swap3A_101 = arith.index_cast %swap3A_100 : i32 to index
      %swap3A_102 = arith.constant 16 : index
      %swap3A_103 = tpu.vector_load %arg8[%swap3A_101, %swap3A_102] {strides = array<i32>} : memref<2x64xi32, #tpu.memory_space<vmem>>, vector<16xi32>,
      tpu.vector_store %arg8[%swap3A_101, %swap3A_102], %get3A_99 {strides = array<i32>} : memref<2x64xi32, #tpu.memory_space<vmem>>, vector<16xi32>,
      %get3A_104 = arith.constant 1 : i32
      %get3A_105 = arith.index_cast %get3A_104 : i32 to index
      %get3A_106 = arith.constant 32 : index
      %get3A_107 = tpu.vector_load %arg6[%get3A_105, %get3A_106] {strides = array<i32>} : memref<3x128xi32, #tpu.memory_space<vmem>>, vector<16xi32>,
      %swap3A_108 = arith.constant 0 : i32
      %swap3A_109 = arith.index_cast %swap3A_108 : i32 to index
      %swap3A_110 = arith.constant 32 : index
      %swap3A_111 = tpu.vector_load %arg8[%swap3A_109, %swap3A_110] {strides = array<i32>} : memref<2x64xi32, #tpu.memory_space<vmem>>, vector<16xi32>,
      tpu.vector_store %arg8[%swap3A_109, %swap3A_110], %get3A_107 {strides = array<i32>} : memref<2x64xi32, #tpu.memory_space<vmem>>, vector<16xi32>,
      %get3A_112 = arith.constant 1 : i32
      %get3A_113 = arith.index_cast %get3A_112 : i32 to index
      %get3A_114 = arith.constant 48 : index
      %get3A_115 = tpu.vector_load %arg6[%get3A_113, %get3A_114] {strides = array<i32>} : memref<3x128xi32, #tpu.memory_space<vmem>>, vector<16xi32>,
      %swap3A_116 = arith.constant 0 : i32
      %swap3A_117 = arith.index_cast %swap3A_116 : i32 to index
      %swap3A_118 = arith.constant 48 : index
      %swap3A_119 = tpu.vector_load %arg8[%swap3A_117, %swap3A_118] {strides = array<i32>} : memref<2x64xi32, #tpu.memory_space<vmem>>, vector<16xi32>,
      tpu.vector_store %arg8[%swap3A_117, %swap3A_118], %get3A_115 {strides = array<i32>} : memref<2x64xi32, #tpu.memory_space<vmem>>, vector<16xi32>,
      %scan3A_120 = arith.constant 0 : i32
      %scan3A_121 = arith.constant 32 : i32
      %scan3A_122 = arith.addi %scan3A_120, %scan3A_121 : i32
      %scan3A_123 = arith.constant 1 : i32
      scf.for %scan3A_283 = %scan3A_120 to %scan3A_122 step %scan3A_123  : i32 {
        %mul3A_284 = arith.constant 1 : i32
        %mul3A_285 = arith.muli %scan3A_283, %mul3A_284 : i32
        %add3A_286 = arith.constant 0 : i32
        %add3A_287 = arith.addi %add3A_286, %mul3A_285 : i32
        %mul3A_288 = arith.constant 2 : i32
        %mul3A_289 = arith.muli %add3A_287, %mul3A_288 : i32
        %add3A_290 = arith.constant 0 : i32
        %add3A_291 = arith.addi %mul3A_289, %add3A_290 : i32
        %add3A_292 = arith.constant 0 : i32
        %add3A_293 = arith.addi %add3A_291, %add3A_292 : i32
        %broadcast_in_dim3A_294 = vector.broadcast %add3A_293 : i32 to vector<16xi32>
        %gather3A = tpu.vector_load_idx %arg6[%broadcast_in_dim3A_3, %broadcast_in_dim3A_294] : memref<3x128xi32, #tpu.memory_space<vmem>>[vector<16xi32>, vector<16xi32>], vector<16xi32>,
        %bitcast3A = vector.bitcast %gather3A : vector<16xi32> to vector<16xf32>
        %get3A_295 = arith.index_cast %add3A_293 : i32 to index
        %get3A_296 = arith.constant 0 : index
        %get3A_297 = tpu.vector_load %arg9[%get3A_295, %get3A_296] {strides = array<i32>} : memref<128x128xf32, #tpu.memory_space<vmem>>, vector<16xf32>,
        %mul3A_298 = arith.mulf %get3A_297, %bitcast3A : vector<16xf32>
        %swap3A_299 = arith.index_cast %add3A_291 : i32 to index
        %swap3A_300 = arith.constant 0 : index
        %swap3A_301 = tpu.vector_load %arg11[%swap3A_299, %swap3A_300] {strides = array<i32>} : memref<64x128xf32, #tpu.memory_space<vmem>>, vector<16xf32>,
        tpu.vector_store %arg11[%swap3A_299, %swap3A_300], %mul3A_298 {strides = array<i32>} : memref<64x128xf32, #tpu.memory_space<vmem>>, vector<16xf32>,
        %get3A_302 = arith.index_cast %add3A_293 : i32 to index
        %get3A_303 = arith.constant 16 : index
        %get3A_304 = tpu.vector_load %arg9[%get3A_302, %get3A_303] {strides = array<i32>} : memref<128x128xf32, #tpu.memory_space<vmem>>, vector<16xf32>,
        %mul3A_305 = arith.mulf %get3A_304, %bitcast3A : vector<16xf32>
        %swap3A_306 = arith.index_cast %add3A_291 : i32 to index
        %swap3A_307 = arith.constant 16 : index
        %swap3A_308 = tpu.vector_load %arg11[%swap3A_306, %swap3A_307] {strides = array<i32>} : memref<64x128xf32, #tpu.memory_space<vmem>>, vector<16xf32>,
        tpu.vector_store %arg11[%swap3A_306, %swap3A_307], %mul3A_305 {strides = array<i32>} : memref<64x128xf32, #tpu.memory_space<vmem>>, vector<16xf32>,
        %get3A_309 = arith.index_cast %add3A_293 : i32 to index
        %get3A_310 = arith.constant 32 : index
        %get3A_311 = tpu.vector_load %arg9[%get3A_309, %get3A_310] {strides = array<i32>} : memref<128x128xf32, #tpu.memory_space<vmem>>, vector<16xf32>,
        %mul3A_312 = arith.mulf %get3A_311, %bitcast3A : vector<16xf32>
        %swap3A_313 = arith.index_cast %add3A_291 : i32 to index
        %swap3A_314 = arith.constant 32 : index
        %swap3A_315 = tpu.vector_load %arg11[%swap3A_313, %swap3A_314] {strides = array<i32>} : memref<64x128xf32, #tpu.memory_space<vmem>>, vector<16xf32>,
        tpu.vector_store %arg11[%swap3A_313, %swap3A_314], %mul3A_312 {strides = array<i32>} : memref<64x128xf32, #tpu.memory_space<vmem>>, vector<16xf32>,
        %get3A_316 = arith.index_cast %add3A_293 : i32 to index
        %get3A_317 = arith.constant 48 : index
        %get3A_318 = tpu.vector_load %arg9[%get3A_316, %get3A_317] {strides = array<i32>} : memref<128x128xf32, #tpu.memory_space<vmem>>, vector<16xf32>,
        %mul3A_319 = arith.mulf %get3A_318, %bitcast3A : vector<16xf32>
        %swap3A_320 = arith.index_cast %add3A_291 : i32 to index
        %swap3A_321 = arith.constant 48 : index
        %swap3A_322 = tpu.vector_load %arg11[%swap3A_320, %swap3A_321] {strides = array<i32>} : memref<64x128xf32, #tpu.memory_space<vmem>>, vector<16xf32>,
        tpu.vector_store %arg11[%swap3A_320, %swap3A_321], %mul3A_319 {strides = array<i32>} : memref<64x128xf32, #tpu.memory_space<vmem>>, vector<16xf32>,
        %get3A_323 = arith.index_cast %add3A_293 : i32 to index
        %get3A_324 = arith.constant 64 : index
        %get3A_325 = tpu.vector_load %arg9[%get3A_323, %get3A_324] {strides = array<i32>} : memref<128x128xf32, #tpu.memory_space<vmem>>, vector<16xf32>,
        %mul3A_326 = arith.mulf %get3A_325, %bitcast3A : vector<16xf32>
        %swap3A_327 = arith.index_cast %add3A_291 : i32 to index
        %swap3A_328 = arith.constant 64 : index
        %swap3A_329 = tpu.vector_load %arg11[%swap3A_327, %swap3A_328] {strides = array<i32>} : memref<64x128xf32, #tpu.memory_space<vmem>>, vector<16xf32>,
        tpu.vector_store %arg11[%swap3A_327, %swap3A_328], %mul3A_326 {strides = array<i32>} : memref<64x128xf32, #tpu.memory_space<vmem>>, vector<16xf32>,
        %get3A_330 = arith.index_cast %add3A_293 : i32 to index
        %get3A_331 = arith.constant 80 : index
        %get3A_332 = tpu.vector_load %arg9[%get3A_330, %get3A_331] {strides = array<i32>} : memref<128x128xf32, #tpu.memory_space<vmem>>, vector<16xf32>,
        %mul3A_333 = arith.mulf %get3A_332, %bitcast3A : vector<16xf32>
        %swap3A_334 = arith.index_cast %add3A_291 : i32 to index
        %swap3A_335 = arith.constant 80 : index
        %swap3A_336 = tpu.vector_load %arg11[%swap3A_334, %swap3A_335] {strides = array<i32>} : memref<64x128xf32, #tpu.memory_space<vmem>>, vector<16xf32>,
        tpu.vector_store %arg11[%swap3A_334, %swap3A_335], %mul3A_333 {strides = array<i32>} : memref<64x128xf32, #tpu.memory_space<vmem>>, vector<16xf32>,
        %get3A_337 = arith.index_cast %add3A_293 : i32 to index
        %get3A_338 = arith.constant 96 : index
        %get3A_339 = tpu.vector_load %arg9[%get3A_337, %get3A_338] {strides = array<i32>} : memref<128x128xf32, #tpu.memory_space<vmem>>, vector<16xf32>,
        %mul3A_340 = arith.mulf %get3A_339, %bitcast3A : vector<16xf32>
        %swap3A_341 = arith.index_cast %add3A_291 : i32 to index
        %swap3A_342 = arith.constant 96 : index
        %swap3A_343 = tpu.vector_load %arg11[%swap3A_341, %swap3A_342] {strides = array<i32>} : memref<64x128xf32, #tpu.memory_space<vmem>>, vector<16xf32>,
        tpu.vector_store %arg11[%swap3A_341, %swap3A_342], %mul3A_340 {strides = array<i32>} : memref<64x128xf32, #tpu.memory_space<vmem>>, vector<16xf32>,
        %get3A_344 = arith.index_cast %add3A_293 : i32 to index
        %get3A_345 = arith.constant 112 : index
        %get3A_346 = tpu.vector_load %arg9[%get3A_344, %get3A_345] {strides = array<i32>} : memref<128x128xf32, #tpu.memory_space<vmem>>, vector<16xf32>,
        %mul3A_347 = arith.mulf %get3A_346, %bitcast3A : vector<16xf32>
        %swap3A_348 = arith.index_cast %add3A_291 : i32 to index
        %swap3A_349 = arith.constant 112 : index
        %swap3A_350 = tpu.vector_load %arg11[%swap3A_348, %swap3A_349] {strides = array<i32>} : memref<64x128xf32, #tpu.memory_space<vmem>>, vector<16xf32>,
        tpu.vector_store %arg11[%swap3A_348, %swap3A_349], %mul3A_347 {strides = array<i32>} : memref<64x128xf32, #tpu.memory_space<vmem>>, vector<16xf32>,
        %mul3A_351 = arith.constant 2 : i32
        %mul3A_352 = arith.muli %add3A_287, %mul3A_351 : i32
        %add3A_353 = arith.constant 1 : i32
        %add3A_354 = arith.addi %mul3A_352, %add3A_353 : i32
        %add3A_355 = arith.constant 0 : i32
        %add3A_356 = arith.addi %add3A_354, %add3A_355 : i32
        %broadcast_in_dim3A_357 = vector.broadcast %add3A_356 : i32 to vector<16xi32>
        %gather3A_358 = tpu.vector_load_idx %arg6[%broadcast_in_dim3A_3, %broadcast_in_dim3A_357] : memref<3x128xi32, #tpu.memory_space<vmem>>[vector<16xi32>, vector<16xi32>], vector<16xi32>,
        %bitcast3A_359 = vector.bitcast %gather3A_358 : vector<16xi32> to vector<16xf32>
        %get3A_360 = arith.index_cast %add3A_356 : i32 to index
        %get3A_361 = arith.constant 0 : index
        %get3A_362 = tpu.vector_load %arg9[%get3A_360, %get3A_361] {strides = array<i32>} : memref<128x128xf32, #tpu.memory_space<vmem>>, vector<16xf32>,
        %mul3A_363 = arith.mulf %get3A_362, %bitcast3A_359 : vector<16xf32>
        %swap3A_364 = arith.index_cast %add3A_354 : i32 to index
        %swap3A_365 = arith.constant 0 : index
        %swap3A_366 = tpu.vector_load %arg11[%swap3A_364, %swap3A_365] {strides = array<i32>} : memref<64x128xf32, #tpu.memory_space<vmem>>, vector<16xf32>,
        tpu.vector_store %arg11[%swap3A_364, %swap3A_365], %mul3A_363 {strides = array<i32>} : memref<64x128xf32, #tpu.memory_space<vmem>>, vector<16xf32>,
        %get3A_367 = arith.index_cast %add3A_356 : i32 to index
        %get3A_368 = arith.constant 16 : index
        %get3A_369 = tpu.vector_load %arg9[%get3A_367, %get3A_368] {strides = array<i32>} : memref<128x128xf32, #tpu.memory_space<vmem>>, vector<16xf32>,
        %mul3A_370 = arith.mulf %get3A_369, %bitcast3A_359 : vector<16xf32>
        %swap3A_371 = arith.index_cast %add3A_354 : i32 to index
        %swap3A_372 = arith.constant 16 : index
        %swap3A_373 = tpu.vector_load %arg11[%swap3A_371, %swap3A_372] {strides = array<i32>} : memref<64x128xf32, #tpu.memory_space<vmem>>, vector<16xf32>,
        tpu.vector_store %arg11[%swap3A_371, %swap3A_372], %mul3A_370 {strides = array<i32>} : memref<64x128xf32, #tpu.memory_space<vmem>>, vector<16xf32>,
        %get3A_374 = arith.index_cast %add3A_356 : i32 to index
        %get3A_375 = arith.constant 32 : index
        %get3A_376 = tpu.vector_load %arg9[%get3A_374, %get3A_375] {strides = array<i32>} : memref<128x128xf32, #tpu.memory_space<vmem>>, vector<16xf32>,
        %mul3A_377 = arith.mulf %get3A_376, %bitcast3A_359 : vector<16xf32>
        %swap3A_378 = arith.index_cast %add3A_354 : i32 to index
        %swap3A_379 = arith.constant 32 : index
        %swap3A_380 = tpu.vector_load %arg11[%swap3A_378, %swap3A_379] {strides = array<i32>} : memref<64x128xf32, #tpu.memory_space<vmem>>, vector<16xf32>,
        tpu.vector_store %arg11[%swap3A_378, %swap3A_379], %mul3A_377 {strides = array<i32>} : memref<64x128xf32, #tpu.memory_space<vmem>>, vector<16xf32>,
        %get3A_381 = arith.index_cast %add3A_356 : i32 to index
        %get3A_382 = arith.constant 48 : index
        %get3A_383 = tpu.vector_load %arg9[%get3A_381, %get3A_382] {strides = array<i32>} : memref<128x128xf32, #tpu.memory_space<vmem>>, vector<16xf32>,
        %mul3A_384 = arith.mulf %get3A_383, %bitcast3A_359 : vector<16xf32>
        %swap3A_385 = arith.index_cast %add3A_354 : i32 to index
        %swap3A_386 = arith.constant 48 : index
        %swap3A_387 = tpu.vector_load %arg11[%swap3A_385, %swap3A_386] {strides = array<i32>} : memref<64x128xf32, #tpu.memory_space<vmem>>, vector<16xf32>,
        tpu.vector_store %arg11[%swap3A_385, %swap3A_386], %mul3A_384 {strides = array<i32>} : memref<64x128xf32, #tpu.memory_space<vmem>>, vector<16xf32>,
        %get3A_388 = arith.index_cast %add3A_356 : i32 to index
        %get3A_389 = arith.constant 64 : index
        %get3A_390 = tpu.vector_load %arg9[%get3A_388, %get3A_389] {strides = array<i32>} : memref<128x128xf32, #tpu.memory_space<vmem>>, vector<16xf32>,
        %mul3A_391 = arith.mulf %get3A_390, %bitcast3A_359 : vector<16xf32>
        %swap3A_392 = arith.index_cast %add3A_354 : i32 to index
        %swap3A_393 = arith.constant 64 : index
        %swap3A_394 = tpu.vector_load %arg11[%swap3A_392, %swap3A_393] {strides = array<i32>} : memref<64x128xf32, #tpu.memory_space<vmem>>, vector<16xf32>,
        tpu.vector_store %arg11[%swap3A_392, %swap3A_393], %mul3A_391 {strides = array<i32>} : memref<64x128xf32, #tpu.memory_space<vmem>>, vector<16xf32>,
        %get3A_395 = arith.index_cast %add3A_356 : i32 to index
        %get3A_396 = arith.constant 80 : index
        %get3A_397 = tpu.vector_load %arg9[%get3A_395, %get3A_396] {strides = array<i32>} : memref<128x128xf32, #tpu.memory_space<vmem>>, vector<16xf32>,
        %mul3A_398 = arith.mulf %get3A_397, %bitcast3A_359 : vector<16xf32>
        %swap3A_399 = arith.index_cast %add3A_354 : i32 to index
        %swap3A_400 = arith.constant 80 : index
        %swap3A_401 = tpu.vector_load %arg11[%swap3A_399, %swap3A_400] {strides = array<i32>} : memref<64x128xf32, #tpu.memory_space<vmem>>, vector<16xf32>,
        tpu.vector_store %arg11[%swap3A_399, %swap3A_400], %mul3A_398 {strides = array<i32>} : memref<64x128xf32, #tpu.memory_space<vmem>>, vector<16xf32>,
        %get3A_402 = arith.index_cast %add3A_356 : i32 to index
        %get3A_403 = arith.constant 96 : index
        %get3A_404 = tpu.vector_load %arg9[%get3A_402, %get3A_403] {strides = array<i32>} : memref<128x128xf32, #tpu.memory_space<vmem>>, vector<16xf32>,
        %mul3A_405 = arith.mulf %get3A_404, %bitcast3A_359 : vector<16xf32>
        %swap3A_406 = arith.index_cast %add3A_354 : i32 to index
        %swap3A_407 = arith.constant 96 : index
        %swap3A_408 = tpu.vector_load %arg11[%swap3A_406, %swap3A_407] {strides = array<i32>} : memref<64x128xf32, #tpu.memory_space<vmem>>, vector<16xf32>,
        tpu.vector_store %arg11[%swap3A_406, %swap3A_407], %mul3A_405 {strides = array<i32>} : memref<64x128xf32, #tpu.memory_space<vmem>>, vector<16xf32>,
        %get3A_409 = arith.index_cast %add3A_356 : i32 to index
        %get3A_410 = arith.constant 112 : index
        %get3A_411 = tpu.vector_load %arg9[%get3A_409, %get3A_410] {strides = array<i32>} : memref<128x128xf32, #tpu.memory_space<vmem>>, vector<16xf32>,
        %mul3A_412 = arith.mulf %get3A_411, %bitcast3A_359 : vector<16xf32>
        %swap3A_413 = arith.index_cast %add3A_354 : i32 to index
        %swap3A_414 = arith.constant 112 : index
        %swap3A_415 = tpu.vector_load %arg11[%swap3A_413, %swap3A_414] {strides = array<i32>} : memref<64x128xf32, #tpu.memory_space<vmem>>, vector<16xf32>,
        tpu.vector_store %arg11[%swap3A_413, %swap3A_414], %mul3A_412 {strides = array<i32>} : memref<64x128xf32, #tpu.memory_space<vmem>>, vector<16xf32>,
      }
      %scan3A_124 = arith.constant 32 : i32
      %run_scoped3A = arith.constant 0 : i32
      "tpu.region"() ({
        %run_scoped3A_283 = tpu.sem_alloc : memref<!tpu.dma_semaphore, #tpu.memory_space<semaphore_mem>>
        %dma_start3A_284 = arith.constant 0 : i32
        %dma_start3A_285 = tpu.memref_slice %arg8[%run_scoped3A, %dma_start3A_284] : memref<2x64xi32, #tpu.memory_space<vmem>> -> memref<1x64xi32, #tpu.memory_space<vmem>>
        %dma_start3A_286 = tpu.memref_squeeze %dma_start3A_285 : memref<1x64xi32, #tpu.memory_space<vmem>> -> memref<64xi32, #tpu.memory_space<vmem>>
        %dma_start3A_287 = arith.constant 0 : i32
        %dma_start3A_288 = arith.constant 0 : i32
        %dma_start3A_289 = tpu.memref_slice %arg12[%dma_start3A_287, %dma_start3A_288] : memref<10240x128xf32, #tpu.memory_space<vmem_shared>> -> memref<10240x128xf32, #tpu.memory_space<vmem_shared>>
        tpu.enqueue_indirect_dma source(%arg11 : memref<64x128xf32, #tpu.memory_space<vmem>>) target(%dma_start3A_289 : memref<10240x128xf32, #tpu.memory_space<vmem_shared>>) offsets(%dma_start3A_286 : memref<64xi32, #tpu.memory_space<vmem>>) semaphore(%run_scoped3A_283 : memref<!tpu.dma_semaphore, #tpu.memory_space<semaphore_mem>>) {add = true}
        %dma_wait3A_290 = arith.constant 0 : i32
        %dma_wait3A_291 = tpu.memref_slice %arg8[%run_scoped3A, %dma_wait3A_290] : memref<2x64xi32, #tpu.memory_space<vmem>> -> memref<1x64xi32, #tpu.memory_space<vmem>>
        %dma_wait3A_292 = tpu.memref_squeeze %dma_wait3A_291 : memref<1x64xi32, #tpu.memory_space<vmem>> -> memref<64xi32, #tpu.memory_space<vmem>>
        %dma_wait3A_293 = arith.constant 0 : i32
        %dma_wait3A_294 = arith.constant 0 : i32
        %dma_wait3A_295 = tpu.memref_slice %arg12[%dma_wait3A_293, %dma_wait3A_294] : memref<10240x128xf32, #tpu.memory_space<vmem_shared>> -> memref<10240x128xf32, #tpu.memory_space<vmem_shared>>
        tpu.wait_indirect_dma semaphore(%run_scoped3A_283 : memref<!tpu.dma_semaphore, #tpu.memory_space<semaphore_mem>>) src(%arg11 : memref<64x128xf32, #tpu.memory_space<vmem>>) dst(%dma_wait3A_295 : memref<10240x128xf32, #tpu.memory_space<vmem_shared>>)
        tpu.yield
      }) : () -> ()
      %get3A_125 = arith.constant 1 : i32
      %get3A_126 = arith.index_cast %get3A_125 : i32 to index
      %get3A_127 = arith.constant 64 : index
      %get3A_128 = tpu.vector_load %arg6[%get3A_126, %get3A_127] {strides = array<i32>} : memref<3x128xi32, #tpu.memory_space<vmem>>, vector<16xi32>,
      %swap3A_129 = arith.constant 1 : i32
      %swap3A_130 = arith.index_cast %swap3A_129 : i32 to index
      %swap3A_131 = arith.constant 0 : index
      %swap3A_132 = tpu.vector_load %arg8[%swap3A_130, %swap3A_131] {strides = array<i32>} : memref<2x64xi32, #tpu.memory_space<vmem>>, vector<16xi32>,
      tpu.vector_store %arg8[%swap3A_130, %swap3A_131], %get3A_128 {strides = array<i32>} : memref<2x64xi32, #tpu.memory_space<vmem>>, vector<16xi32>,
      %get3A_133 = arith.constant 1 : i32
      %get3A_134 = arith.index_cast %get3A_133 : i32 to index
      %get3A_135 = arith.constant 80 : index
      %get3A_136 = tpu.vector_load %arg6[%get3A_134, %get3A_135] {strides = array<i32>} : memref<3x128xi32, #tpu.memory_space<vmem>>, vector<16xi32>,
      %swap3A_137 = arith.constant 1 : i32
      %swap3A_138 = arith.index_cast %swap3A_137 : i32 to index
      %swap3A_139 = arith.constant 16 : index
      %swap3A_140 = tpu.vector_load %arg8[%swap3A_138, %swap3A_139] {strides = array<i32>} : memref<2x64xi32, #tpu.memory_space<vmem>>, vector<16xi32>,
      tpu.vector_store %arg8[%swap3A_138, %swap3A_139], %get3A_136 {strides = array<i32>} : memref<2x64xi32, #tpu.memory_space<vmem>>, vector<16xi32>,
      %get3A_141 = arith.constant 1 : i32
      %get3A_142 = arith.index_cast %get3A_141 : i32 to index
      %get3A_143 = arith.constant 96 : index
      %get3A_144 = tpu.vector_load %arg6[%get3A_142, %get3A_143] {strides = array<i32>} : memref<3x128xi32, #tpu.memory_space<vmem>>, vector<16xi32>,
      %swap3A_145 = arith.constant 1 : i32
      %swap3A_146 = arith.index_cast %swap3A_145 : i32 to index
      %swap3A_147 = arith.constant 32 : index
      %swap3A_148 = tpu.vector_load %arg8[%swap3A_146, %swap3A_147] {strides = array<i32>} : memref<2x64xi32, #tpu.memory_space<vmem>>, vector<16xi32>,
      tpu.vector_store %arg8[%swap3A_146, %swap3A_147], %get3A_144 {strides = array<i32>} : memref<2x64xi32, #tpu.memory_space<vmem>>, vector<16xi32>,
      %get3A_149 = arith.constant 1 : i32
      %get3A_150 = arith.index_cast %get3A_149 : i32 to index
      %get3A_151 = arith.constant 112 : index
      %get3A_152 = tpu.vector_load %arg6[%get3A_150, %get3A_151] {strides = array<i32>} : memref<3x128xi32, #tpu.memory_space<vmem>>, vector<16xi32>,
      %swap3A_153 = arith.constant 1 : i32
      %swap3A_154 = arith.index_cast %swap3A_153 : i32 to index
      %swap3A_155 = arith.constant 48 : index
      %swap3A_156 = tpu.vector_load %arg8[%swap3A_154, %swap3A_155] {strides = array<i32>} : memref<2x64xi32, #tpu.memory_space<vmem>>, vector<16xi32>,
      tpu.vector_store %arg8[%swap3A_154, %swap3A_155], %get3A_152 {strides = array<i32>} : memref<2x64xi32, #tpu.memory_space<vmem>>, vector<16xi32>,
      %scan3A_157 = arith.constant 0 : i32
      %scan3A_158 = arith.constant 32 : i32
      %scan3A_159 = arith.addi %scan3A_157, %scan3A_158 : i32
      %scan3A_160 = arith.constant 1 : i32
      scf.for %scan3A_283 = %scan3A_157 to %scan3A_159 step %scan3A_160  : i32 {
        %mul3A_284 = arith.constant 1 : i32
        %mul3A_285 = arith.muli %scan3A_283, %mul3A_284 : i32
        %add3A_286 = arith.constant 0 : i32
        %add3A_287 = arith.addi %add3A_286, %mul3A_285 : i32
        %mul3A_288 = arith.constant 2 : i32
        %mul3A_289 = arith.muli %add3A_287, %mul3A_288 : i32
        %add3A_290 = arith.constant 0 : i32
        %add3A_291 = arith.addi %mul3A_289, %add3A_290 : i32
        %add3A_292 = arith.constant 64 : i32
        %add3A_293 = arith.addi %add3A_291, %add3A_292 : i32
        %broadcast_in_dim3A_294 = vector.broadcast %add3A_293 : i32 to vector<16xi32>
        %gather3A = tpu.vector_load_idx %arg6[%broadcast_in_dim3A_3, %broadcast_in_dim3A_294] : memref<3x128xi32, #tpu.memory_space<vmem>>[vector<16xi32>, vector<16xi32>], vector<16xi32>,
        %bitcast3A = vector.bitcast %gather3A : vector<16xi32> to vector<16xf32>
        %get3A_295 = arith.index_cast %add3A_293 : i32 to index
        %get3A_296 = arith.constant 0 : index
        %get3A_297 = tpu.vector_load %arg9[%get3A_295, %get3A_296] {strides = array<i32>} : memref<128x128xf32, #tpu.memory_space<vmem>>, vector<16xf32>,
        %mul3A_298 = arith.mulf %get3A_297, %bitcast3A : vector<16xf32>
        %swap3A_299 = arith.index_cast %add3A_291 : i32 to index
        %swap3A_300 = arith.constant 0 : index
        %swap3A_301 = tpu.vector_load %arg11[%swap3A_299, %swap3A_300] {strides = array<i32>} : memref<64x128xf32, #tpu.memory_space<vmem>>, vector<16xf32>,
        tpu.vector_store %arg11[%swap3A_299, %swap3A_300], %mul3A_298 {strides = array<i32>} : memref<64x128xf32, #tpu.memory_space<vmem>>, vector<16xf32>,
        %get3A_302 = arith.index_cast %add3A_293 : i32 to index
        %get3A_303 = arith.constant 16 : index
        %get3A_304 = tpu.vector_load %arg9[%get3A_302, %get3A_303] {strides = array<i32>} : memref<128x128xf32, #tpu.memory_space<vmem>>, vector<16xf32>,
        %mul3A_305 = arith.mulf %get3A_304, %bitcast3A : vector<16xf32>
        %swap3A_306 = arith.index_cast %add3A_291 : i32 to index
        %swap3A_307 = arith.constant 16 : index
        %swap3A_308 = tpu.vector_load %arg11[%swap3A_306, %swap3A_307] {strides = array<i32>} : memref<64x128xf32, #tpu.memory_space<vmem>>, vector<16xf32>,
        tpu.vector_store %arg11[%swap3A_306, %swap3A_307], %mul3A_305 {strides = array<i32>} : memref<64x128xf32, #tpu.memory_space<vmem>>, vector<16xf32>,
        %get3A_309 = arith.index_cast %add3A_293 : i32 to index
        %get3A_310 = arith.constant 32 : index
        %get3A_311 = tpu.vector_load %arg9[%get3A_309, %get3A_310] {strides = array<i32>} : memref<128x128xf32, #tpu.memory_space<vmem>>, vector<16xf32>,
        %mul3A_312 = arith.mulf %get3A_311, %bitcast3A : vector<16xf32>
        %swap3A_313 = arith.index_cast %add3A_291 : i32 to index
        %swap3A_314 = arith.constant 32 : index
        %swap3A_315 = tpu.vector_load %arg11[%swap3A_313, %swap3A_314] {strides = array<i32>} : memref<64x128xf32, #tpu.memory_space<vmem>>, vector<16xf32>,
        tpu.vector_store %arg11[%swap3A_313, %swap3A_314], %mul3A_312 {strides = array<i32>} : memref<64x128xf32, #tpu.memory_space<vmem>>, vector<16xf32>,
        %get3A_316 = arith.index_cast %add3A_293 : i32 to index
        %get3A_317 = arith.constant 48 : index
        %get3A_318 = tpu.vector_load %arg9[%get3A_316, %get3A_317] {strides = array<i32>} : memref<128x128xf32, #tpu.memory_space<vmem>>, vector<16xf32>,
        %mul3A_319 = arith.mulf %get3A_318, %bitcast3A : vector<16xf32>
        %swap3A_320 = arith.index_cast %add3A_291 : i32 to index
        %swap3A_321 = arith.constant 48 : index
        %swap3A_322 = tpu.vector_load %arg11[%swap3A_320, %swap3A_321] {strides = array<i32>} : memref<64x128xf32, #tpu.memory_space<vmem>>, vector<16xf32>,
        tpu.vector_store %arg11[%swap3A_320, %swap3A_321], %mul3A_319 {strides = array<i32>} : memref<64x128xf32, #tpu.memory_space<vmem>>, vector<16xf32>,
        %get3A_323 = arith.index_cast %add3A_293 : i32 to index
        %get3A_324 = arith.constant 64 : index
        %get3A_325 = tpu.vector_load %arg9[%get3A_323, %get3A_324] {strides = array<i32>} : memref<128x128xf32, #tpu.memory_space<vmem>>, vector<16xf32>,
        %mul3A_326 = arith.mulf %get3A_325, %bitcast3A : vector<16xf32>
        %swap3A_327 = arith.index_cast %add3A_291 : i32 to index
        %swap3A_328 = arith.constant 64 : index
        %swap3A_329 = tpu.vector_load %arg11[%swap3A_327, %swap3A_328] {strides = array<i32>} : memref<64x128xf32, #tpu.memory_space<vmem>>, vector<16xf32>,
        tpu.vector_store %arg11[%swap3A_327, %swap3A_328], %mul3A_326 {strides = array<i32>} : memref<64x128xf32, #tpu.memory_space<vmem>>, vector<16xf32>,
        %get3A_330 = arith.index_cast %add3A_293 : i32 to index
        %get3A_331 = arith.constant 80 : index
        %get3A_332 = tpu.vector_load %arg9[%get3A_330, %get3A_331] {strides = array<i32>} : memref<128x128xf32, #tpu.memory_space<vmem>>, vector<16xf32>,
        %mul3A_333 = arith.mulf %get3A_332, %bitcast3A : vector<16xf32>
        %swap3A_334 = arith.index_cast %add3A_291 : i32 to index
        %swap3A_335 = arith.constant 80 : index
        %swap3A_336 = tpu.vector_load %arg11[%swap3A_334, %swap3A_335] {strides = array<i32>} : memref<64x128xf32, #tpu.memory_space<vmem>>, vector<16xf32>,
        tpu.vector_store %arg11[%swap3A_334, %swap3A_335], %mul3A_333 {strides = array<i32>} : memref<64x128xf32, #tpu.memory_space<vmem>>, vector<16xf32>,
        %get3A_337 = arith.index_cast %add3A_293 : i32 to index
        %get3A_338 = arith.constant 96 : index
        %get3A_339 = tpu.vector_load %arg9[%get3A_337, %get3A_338] {strides = array<i32>} : memref<128x128xf32, #tpu.memory_space<vmem>>, vector<16xf32>,
        %mul3A_340 = arith.mulf %get3A_339, %bitcast3A : vector<16xf32>
        %swap3A_341 = arith.index_cast %add3A_291 : i32 to index
        %swap3A_342 = arith.constant 96 : index
        %swap3A_343 = tpu.vector_load %arg11[%swap3A_341, %swap3A_342] {strides = array<i32>} : memref<64x128xf32, #tpu.memory_space<vmem>>, vector<16xf32>,
        tpu.vector_store %arg11[%swap3A_341, %swap3A_342], %mul3A_340 {strides = array<i32>} : memref<64x128xf32, #tpu.memory_space<vmem>>, vector<16xf32>,
        %get3A_344 = arith.index_cast %add3A_293 : i32 to index
        %get3A_345 = arith.constant 112 : index
        %get3A_346 = tpu.vector_load %arg9[%get3A_344, %get3A_345] {strides = array<i32>} : memref<128x128xf32, #tpu.memory_space<vmem>>, vector<16xf32>,
        %mul3A_347 = arith.mulf %get3A_346, %bitcast3A : vector<16xf32>
        %swap3A_348 = arith.index_cast %add3A_291 : i32 to index
        %swap3A_349 = arith.constant 112 : index
        %swap3A_350 = tpu.vector_load %arg11[%swap3A_348, %swap3A_349] {strides = array<i32>} : memref<64x128xf32, #tpu.memory_space<vmem>>, vector<16xf32>,
        tpu.vector_store %arg11[%swap3A_348, %swap3A_349], %mul3A_347 {strides = array<i32>} : memref<64x128xf32, #tpu.memory_space<vmem>>, vector<16xf32>,
        %mul3A_351 = arith.constant 2 : i32
        %mul3A_352 = arith.muli %add3A_287, %mul3A_351 : i32
        %add3A_353 = arith.constant 1 : i32
        %add3A_354 = arith.addi %mul3A_352, %add3A_353 : i32
        %add3A_355 = arith.constant 64 : i32
        %add3A_356 = arith.addi %add3A_354, %add3A_355 : i32
        %broadcast_in_dim3A_357 = vector.broadcast %add3A_356 : i32 to vector<16xi32>
        %gather3A_358 = tpu.vector_load_idx %arg6[%broadcast_in_dim3A_3, %broadcast_in_dim3A_357] : memref<3x128xi32, #tpu.memory_space<vmem>>[vector<16xi32>, vector<16xi32>], vector<16xi32>,
        %bitcast3A_359 = vector.bitcast %gather3A_358 : vector<16xi32> to vector<16xf32>
        %get3A_360 = arith.index_cast %add3A_356 : i32 to index
        %get3A_361 = arith.constant 0 : index
        %get3A_362 = tpu.vector_load %arg9[%get3A_360, %get3A_361] {strides = array<i32>} : memref<128x128xf32, #tpu.memory_space<vmem>>, vector<16xf32>,
        %mul3A_363 = arith.mulf %get3A_362, %bitcast3A_359 : vector<16xf32>
        %swap3A_364 = arith.index_cast %add3A_354 : i32 to index
        %swap3A_365 = arith.constant 0 : index
        %swap3A_366 = tpu.vector_load %arg11[%swap3A_364, %swap3A_365] {strides = array<i32>} : memref<64x128xf32, #tpu.memory_space<vmem>>, vector<16xf32>,
        tpu.vector_store %arg11[%swap3A_364, %swap3A_365], %mul3A_363 {strides = array<i32>} : memref<64x128xf32, #tpu.memory_space<vmem>>, vector<16xf32>,
        %get3A_367 = arith.index_cast %add3A_356 : i32 to index
        %get3A_368 = arith.constant 16 : index
        %get3A_369 = tpu.vector_load %arg9[%get3A_367, %get3A_368] {strides = array<i32>} : memref<128x128xf32, #tpu.memory_space<vmem>>, vector<16xf32>,
        %mul3A_370 = arith.mulf %get3A_369, %bitcast3A_359 : vector<16xf32>
        %swap3A_371 = arith.index_cast %add3A_354 : i32 to index
        %swap3A_372 = arith.constant 16 : index
        %swap3A_373 = tpu.vector_load %arg11[%swap3A_371, %swap3A_372] {strides = array<i32>} : memref<64x128xf32, #tpu.memory_space<vmem>>, vector<16xf32>,
        tpu.vector_store %arg11[%swap3A_371, %swap3A_372], %mul3A_370 {strides = array<i32>} : memref<64x128xf32, #tpu.memory_space<vmem>>, vector<16xf32>,
        %get3A_374 = arith.index_cast %add3A_356 : i32 to index
        %get3A_375 = arith.constant 32 : index
        %get3A_376 = tpu.vector_load %arg9[%get3A_374, %get3A_375] {strides = array<i32>} : memref<128x128xf32, #tpu.memory_space<vmem>>, vector<16xf32>,
        %mul3A_377 = arith.mulf %get3A_376, %bitcast3A_359 : vector<16xf32>
        %swap3A_378 = arith.index_cast %add3A_354 : i32 to index
        %swap3A_379 = arith.constant 32 : index
        %swap3A_380 = tpu.vector_load %arg11[%swap3A_378, %swap3A_379] {strides = array<i32>} : memref<64x128xf32, #tpu.memory_space<vmem>>, vector<16xf32>,
        tpu.vector_store %arg11[%swap3A_378, %swap3A_379], %mul3A_377 {strides = array<i32>} : memref<64x128xf32, #tpu.memory_space<vmem>>, vector<16xf32>,
        %get3A_381 = arith.index_cast %add3A_356 : i32 to index
        %get3A_382 = arith.constant 48 : index
        %get3A_383 = tpu.vector_load %arg9[%get3A_381, %get3A_382] {strides = array<i32>} : memref<128x128xf32, #tpu.memory_space<vmem>>, vector<16xf32>,
        %mul3A_384 = arith.mulf %get3A_383, %bitcast3A_359 : vector<16xf32>
        %swap3A_385 = arith.index_cast %add3A_354 : i32 to index
        %swap3A_386 = arith.constant 48 : index
        %swap3A_387 = tpu.vector_load %arg11[%swap3A_385, %swap3A_386] {strides = array<i32>} : memref<64x128xf32, #tpu.memory_space<vmem>>, vector<16xf32>,
        tpu.vector_store %arg11[%swap3A_385, %swap3A_386], %mul3A_384 {strides = array<i32>} : memref<64x128xf32, #tpu.memory_space<vmem>>, vector<16xf32>,
        %get3A_388 = arith.index_cast %add3A_356 : i32 to index
        %get3A_389 = arith.constant 64 : index
        %get3A_390 = tpu.vector_load %arg9[%get3A_388, %get3A_389] {strides = array<i32>} : memref<128x128xf32, #tpu.memory_space<vmem>>, vector<16xf32>,
        %mul3A_391 = arith.mulf %get3A_390, %bitcast3A_359 : vector<16xf32>
        %swap3A_392 = arith.index_cast %add3A_354 : i32 to index
        %swap3A_393 = arith.constant 64 : index
        %swap3A_394 = tpu.vector_load %arg11[%swap3A_392, %swap3A_393] {strides = array<i32>} : memref<64x128xf32, #tpu.memory_space<vmem>>, vector<16xf32>,
        tpu.vector_store %arg11[%swap3A_392, %swap3A_393], %mul3A_391 {strides = array<i32>} : memref<64x128xf32, #tpu.memory_space<vmem>>, vector<16xf32>,
        %get3A_395 = arith.index_cast %add3A_356 : i32 to index
        %get3A_396 = arith.constant 80 : index
        %get3A_397 = tpu.vector_load %arg9[%get3A_395, %get3A_396] {strides = array<i32>} : memref<128x128xf32, #tpu.memory_space<vmem>>, vector<16xf32>,
        %mul3A_398 = arith.mulf %get3A_397, %bitcast3A_359 : vector<16xf32>
        %swap3A_399 = arith.index_cast %add3A_354 : i32 to index
        %swap3A_400 = arith.constant 80 : index
        %swap3A_401 = tpu.vector_load %arg11[%swap3A_399, %swap3A_400] {strides = array<i32>} : memref<64x128xf32, #tpu.memory_space<vmem>>, vector<16xf32>,
        tpu.vector_store %arg11[%swap3A_399, %swap3A_400], %mul3A_398 {strides = array<i32>} : memref<64x128xf32, #tpu.memory_space<vmem>>, vector<16xf32>,
        %get3A_402 = arith.index_cast %add3A_356 : i32 to index
        %get3A_403 = arith.constant 96 : index
        %get3A_404 = tpu.vector_load %arg9[%get3A_402, %get3A_403] {strides = array<i32>} : memref<128x128xf32, #tpu.memory_space<vmem>>, vector<16xf32>,
        %mul3A_405 = arith.mulf %get3A_404, %bitcast3A_359 : vector<16xf32>
        %swap3A_406 = arith.index_cast %add3A_354 : i32 to index
        %swap3A_407 = arith.constant 96 : index
        %swap3A_408 = tpu.vector_load %arg11[%swap3A_406, %swap3A_407] {strides = array<i32>} : memref<64x128xf32, #tpu.memory_space<vmem>>, vector<16xf32>,
        tpu.vector_store %arg11[%swap3A_406, %swap3A_407], %mul3A_405 {strides = array<i32>} : memref<64x128xf32, #tpu.memory_space<vmem>>, vector<16xf32>,
        %get3A_409 = arith.index_cast %add3A_356 : i32 to index
        %get3A_410 = arith.constant 112 : index
        %get3A_411 = tpu.vector_load %arg9[%get3A_409, %get3A_410] {strides = array<i32>} : memref<128x128xf32, #tpu.memory_space<vmem>>, vector<16xf32>,
        %mul3A_412 = arith.mulf %get3A_411, %bitcast3A_359 : vector<16xf32>
        %swap3A_413 = arith.index_cast %add3A_354 : i32 to index
        %swap3A_414 = arith.constant 112 : index
        %swap3A_415 = tpu.vector_load %arg11[%swap3A_413, %swap3A_414] {strides = array<i32>} : memref<64x128xf32, #tpu.memory_space<vmem>>, vector<16xf32>,
        tpu.vector_store %arg11[%swap3A_413, %swap3A_414], %mul3A_412 {strides = array<i32>} : memref<64x128xf32, #tpu.memory_space<vmem>>, vector<16xf32>,
      }
      %scan3A_161 = arith.constant 32 : i32
      %run_scoped3A_162 = arith.constant 1 : i32
      "tpu.region"() ({
        %run_scoped3A_283 = tpu.sem_alloc : memref<!tpu.dma_semaphore, #tpu.memory_space<semaphore_mem>>
        %dma_start3A_284 = arith.constant 0 : i32
        %dma_start3A_285 = tpu.memref_slice %arg8[%run_scoped3A_162, %dma_start3A_284] : memref<2x64xi32, #tpu.memory_space<vmem>> -> memref<1x64xi32, #tpu.memory_space<vmem>>
        %dma_start3A_286 = tpu.memref_squeeze %dma_start3A_285 : memref<1x64xi32, #tpu.memory_space<vmem>> -> memref<64xi32, #tpu.memory_space<vmem>>
        %dma_start3A_287 = arith.constant 0 : i32
        %dma_start3A_288 = arith.constant 0 : i32
        %dma_start3A_289 = tpu.memref_slice %arg12[%dma_start3A_287, %dma_start3A_288] : memref<10240x128xf32, #tpu.memory_space<vmem_shared>> -> memref<10240x128xf32, #tpu.memory_space<vmem_shared>>
        tpu.enqueue_indirect_dma source(%arg11 : memref<64x128xf32, #tpu.memory_space<vmem>>) target(%dma_start3A_289 : memref<10240x128xf32, #tpu.memory_space<vmem_shared>>) offsets(%dma_start3A_286 : memref<64xi32, #tpu.memory_space<vmem>>) semaphore(%run_scoped3A_283 : memref<!tpu.dma_semaphore, #tpu.memory_space<semaphore_mem>>) {add = true}
        %dma_wait3A_290 = arith.constant 0 : i32
        %dma_wait3A_291 = tpu.memref_slice %arg8[%run_scoped3A_162, %dma_wait3A_290] : memref<2x64xi32, #tpu.memory_space<vmem>> -> memref<1x64xi32, #tpu.memory_space<vmem>>
        %dma_wait3A_292 = tpu.memref_squeeze %dma_wait3A_291 : memref<1x64xi32, #tpu.memory_space<vmem>> -> memref<64xi32, #tpu.memory_space<vmem>>
        %dma_wait3A_293 = arith.constant 0 : i32
        %dma_wait3A_294 = arith.constant 0 : i32
        %dma_wait3A_295 = tpu.memref_slice %arg12[%dma_wait3A_293, %dma_wait3A_294] : memref<10240x128xf32, #tpu.memory_space<vmem_shared>> -> memref<10240x128xf32, #tpu.memory_space<vmem_shared>>
        tpu.wait_indirect_dma semaphore(%run_scoped3A_283 : memref<!tpu.dma_semaphore, #tpu.memory_space<semaphore_mem>>) src(%arg11 : memref<64x128xf32, #tpu.memory_space<vmem>>) dst(%dma_wait3A_295 : memref<10240x128xf32, #tpu.memory_space<vmem_shared>>)
        tpu.yield
      }) : () -> ()
      %add3A_163 = arith.constant 2 : i32
      %add3A_164 = arith.addi %add3A_65, %add3A_163 : i32
      %dma_start3A_165 = arith.constant 0 : i32
      %dma_start3A_166 = arith.constant 0 : i32
      %dma_start3A_167 = tpu.memref_slice %arg3[%add3A, %add3A_164, %dma_start3A_165, %dma_start3A_166] : memref<32x82x3x128xi32, #tpu.memory_space<hbm>> -> memref<1x1x3x128xi32, #tpu.memory_space<hbm>>
      %dma_start3A_168 = tpu.memref_squeeze %dma_start3A_167 : memref<1x1x3x128xi32, #tpu.memory_space<hbm>> -> memref<3x128xi32, #tpu.memory_space<hbm>>
      %dma_start3A_169 = arith.constant 0 : i32
      %dma_start3A_170 = arith.constant 0 : i32
      %dma_start3A_171 = tpu.memref_slice %arg3[%add3A, %add3A_164, %dma_start3A_169, %dma_start3A_170] : memref<32x82x3x128xi32, #tpu.memory_space<hbm>> -> memref<1x1x3x128xi32, #tpu.memory_space<hbm>>
      %dma_start3A_172 = tpu.memref_squeeze %dma_start3A_171 : memref<1x1x3x128xi32, #tpu.memory_space<hbm>> -> memref<3x128xi32, #tpu.memory_space<hbm>>
      tpu.enqueue_dma source(%dma_start3A_172 : memref<3x128xi32, #tpu.memory_space<hbm>>) target(%arg6 : memref<3x128xi32, #tpu.memory_space<vmem>>) target_semaphore(%arg13 : memref<!tpu.dma_semaphore, #tpu.memory_space<semaphore_mem>>)
      %add3A_173 = arith.constant 2 : i32
      %add3A_174 = arith.addi %add3A_65, %add3A_173 : i32
      %dma_wait3A_175 = arith.constant 0 : i32
      %dma_wait3A_176 = arith.constant 0 : i32
      %dma_wait3A_177 = tpu.memref_slice %arg3[%add3A, %add3A_174, %dma_wait3A_175, %dma_wait3A_176] : memref<32x82x3x128xi32, #tpu.memory_space<hbm>> -> memref<1x1x3x128xi32, #tpu.memory_space<hbm>>
      %dma_wait3A_178 = tpu.memref_squeeze %dma_wait3A_177 : memref<1x1x3x128xi32, #tpu.memory_space<hbm>> -> memref<3x128xi32, #tpu.memory_space<hbm>>
      %dma_wait3A_179 = arith.constant 0 : i32
      %dma_wait3A_180 = arith.constant 0 : i32
      %dma_wait3A_181 = tpu.memref_slice %arg3[%add3A, %add3A_174, %dma_wait3A_179, %dma_wait3A_180] : memref<32x82x3x128xi32, #tpu.memory_space<hbm>> -> memref<1x1x3x128xi32, #tpu.memory_space<hbm>>
      %dma_wait3A_182 = tpu.memref_squeeze %dma_wait3A_181 : memref<1x1x3x128xi32, #tpu.memory_space<hbm>> -> memref<3x128xi32, #tpu.memory_space<hbm>>
      tpu.wait_dma2 semaphore(%arg13 : memref<!tpu.dma_semaphore, #tpu.memory_space<semaphore_mem>>) src(%dma_wait3A_182 : memref<3x128xi32, #tpu.memory_space<hbm>>) dst(%arg6 : memref<3x128xi32, #tpu.memory_space<vmem>>)
      %dma_start3A_183 = arith.constant 0 : i32
      %dma_start3A_184 = arith.constant 0 : i32
      %dma_start3A_185 = tpu.memref_slice %arg6[%dma_start3A_183, %dma_start3A_184] : memref<3x128xi32, #tpu.memory_space<vmem>> -> memref<1x128xi32, #tpu.memory_space<vmem>>
      %dma_start3A_186 = tpu.memref_squeeze %dma_start3A_185 : memref<1x128xi32, #tpu.memory_space<vmem>> -> memref<128xi32, #tpu.memory_space<vmem>>
      %dma_start3A_187 = arith.constant 0 : i32
      %dma_start3A_188 = arith.constant 0 : i32
      %dma_start3A_189 = tpu.memref_slice %arg2[%dma_start3A_187, %dma_start3A_188] : memref<10000x128xf32, #tpu.memory_space<hbm>> -> memref<10000x128xf32, #tpu.memory_space<hbm>>
      tpu.enqueue_indirect_dma source(%dma_start3A_189 : memref<10000x128xf32, #tpu.memory_space<hbm>>) target(%arg9 : memref<128x128xf32, #tpu.memory_space<vmem>>) offsets(%dma_start3A_186 : memref<128xi32, #tpu.memory_space<vmem>>) semaphore(%arg15 : memref<!tpu.dma_semaphore, #tpu.memory_space<semaphore_mem>>)
      %dma_wait3A_190 = arith.constant 0 : i32
      %dma_wait3A_191 = arith.constant 0 : i32
      %dma_wait3A_192 = tpu.memref_slice %arg7[%dma_wait3A_190, %dma_wait3A_191] : memref<3x128xi32, #tpu.memory_space<vmem>> -> memref<1x128xi32, #tpu.memory_space<vmem>>
      %dma_wait3A_193 = tpu.memref_squeeze %dma_wait3A_192 : memref<1x128xi32, #tpu.memory_space<vmem>> -> memref<128xi32, #tpu.memory_space<vmem>>
      %dma_wait3A_194 = arith.constant 0 : i32
      %dma_wait3A_195 = arith.constant 0 : i32
      %dma_wait3A_196 = tpu.memref_slice %arg2[%dma_wait3A_194, %dma_wait3A_195] : memref<10000x128xf32, #tpu.memory_space<hbm>> -> memref<10000x128xf32, #tpu.memory_space<hbm>>
      tpu.wait_indirect_dma semaphore(%arg16 : memref<!tpu.dma_semaphore, #tpu.memory_space<semaphore_mem>>) src(%dma_wait3A_196 : memref<10000x128xf32, #tpu.memory_space<hbm>>) dst(%arg10 : memref<128x128xf32, #tpu.memory_space<vmem>>)
      %get3A_197 = arith.constant 1 : i32
      %get3A_198 = arith.index_cast %get3A_197 : i32 to index
      %get3A_199 = arith.constant 0 : index
      %get3A_200 = tpu.vector_load %arg7[%get3A_198, %get3A_199] {strides = array<i32>} : memref<3x128xi32, #tpu.memory_space<vmem>>, vector<16xi32>,
      %swap3A_201 = arith.constant 0 : i32
      %swap3A_202 = arith.index_cast %swap3A_201 : i32 to index
      %swap3A_203 = arith.constant 0 : index
      %swap3A_204 = tpu.vector_load %arg8[%swap3A_202, %swap3A_203] {strides = array<i32>} : memref<2x64xi32, #tpu.memory_space<vmem>>, vector<16xi32>,
      tpu.vector_store %arg8[%swap3A_202, %swap3A_203], %get3A_200 {strides = array<i32>} : memref<2x64xi32, #tpu.memory_space<vmem>>, vector<16xi32>,
      %get3A_205 = arith.constant 1 : i32
      %get3A_206 = arith.index_cast %get3A_205 : i32 to index
      %get3A_207 = arith.constant 16 : index
      %get3A_208 = tpu.vector_load %arg7[%get3A_206, %get3A_207] {strides = array<i32>} : memref<3x128xi32, #tpu.memory_space<vmem>>, vector<16xi32>,
      %swap3A_209 = arith.constant 0 : i32
      %swap3A_210 = arith.index_cast %swap3A_209 : i32 to index
      %swap3A_211 = arith.constant 16 : index
      %swap3A_212 = tpu.vector_load %arg8[%swap3A_210, %swap3A_211] {strides = array<i32>} : memref<2x64xi32, #tpu.memory_space<vmem>>, vector<16xi32>,
      tpu.vector_store %arg8[%swap3A_210, %swap3A_211], %get3A_208 {strides = array<i32>} : memref<2x64xi32, #tpu.memory_space<vmem>>, vector<16xi32>,
      %get3A_213 = arith.constant 1 : i32
      %get3A_214 = arith.index_cast %get3A_213 : i32 to index
      %get3A_215 = arith.constant 32 : index
      %get3A_216 = tpu.vector_load %arg7[%get3A_214, %get3A_215] {strides = array<i32>} : memref<3x128xi32, #tpu.memory_space<vmem>>, vector<16xi32>,
      %swap3A_217 = arith.constant 0 : i32
      %swap3A_218 = arith.index_cast %swap3A_217 : i32 to index
      %swap3A_219 = arith.constant 32 : index
      %swap3A_220 = tpu.vector_load %arg8[%swap3A_218, %swap3A_219] {strides = array<i32>} : memref<2x64xi32, #tpu.memory_space<vmem>>, vector<16xi32>,
      tpu.vector_store %arg8[%swap3A_218, %swap3A_219], %get3A_216 {strides = array<i32>} : memref<2x64xi32, #tpu.memory_space<vmem>>, vector<16xi32>,
      %get3A_221 = arith.constant 1 : i32
      %get3A_222 = arith.index_cast %get3A_221 : i32 to index
      %get3A_223 = arith.constant 48 : index
      %get3A_224 = tpu.vector_load %arg7[%get3A_222, %get3A_223] {strides = array<i32>} : memref<3x128xi32, #tpu.memory_space<vmem>>, vector<16xi32>,
      %swap3A_225 = arith.constant 0 : i32
      %swap3A_226 = arith.index_cast %swap3A_225 : i32 to index
      %swap3A_227 = arith.constant 48 : index
      %swap3A_228 = tpu.vector_load %arg8[%swap3A_226, %swap3A_227] {strides = array<i32>} : memref<2x64xi32, #tpu.memory_space<vmem>>, vector<16xi32>,
      tpu.vector_store %arg8[%swap3A_226, %swap3A_227], %get3A_224 {strides = array<i32>} : memref<2x64xi32, #tpu.memory_space<vmem>>, vector<16xi32>,
      %scan3A_229 = arith.constant 0 : i32
      %scan3A_230 = arith.constant 32 : i32
      %scan3A_231 = arith.addi %scan3A_229, %scan3A_230 : i32
      %scan3A_232 = arith.constant 1 : i32
      scf.for %scan3A_283 = %scan3A_229 to %scan3A_231 step %scan3A_232  : i32 {
        %mul3A_284 = arith.constant 1 : i32
        %mul3A_285 = arith.muli %scan3A_283, %mul3A_284 : i32
        %add3A_286 = arith.constant 0 : i32
        %add3A_287 = arith.addi %add3A_286, %mul3A_285 : i32
        %mul3A_288 = arith.constant 2 : i32
        %mul3A_289 = arith.muli %add3A_287, %mul3A_288 : i32
        %add3A_290 = arith.constant 0 : i32
        %add3A_291 = arith.addi %mul3A_289, %add3A_290 : i32
        %add3A_292 = arith.constant 0 : i32
        %add3A_293 = arith.addi %add3A_291, %add3A_292 : i32
        %broadcast_in_dim3A_294 = vector.broadcast %add3A_293 : i32 to vector<16xi32>
        %gather3A = tpu.vector_load_idx %arg7[%broadcast_in_dim3A_3, %broadcast_in_dim3A_294] : memref<3x128xi32, #tpu.memory_space<vmem>>[vector<16xi32>, vector<16xi32>], vector<16xi32>,
        %bitcast3A = vector.bitcast %gather3A : vector<16xi32> to vector<16xf32>
        %get3A_295 = arith.index_cast %add3A_293 : i32 to index
        %get3A_296 = arith.constant 0 : index
        %get3A_297 = tpu.vector_load %arg10[%get3A_295, %get3A_296] {strides = array<i32>} : memref<128x128xf32, #tpu.memory_space<vmem>>, vector<16xf32>,
        %mul3A_298 = arith.mulf %get3A_297, %bitcast3A : vector<16xf32>
        %swap3A_299 = arith.index_cast %add3A_291 : i32 to index
        %swap3A_300 = arith.constant 0 : index
        %swap3A_301 = tpu.vector_load %arg11[%swap3A_299, %swap3A_300] {strides = array<i32>} : memref<64x128xf32, #tpu.memory_space<vmem>>, vector<16xf32>,
        tpu.vector_store %arg11[%swap3A_299, %swap3A_300], %mul3A_298 {strides = array<i32>} : memref<64x128xf32, #tpu.memory_space<vmem>>, vector<16xf32>,
        %get3A_302 = arith.index_cast %add3A_293 : i32 to index
        %get3A_303 = arith.constant 16 : index
        %get3A_304 = tpu.vector_load %arg10[%get3A_302, %get3A_303] {strides = array<i32>} : memref<128x128xf32, #tpu.memory_space<vmem>>, vector<16xf32>,
        %mul3A_305 = arith.mulf %get3A_304, %bitcast3A : vector<16xf32>
        %swap3A_306 = arith.index_cast %add3A_291 : i32 to index
        %swap3A_307 = arith.constant 16 : index
        %swap3A_308 = tpu.vector_load %arg11[%swap3A_306, %swap3A_307] {strides = array<i32>} : memref<64x128xf32, #tpu.memory_space<vmem>>, vector<16xf32>,
        tpu.vector_store %arg11[%swap3A_306, %swap3A_307], %mul3A_305 {strides = array<i32>} : memref<64x128xf32, #tpu.memory_space<vmem>>, vector<16xf32>,
        %get3A_309 = arith.index_cast %add3A_293 : i32 to index
        %get3A_310 = arith.constant 32 : index
        %get3A_311 = tpu.vector_load %arg10[%get3A_309, %get3A_310] {strides = array<i32>} : memref<128x128xf32, #tpu.memory_space<vmem>>, vector<16xf32>,
        %mul3A_312 = arith.mulf %get3A_311, %bitcast3A : vector<16xf32>
        %swap3A_313 = arith.index_cast %add3A_291 : i32 to index
        %swap3A_314 = arith.constant 32 : index
        %swap3A_315 = tpu.vector_load %arg11[%swap3A_313, %swap3A_314] {strides = array<i32>} : memref<64x128xf32, #tpu.memory_space<vmem>>, vector<16xf32>,
        tpu.vector_store %arg11[%swap3A_313, %swap3A_314], %mul3A_312 {strides = array<i32>} : memref<64x128xf32, #tpu.memory_space<vmem>>, vector<16xf32>,
        %get3A_316 = arith.index_cast %add3A_293 : i32 to index
        %get3A_317 = arith.constant 48 : index
        %get3A_318 = tpu.vector_load %arg10[%get3A_316, %get3A_317] {strides = array<i32>} : memref<128x128xf32, #tpu.memory_space<vmem>>, vector<16xf32>,
        %mul3A_319 = arith.mulf %get3A_318, %bitcast3A : vector<16xf32>
        %swap3A_320 = arith.index_cast %add3A_291 : i32 to index
        %swap3A_321 = arith.constant 48 : index
        %swap3A_322 = tpu.vector_load %arg11[%swap3A_320, %swap3A_321] {strides = array<i32>} : memref<64x128xf32, #tpu.memory_space<vmem>>, vector<16xf32>,
        tpu.vector_store %arg11[%swap3A_320, %swap3A_321], %mul3A_319 {strides = array<i32>} : memref<64x128xf32, #tpu.memory_space<vmem>>, vector<16xf32>,
        %get3A_323 = arith.index_cast %add3A_293 : i32 to index
        %get3A_324 = arith.constant 64 : index
        %get3A_325 = tpu.vector_load %arg10[%get3A_323, %get3A_324] {strides = array<i32>} : memref<128x128xf32, #tpu.memory_space<vmem>>, vector<16xf32>,
        %mul3A_326 = arith.mulf %get3A_325, %bitcast3A : vector<16xf32>
        %swap3A_327 = arith.index_cast %add3A_291 : i32 to index
        %swap3A_328 = arith.constant 64 : index
        %swap3A_329 = tpu.vector_load %arg11[%swap3A_327, %swap3A_328] {strides = array<i32>} : memref<64x128xf32, #tpu.memory_space<vmem>>, vector<16xf32>,
        tpu.vector_store %arg11[%swap3A_327, %swap3A_328], %mul3A_326 {strides = array<i32>} : memref<64x128xf32, #tpu.memory_space<vmem>>, vector<16xf32>,
        %get3A_330 = arith.index_cast %add3A_293 : i32 to index
        %get3A_331 = arith.constant 80 : index
        %get3A_332 = tpu.vector_load %arg10[%get3A_330, %get3A_331] {strides = array<i32>} : memref<128x128xf32, #tpu.memory_space<vmem>>, vector<16xf32>,
        %mul3A_333 = arith.mulf %get3A_332, %bitcast3A : vector<16xf32>
        %swap3A_334 = arith.index_cast %add3A_291 : i32 to index
        %swap3A_335 = arith.constant 80 : index
        %swap3A_336 = tpu.vector_load %arg11[%swap3A_334, %swap3A_335] {strides = array<i32>} : memref<64x128xf32, #tpu.memory_space<vmem>>, vector<16xf32>,
        tpu.vector_store %arg11[%swap3A_334, %swap3A_335], %mul3A_333 {strides = array<i32>} : memref<64x128xf32, #tpu.memory_space<vmem>>, vector<16xf32>,
        %get3A_337 = arith.index_cast %add3A_293 : i32 to index
        %get3A_338 = arith.constant 96 : index
        %get3A_339 = tpu.vector_load %arg10[%get3A_337, %get3A_338] {strides = array<i32>} : memref<128x128xf32, #tpu.memory_space<vmem>>, vector<16xf32>,
        %mul3A_340 = arith.mulf %get3A_339, %bitcast3A : vector<16xf32>
        %swap3A_341 = arith.index_cast %add3A_291 : i32 to index
        %swap3A_342 = arith.constant 96 : index
        %swap3A_343 = tpu.vector_load %arg11[%swap3A_341, %swap3A_342] {strides = array<i32>} : memref<64x128xf32, #tpu.memory_space<vmem>>, vector<16xf32>,
        tpu.vector_store %arg11[%swap3A_341, %swap3A_342], %mul3A_340 {strides = array<i32>} : memref<64x128xf32, #tpu.memory_space<vmem>>, vector<16xf32>,
        %get3A_344 = arith.index_cast %add3A_293 : i32 to index
        %get3A_345 = arith.constant 112 : index
        %get3A_346 = tpu.vector_load %arg10[%get3A_344, %get3A_345] {strides = array<i32>} : memref<128x128xf32, #tpu.memory_space<vmem>>, vector<16xf32>,
        %mul3A_347 = arith.mulf %get3A_346, %bitcast3A : vector<16xf32>
        %swap3A_348 = arith.index_cast %add3A_291 : i32 to index
        %swap3A_349 = arith.constant 112 : index
        %swap3A_350 = tpu.vector_load %arg11[%swap3A_348, %swap3A_349] {strides = array<i32>} : memref<64x128xf32, #tpu.memory_space<vmem>>, vector<16xf32>,
        tpu.vector_store %arg11[%swap3A_348, %swap3A_349], %mul3A_347 {strides = array<i32>} : memref<64x128xf32, #tpu.memory_space<vmem>>, vector<16xf32>,
        %mul3A_351 = arith.constant 2 : i32
        %mul3A_352 = arith.muli %add3A_287, %mul3A_351 : i32
        %add3A_353 = arith.constant 1 : i32
        %add3A_354 = arith.addi %mul3A_352, %add3A_353 : i32
        %add3A_355 = arith.constant 0 : i32
        %add3A_356 = arith.addi %add3A_354, %add3A_355 : i32
        %broadcast_in_dim3A_357 = vector.broadcast %add3A_356 : i32 to vector<16xi32>
        %gather3A_358 = tpu.vector_load_idx %arg7[%broadcast_in_dim3A_3, %broadcast_in_dim3A_357] : memref<3x128xi32, #tpu.memory_space<vmem>>[vector<16xi32>, vector<16xi32>], vector<16xi32>,
        %bitcast3A_359 = vector.bitcast %gather3A_358 : vector<16xi32> to vector<16xf32>
        %get3A_360 = arith.index_cast %add3A_356 : i32 to index
        %get3A_361 = arith.constant 0 : index
        %get3A_362 = tpu.vector_load %arg10[%get3A_360, %get3A_361] {strides = array<i32>} : memref<128x128xf32, #tpu.memory_space<vmem>>, vector<16xf32>,
        %mul3A_363 = arith.mulf %get3A_362, %bitcast3A_359 : vector<16xf32>
        %swap3A_364 = arith.index_cast %add3A_354 : i32 to index
        %swap3A_365 = arith.constant 0 : index
        %swap3A_366 = tpu.vector_load %arg11[%swap3A_364, %swap3A_365] {strides = array<i32>} : memref<64x128xf32, #tpu.memory_space<vmem>>, vector<16xf32>,
        tpu.vector_store %arg11[%swap3A_364, %swap3A_365], %mul3A_363 {strides = array<i32>} : memref<64x128xf32, #tpu.memory_space<vmem>>, vector<16xf32>,
        %get3A_367 = arith.index_cast %add3A_356 : i32 to index
        %get3A_368 = arith.constant 16 : index
        %get3A_369 = tpu.vector_load %arg10[%get3A_367, %get3A_368] {strides = array<i32>} : memref<128x128xf32, #tpu.memory_space<vmem>>, vector<16xf32>,
        %mul3A_370 = arith.mulf %get3A_369, %bitcast3A_359 : vector<16xf32>
        %swap3A_371 = arith.index_cast %add3A_354 : i32 to index
        %swap3A_372 = arith.constant 16 : index
        %swap3A_373 = tpu.vector_load %arg11[%swap3A_371, %swap3A_372] {strides = array<i32>} : memref<64x128xf32, #tpu.memory_space<vmem>>, vector<16xf32>,
        tpu.vector_store %arg11[%swap3A_371, %swap3A_372], %mul3A_370 {strides = array<i32>} : memref<64x128xf32, #tpu.memory_space<vmem>>, vector<16xf32>,
        %get3A_374 = arith.index_cast %add3A_356 : i32 to index
        %get3A_375 = arith.constant 32 : index
        %get3A_376 = tpu.vector_load %arg10[%get3A_374, %get3A_375] {strides = array<i32>} : memref<128x128xf32, #tpu.memory_space<vmem>>, vector<16xf32>,
        %mul3A_377 = arith.mulf %get3A_376, %bitcast3A_359 : vector<16xf32>
        %swap3A_378 = arith.index_cast %add3A_354 : i32 to index
        %swap3A_379 = arith.constant 32 : index
        %swap3A_380 = tpu.vector_load %arg11[%swap3A_378, %swap3A_379] {strides = array<i32>} : memref<64x128xf32, #tpu.memory_space<vmem>>, vector<16xf32>,
        tpu.vector_store %arg11[%swap3A_378, %swap3A_379], %mul3A_377 {strides = array<i32>} : memref<64x128xf32, #tpu.memory_space<vmem>>, vector<16xf32>,
        %get3A_381 = arith.index_cast %add3A_356 : i32 to index
        %get3A_382 = arith.constant 48 : index
        %get3A_383 = tpu.vector_load %arg10[%get3A_381, %get3A_382] {strides = array<i32>} : memref<128x128xf32, #tpu.memory_space<vmem>>, vector<16xf32>,
        %mul3A_384 = arith.mulf %get3A_383, %bitcast3A_359 : vector<16xf32>
        %swap3A_385 = arith.index_cast %add3A_354 : i32 to index
        %swap3A_386 = arith.constant 48 : index
        %swap3A_387 = tpu.vector_load %arg11[%swap3A_385, %swap3A_386] {strides = array<i32>} : memref<64x128xf32, #tpu.memory_space<vmem>>, vector<16xf32>,
        tpu.vector_store %arg11[%swap3A_385, %swap3A_386], %mul3A_384 {strides = array<i32>} : memref<64x128xf32, #tpu.memory_space<vmem>>, vector<16xf32>,
        %get3A_388 = arith.index_cast %add3A_356 : i32 to index
        %get3A_389 = arith.constant 64 : index
        %get3A_390 = tpu.vector_load %arg10[%get3A_388, %get3A_389] {strides = array<i32>} : memref<128x128xf32, #tpu.memory_space<vmem>>, vector<16xf32>,
        %mul3A_391 = arith.mulf %get3A_390, %bitcast3A_359 : vector<16xf32>
        %swap3A_392 = arith.index_cast %add3A_354 : i32 to index
        %swap3A_393 = arith.constant 64 : index
        %swap3A_394 = tpu.vector_load %arg11[%swap3A_392, %swap3A_393] {strides = array<i32>} : memref<64x128xf32, #tpu.memory_space<vmem>>, vector<16xf32>,
        tpu.vector_store %arg11[%swap3A_392, %swap3A_393], %mul3A_391 {strides = array<i32>} : memref<64x128xf32, #tpu.memory_space<vmem>>, vector<16xf32>,
        %get3A_395 = arith.index_cast %add3A_356 : i32 to index
        %get3A_396 = arith.constant 80 : index
        %get3A_397 = tpu.vector_load %arg10[%get3A_395, %get3A_396] {strides = array<i32>} : memref<128x128xf32, #tpu.memory_space<vmem>>, vector<16xf32>,
        %mul3A_398 = arith.mulf %get3A_397, %bitcast3A_359 : vector<16xf32>
        %swap3A_399 = arith.index_cast %add3A_354 : i32 to index
        %swap3A_400 = arith.constant 80 : index
        %swap3A_401 = tpu.vector_load %arg11[%swap3A_399, %swap3A_400] {strides = array<i32>} : memref<64x128xf32, #tpu.memory_space<vmem>>, vector<16xf32>,
        tpu.vector_store %arg11[%swap3A_399, %swap3A_400], %mul3A_398 {strides = array<i32>} : memref<64x128xf32, #tpu.memory_space<vmem>>, vector<16xf32>,
        %get3A_402 = arith.index_cast %add3A_356 : i32 to index
        %get3A_403 = arith.constant 96 : index
        %get3A_404 = tpu.vector_load %arg10[%get3A_402, %get3A_403] {strides = array<i32>} : memref<128x128xf32, #tpu.memory_space<vmem>>, vector<16xf32>,
        %mul3A_405 = arith.mulf %get3A_404, %bitcast3A_359 : vector<16xf32>
        %swap3A_406 = arith.index_cast %add3A_354 : i32 to index
        %swap3A_407 = arith.constant 96 : index
        %swap3A_408 = tpu.vector_load %arg11[%swap3A_406, %swap3A_407] {strides = array<i32>} : memref<64x128xf32, #tpu.memory_space<vmem>>, vector<16xf32>,
        tpu.vector_store %arg11[%swap3A_406, %swap3A_407], %mul3A_405 {strides = array<i32>} : memref<64x128xf32, #tpu.memory_space<vmem>>, vector<16xf32>,
        %get3A_409 = arith.index_cast %add3A_356 : i32 to index
        %get3A_410 = arith.constant 112 : index
        %get3A_411 = tpu.vector_load %arg10[%get3A_409, %get3A_410] {strides = array<i32>} : memref<128x128xf32, #tpu.memory_space<vmem>>, vector<16xf32>,
        %mul3A_412 = arith.mulf %get3A_411, %bitcast3A_359 : vector<16xf32>
        %swap3A_413 = arith.index_cast %add3A_354 : i32 to index
        %swap3A_414 = arith.constant 112 : index
        %swap3A_415 = tpu.vector_load %arg11[%swap3A_413, %swap3A_414] {strides = array<i32>} : memref<64x128xf32, #tpu.memory_space<vmem>>, vector<16xf32>,
        tpu.vector_store %arg11[%swap3A_413, %swap3A_414], %mul3A_412 {strides = array<i32>} : memref<64x128xf32, #tpu.memory_space<vmem>>, vector<16xf32>,
      }
      %scan3A_233 = arith.constant 32 : i32
      %run_scoped3A_234 = arith.constant 0 : i32
      "tpu.region"() ({
        %run_scoped3A_283 = tpu.sem_alloc : memref<!tpu.dma_semaphore, #tpu.memory_space<semaphore_mem>>
        %dma_start3A_284 = arith.constant 0 : i32
        %dma_start3A_285 = tpu.memref_slice %arg8[%run_scoped3A_234, %dma_start3A_284] : memref<2x64xi32, #tpu.memory_space<vmem>> -> memref<1x64xi32, #tpu.memory_space<vmem>>
        %dma_start3A_286 = tpu.memref_squeeze %dma_start3A_285 : memref<1x64xi32, #tpu.memory_space<vmem>> -> memref<64xi32, #tpu.memory_space<vmem>>
        %dma_start3A_287 = arith.constant 0 : i32
        %dma_start3A_288 = arith.constant 0 : i32
        %dma_start3A_289 = tpu.memref_slice %arg12[%dma_start3A_287, %dma_start3A_288] : memref<10240x128xf32, #tpu.memory_space<vmem_shared>> -> memref<10240x128xf32, #tpu.memory_space<vmem_shared>>
        tpu.enqueue_indirect_dma source(%arg11 : memref<64x128xf32, #tpu.memory_space<vmem>>) target(%dma_start3A_289 : memref<10240x128xf32, #tpu.memory_space<vmem_shared>>) offsets(%dma_start3A_286 : memref<64xi32, #tpu.memory_space<vmem>>) semaphore(%run_scoped3A_283 : memref<!tpu.dma_semaphore, #tpu.memory_space<semaphore_mem>>) {add = true}
        %dma_wait3A_290 = arith.constant 0 : i32
        %dma_wait3A_291 = tpu.memref_slice %arg8[%run_scoped3A_234, %dma_wait3A_290] : memref<2x64xi32, #tpu.memory_space<vmem>> -> memref<1x64xi32, #tpu.memory_space<vmem>>
        %dma_wait3A_292 = tpu.memref_squeeze %dma_wait3A_291 : memref<1x64xi32, #tpu.memory_space<vmem>> -> memref<64xi32, #tpu.memory_space<vmem>>
        %dma_wait3A_293 = arith.constant 0 : i32
        %dma_wait3A_294 = arith.constant 0 : i32
        %dma_wait3A_295 = tpu.memref_slice %arg12[%dma_wait3A_293, %dma_wait3A_294] : memref<10240x128xf32, #tpu.memory_space<vmem_shared>> -> memref<10240x128xf32, #tpu.memory_space<vmem_shared>>
        tpu.wait_indirect_dma semaphore(%run_scoped3A_283 : memref<!tpu.dma_semaphore, #tpu.memory_space<semaphore_mem>>) src(%arg11 : memref<64x128xf32, #tpu.memory_space<vmem>>) dst(%dma_wait3A_295 : memref<10240x128xf32, #tpu.memory_space<vmem_shared>>)
        tpu.yield
      }) : () -> ()
      %get3A_235 = arith.constant 1 : i32
      %get3A_236 = arith.index_cast %get3A_235 : i32 to index
      %get3A_237 = arith.constant 64 : index
      %get3A_238 = tpu.vector_load %arg7[%get3A_236, %get3A_237] {strides = array<i32>} : memref<3x128xi32, #tpu.memory_space<vmem>>, vector<16xi32>,
      %swap3A_239 = arith.constant 1 : i32
      %swap3A_240 = arith.index_cast %swap3A_239 : i32 to index
      %swap3A_241 = arith.constant 0 : index
      %swap3A_242 = tpu.vector_load %arg8[%swap3A_240, %swap3A_241] {strides = array<i32>} : memref<2x64xi32, #tpu.memory_space<vmem>>, vector<16xi32>,
      tpu.vector_store %arg8[%swap3A_240, %swap3A_241], %get3A_238 {strides = array<i32>} : memref<2x64xi32, #tpu.memory_space<vmem>>, vector<16xi32>,
      %get3A_243 = arith.constant 1 : i32
      %get3A_244 = arith.index_cast %get3A_243 : i32 to index
      %get3A_245 = arith.constant 80 : index
      %get3A_246 = tpu.vector_load %arg7[%get3A_244, %get3A_245] {strides = array<i32>} : memref<3x128xi32, #tpu.memory_space<vmem>>, vector<16xi32>,
      %swap3A_247 = arith.constant 1 : i32
      %swap3A_248 = arith.index_cast %swap3A_247 : i32 to index
      %swap3A_249 = arith.constant 16 : index
      %swap3A_250 = tpu.vector_load %arg8[%swap3A_248, %swap3A_249] {strides = array<i32>} : memref<2x64xi32, #tpu.memory_space<vmem>>, vector<16xi32>,
      tpu.vector_store %arg8[%swap3A_248, %swap3A_249], %get3A_246 {strides = array<i32>} : memref<2x64xi32, #tpu.memory_space<vmem>>, vector<16xi32>,
      %get3A_251 = arith.constant 1 : i32
      %get3A_252 = arith.index_cast %get3A_251 : i32 to index
      %get3A_253 = arith.constant 96 : index
      %get3A_254 = tpu.vector_load %arg7[%get3A_252, %get3A_253] {strides = array<i32>} : memref<3x128xi32, #tpu.memory_space<vmem>>, vector<16xi32>,
      %swap3A_255 = arith.constant 1 : i32
      %swap3A_256 = arith.index_cast %swap3A_255 : i32 to index
      %swap3A_257 = arith.constant 32 : index
      %swap3A_258 = tpu.vector_load %arg8[%swap3A_256, %swap3A_257] {strides = array<i32>} : memref<2x64xi32, #tpu.memory_space<vmem>>, vector<16xi32>,
      tpu.vector_store %arg8[%swap3A_256, %swap3A_257], %get3A_254 {strides = array<i32>} : memref<2x64xi32, #tpu.memory_space<vmem>>, vector<16xi32>,
      %get3A_259 = arith.constant 1 : i32
      %get3A_260 = arith.index_cast %get3A_259 : i32 to index
      %get3A_261 = arith.constant 112 : index
      %get3A_262 = tpu.vector_load %arg7[%get3A_260, %get3A_261] {strides = array<i32>} : memref<3x128xi32, #tpu.memory_space<vmem>>, vector<16xi32>,
      %swap3A_263 = arith.constant 1 : i32
      %swap3A_264 = arith.index_cast %swap3A_263 : i32 to index
      %swap3A_265 = arith.constant 48 : index
      %swap3A_266 = tpu.vector_load %arg8[%swap3A_264, %swap3A_265] {strides = array<i32>} : memref<2x64xi32, #tpu.memory_space<vmem>>, vector<16xi32>,
      tpu.vector_store %arg8[%swap3A_264, %swap3A_265], %get3A_262 {strides = array<i32>} : memref<2x64xi32, #tpu.memory_space<vmem>>, vector<16xi32>,
      %scan3A_267 = arith.constant 0 : i32
      %scan3A_268 = arith.constant 32 : i32
      %scan3A_269 = arith.addi %scan3A_267, %scan3A_268 : i32
      %scan3A_270 = arith.constant 1 : i32
      scf.for %scan3A_283 = %scan3A_267 to %scan3A_269 step %scan3A_270  : i32 {
        %mul3A_284 = arith.constant 1 : i32
        %mul3A_285 = arith.muli %scan3A_283, %mul3A_284 : i32
        %add3A_286 = arith.constant 0 : i32
        %add3A_287 = arith.addi %add3A_286, %mul3A_285 : i32
        %mul3A_288 = arith.constant 2 : i32
        %mul3A_289 = arith.muli %add3A_287, %mul3A_288 : i32
        %add3A_290 = arith.constant 0 : i32
        %add3A_291 = arith.addi %mul3A_289, %add3A_290 : i32
        %add3A_292 = arith.constant 64 : i32
        %add3A_293 = arith.addi %add3A_291, %add3A_292 : i32
        %broadcast_in_dim3A_294 = vector.broadcast %add3A_293 : i32 to vector<16xi32>
        %gather3A = tpu.vector_load_idx %arg7[%broadcast_in_dim3A_3, %broadcast_in_dim3A_294] : memref<3x128xi32, #tpu.memory_space<vmem>>[vector<16xi32>, vector<16xi32>], vector<16xi32>,
        %bitcast3A = vector.bitcast %gather3A : vector<16xi32> to vector<16xf32>
        %get3A_295 = arith.index_cast %add3A_293 : i32 to index
        %get3A_296 = arith.constant 0 : index
        %get3A_297 = tpu.vector_load %arg10[%get3A_295, %get3A_296] {strides = array<i32>} : memref<128x128xf32, #tpu.memory_space<vmem>>, vector<16xf32>,
        %mul3A_298 = arith.mulf %get3A_297, %bitcast3A : vector<16xf32>
        %swap3A_299 = arith.index_cast %add3A_291 : i32 to index
        %swap3A_300 = arith.constant 0 : index
        %swap3A_301 = tpu.vector_load %arg11[%swap3A_299, %swap3A_300] {strides = array<i32>} : memref<64x128xf32, #tpu.memory_space<vmem>>, vector<16xf32>,
        tpu.vector_store %arg11[%swap3A_299, %swap3A_300], %mul3A_298 {strides = array<i32>} : memref<64x128xf32, #tpu.memory_space<vmem>>, vector<16xf32>,
        %get3A_302 = arith.index_cast %add3A_293 : i32 to index
        %get3A_303 = arith.constant 16 : index
        %get3A_304 = tpu.vector_load %arg10[%get3A_302, %get3A_303] {strides = array<i32>} : memref<128x128xf32, #tpu.memory_space<vmem>>, vector<16xf32>,
        %mul3A_305 = arith.mulf %get3A_304, %bitcast3A : vector<16xf32>
        %swap3A_306 = arith.index_cast %add3A_291 : i32 to index
        %swap3A_307 = arith.constant 16 : index
        %swap3A_308 = tpu.vector_load %arg11[%swap3A_306, %swap3A_307] {strides = array<i32>} : memref<64x128xf32, #tpu.memory_space<vmem>>, vector<16xf32>,
        tpu.vector_store %arg11[%swap3A_306, %swap3A_307], %mul3A_305 {strides = array<i32>} : memref<64x128xf32, #tpu.memory_space<vmem>>, vector<16xf32>,
        %get3A_309 = arith.index_cast %add3A_293 : i32 to index
        %get3A_310 = arith.constant 32 : index
        %get3A_311 = tpu.vector_load %arg10[%get3A_309, %get3A_310] {strides = array<i32>} : memref<128x128xf32, #tpu.memory_space<vmem>>, vector<16xf32>,
        %mul3A_312 = arith.mulf %get3A_311, %bitcast3A : vector<16xf32>
        %swap3A_313 = arith.index_cast %add3A_291 : i32 to index
        %swap3A_314 = arith.constant 32 : index
        %swap3A_315 = tpu.vector_load %arg11[%swap3A_313, %swap3A_314] {strides = array<i32>} : memref<64x128xf32, #tpu.memory_space<vmem>>, vector<16xf32>,
        tpu.vector_store %arg11[%swap3A_313, %swap3A_314], %mul3A_312 {strides = array<i32>} : memref<64x128xf32, #tpu.memory_space<vmem>>, vector<16xf32>,
        %get3A_316 = arith.index_cast %add3A_293 : i32 to index
        %get3A_317 = arith.constant 48 : index
        %get3A_318 = tpu.vector_load %arg10[%get3A_316, %get3A_317] {strides = array<i32>} : memref<128x128xf32, #tpu.memory_space<vmem>>, vector<16xf32>,
        %mul3A_319 = arith.mulf %get3A_318, %bitcast3A : vector<16xf32>
        %swap3A_320 = arith.index_cast %add3A_291 : i32 to index
        %swap3A_321 = arith.constant 48 : index
        %swap3A_322 = tpu.vector_load %arg11[%swap3A_320, %swap3A_321] {strides = array<i32>} : memref<64x128xf32, #tpu.memory_space<vmem>>, vector<16xf32>,
        tpu.vector_store %arg11[%swap3A_320, %swap3A_321], %mul3A_319 {strides = array<i32>} : memref<64x128xf32, #tpu.memory_space<vmem>>, vector<16xf32>,
        %get3A_323 = arith.index_cast %add3A_293 : i32 to index
        %get3A_324 = arith.constant 64 : index
        %get3A_325 = tpu.vector_load %arg10[%get3A_323, %get3A_324] {strides = array<i32>} : memref<128x128xf32, #tpu.memory_space<vmem>>, vector<16xf32>,
        %mul3A_326 = arith.mulf %get3A_325, %bitcast3A : vector<16xf32>
        %swap3A_327 = arith.index_cast %add3A_291 : i32 to index
        %swap3A_328 = arith.constant 64 : index
        %swap3A_329 = tpu.vector_load %arg11[%swap3A_327, %swap3A_328] {strides = array<i32>} : memref<64x128xf32, #tpu.memory_space<vmem>>, vector<16xf32>,
        tpu.vector_store %arg11[%swap3A_327, %swap3A_328], %mul3A_326 {strides = array<i32>} : memref<64x128xf32, #tpu.memory_space<vmem>>, vector<16xf32>,
        %get3A_330 = arith.index_cast %add3A_293 : i32 to index
        %get3A_331 = arith.constant 80 : index
        %get3A_332 = tpu.vector_load %arg10[%get3A_330, %get3A_331] {strides = array<i32>} : memref<128x128xf32, #tpu.memory_space<vmem>>, vector<16xf32>,
        %mul3A_333 = arith.mulf %get3A_332, %bitcast3A : vector<16xf32>
        %swap3A_334 = arith.index_cast %add3A_291 : i32 to index
        %swap3A_335 = arith.constant 80 : index
        %swap3A_336 = tpu.vector_load %arg11[%swap3A_334, %swap3A_335] {strides = array<i32>} : memref<64x128xf32, #tpu.memory_space<vmem>>, vector<16xf32>,
        tpu.vector_store %arg11[%swap3A_334, %swap3A_335], %mul3A_333 {strides = array<i32>} : memref<64x128xf32, #tpu.memory_space<vmem>>, vector<16xf32>,
        %get3A_337 = arith.index_cast %add3A_293 : i32 to index
        %get3A_338 = arith.constant 96 : index
        %get3A_339 = tpu.vector_load %arg10[%get3A_337, %get3A_338] {strides = array<i32>} : memref<128x128xf32, #tpu.memory_space<vmem>>, vector<16xf32>,
        %mul3A_340 = arith.mulf %get3A_339, %bitcast3A : vector<16xf32>
        %swap3A_341 = arith.index_cast %add3A_291 : i32 to index
        %swap3A_342 = arith.constant 96 : index
        %swap3A_343 = tpu.vector_load %arg11[%swap3A_341, %swap3A_342] {strides = array<i32>} : memref<64x128xf32, #tpu.memory_space<vmem>>, vector<16xf32>,
        tpu.vector_store %arg11[%swap3A_341, %swap3A_342], %mul3A_340 {strides = array<i32>} : memref<64x128xf32, #tpu.memory_space<vmem>>, vector<16xf32>,
        %get3A_344 = arith.index_cast %add3A_293 : i32 to index
        %get3A_345 = arith.constant 112 : index
        %get3A_346 = tpu.vector_load %arg10[%get3A_344, %get3A_345] {strides = array<i32>} : memref<128x128xf32, #tpu.memory_space<vmem>>, vector<16xf32>,
        %mul3A_347 = arith.mulf %get3A_346, %bitcast3A : vector<16xf32>
        %swap3A_348 = arith.index_cast %add3A_291 : i32 to index
        %swap3A_349 = arith.constant 112 : index
        %swap3A_350 = tpu.vector_load %arg11[%swap3A_348, %swap3A_349] {strides = array<i32>} : memref<64x128xf32, #tpu.memory_space<vmem>>, vector<16xf32>,
        tpu.vector_store %arg11[%swap3A_348, %swap3A_349], %mul3A_347 {strides = array<i32>} : memref<64x128xf32, #tpu.memory_space<vmem>>, vector<16xf32>,
        %mul3A_351 = arith.constant 2 : i32
        %mul3A_352 = arith.muli %add3A_287, %mul3A_351 : i32
        %add3A_353 = arith.constant 1 : i32
        %add3A_354 = arith.addi %mul3A_352, %add3A_353 : i32
        %add3A_355 = arith.constant 64 : i32
        %add3A_356 = arith.addi %add3A_354, %add3A_355 : i32
        %broadcast_in_dim3A_357 = vector.broadcast %add3A_356 : i32 to vector<16xi32>
        %gather3A_358 = tpu.vector_load_idx %arg7[%broadcast_in_dim3A_3, %broadcast_in_dim3A_357] : memref<3x128xi32, #tpu.memory_space<vmem>>[vector<16xi32>, vector<16xi32>], vector<16xi32>,
        %bitcast3A_359 = vector.bitcast %gather3A_358 : vector<16xi32> to vector<16xf32>
        %get3A_360 = arith.index_cast %add3A_356 : i32 to index
        %get3A_361 = arith.constant 0 : index
        %get3A_362 = tpu.vector_load %arg10[%get3A_360, %get3A_361] {strides = array<i32>} : memref<128x128xf32, #tpu.memory_space<vmem>>, vector<16xf32>,
        %mul3A_363 = arith.mulf %get3A_362, %bitcast3A_359 : vector<16xf32>
        %swap3A_364 = arith.index_cast %add3A_354 : i32 to index
        %swap3A_365 = arith.constant 0 : index
        %swap3A_366 = tpu.vector_load %arg11[%swap3A_364, %swap3A_365] {strides = array<i32>} : memref<64x128xf32, #tpu.memory_space<vmem>>, vector<16xf32>,
        tpu.vector_store %arg11[%swap3A_364, %swap3A_365], %mul3A_363 {strides = array<i32>} : memref<64x128xf32, #tpu.memory_space<vmem>>, vector<16xf32>,
        %get3A_367 = arith.index_cast %add3A_356 : i32 to index
        %get3A_368 = arith.constant 16 : index
        %get3A_369 = tpu.vector_load %arg10[%get3A_367, %get3A_368] {strides = array<i32>} : memref<128x128xf32, #tpu.memory_space<vmem>>, vector<16xf32>,
        %mul3A_370 = arith.mulf %get3A_369, %bitcast3A_359 : vector<16xf32>
        %swap3A_371 = arith.index_cast %add3A_354 : i32 to index
        %swap3A_372 = arith.constant 16 : index
        %swap3A_373 = tpu.vector_load %arg11[%swap3A_371, %swap3A_372] {strides = array<i32>} : memref<64x128xf32, #tpu.memory_space<vmem>>, vector<16xf32>,
        tpu.vector_store %arg11[%swap3A_371, %swap3A_372], %mul3A_370 {strides = array<i32>} : memref<64x128xf32, #tpu.memory_space<vmem>>, vector<16xf32>,
        %get3A_374 = arith.index_cast %add3A_356 : i32 to index
        %get3A_375 = arith.constant 32 : index
        %get3A_376 = tpu.vector_load %arg10[%get3A_374, %get3A_375] {strides = array<i32>} : memref<128x128xf32, #tpu.memory_space<vmem>>, vector<16xf32>,
        %mul3A_377 = arith.mulf %get3A_376, %bitcast3A_359 : vector<16xf32>
        %swap3A_378 = arith.index_cast %add3A_354 : i32 to index
        %swap3A_379 = arith.constant 32 : index
        %swap3A_380 = tpu.vector_load %arg11[%swap3A_378, %swap3A_379] {strides = array<i32>} : memref<64x128xf32, #tpu.memory_space<vmem>>, vector<16xf32>,
        tpu.vector_store %arg11[%swap3A_378, %swap3A_379], %mul3A_377 {strides = array<i32>} : memref<64x128xf32, #tpu.memory_space<vmem>>, vector<16xf32>,
        %get3A_381 = arith.index_cast %add3A_356 : i32 to index
        %get3A_382 = arith.constant 48 : index
        %get3A_383 = tpu.vector_load %arg10[%get3A_381, %get3A_382] {strides = array<i32>} : memref<128x128xf32, #tpu.memory_space<vmem>>, vector<16xf32>,
        %mul3A_384 = arith.mulf %get3A_383, %bitcast3A_359 : vector<16xf32>
        %swap3A_385 = arith.index_cast %add3A_354 : i32 to index
        %swap3A_386 = arith.constant 48 : index
        %swap3A_387 = tpu.vector_load %arg11[%swap3A_385, %swap3A_386] {strides = array<i32>} : memref<64x128xf32, #tpu.memory_space<vmem>>, vector<16xf32>,
        tpu.vector_store %arg11[%swap3A_385, %swap3A_386], %mul3A_384 {strides = array<i32>} : memref<64x128xf32, #tpu.memory_space<vmem>>, vector<16xf32>,
        %get3A_388 = arith.index_cast %add3A_356 : i32 to index
        %get3A_389 = arith.constant 64 : index
        %get3A_390 = tpu.vector_load %arg10[%get3A_388, %get3A_389] {strides = array<i32>} : memref<128x128xf32, #tpu.memory_space<vmem>>, vector<16xf32>,
        %mul3A_391 = arith.mulf %get3A_390, %bitcast3A_359 : vector<16xf32>
        %swap3A_392 = arith.index_cast %add3A_354 : i32 to index
        %swap3A_393 = arith.constant 64 : index
        %swap3A_394 = tpu.vector_load %arg11[%swap3A_392, %swap3A_393] {strides = array<i32>} : memref<64x128xf32, #tpu.memory_space<vmem>>, vector<16xf32>,
        tpu.vector_store %arg11[%swap3A_392, %swap3A_393], %mul3A_391 {strides = array<i32>} : memref<64x128xf32, #tpu.memory_space<vmem>>, vector<16xf32>,
        %get3A_395 = arith.index_cast %add3A_356 : i32 to index
        %get3A_396 = arith.constant 80 : index
        %get3A_397 = tpu.vector_load %arg10[%get3A_395, %get3A_396] {strides = array<i32>} : memref<128x128xf32, #tpu.memory_space<vmem>>, vector<16xf32>,
        %mul3A_398 = arith.mulf %get3A_397, %bitcast3A_359 : vector<16xf32>
        %swap3A_399 = arith.index_cast %add3A_354 : i32 to index
        %swap3A_400 = arith.constant 80 : index
        %swap3A_401 = tpu.vector_load %arg11[%swap3A_399, %swap3A_400] {strides = array<i32>} : memref<64x128xf32, #tpu.memory_space<vmem>>, vector<16xf32>,
        tpu.vector_store %arg11[%swap3A_399, %swap3A_400], %mul3A_398 {strides = array<i32>} : memref<64x128xf32, #tpu.memory_space<vmem>>, vector<16xf32>,
        %get3A_402 = arith.index_cast %add3A_356 : i32 to index
        %get3A_403 = arith.constant 96 : index
        %get3A_404 = tpu.vector_load %arg10[%get3A_402, %get3A_403] {strides = array<i32>} : memref<128x128xf32, #tpu.memory_space<vmem>>, vector<16xf32>,
        %mul3A_405 = arith.mulf %get3A_404, %bitcast3A_359 : vector<16xf32>
        %swap3A_406 = arith.index_cast %add3A_354 : i32 to index
        %swap3A_407 = arith.constant 96 : index
        %swap3A_408 = tpu.vector_load %arg11[%swap3A_406, %swap3A_407] {strides = array<i32>} : memref<64x128xf32, #tpu.memory_space<vmem>>, vector<16xf32>,
        tpu.vector_store %arg11[%swap3A_406, %swap3A_407], %mul3A_405 {strides = array<i32>} : memref<64x128xf32, #tpu.memory_space<vmem>>, vector<16xf32>,
        %get3A_409 = arith.index_cast %add3A_356 : i32 to index
        %get3A_410 = arith.constant 112 : index
        %get3A_411 = tpu.vector_load %arg10[%get3A_409, %get3A_410] {strides = array<i32>} : memref<128x128xf32, #tpu.memory_space<vmem>>, vector<16xf32>,
        %mul3A_412 = arith.mulf %get3A_411, %bitcast3A_359 : vector<16xf32>
        %swap3A_413 = arith.index_cast %add3A_354 : i32 to index
        %swap3A_414 = arith.constant 112 : index
        %swap3A_415 = tpu.vector_load %arg11[%swap3A_413, %swap3A_414] {strides = array<i32>} : memref<64x128xf32, #tpu.memory_space<vmem>>, vector<16xf32>,
        tpu.vector_store %arg11[%swap3A_413, %swap3A_414], %mul3A_412 {strides = array<i32>} : memref<64x128xf32, #tpu.memory_space<vmem>>, vector<16xf32>,
      }
      %scan3A_271 = arith.constant 32 : i32
      %run_scoped3A_272 = arith.constant 1 : i32
      "tpu.region"() ({
        %run_scoped3A_283 = tpu.sem_alloc : memref<!tpu.dma_semaphore, #tpu.memory_space<semaphore_mem>>
        %dma_start3A_284 = arith.constant 0 : i32
        %dma_start3A_285 = tpu.memref_slice %arg8[%run_scoped3A_272, %dma_start3A_284] : memref<2x64xi32, #tpu.memory_space<vmem>> -> memref<1x64xi32, #tpu.memory_space<vmem>>
        %dma_start3A_286 = tpu.memref_squeeze %dma_start3A_285 : memref<1x64xi32, #tpu.memory_space<vmem>> -> memref<64xi32, #tpu.memory_space<vmem>>
        %dma_start3A_287 = arith.constant 0 : i32
        %dma_start3A_288 = arith.constant 0 : i32
        %dma_start3A_289 = tpu.memref_slice %arg12[%dma_start3A_287, %dma_start3A_288] : memref<10240x128xf32, #tpu.memory_space<vmem_shared>> -> memref<10240x128xf32, #tpu.memory_space<vmem_shared>>
        tpu.enqueue_indirect_dma source(%arg11 : memref<64x128xf32, #tpu.memory_space<vmem>>) target(%dma_start3A_289 : memref<10240x128xf32, #tpu.memory_space<vmem_shared>>) offsets(%dma_start3A_286 : memref<64xi32, #tpu.memory_space<vmem>>) semaphore(%run_scoped3A_283 : memref<!tpu.dma_semaphore, #tpu.memory_space<semaphore_mem>>) {add = true}
        %dma_wait3A_290 = arith.constant 0 : i32
        %dma_wait3A_291 = tpu.memref_slice %arg8[%run_scoped3A_272, %dma_wait3A_290] : memref<2x64xi32, #tpu.memory_space<vmem>> -> memref<1x64xi32, #tpu.memory_space<vmem>>
        %dma_wait3A_292 = tpu.memref_squeeze %dma_wait3A_291 : memref<1x64xi32, #tpu.memory_space<vmem>> -> memref<64xi32, #tpu.memory_space<vmem>>
        %dma_wait3A_293 = arith.constant 0 : i32
        %dma_wait3A_294 = arith.constant 0 : i32
        %dma_wait3A_295 = tpu.memref_slice %arg12[%dma_wait3A_293, %dma_wait3A_294] : memref<10240x128xf32, #tpu.memory_space<vmem_shared>> -> memref<10240x128xf32, #tpu.memory_space<vmem_shared>>
        tpu.wait_indirect_dma semaphore(%run_scoped3A_283 : memref<!tpu.dma_semaphore, #tpu.memory_space<semaphore_mem>>) src(%arg11 : memref<64x128xf32, #tpu.memory_space<vmem>>) dst(%dma_wait3A_295 : memref<10240x128xf32, #tpu.memory_space<vmem_shared>>)
        tpu.yield
      }) : () -> ()
      %add3A_273 = arith.constant 3 : i32
      %add3A_274 = arith.addi %add3A_65, %add3A_273 : i32
      %dma_start3A_275 = arith.constant 0 : i32
      %dma_start3A_276 = arith.constant 0 : i32
      %dma_start3A_277 = tpu.memref_slice %arg3[%add3A, %add3A_274, %dma_start3A_275, %dma_start3A_276] : memref<32x82x3x128xi32, #tpu.memory_space<hbm>> -> memref<1x1x3x128xi32, #tpu.memory_space<hbm>>
      %dma_start3A_278 = tpu.memref_squeeze %dma_start3A_277 : memref<1x1x3x128xi32, #tpu.memory_space<hbm>> -> memref<3x128xi32, #tpu.memory_space<hbm>>
      %dma_start3A_279 = arith.constant 0 : i32
      %dma_start3A_280 = arith.constant 0 : i32
      %dma_start3A_281 = tpu.memref_slice %arg3[%add3A, %add3A_274, %dma_start3A_279, %dma_start3A_280] : memref<32x82x3x128xi32, #tpu.memory_space<hbm>> -> memref<1x1x3x128xi32, #tpu.memory_space<hbm>>
      %dma_start3A_282 = tpu.memref_squeeze %dma_start3A_281 : memref<1x1x3x128xi32, #tpu.memory_space<hbm>> -> memref<3x128xi32, #tpu.memory_space<hbm>>
      tpu.enqueue_dma source(%dma_start3A_282 : memref<3x128xi32, #tpu.memory_space<hbm>>) target(%arg7 : memref<3x128xi32, #tpu.memory_space<vmem>>) target_semaphore(%arg14 : memref<!tpu.dma_semaphore, #tpu.memory_space<semaphore_mem>>)
    }
    %scan3A_39 = arith.constant 40 : i32
    %dma_wait3A_40 = arith.constant 0 : i32
    %dma_wait3A_41 = arith.constant 0 : i32
    %dma_wait3A_42 = tpu.memref_slice %arg6[%dma_wait3A_40, %dma_wait3A_41] : memref<3x128xi32, #tpu.memory_space<vmem>> -> memref<1x128xi32, #tpu.memory_space<vmem>>
    %dma_wait3A_43 = tpu.memref_squeeze %dma_wait3A_42 : memref<1x128xi32, #tpu.memory_space<vmem>> -> memref<128xi32, #tpu.memory_space<vmem>>
    %dma_wait3A_44 = arith.constant 0 : i32
    %dma_wait3A_45 = arith.constant 0 : i32
    %dma_wait3A_46 = tpu.memref_slice %arg2[%dma_wait3A_44, %dma_wait3A_45] : memref<10000x128xf32, #tpu.memory_space<hbm>> -> memref<10000x128xf32, #tpu.memory_space<hbm>>
    tpu.wait_indirect_dma semaphore(%arg15 : memref<!tpu.dma_semaphore, #tpu.memory_space<semaphore_mem>>) src(%dma_wait3A_46 : memref<10000x128xf32, #tpu.memory_space<hbm>>) dst(%arg9 : memref<128x128xf32, #tpu.memory_space<vmem>>)
    %dma_wait3A_47 = arith.constant 81 : i32
    %dma_wait3A_48 = arith.constant 0 : i32
    %dma_wait3A_49 = arith.constant 0 : i32
    %dma_wait3A_50 = tpu.memref_slice %arg3[%add3A, %dma_wait3A_47, %dma_wait3A_48, %dma_wait3A_49] : memref<32x82x3x128xi32, #tpu.memory_space<hbm>> -> memref<1x1x3x128xi32, #tpu.memory_space<hbm>>
    %dma_wait3A_51 = tpu.memref_squeeze %dma_wait3A_50 : memref<1x1x3x128xi32, #tpu.memory_space<hbm>> -> memref<3x128xi32, #tpu.memory_space<hbm>>
    %dma_wait3A_52 = arith.constant 0 : i32
    %dma_wait3A_53 = arith.constant 0 : i32
    %dma_wait3A_54 = tpu.memref_slice %arg3[%add3A, %dma_wait3A_47, %dma_wait3A_52, %dma_wait3A_53] : memref<32x82x3x128xi32, #tpu.memory_space<hbm>> -> memref<1x1x3x128xi32, #tpu.memory_space<hbm>>
    %dma_wait3A_55 = tpu.memref_squeeze %dma_wait3A_54 : memref<1x1x3x128xi32, #tpu.memory_space<hbm>> -> memref<3x128xi32, #tpu.memory_space<hbm>>
    tpu.wait_dma2 semaphore(%arg14 : memref<!tpu.dma_semaphore, #tpu.memory_space<semaphore_mem>>) src(%dma_wait3A_55 : memref<3x128xi32, #tpu.memory_space<hbm>>) dst(%arg7 : memref<3x128xi32, #tpu.memory_space<vmem>>)
    %barrier3A_56 = arith.constant 0 : index
    tpu.barrier barrier_id(%barrier3A_56)
    %mul3A_57 = arith.constant 640 : i32
    %mul3A_58 = arith.muli %arg1, %mul3A_57 : i32
    %mul3A_59 = arith.constant 640 : i32
    %mul3A_60 = arith.muli %arg1, %mul3A_59 : i32
    "tpu.region"() ({
      %run_scoped3A = tpu.sem_alloc : memref<!tpu.dma_semaphore, #tpu.memory_space<semaphore_mem>>
      %dma_start3A_61 = arith.constant 0 : i32
      %dma_start3A_62 = tpu.memref_slice %arg5[%arg0, %mul3A_60, %dma_start3A_61] : memref<2x10240x128xf32, #tpu.memory_space<hbm>> -> memref<1x640x128xf32, #tpu.memory_space<hbm>>
      %dma_start3A_63 = tpu.memref_squeeze %dma_start3A_62 : memref<1x640x128xf32, #tpu.memory_space<hbm>> -> memref<640x128xf32, #tpu.memory_space<hbm>>
      %dma_start3A_64 = arith.constant 0 : i32
      %dma_start3A_65 = tpu.memref_slice %arg12[%mul3A_58, %dma_start3A_64] : memref<10240x128xf32, #tpu.memory_space<vmem_shared>> -> memref<640x128xf32, #tpu.memory_space<vmem_shared>>
      tpu.enqueue_dma source(%dma_start3A_65 : memref<640x128xf32, #tpu.memory_space<vmem_shared>>) target(%dma_start3A_63 : memref<640x128xf32, #tpu.memory_space<hbm>>) target_semaphore(%run_scoped3A : memref<!tpu.dma_semaphore, #tpu.memory_space<semaphore_mem>>)
      %dma_wait3A_66 = arith.constant 0 : i32
      %dma_wait3A_67 = tpu.memref_slice %arg5[%arg0, %mul3A_60, %dma_wait3A_66] : memref<2x10240x128xf32, #tpu.memory_space<hbm>> -> memref<1x640x128xf32, #tpu.memory_space<hbm>>
      %dma_wait3A_68 = tpu.memref_squeeze %dma_wait3A_67 : memref<1x640x128xf32, #tpu.memory_space<hbm>> -> memref<640x128xf32, #tpu.memory_space<hbm>>
      %dma_wait3A_69 = arith.constant 0 : i32
      %dma_wait3A_70 = tpu.memref_slice %arg12[%mul3A_58, %dma_wait3A_69] : memref<10240x128xf32, #tpu.memory_space<vmem_shared>> -> memref<640x128xf32, #tpu.memory_space<vmem_shared>>
      tpu.wait_dma2 semaphore(%run_scoped3A : memref<!tpu.dma_semaphore, #tpu.memory_space<semaphore_mem>>) src(%dma_wait3A_70 : memref<640x128xf32, #tpu.memory_space<vmem_shared>>) dst(%dma_wait3A_68 : memref<640x128xf32, #tpu.memory_space<hbm>>)
      tpu.yield
    }) : () -> ()
    return
  }
}

#map = affine_map<(d0, d1) -> (0, 0, 0)>
#map1 = affine_map<(d0, d1) -> (0)>
module attributes {stable_mosaic.version = 14 : i64} {
  func.func @_sc_degree(%arg0: i32, %arg1: i32, %arg2: memref<32x82x128xi32, #tpu.memory_space<hbm>>, %arg3: memref<32x82x128xf32, #tpu.memory_space<hbm>>, %arg4: memref<640xf32, #tpu.memory_space<hbm>>, %arg5: memref<2x1x10240xf32, #tpu.memory_space<hbm>>, %arg6: memref<82x128xi32, #tpu.memory_space<vmem>>, %arg7: memref<82x128xf32, #tpu.memory_space<vmem>>, %arg8: memref<10240xf32, #tpu.memory_space<vmem_shared>>) attributes {dimension_semantics = [#tpu.dimension_semantics<core_parallel>, #tpu.dimension_semantics<subcore_parallel>], iteration_bounds = array<i64: 2, 16>, scalar_prefetch = 0 : i64, scratch_operands = 3 : i64, tpu.core_type = #tpu.core_type<sc_vector_subcore>, window_params = [{transform_indices = #map}, {transform_indices = #map}, {transform_indices = #map1}, {transform_indices = #map}]} {
    %mul3A = arith.constant 2 : i32
    %mul3A_0 = arith.muli %arg1, %mul3A : i32
    %add3A = arith.addi %mul3A_0, %arg0 : i32
    %mul3A_1 = arith.constant 640 : i32
    %mul3A_2 = arith.muli %arg1, %mul3A_1 : i32
    "tpu.region"() ({
      %run_scoped3A_12 = tpu.sem_alloc : memref<!tpu.dma_semaphore, #tpu.memory_space<semaphore_mem>>
      %dma_start3A = tpu.memref_slice %arg8[%mul3A_2] : memref<10240xf32, #tpu.memory_space<vmem_shared>> -> memref<640xf32, #tpu.memory_space<vmem_shared>>
      tpu.enqueue_dma source(%arg4 : memref<640xf32, #tpu.memory_space<hbm>>) target(%dma_start3A : memref<640xf32, #tpu.memory_space<vmem_shared>>) target_semaphore(%run_scoped3A_12 : memref<!tpu.dma_semaphore, #tpu.memory_space<semaphore_mem>>)
      %dma_wait3A = tpu.memref_slice %arg8[%mul3A_2] : memref<10240xf32, #tpu.memory_space<vmem_shared>> -> memref<640xf32, #tpu.memory_space<vmem_shared>>
      tpu.wait_dma2 semaphore(%run_scoped3A_12 : memref<!tpu.dma_semaphore, #tpu.memory_space<semaphore_mem>>) src(%arg4 : memref<640xf32, #tpu.memory_space<hbm>>) dst(%dma_wait3A : memref<640xf32, #tpu.memory_space<vmem_shared>>)
      tpu.yield
    }) : () -> ()
    %barrier3A = arith.constant 0 : index
    tpu.barrier barrier_id(%barrier3A)
    "tpu.region"() ({
      %run_scoped3A_12 = tpu.sem_alloc : memref<!tpu.dma_semaphore, #tpu.memory_space<semaphore_mem>>
      %dma_start3A = arith.constant 0 : i32
      %dma_start3A_13 = arith.constant 0 : i32
      %dma_start3A_14 = tpu.memref_slice %arg2[%add3A, %dma_start3A, %dma_start3A_13] : memref<32x82x128xi32, #tpu.memory_space<hbm>> -> memref<1x82x128xi32, #tpu.memory_space<hbm>>
      %dma_start3A_15 = tpu.memref_squeeze %dma_start3A_14 : memref<1x82x128xi32, #tpu.memory_space<hbm>> -> memref<82x128xi32, #tpu.memory_space<hbm>>
      %dma_start3A_16 = arith.constant 0 : i32
      %dma_start3A_17 = arith.constant 0 : i32
      %dma_start3A_18 = tpu.memref_slice %arg2[%add3A, %dma_start3A_16, %dma_start3A_17] : memref<32x82x128xi32, #tpu.memory_space<hbm>> -> memref<1x82x128xi32, #tpu.memory_space<hbm>>
      %dma_start3A_19 = tpu.memref_squeeze %dma_start3A_18 : memref<1x82x128xi32, #tpu.memory_space<hbm>> -> memref<82x128xi32, #tpu.memory_space<hbm>>
      tpu.enqueue_dma source(%dma_start3A_19 : memref<82x128xi32, #tpu.memory_space<hbm>>) target(%arg6 : memref<82x128xi32, #tpu.memory_space<vmem>>) target_semaphore(%run_scoped3A_12 : memref<!tpu.dma_semaphore, #tpu.memory_space<semaphore_mem>>)
      %dma_wait3A = arith.constant 0 : i32
      %dma_wait3A_20 = arith.constant 0 : i32
      %dma_wait3A_21 = tpu.memref_slice %arg2[%add3A, %dma_wait3A, %dma_wait3A_20] : memref<32x82x128xi32, #tpu.memory_space<hbm>> -> memref<1x82x128xi32, #tpu.memory_space<hbm>>
      %dma_wait3A_22 = tpu.memref_squeeze %dma_wait3A_21 : memref<1x82x128xi32, #tpu.memory_space<hbm>> -> memref<82x128xi32, #tpu.memory_space<hbm>>
      %dma_wait3A_23 = arith.constant 0 : i32
      %dma_wait3A_24 = arith.constant 0 : i32
      %dma_wait3A_25 = tpu.memref_slice %arg2[%add3A, %dma_wait3A_23, %dma_wait3A_24] : memref<32x82x128xi32, #tpu.memory_space<hbm>> -> memref<1x82x128xi32, #tpu.memory_space<hbm>>
      %dma_wait3A_26 = tpu.memref_squeeze %dma_wait3A_25 : memref<1x82x128xi32, #tpu.memory_space<hbm>> -> memref<82x128xi32, #tpu.memory_space<hbm>>
      tpu.wait_dma2 semaphore(%run_scoped3A_12 : memref<!tpu.dma_semaphore, #tpu.memory_space<semaphore_mem>>) src(%dma_wait3A_26 : memref<82x128xi32, #tpu.memory_space<hbm>>) dst(%arg6 : memref<82x128xi32, #tpu.memory_space<vmem>>)
      tpu.yield
    }) : () -> ()
    "tpu.region"() ({
      %run_scoped3A_12 = tpu.sem_alloc : memref<!tpu.dma_semaphore, #tpu.memory_space<semaphore_mem>>
      %dma_start3A = arith.constant 0 : i32
      %dma_start3A_13 = arith.constant 0 : i32
      %dma_start3A_14 = tpu.memref_slice %arg3[%add3A, %dma_start3A, %dma_start3A_13] : memref<32x82x128xf32, #tpu.memory_space<hbm>> -> memref<1x82x128xf32, #tpu.memory_space<hbm>>
      %dma_start3A_15 = tpu.memref_squeeze %dma_start3A_14 : memref<1x82x128xf32, #tpu.memory_space<hbm>> -> memref<82x128xf32, #tpu.memory_space<hbm>>
      %dma_start3A_16 = arith.constant 0 : i32
      %dma_start3A_17 = arith.constant 0 : i32
      %dma_start3A_18 = tpu.memref_slice %arg3[%add3A, %dma_start3A_16, %dma_start3A_17] : memref<32x82x128xf32, #tpu.memory_space<hbm>> -> memref<1x82x128xf32, #tpu.memory_space<hbm>>
      %dma_start3A_19 = tpu.memref_squeeze %dma_start3A_18 : memref<1x82x128xf32, #tpu.memory_space<hbm>> -> memref<82x128xf32, #tpu.memory_space<hbm>>
      tpu.enqueue_dma source(%dma_start3A_19 : memref<82x128xf32, #tpu.memory_space<hbm>>) target(%arg7 : memref<82x128xf32, #tpu.memory_space<vmem>>) target_semaphore(%run_scoped3A_12 : memref<!tpu.dma_semaphore, #tpu.memory_space<semaphore_mem>>)
      %dma_wait3A = arith.constant 0 : i32
      %dma_wait3A_20 = arith.constant 0 : i32
      %dma_wait3A_21 = tpu.memref_slice %arg3[%add3A, %dma_wait3A, %dma_wait3A_20] : memref<32x82x128xf32, #tpu.memory_space<hbm>> -> memref<1x82x128xf32, #tpu.memory_space<hbm>>
      %dma_wait3A_22 = tpu.memref_squeeze %dma_wait3A_21 : memref<1x82x128xf32, #tpu.memory_space<hbm>> -> memref<82x128xf32, #tpu.memory_space<hbm>>
      %dma_wait3A_23 = arith.constant 0 : i32
      %dma_wait3A_24 = arith.constant 0 : i32
      %dma_wait3A_25 = tpu.memref_slice %arg3[%add3A, %dma_wait3A_23, %dma_wait3A_24] : memref<32x82x128xf32, #tpu.memory_space<hbm>> -> memref<1x82x128xf32, #tpu.memory_space<hbm>>
      %dma_wait3A_26 = tpu.memref_squeeze %dma_wait3A_25 : memref<1x82x128xf32, #tpu.memory_space<hbm>> -> memref<82x128xf32, #tpu.memory_space<hbm>>
      tpu.wait_dma2 semaphore(%run_scoped3A_12 : memref<!tpu.dma_semaphore, #tpu.memory_space<semaphore_mem>>) src(%dma_wait3A_26 : memref<82x128xf32, #tpu.memory_space<hbm>>) dst(%arg7 : memref<82x128xf32, #tpu.memory_space<vmem>>)
      tpu.yield
    }) : () -> ()
    %scan3A = arith.constant 0 : i32
    %scan3A_3 = arith.constant 82 : i32
    %scan3A_4 = arith.addi %scan3A, %scan3A_3 : i32
    %scan3A_5 = arith.constant 1 : i32
    scf.for %scan3A_12 = %scan3A to %scan3A_4 step %scan3A_5  : i32 {
      %mul3A_13 = arith.constant 1 : i32
      %mul3A_14 = arith.muli %scan3A_12, %mul3A_13 : i32
      %add3A_15 = arith.constant 0 : i32
      %add3A_16 = arith.addi %add3A_15, %mul3A_14 : i32
      "tpu.region"() ({
        %run_scoped3A_17 = tpu.sem_alloc : memref<!tpu.dma_semaphore, #tpu.memory_space<semaphore_mem>>
        %dma_start3A = arith.constant 0 : i32
        %dma_start3A_18 = tpu.memref_slice %arg7[%add3A_16, %dma_start3A] : memref<82x128xf32, #tpu.memory_space<vmem>> -> memref<1x128xf32, #tpu.memory_space<vmem>>
        %dma_start3A_19 = tpu.memref_squeeze %dma_start3A_18 : memref<1x128xf32, #tpu.memory_space<vmem>> -> memref<128xf32, #tpu.memory_space<vmem>>
        %dma_start3A_20 = arith.constant 0 : i32
        %dma_start3A_21 = tpu.memref_slice %arg6[%add3A_16, %dma_start3A_20] : memref<82x128xi32, #tpu.memory_space<vmem>> -> memref<1x128xi32, #tpu.memory_space<vmem>>
        %dma_start3A_22 = tpu.memref_squeeze %dma_start3A_21 : memref<1x128xi32, #tpu.memory_space<vmem>> -> memref<128xi32, #tpu.memory_space<vmem>>
        %dma_start3A_23 = arith.constant 0 : i32
        %dma_start3A_24 = tpu.memref_slice %arg8[%dma_start3A_23] : memref<10240xf32, #tpu.memory_space<vmem_shared>> -> memref<10240xf32, #tpu.memory_space<vmem_shared>>
        tpu.enqueue_indirect_dma source(%dma_start3A_19 : memref<128xf32, #tpu.memory_space<vmem>>) target(%dma_start3A_24 : memref<10240xf32, #tpu.memory_space<vmem_shared>>) offsets(%dma_start3A_22 : memref<128xi32, #tpu.memory_space<vmem>>) semaphore(%run_scoped3A_17 : memref<!tpu.dma_semaphore, #tpu.memory_space<semaphore_mem>>) {add = true}
        %dma_wait3A = arith.constant 0 : i32
        %dma_wait3A_25 = tpu.memref_slice %arg7[%add3A_16, %dma_wait3A] : memref<82x128xf32, #tpu.memory_space<vmem>> -> memref<1x128xf32, #tpu.memory_space<vmem>>
        %dma_wait3A_26 = tpu.memref_squeeze %dma_wait3A_25 : memref<1x128xf32, #tpu.memory_space<vmem>> -> memref<128xf32, #tpu.memory_space<vmem>>
        %dma_wait3A_27 = arith.constant 0 : i32
        %dma_wait3A_28 = tpu.memref_slice %arg6[%add3A_16, %dma_wait3A_27] : memref<82x128xi32, #tpu.memory_space<vmem>> -> memref<1x128xi32, #tpu.memory_space<vmem>>
        %dma_wait3A_29 = tpu.memref_squeeze %dma_wait3A_28 : memref<1x128xi32, #tpu.memory_space<vmem>> -> memref<128xi32, #tpu.memory_space<vmem>>
        %dma_wait3A_30 = arith.constant 0 : i32
        %dma_wait3A_31 = tpu.memref_slice %arg8[%dma_wait3A_30] : memref<10240xf32, #tpu.memory_space<vmem_shared>> -> memref<10240xf32, #tpu.memory_space<vmem_shared>>
        tpu.wait_indirect_dma semaphore(%run_scoped3A_17 : memref<!tpu.dma_semaphore, #tpu.memory_space<semaphore_mem>>) src(%dma_wait3A_26 : memref<128xf32, #tpu.memory_space<vmem>>) dst(%dma_wait3A_31 : memref<10240xf32, #tpu.memory_space<vmem_shared>>)
        tpu.yield
      }) : () -> ()
    }
    %scan3A_6 = arith.constant 82 : i32
    %barrier3A_7 = arith.constant 0 : index
    tpu.barrier barrier_id(%barrier3A_7)
    %mul3A_8 = arith.constant 640 : i32
    %mul3A_9 = arith.muli %arg1, %mul3A_8 : i32
    %mul3A_10 = arith.constant 640 : i32
    %mul3A_11 = arith.muli %arg1, %mul3A_10 : i32
    %run_scoped3A = arith.constant 0 : i32
    "tpu.region"() ({
      %run_scoped3A_12 = tpu.sem_alloc : memref<!tpu.dma_semaphore, #tpu.memory_space<semaphore_mem>>
      %dma_start3A = tpu.memref_slice %arg5[%arg0, %run_scoped3A, %mul3A_11] : memref<2x1x10240xf32, #tpu.memory_space<hbm>> -> memref<1x1x640xf32, #tpu.memory_space<hbm>>
      %dma_start3A_13 = tpu.memref_squeeze %dma_start3A : memref<1x1x640xf32, #tpu.memory_space<hbm>> -> memref<640xf32, #tpu.memory_space<hbm>>
      %dma_start3A_14 = tpu.memref_slice %arg8[%mul3A_9] : memref<10240xf32, #tpu.memory_space<vmem_shared>> -> memref<640xf32, #tpu.memory_space<vmem_shared>>
      tpu.enqueue_dma source(%dma_start3A_14 : memref<640xf32, #tpu.memory_space<vmem_shared>>) target(%dma_start3A_13 : memref<640xf32, #tpu.memory_space<hbm>>) target_semaphore(%run_scoped3A_12 : memref<!tpu.dma_semaphore, #tpu.memory_space<semaphore_mem>>)
      %dma_wait3A = tpu.memref_slice %arg5[%arg0, %run_scoped3A, %mul3A_11] : memref<2x1x10240xf32, #tpu.memory_space<hbm>> -> memref<1x1x640xf32, #tpu.memory_space<hbm>>
      %dma_wait3A_15 = tpu.memref_squeeze %dma_wait3A : memref<1x1x640xf32, #tpu.memory_space<hbm>> -> memref<640xf32, #tpu.memory_space<hbm>>
      %dma_wait3A_16 = tpu.memref_slice %arg8[%mul3A_9] : memref<10240xf32, #tpu.memory_space<vmem_shared>> -> memref<640xf32, #tpu.memory_space<vmem_shared>>
      tpu.wait_dma2 semaphore(%run_scoped3A_12 : memref<!tpu.dma_semaphore, #tpu.memory_space<semaphore_mem>>) src(%dma_wait3A_16 : memref<640xf32, #tpu.memory_space<vmem_shared>>) dst(%dma_wait3A_15 : memref<640xf32, #tpu.memory_space<hbm>>)
      tpu.yield
    }) : () -> ()
    return
  }
}

module attributes {stable_mosaic.version = 14 : i64} {
  func.func @_tcb_body(%arg0: i32, %arg1: memref<1000x3072xf32, #tpu.memory_space<vmem>>, %arg2: memref<1x768xf32, #tpu.memory_space<vmem>>, %arg3: memref<768x128xf32, #tpu.memory_space<vmem>>, %arg4: memref<1x128xf32, #tpu.memory_space<vmem>>, %arg5: memref<128x128xf32, #tpu.memory_space<vmem>>, %arg6: memref<1000x1xf32, #tpu.memory_space<vmem>>, %arg7: memref<1000x1xf32, #tpu.memory_space<vmem>>, %arg8: memref<1000x128xf32, #tpu.memory_space<vmem>>, %arg9: memref<1000x128xf32, #tpu.memory_space<vmem>>, %arg10: memref<1000x1xf32, #tpu.memory_space<vmem>>) attributes {dimension_semantics = [#tpu.dimension_semantics<arbitrary>], iteration_bounds = array<i64: 10>, scalar_prefetch = 0 : i64, scratch_operands = 0 : i64, tpu.core_type = #tpu.core_type<tc>, window_params = [{transform_indices = @transform_0, window_bounds = array<i64: 1000, 3072>}, {pipeline_mode = #tpu.pipeline_mode<synchronous>, transform_indices = @transform_1, window_bounds = array<i64: 1, 768>}, {pipeline_mode = #tpu.pipeline_mode<synchronous>, transform_indices = @transform_2, window_bounds = array<i64: 768, 128>}, {pipeline_mode = #tpu.pipeline_mode<synchronous>, transform_indices = @transform_3, window_bounds = array<i64: 1, 128>}, {pipeline_mode = #tpu.pipeline_mode<synchronous>, transform_indices = @transform_4, window_bounds = array<i64: 128, 128>}, {transform_indices = @transform_5, window_bounds = array<i64: 1000, 1>}, {transform_indices = @transform_6, window_bounds = array<i64: 1000, 1>}, {transform_indices = @transform_7, window_bounds = array<i64: 1000, 128>}, {transform_indices = @transform_8, window_bounds = array<i64: 1000, 128>}, {transform_indices = @transform_9, window_bounds = array<i64: 1000, 1>}]} {
    %get3A = arith.constant 0 : index
    %get3A_0 = arith.constant 0 : index
    %get3A_1 = vector.load %arg2[%get3A, %get3A_0] : memref<1x768xf32, #tpu.memory_space<vmem>>, vector<1x768xf32>
    %get3A_2 = arith.constant 0 : index
    %get3A_3 = arith.constant 0 : index
    %get3A_4 = vector.load %arg1[%get3A_2, %get3A_3] : memref<1000x3072xf32, #tpu.memory_space<vmem>>, vector<1000x768xf32>
    %get3A_5 = arith.constant 0 : index
    %get3A_6 = arith.constant 768 : index
    %get3A_7 = vector.load %arg1[%get3A_5, %get3A_6] : memref<1000x3072xf32, #tpu.memory_space<vmem>>, vector<1000x768xf32>
    %get3A_8 = arith.constant 0 : index
    %get3A_9 = arith.constant 1536 : index
    %get3A_10 = vector.load %arg1[%get3A_8, %get3A_9] : memref<1000x3072xf32, #tpu.memory_space<vmem>>, vector<1000x768xf32>
    %get3A_11 = arith.constant 0 : index
    %get3A_12 = arith.constant 2304 : index
    %get3A_13 = vector.load %arg1[%get3A_11, %get3A_12] : memref<1000x3072xf32, #tpu.memory_space<vmem>>, vector<1000x768xf32>
    %mul3A = vector.broadcast %get3A_1 : vector<1x768xf32> to vector<1000x768xf32>
    %mul3A_14 = arith.mulf %get3A_4, %mul3A : vector<1000x768xf32>
    %reduce_sum3A = arith.constant dense<0.000000e+00> : vector<1000xf32>
    %reduce_sum3A_15 = vector.multi_reduction <add>, %mul3A_14, %reduce_sum3A [1] : vector<1000x768xf32> to vector<1000xf32>
    %broadcast_in_dim3A = vector.shape_cast %reduce_sum3A_15 : vector<1000xf32> to vector<1000x1xf32>
    %mul3A_16 = vector.broadcast %get3A_1 : vector<1x768xf32> to vector<1000x768xf32>
    %mul3A_17 = arith.mulf %get3A_7, %mul3A_16 : vector<1000x768xf32>
    %reduce_sum3A_18 = arith.constant dense<0.000000e+00> : vector<1000xf32>
    %reduce_sum3A_19 = vector.multi_reduction <add>, %mul3A_17, %reduce_sum3A_18 [1] : vector<1000x768xf32> to vector<1000xf32>
    %broadcast_in_dim3A_20 = vector.shape_cast %reduce_sum3A_19 : vector<1000xf32> to vector<1000x1xf32>
    %mul3A_21 = vector.broadcast %get3A_1 : vector<1x768xf32> to vector<1000x768xf32>
    %mul3A_22 = arith.mulf %get3A_10, %mul3A_21 : vector<1000x768xf32>
    %reduce_sum3A_23 = arith.constant dense<0.000000e+00> : vector<1000xf32>
    %reduce_sum3A_24 = vector.multi_reduction <add>, %mul3A_22, %reduce_sum3A_23 [1] : vector<1000x768xf32> to vector<1000xf32>
    %broadcast_in_dim3A_25 = vector.shape_cast %reduce_sum3A_24 : vector<1000xf32> to vector<1000x1xf32>
    %mul3A_26 = vector.broadcast %get3A_1 : vector<1x768xf32> to vector<1000x768xf32>
    %mul3A_27 = arith.mulf %get3A_13, %mul3A_26 : vector<1000x768xf32>
    %reduce_sum3A_28 = arith.constant dense<0.000000e+00> : vector<1000xf32>
    %reduce_sum3A_29 = vector.multi_reduction <add>, %mul3A_27, %reduce_sum3A_28 [1] : vector<1000x768xf32> to vector<1000xf32>
    %broadcast_in_dim3A_30 = vector.shape_cast %reduce_sum3A_29 : vector<1000xf32> to vector<1000x1xf32>
    %max3A = arith.maximumf %broadcast_in_dim3A, %broadcast_in_dim3A_20 : vector<1000x1xf32>
    %max3A_31 = arith.maximumf %max3A, %broadcast_in_dim3A_25 : vector<1000x1xf32>
    %max3A_32 = arith.maximumf %max3A_31, %broadcast_in_dim3A_30 : vector<1000x1xf32>
    %sub3A = arith.subf %broadcast_in_dim3A, %max3A_32 : vector<1000x1xf32>
    %exp3A = math.exp %sub3A : vector<1000x1xf32>
    %sub3A_33 = arith.subf %broadcast_in_dim3A_20, %max3A_32 : vector<1000x1xf32>
    %exp3A_34 = math.exp %sub3A_33 : vector<1000x1xf32>
    %sub3A_35 = arith.subf %broadcast_in_dim3A_25, %max3A_32 : vector<1000x1xf32>
    %exp3A_36 = math.exp %sub3A_35 : vector<1000x1xf32>
    %sub3A_37 = arith.subf %broadcast_in_dim3A_30, %max3A_32 : vector<1000x1xf32>
    %exp3A_38 = math.exp %sub3A_37 : vector<1000x1xf32>
    %add3A = arith.addf %exp3A, %exp3A_34 : vector<1000x1xf32>
    %add3A_39 = arith.addf %add3A, %exp3A_36 : vector<1000x1xf32>
    %add3A_40 = arith.addf %add3A_39, %exp3A_38 : vector<1000x1xf32>
    %div3A = arith.divf %exp3A, %add3A_40 : vector<1000x1xf32>
    %mul3A_41 = vector.broadcast %div3A : vector<1000x1xf32> to vector<1000x768xf32>
    %mul3A_42 = arith.mulf %mul3A_41, %get3A_4 : vector<1000x768xf32>
    %div3A_43 = arith.divf %exp3A_34, %add3A_40 : vector<1000x1xf32>
    %mul3A_44 = vector.broadcast %div3A_43 : vector<1000x1xf32> to vector<1000x768xf32>
    %mul3A_45 = arith.mulf %mul3A_44, %get3A_7 : vector<1000x768xf32>
    %add3A_46 = arith.addf %mul3A_42, %mul3A_45 : vector<1000x768xf32>
    %div3A_47 = arith.divf %exp3A_36, %add3A_40 : vector<1000x1xf32>
    %mul3A_48 = vector.broadcast %div3A_47 : vector<1000x1xf32> to vector<1000x768xf32>
    %mul3A_49 = arith.mulf %mul3A_48, %get3A_10 : vector<1000x768xf32>
    %add3A_50 = arith.addf %add3A_46, %mul3A_49 : vector<1000x768xf32>
    %div3A_51 = arith.divf %exp3A_38, %add3A_40 : vector<1000x1xf32>
    %mul3A_52 = vector.broadcast %div3A_51 : vector<1000x1xf32> to vector<1000x768xf32>
    %mul3A_53 = arith.mulf %mul3A_52, %get3A_13 : vector<1000x768xf32>
    %add3A_54 = arith.addf %add3A_50, %mul3A_53 : vector<1000x768xf32>
    %get3A_55 = arith.constant 0 : index
    %get3A_56 = arith.constant 0 : index
    %get3A_57 = vector.load %arg3[%get3A_55, %get3A_56] : memref<768x128xf32, #tpu.memory_space<vmem>>, vector<768x128xf32>
    %dot_general3A = arith.constant dense<0.000000e+00> : vector<1000x128xf32>
    %dot_general3A_58 = tpu.matmul %add3A_54, %get3A_57, %dot_general3A {dimension_numbers = #tpu.dot_dimension_numbers<[1], [0], [0], [1], [0, 0, 1, 1], [], []>, transpose_lhs_hint = false} : vector<1000x768xf32>, vector<768x128xf32>, vector<1000x128xf32> -> vector<1000x128xf32>
    %get3A_59 = arith.constant 0 : index
    %get3A_60 = arith.constant 0 : index
    %get3A_61 = vector.load %arg4[%get3A_59, %get3A_60] : memref<1x128xf32, #tpu.memory_space<vmem>>, vector<1x128xf32>
    %add3A_62 = vector.broadcast %get3A_61 : vector<1x128xf32> to vector<1000x128xf32>
    %add3A_63 = arith.addf %dot_general3A_58, %add3A_62 : vector<1000x128xf32>
    %get3A_64 = arith.constant 0 : index
    %get3A_65 = arith.constant 0 : index
    %get3A_66 = vector.load %arg6[%get3A_64, %get3A_65] : memref<1000x1xf32, #tpu.memory_space<vmem>>, vector<1000x1xf32>
    %get3A_67 = arith.constant 0 : index
    %get3A_68 = arith.constant 0 : index
    %get3A_69 = vector.load %arg7[%get3A_67, %get3A_68] : memref<1000x1xf32, #tpu.memory_space<vmem>>, vector<1000x1xf32>
    %add3A_70 = arith.addf %get3A_66, %get3A_69 : vector<1000x1xf32>
    %add3A_71 = arith.constant 1.000000e+00 : f32
    %add3A_72 = vector.broadcast %add3A_71 : f32 to vector<1000x1xf32>
    %add3A_73 = arith.addf %add3A_70, %add3A_72 : vector<1000x1xf32>
    %rsqrt3A = math.rsqrt %add3A_73 : vector<1000x1xf32>
    %swap3A = arith.constant 0 : index
    %swap3A_74 = arith.constant 0 : index
    %swap3A_75 = vector.load %arg8[%swap3A, %swap3A_74] : memref<1000x128xf32, #tpu.memory_space<vmem>>, vector<1000x128xf32>
    tpu.vector_store %arg8[%swap3A, %swap3A_74], %add3A_63 {strides = array<i32>} : memref<1000x128xf32, #tpu.memory_space<vmem>>, vector<1000x128xf32>,
    %swap3A_76 = arith.constant 0 : index
    %swap3A_77 = arith.constant 0 : index
    %swap3A_78 = vector.load %arg10[%swap3A_76, %swap3A_77] : memref<1000x1xf32, #tpu.memory_space<vmem>>, vector<1000x1xf32>
    tpu.vector_store %arg10[%swap3A_76, %swap3A_77], %rsqrt3A {strides = array<i32>} : memref<1000x1xf32, #tpu.memory_space<vmem>>, vector<1000x1xf32>,
    %get3A_79 = arith.constant 0 : index
    %get3A_80 = arith.constant 0 : index
    %get3A_81 = vector.load %arg5[%get3A_79, %get3A_80] : memref<128x128xf32, #tpu.memory_space<vmem>>, vector<128x128xf32>
    %dot_general3A_82 = arith.constant dense<0.000000e+00> : vector<1000x128xf32>
    %dot_general3A_83 = tpu.matmul %add3A_63, %get3A_81, %dot_general3A_82 {dimension_numbers = #tpu.dot_dimension_numbers<[1], [0], [0], [1], [0, 0, 1, 1], [], []>, transpose_lhs_hint = false} : vector<1000x128xf32>, vector<128x128xf32>, vector<1000x128xf32> -> vector<1000x128xf32>
    %mul3A_84 = vector.broadcast %rsqrt3A : vector<1000x1xf32> to vector<1000x128xf32>
    %mul3A_85 = arith.mulf %dot_general3A_83, %mul3A_84 : vector<1000x128xf32>
    %swap3A_86 = arith.constant 0 : index
    %swap3A_87 = arith.constant 0 : index
    %swap3A_88 = vector.load %arg9[%swap3A_86, %swap3A_87] : memref<1000x128xf32, #tpu.memory_space<vmem>>, vector<1000x128xf32>
    tpu.vector_store %arg9[%swap3A_86, %swap3A_87], %mul3A_85 {strides = array<i32>} : memref<1000x128xf32, #tpu.memory_space<vmem>>, vector<1000x128xf32>,
    return
  }
  func.func @transform_0(%arg0: i32) -> (i32, i32) {
    %c0_i32 = arith.constant 0 : i32
    %c0_i32_0 = arith.constant 0 : i32
    return %arg0, %c0_i32 : i32, i32
  }
  func.func @transform_1(%arg0: i32) -> (i32, i32) {
    %c0_i32 = arith.constant 0 : i32
    %c0_i32_0 = arith.constant 0 : i32
    %c0_i32_1 = arith.constant 0 : i32
    return %c0_i32, %c0_i32_0 : i32, i32
  }
  func.func @transform_2(%arg0: i32) -> (i32, i32) {
    %c0_i32 = arith.constant 0 : i32
    %c0_i32_0 = arith.constant 0 : i32
    %c0_i32_1 = arith.constant 0 : i32
    return %c0_i32, %c0_i32_0 : i32, i32
  }
  func.func @transform_3(%arg0: i32) -> (i32, i32) {
    %c0_i32 = arith.constant 0 : i32
    %c0_i32_0 = arith.constant 0 : i32
    %c0_i32_1 = arith.constant 0 : i32
    return %c0_i32, %c0_i32_0 : i32, i32
  }
  func.func @transform_4(%arg0: i32) -> (i32, i32) {
    %c0_i32 = arith.constant 0 : i32
    %c0_i32_0 = arith.constant 0 : i32
    %c0_i32_1 = arith.constant 0 : i32
    return %c0_i32, %c0_i32_0 : i32, i32
  }
  func.func @transform_5(%arg0: i32) -> (i32, i32) {
    %c0_i32 = arith.constant 0 : i32
    %c0_i32_0 = arith.constant 0 : i32
    return %arg0, %c0_i32 : i32, i32
  }
  func.func @transform_6(%arg0: i32) -> (i32, i32) {
    %c0_i32 = arith.constant 0 : i32
    %c0_i32_0 = arith.constant 0 : i32
    return %arg0, %c0_i32 : i32, i32
  }
  func.func @transform_7(%arg0: i32) -> (i32, i32) {
    %c0_i32 = arith.constant 0 : i32
    %c0_i32_0 = arith.constant 0 : i32
    return %arg0, %c0_i32 : i32, i32
  }
  func.func @transform_8(%arg0: i32) -> (i32, i32) {
    %c0_i32 = arith.constant 0 : i32
    %c0_i32_0 = arith.constant 0 : i32
    return %arg0, %c0_i32 : i32, i32
  }
  func.func @transform_9(%arg0: i32) -> (i32, i32) {
    %c0_i32 = arith.constant 0 : i32
    %c0_i32_0 = arith.constant 0 : i32
    return %arg0, %c0_i32 : i32, i32
  }
}

module attributes {stable_mosaic.version = 14 : i64} {
  func.func @_tcc_body(%arg0: i32, %arg1: memref<1000x128xf32, #tpu.memory_space<vmem>>, %arg2: memref<1000x128xf32, #tpu.memory_space<vmem>>, %arg3: memref<1000x128xf32, #tpu.memory_space<vmem>>, %arg4: memref<1000x1xf32, #tpu.memory_space<vmem>>, %arg5: memref<1x128xf32, #tpu.memory_space<vmem>>, %arg6: memref<128x128xf32, #tpu.memory_space<vmem>>, %arg7: memref<1000x128xf32, #tpu.memory_space<vmem>>) attributes {dimension_semantics = [#tpu.dimension_semantics<arbitrary>], iteration_bounds = array<i64: 10>, scalar_prefetch = 0 : i64, scratch_operands = 0 : i64, tpu.core_type = #tpu.core_type<tc>, window_params = [{transform_indices = @transform_0, window_bounds = array<i64: 1000, 128>}, {transform_indices = @transform_1, window_bounds = array<i64: 1000, 128>}, {transform_indices = @transform_2, window_bounds = array<i64: 1000, 128>}, {transform_indices = @transform_3, window_bounds = array<i64: 1000, 1>}, {pipeline_mode = #tpu.pipeline_mode<synchronous>, transform_indices = @transform_4, window_bounds = array<i64: 1, 128>}, {pipeline_mode = #tpu.pipeline_mode<synchronous>, transform_indices = @transform_5, window_bounds = array<i64: 128, 128>}, {transform_indices = @transform_6, window_bounds = array<i64: 1000, 128>}]} {
    %get3A = arith.constant 0 : index
    %get3A_0 = arith.constant 0 : index
    %get3A_1 = vector.load %arg4[%get3A, %get3A_0] : memref<1000x1xf32, #tpu.memory_space<vmem>>, vector<1000x1xf32>
    %get3A_2 = arith.constant 0 : index
    %get3A_3 = arith.constant 0 : index
    %get3A_4 = vector.load %arg1[%get3A_2, %get3A_3] : memref<1000x128xf32, #tpu.memory_space<vmem>>, vector<1000x128xf32>
    %get3A_5 = arith.constant 0 : index
    %get3A_6 = arith.constant 0 : index
    %get3A_7 = vector.load %arg2[%get3A_5, %get3A_6] : memref<1000x128xf32, #tpu.memory_space<vmem>>, vector<1000x128xf32>
    %add3A = arith.addf %get3A_4, %get3A_7 : vector<1000x128xf32>
    %get3A_8 = arith.constant 0 : index
    %get3A_9 = arith.constant 0 : index
    %get3A_10 = vector.load %arg3[%get3A_8, %get3A_9] : memref<1000x128xf32, #tpu.memory_space<vmem>>, vector<1000x128xf32>
    %add3A_11 = arith.addf %add3A, %get3A_10 : vector<1000x128xf32>
    %mul3A = vector.broadcast %get3A_1 : vector<1000x1xf32> to vector<1000x128xf32>
    %mul3A_12 = arith.mulf %mul3A, %add3A_11 : vector<1000x128xf32>
    %get3A_13 = arith.constant 0 : index
    %get3A_14 = arith.constant 0 : index
    %get3A_15 = vector.load %arg5[%get3A_13, %get3A_14] : memref<1x128xf32, #tpu.memory_space<vmem>>, vector<1x128xf32>
    %add3A_16 = vector.broadcast %get3A_15 : vector<1x128xf32> to vector<1000x128xf32>
    %add3A_17 = arith.addf %mul3A_12, %add3A_16 : vector<1000x128xf32>
    %max3A = arith.constant 0.000000e+00 : f32
    %max3A_18 = vector.broadcast %max3A : f32 to vector<1000x128xf32>
    %max3A_19 = arith.maximumf %add3A_17, %max3A_18 : vector<1000x128xf32>
    %get3A_20 = arith.constant 0 : index
    %get3A_21 = arith.constant 0 : index
    %get3A_22 = vector.load %arg6[%get3A_20, %get3A_21] : memref<128x128xf32, #tpu.memory_space<vmem>>, vector<128x128xf32>
    %dot_general3A = arith.constant dense<0.000000e+00> : vector<1000x128xf32>
    %dot_general3A_23 = tpu.matmul %max3A_19, %get3A_22, %dot_general3A {dimension_numbers = #tpu.dot_dimension_numbers<[1], [0], [0], [1], [0, 0, 1, 1], [], []>, transpose_lhs_hint = false} : vector<1000x128xf32>, vector<128x128xf32>, vector<1000x128xf32> -> vector<1000x128xf32>
    %mul3A_24 = vector.broadcast %get3A_1 : vector<1000x1xf32> to vector<1000x128xf32>
    %mul3A_25 = arith.mulf %dot_general3A_23, %mul3A_24 : vector<1000x128xf32>
    %swap3A = arith.constant 0 : index
    %swap3A_26 = arith.constant 0 : index
    %swap3A_27 = vector.load %arg7[%swap3A, %swap3A_26] : memref<1000x128xf32, #tpu.memory_space<vmem>>, vector<1000x128xf32>
    tpu.vector_store %arg7[%swap3A, %swap3A_26], %mul3A_25 {strides = array<i32>} : memref<1000x128xf32, #tpu.memory_space<vmem>>, vector<1000x128xf32>,
    return
  }
  func.func @transform_0(%arg0: i32) -> (i32, i32) {
    %c0_i32 = arith.constant 0 : i32
    %c0_i32_0 = arith.constant 0 : i32
    return %arg0, %c0_i32 : i32, i32
  }
  func.func @transform_1(%arg0: i32) -> (i32, i32) {
    %c0_i32 = arith.constant 0 : i32
    %c0_i32_0 = arith.constant 0 : i32
    return %arg0, %c0_i32 : i32, i32
  }
  func.func @transform_2(%arg0: i32) -> (i32, i32) {
    %c0_i32 = arith.constant 0 : i32
    %c0_i32_0 = arith.constant 0 : i32
    return %arg0, %c0_i32 : i32, i32
  }
  func.func @transform_3(%arg0: i32) -> (i32, i32) {
    %c0_i32 = arith.constant 0 : i32
    %c0_i32_0 = arith.constant 0 : i32
    return %arg0, %c0_i32 : i32, i32
  }
  func.func @transform_4(%arg0: i32) -> (i32, i32) {
    %c0_i32 = arith.constant 0 : i32
    %c0_i32_0 = arith.constant 0 : i32
    %c0_i32_1 = arith.constant 0 : i32
    return %c0_i32, %c0_i32_0 : i32, i32
  }
  func.func @transform_5(%arg0: i32) -> (i32, i32) {
    %c0_i32 = arith.constant 0 : i32
    %c0_i32_0 = arith.constant 0 : i32
    %c0_i32_1 = arith.constant 0 : i32
    return %c0_i32, %c0_i32_0 : i32, i32
  }
  func.func @transform_6(%arg0: i32) -> (i32, i32) {
    %c0_i32 = arith.constant 0 : i32
    %c0_i32_0 = arith.constant 0 : i32
    return %arg0, %c0_i32 : i32, i32
  }
}

module attributes {stable_mosaic.version = 14 : i64} {
  func.func @_tcd_body(%arg0: i32, %arg1: memref<1000x128xf32, #tpu.memory_space<vmem>>, %arg2: memref<1000x128xf32, #tpu.memory_space<vmem>>, %arg3: memref<1000x128xf32, #tpu.memory_space<vmem>>, %arg4: memref<1000x1xf32, #tpu.memory_space<vmem>>, %arg5: memref<1x128xf32, #tpu.memory_space<vmem>>, %arg6: memref<1000x128xf32, #tpu.memory_space<vmem>>, %arg7: memref<128x128xf32, #tpu.memory_space<vmem>>, %arg8: memref<1x128xf32, #tpu.memory_space<vmem>>, %arg9: memref<128x128xf32, #tpu.memory_space<vmem>>, %arg10: memref<1x128xf32, #tpu.memory_space<vmem>>, %arg11: memref<1000x256xf32, #tpu.memory_space<vmem>>) attributes {dimension_semantics = [#tpu.dimension_semantics<arbitrary>], iteration_bounds = array<i64: 10>, scalar_prefetch = 0 : i64, scratch_operands = 0 : i64, tpu.core_type = #tpu.core_type<tc>, window_params = [{transform_indices = @transform_0, window_bounds = array<i64: 1000, 128>}, {transform_indices = @transform_1, window_bounds = array<i64: 1000, 128>}, {transform_indices = @transform_2, window_bounds = array<i64: 1000, 128>}, {transform_indices = @transform_3, window_bounds = array<i64: 1000, 1>}, {pipeline_mode = #tpu.pipeline_mode<synchronous>, transform_indices = @transform_4, window_bounds = array<i64: 1, 128>}, {transform_indices = @transform_5, window_bounds = array<i64: 1000, 128>}, {pipeline_mode = #tpu.pipeline_mode<synchronous>, transform_indices = @transform_6, window_bounds = array<i64: 128, 128>}, {pipeline_mode = #tpu.pipeline_mode<synchronous>, transform_indices = @transform_7, window_bounds = array<i64: 1, 128>}, {pipeline_mode = #tpu.pipeline_mode<synchronous>, transform_indices = @transform_8, window_bounds = array<i64: 128, 128>}, {pipeline_mode = #tpu.pipeline_mode<synchronous>, transform_indices = @transform_9, window_bounds = array<i64: 1, 128>}, {transform_indices = @transform_10, window_bounds = array<i64: 1000, 256>}]} {
    %get3A = arith.constant 0 : index
    %get3A_0 = arith.constant 0 : index
    %get3A_1 = vector.load %arg4[%get3A, %get3A_0] : memref<1000x1xf32, #tpu.memory_space<vmem>>, vector<1000x1xf32>
    %get3A_2 = arith.constant 0 : index
    %get3A_3 = arith.constant 0 : index
    %get3A_4 = vector.load %arg1[%get3A_2, %get3A_3] : memref<1000x128xf32, #tpu.memory_space<vmem>>, vector<1000x128xf32>
    %get3A_5 = arith.constant 0 : index
    %get3A_6 = arith.constant 0 : index
    %get3A_7 = vector.load %arg2[%get3A_5, %get3A_6] : memref<1000x128xf32, #tpu.memory_space<vmem>>, vector<1000x128xf32>
    %add3A = arith.addf %get3A_4, %get3A_7 : vector<1000x128xf32>
    %get3A_8 = arith.constant 0 : index
    %get3A_9 = arith.constant 0 : index
    %get3A_10 = vector.load %arg3[%get3A_8, %get3A_9] : memref<1000x128xf32, #tpu.memory_space<vmem>>, vector<1000x128xf32>
    %add3A_11 = arith.addf %add3A, %get3A_10 : vector<1000x128xf32>
    %mul3A = vector.broadcast %get3A_1 : vector<1000x1xf32> to vector<1000x128xf32>
    %mul3A_12 = arith.mulf %mul3A, %add3A_11 : vector<1000x128xf32>
    %get3A_13 = arith.constant 0 : index
    %get3A_14 = arith.constant 0 : index
    %get3A_15 = vector.load %arg5[%get3A_13, %get3A_14] : memref<1x128xf32, #tpu.memory_space<vmem>>, vector<1x128xf32>
    %add3A_16 = vector.broadcast %get3A_15 : vector<1x128xf32> to vector<1000x128xf32>
    %add3A_17 = arith.addf %mul3A_12, %add3A_16 : vector<1000x128xf32>
    %get3A_18 = arith.constant 0 : index
    %get3A_19 = arith.constant 0 : index
    %get3A_20 = vector.load %arg6[%get3A_18, %get3A_19] : memref<1000x128xf32, #tpu.memory_space<vmem>>, vector<1000x128xf32>
    %add3A_21 = arith.addf %add3A_17, %get3A_20 : vector<1000x128xf32>
    %get3A_22 = arith.constant 0 : index
    %get3A_23 = arith.constant 0 : index
    %get3A_24 = vector.load %arg7[%get3A_22, %get3A_23] : memref<128x128xf32, #tpu.memory_space<vmem>>, vector<128x128xf32>
    %dot_general3A = arith.constant dense<0.000000e+00> : vector<1000x128xf32>
    %dot_general3A_25 = tpu.matmul %add3A_21, %get3A_24, %dot_general3A {dimension_numbers = #tpu.dot_dimension_numbers<[1], [0], [0], [1], [0, 0, 1, 1], [], []>, transpose_lhs_hint = false} : vector<1000x128xf32>, vector<128x128xf32>, vector<1000x128xf32> -> vector<1000x128xf32>
    %get3A_26 = arith.constant 0 : index
    %get3A_27 = arith.constant 0 : index
    %get3A_28 = vector.load %arg8[%get3A_26, %get3A_27] : memref<1x128xf32, #tpu.memory_space<vmem>>, vector<1x128xf32>
    %add3A_29 = vector.broadcast %get3A_28 : vector<1x128xf32> to vector<1000x128xf32>
    %add3A_30 = arith.addf %dot_general3A_25, %add3A_29 : vector<1000x128xf32>
    %get3A_31 = arith.constant 0 : index
    %get3A_32 = arith.constant 0 : index
    %get3A_33 = vector.load %arg9[%get3A_31, %get3A_32] : memref<128x128xf32, #tpu.memory_space<vmem>>, vector<128x128xf32>
    %dot_general3A_34 = arith.constant dense<0.000000e+00> : vector<1000x128xf32>
    %dot_general3A_35 = tpu.matmul %add3A_21, %get3A_33, %dot_general3A_34 {dimension_numbers = #tpu.dot_dimension_numbers<[1], [0], [0], [1], [0, 0, 1, 1], [], []>, transpose_lhs_hint = false} : vector<1000x128xf32>, vector<128x128xf32>, vector<1000x128xf32> -> vector<1000x128xf32>
    %get3A_36 = arith.constant 0 : index
    %get3A_37 = arith.constant 0 : index
    %get3A_38 = vector.load %arg10[%get3A_36, %get3A_37] : memref<1x128xf32, #tpu.memory_space<vmem>>, vector<1x128xf32>
    %add3A_39 = vector.broadcast %get3A_38 : vector<1x128xf32> to vector<1000x128xf32>
    %add3A_40 = arith.addf %dot_general3A_35, %add3A_39 : vector<1000x128xf32>
    %max3A = arith.constant 0.000000e+00 : f32
    %max3A_41 = vector.broadcast %max3A : f32 to vector<1000x128xf32>
    %max3A_42 = arith.maximumf %add3A_40, %max3A_41 : vector<1000x128xf32>
    %abs3A = math.absf %add3A_40 : vector<1000x128xf32>
    %neg3A = arith.constant 0.000000e+00 : f32
    %neg3A_43 = vector.broadcast %neg3A : f32 to vector<1000x128xf32>
    %neg3A_44 = arith.subf %neg3A_43, %abs3A : vector<1000x128xf32>
    %exp3A = math.exp %neg3A_44 : vector<1000x128xf32>
    %log1p3A = math.log1p %exp3A : vector<1000x128xf32>
    %add3A_45 = arith.addf %max3A_42, %log1p3A : vector<1000x128xf32>
    %sub3A = arith.subf %add3A_30, %add3A_45 : vector<1000x128xf32>
    %swap3A = arith.constant 0 : index
    %swap3A_46 = arith.constant 0 : index
    %swap3A_47 = vector.load %arg11[%swap3A, %swap3A_46] : memref<1000x256xf32, #tpu.memory_space<vmem>>, vector<1000x128xf32>
    tpu.vector_store %arg11[%swap3A, %swap3A_46], %sub3A {strides = array<i32>} : memref<1000x256xf32, #tpu.memory_space<vmem>>, vector<1000x128xf32>,
    %add3A_48 = arith.addf %add3A_30, %add3A_45 : vector<1000x128xf32>
    %swap3A_49 = arith.constant 0 : index
    %swap3A_50 = arith.constant 128 : index
    %swap3A_51 = vector.load %arg11[%swap3A_49, %swap3A_50] : memref<1000x256xf32, #tpu.memory_space<vmem>>, vector<1000x128xf32>
    tpu.vector_store %arg11[%swap3A_49, %swap3A_50], %add3A_48 {strides = array<i32>} : memref<1000x256xf32, #tpu.memory_space<vmem>>, vector<1000x128xf32>,
    return
  }
  func.func @transform_0(%arg0: i32) -> (i32, i32) {
    %c0_i32 = arith.constant 0 : i32
    %c0_i32_0 = arith.constant 0 : i32
    return %arg0, %c0_i32 : i32, i32
  }
  func.func @transform_1(%arg0: i32) -> (i32, i32) {
    %c0_i32 = arith.constant 0 : i32
    %c0_i32_0 = arith.constant 0 : i32
    return %arg0, %c0_i32 : i32, i32
  }
  func.func @transform_2(%arg0: i32) -> (i32, i32) {
    %c0_i32 = arith.constant 0 : i32
    %c0_i32_0 = arith.constant 0 : i32
    return %arg0, %c0_i32 : i32, i32
  }
  func.func @transform_3(%arg0: i32) -> (i32, i32) {
    %c0_i32 = arith.constant 0 : i32
    %c0_i32_0 = arith.constant 0 : i32
    return %arg0, %c0_i32 : i32, i32
  }
  func.func @transform_4(%arg0: i32) -> (i32, i32) {
    %c0_i32 = arith.constant 0 : i32
    %c0_i32_0 = arith.constant 0 : i32
    %c0_i32_1 = arith.constant 0 : i32
    return %c0_i32, %c0_i32_0 : i32, i32
  }
  func.func @transform_5(%arg0: i32) -> (i32, i32) {
    %c0_i32 = arith.constant 0 : i32
    %c0_i32_0 = arith.constant 0 : i32
    return %arg0, %c0_i32 : i32, i32
  }
  func.func @transform_6(%arg0: i32) -> (i32, i32) {
    %c0_i32 = arith.constant 0 : i32
    %c0_i32_0 = arith.constant 0 : i32
    %c0_i32_1 = arith.constant 0 : i32
    return %c0_i32, %c0_i32_0 : i32, i32
  }
  func.func @transform_7(%arg0: i32) -> (i32, i32) {
    %c0_i32 = arith.constant 0 : i32
    %c0_i32_0 = arith.constant 0 : i32
    %c0_i32_1 = arith.constant 0 : i32
    return %c0_i32, %c0_i32_0 : i32, i32
  }
  func.func @transform_8(%arg0: i32) -> (i32, i32) {
    %c0_i32 = arith.constant 0 : i32
    %c0_i32_0 = arith.constant 0 : i32
    %c0_i32_1 = arith.constant 0 : i32
    return %c0_i32, %c0_i32_0 : i32, i32
  }
  func.func @transform_9(%arg0: i32) -> (i32, i32) {
    %c0_i32 = arith.constant 0 : i32
    %c0_i32_0 = arith.constant 0 : i32
    %c0_i32_1 = arith.constant 0 : i32
    return %c0_i32, %c0_i32_0 : i32, i32
  }
  func.func @transform_10(%arg0: i32) -> (i32, i32) {
    %c0_i32 = arith.constant 0 : i32
    %c0_i32_0 = arith.constant 0 : i32
    return %arg0, %c0_i32 : i32, i32
  }
}

</mosaic_0001>

<sc_bundles>
// kernel: kernel.11.cloned.1.call-start
scs
__scs_entry_jumppad:
0x0: {  	(pc) =	sbr.rel $0x88, $3  }
0x1: {  	(tag) =	ssettag $0x0;
	lr =	simm.s32 $0x1  }
0x2: {  	[smem:$0x3F93] =	sst lr;
	_ =	strace $0xD0000000  }
0x3: {  	_ = 	snop  }
0x4: {  	_ = 	snop  }
0x5: {  	_ = 	snop  }
0x6: {  	_ = 	snop  }
0x7: {  	_ = 	snop  }
__scs_overlays_trampoline_lowered:
0x8: {  	[smem:$0x3FA2] =	sst s0  }
0x9: {  	[smem:$0x3FA3] =	sst s1  }
0xa: {  	[smem:$0x3FA4] =	sst s2  }
0xb: {  	[smem:$0x3FA5] =	sst s3  }
0xc: {  	[smem:$0x3FA6] =	sst s4  }
0xd: {  	[smem:$0x3FA7] =	sst s5  }
0xe: {  	[smem:$0x3FA8] =	sst s6  }
0xf: {  	[smem:$0x3FA9] =	sst s7  }
0x10: {  	[smem:$0x3FAA] =	sst s8  }
0x11: {  	[smem:$0x3FAB] =	sst s9;
	s0 =	simm.s32 @!p0 $0x0  }
0x12: {  	s1 =	sld [smem:$0x3F91];
	s0 =	simm.s32 @p0 $0x1  }
0x13: {  	[smem:$0x3FAC] =	sst s0;
	s0 =	simm.s32 @!p1 $0x0  }
0x14: {  	s2 =	sld [smem:$0x3F90];
	s0 =	simm.s32 @p1 $0x1  }
0x15: {  	[smem:$0x3FAD] =	sst s0;
	s0 =	simm.s32 @!p2 $0x0  }
0x16: {  	s3 =	sld [smem:$0x3FDB];
	s0 =	simm.s32 @p2 $0x1  }
0x17: {  	s4 =	simm.s32 $0x1BF5;
	[smem:$0x3FAF] =	sst s0  }
0x18: {  	s0 =	sld [smem:$0x3F92];
	_ =	swait.ge [sflag:s4], $0x0  }
0x19: {  	s7 =	sld [smem:$0x3F93]  }
0x1a: {  	s8 =	sadd.s32 $0xFFFFE003, lr  }
0x1b: {  	s9 =	sadd.s32 $0xFFFFFEF7, lr;
	s5 =	simm.s32 $0xFFFFFFFF;
	p2 =	slt.u32 s8, $0xFFFFF086  }
0x1c: {  	p1 =	slt.u32 s9, $0xF7A;
	s5 =	simm.s32 @!p2 $0x0  }
0x1d: {  	s5 =	simm.s32 @p1 $0x1;
	p0 =	seq.s32 s7, s2  }
0x1e: {  	s7 =	smul.u32 @!p0 $0xF7A, s2;
	p2 =	seq.s32 @!p0 s5, $0x0  }
0x1f: {  	s9 =	smul.u32 $0xF7A, s1;
	s8 =	simm.s32 @!p0 $0x1BF5;
	p2 =	por !p2, p0  }
0x20: {  	[sflag:s8] =	ssyncset.s32 @!p0 $0xFFFFF086;
	s6 =	sadd.s32 @!p0 s3, s7;
	s7 =	simm.s32 @!p0 $0x108  }
0x21: {  	s3 =	sadd.s32 s3, s9;
	s6 =	sadd.s32 @!p0 $0x88, s6;
	s7 =	simm.s32 @p2 $0x1082  }
0x22: {  	[simem:s7], [sflag:s8] =	dma.local @!p0 [hbm:s6], $0xF7A  }
0x23: {  	s9 =	sor.u32 $0xD0000000, s2;
	s6 =	simm.s32 $0x108;
	_ =	swait.ge @!p0 [sflag:s8], $0x0  }
0x24: {  	s3 =	sadd.s32 $0x88, s3;
	s6 =	simm.s32 @!p1 $0x1082;
	[sflag:s4] =	ssyncset.s32 $0xFFFFF086  }
0x25: {  	[simem:s6], [sflag:s4] =	dma.local [hbm:s3], $0xF7A  }
0x26: {  	[smem:$0x3F93] =	sst s1;
	(tag) =	ssettag s2;
	_ =	strace s9  }
0x27: {  	s1 =	sld [smem:$0x3FA3]  }
0x28: {  	s2 =	sld [smem:$0x3FA4]  }
0x29: {  	s4 =	sld [smem:$0x3FA6]  }
0x2a: {  	p0 =	seq.s32 s5, $0x0;
	s5 =	sld [smem:$0x3FA7]  }
0x2b: {  	s6 =	sld [smem:$0x3FA8]  }
0x2c: {  	s7 =	sld [smem:$0x3FA9]  }
0x2d: {  	s3 =	simm.s32 $0x108;
	s8 =	sld [smem:$0x3FAA]  }
0x2e: {  	s3 =	simm.s32 @!p0 $0x1082;
	s9 =	sld [smem:$0x3FAB]  }
0x2f: {  	lr =	sadd.s32 s0, s3;
	s0 =	sld [smem:$0x3FA2]  }
0x30: {  	s3 =	sld [smem:$0x3FA5]  }
0x31: {  	[smem:$0x3FAE] =	sst s10  }
0x32: {  	s10 =	sld [smem:$0x3FAC];
	_ =	sdelay $0x3  }
0x33: {  	p0 =	seq.s32 s10, $0x1;
	s10 =	sld [smem:$0x3FAE];
	_ =	sdelay $0x3  }
0x34: {  	[smem:$0x3FAE] =	sst s10  }
0x35: {  	s10 =	sld [smem:$0x3FAD];
	_ =	sdelay $0x3  }
0x36: {  	p1 =	seq.s32 s10, $0x1;
	s10 =	sld [smem:$0x3FAE];
	_ =	sdelay $0x3  }
0x37: {  	[smem:$0x3FAE] =	sst s10  }
0x38: {  	s10 =	sld [smem:$0x3FAF]  }
0x39: {  	_ = 	snop;
	(pc) =	sbr.ind lr, $3  }
0x3a: {  	_ = 	snop  }
0x3b: {  	_ = 	snop  }
0x3c: {  	p2 =	seq.s32 s10, $0x1;
	s10 =	sld [smem:$0x3FAE]  }
0x3d: {  	_ =	shalt  }
0x3e: {  	_ =	shalt  }
0x3f: {  	_ =	shalt  }
0x40: {  	_ =	shalt  }
0x41: {  	_ =	shalt  }
0x42: {  	_ =	shalt  }
0x43: {  	_ =	shalt  }
0x44: {  	_ =	shalt  }
0x45: {  	_ =	shalt  }
0x46: {  	_ =	shalt  }
0x47: {  	_ =	shalt  }
0x48: {  	_ =	shalt  }
0x49: {  	_ =	shalt  }
0x4a: {  	_ =	shalt  }
0x4b: {  	_ =	shalt  }
0x4c: {  	_ =	shalt  }
0x4d: {  	_ =	shalt  }
0x4e: {  	_ =	shalt  }
0x4f: {  	_ =	shalt  }
0x50: {  	_ =	shalt  }
0x51: {  	_ =	shalt  }
0x52: {  	_ =	shalt  }
0x53: {  	_ =	shalt  }
0x54: {  	_ =	shalt  }
0x55: {  	_ =	shalt  }
0x56: {  	_ =	shalt  }
0x57: {  	_ =	shalt  }
0x58: {  	_ =	shalt  }
0x59: {  	_ =	shalt  }
0x5a: {  	_ =	shalt  }
0x5b: {  	_ =	shalt  }
0x5c: {  	_ =	shalt  }
0x5d: {  	_ =	shalt  }
0x5e: {  	_ =	shalt  }
0x5f: {  	_ =	shalt  }
0x60: {  	_ =	shalt  }
0x61: {  	_ =	shalt  }
0x62: {  	_ =	shalt  }
0x63: {  	_ =	shalt  }
0x64: {  	_ =	shalt  }
0x65: {  	_ =	shalt  }
0x66: {  	_ =	shalt  }
0x67: {  	_ =	shalt  }
0x68: {  	_ =	shalt  }
0x69: {  	_ =	shalt  }
0x6a: {  	_ =	shalt  }
0x6b: {  	_ =	shalt  }
0x6c: {  	_ =	shalt  }
0x6d: {  	_ =	shalt  }
0x6e: {  	_ =	shalt  }
0x6f: {  	_ =	shalt  }
0x70: {  	_ =	shalt  }
0x71: {  	_ =	shalt  }
0x72: {  	_ =	shalt  }
0x73: {  	_ =	shalt  }
0x74: {  	_ =	shalt  }
0x75: {  	_ =	shalt  }
0x76: {  	_ =	shalt  }
0x77: {  	_ =	shalt  }
0x78: {  	_ =	shalt  }
0x79: {  	_ =	shalt  }
0x7a: {  	_ =	shalt  }
0x7b: {  	_ =	shalt  }
0x7c: {  	_ =	shalt  }
0x7d: {  	_ =	shalt  }
0x7e: {  	_ =	shalt  }
0x7f: {  	_ =	shalt  }
0x80: {  	_ =	shalt  }
0x81: {  	_ =	shalt  }
0x82: {  	_ =	shalt  }
0x83: {  	_ =	shalt  }
0x84: {  	_ =	shalt  }
0x85: {  	_ =	shalt  }
0x86: {  	_ =	shalt  }
0x87: {  	_ =	shalt  }
.Lfunc_end0:
.L_simem_size_0:
called_computation.2_lowered:
.L_overlay_start_0:
0x88: {  	s2 =	sld [smem:$0x3FD9]  }
0x89: {  	s3 =	sld [smem:$0x3FFE];
	_ =	sdelay $0x1  }
0x8a: {  	s1 =	srdreg.scid  }
0x8b: {  	s0 =	sand.u32 $0x1, s1  }
0x8c: {  	s17 =	sshll.u32 s0, $0xA;
	s2 =	sadd.s32 s3, s2  }
0x8d: {  	s2 =	sadd.s32 s2, s17  }
0x8e: {  	[smem:$0x3FBA] =	sst s2  }
0x8f: {  	_ = 	snop  }
0x90: {  	s2 =	sld [smem:$0x3FD0];
	(tm) =	ssettm $0x1  }
0x91: {  	s18 =	sld [smem:$0x3FFB];
	_ =	sdelay $0x3  }
0x92: {  	_ =	strace s18  }
0x93: {  	s3 =	sld [smem:$0x3FFC];
	_ =	sdelay $0x3  }
0x94: {  	_ =	strace s3  }
0x95: {  	s3 =	sld [smem:$0x3FFD];
	_ =	sdelay $0x3  }
0x96: {  	_ =	strace s3  }
0x97: {  	_ =	strace $0x8FFFFFFF  }
0x98: {  	s19 =	sld [smem:$0x3FDB];
	_ =	sdelay $0x1  }
0x99: {  	s4 =	simm.s32 $_scs_section_size  }
0x9a: {  	s5 =	simm.s32 $_size__tile_overlayer_lowered;
	s6 =	simm.s32 $_tile_overlayer_lowered  }
0x9b: {  	s22 =	simm.s32 $0x1BFF;
	s21 =	sshll.u32 s6, $0x1;
	s3 =	sadd.s32 s4, s19  }
0x9c: {  	s7 =	simm.s32 $0x0;
	s20 =	sshll.u32 s5, $0x1;
	s5 =	sadd.s32 s21, s3  }
0x9d: {  	[timem:s7], [sflag:s22] =	dma.local [hbm:s5], s20  }
0x9e: {  	_ =	swait.ge [sflag:s22], s20  }
0x9f: {  	s4 =	ssub.s32 $0x0, s20;
	[sflag:s22] =	ssyncset.done $0x0  }
0xa0: {  	[sflag:s22] =	ssyncadd.s32 s4;
	_ =	sdelay $0x1  }
0xa1: {  	s23 =	simm.s32 $0x1B8B  }
0xa2: {  	_ =	swait.ge [sflag:s23], $0x1  }
0xa3: {  	[sflag:s23] =	ssyncset.done $0x0  }
0xa4: {  	s25 =	simm.s32 $0x1B8E;
	s24 =	sld [smem:$0x3FFE];
	[sflag:s23] =	ssyncadd.s32 $0xFFFFFFFF  }
0xa5: {  	s26 =	simm.s32 $execute0_lowered;
	[smem:$0x3FD2] =	sst s25  }
0xa6: {  	s5 =	sshll.u32 s26, $0x1;
	_ =	strace $0x8000004C;
	[dreg:$0x1] =	wrdreg $0xFFFFFFFF  }
0xa7: {  	s28 =	simm.s32 $_size_execute0_lowered;
	s3 =	sadd.s32 s3, s5;
	[dreg:$0x0] =	wrdreg $0x0  }
0xa8: {  	s5 =	sshll.u32 s28, $0x1;
	[dreg:$0x2] =	wrdreg s3  }
0xa9: {  	[dreg:$0x3] =	wrdreg s5  }
0xaa: {  	[dreg:$0x4] =	wrdreg $0xC0  }
0xab: {  	_ =	task [dreg:s7], $0x5FFFF  }
0xac: {  	[dreg:$0x1] =	wrdreg $0xFFFFFFFF  }
0xad: {  	[dreg:$0x0] =	wrdreg $0x60  }
0xae: {  	[dreg:$0x2] =	wrdreg s24  }
0xaf: {  	[dreg:$0x3] =	wrdreg s2  }
0xb0: {  	[dreg:$0x4] =	wrdreg $0xA5000  }
0xb1: {  	[dreg:$0x5] =	wrdreg $0x9  }
0xb2: {  	_ =	task.clear_ibuf [dreg:s7], $0x6FFFF;
	_ =	strace $0x9000004C  }
0xb3: {  	s29 =	simm.s32 $0x9;
	_ =	strace $0x8000004E  }
0xb4: {  	_ =	swait.ge [sflag:s29], $0x1  }
0xb5: {  	[sflag:s29] =	ssyncadd.s32 $0xFFFFFFFF  }
0xb6: {  	_ =	strace $0x9000004E  }
0xb7: {  	_ =	sfence  }
0xb8: {  	s30 =	sld [smem:$0x0];
	_ =	sdelay $0x2  }
0xb9: {  	s31 =	sshll.u32 s1, $0xD;
	s1 =	sshrl.u32 s1, $0x2  }
0xba: {  	s3 =	sand.u32 $0x4000, s31;
	s1 =	sadd.s32 s1, s30  }
0xbb: {  	s0 =	sor.u32 s3, s0;
	s1 =	sshll.u32 s1, $0x11  }
0xbc: {  	s0 =	sor.u32 s1, s0  }
0xbd: {  	s0 =	sadd.s32 $0x8F2B, s0  }
0xbe: {  	[sflag:s0] =	ssyncadd.remote.s32 $0x1  }
0xbf: {  	_ =	sfence.sel $0xFFFF  }
0xc0: {  	[dreg:$0x0] =	wrdreg $0xFFFFFFFF;
	(pc) =	sbr.abs _section_cstart, $3  }
0xc1: {  	[dreg:$0x1] =	wrdreg $0xFFFFFFFF  }
0xc2: {  	_ =	task.clear_ibuf [dreg:s7], $0x2FFFF;
	_ =	strace $0x9FFFFFFF  }
0xc3: {  	(tm) =	ssettm $0x7FFFFFFF  }
tec
execute0_lowered:
.L_overlay_start_1:
0x0: {  	(tag) =	ssettag $0x1  }
0x1: {  	s0 =	rddreg [dreg:$0x0]  }
0x2: {  	s1 =	rddreg [dreg:$0x1]  }
0x3: {  	s2 =	rddreg [dreg:$0x2];
	s3 =	srdreg.scid  }
0x4: {  	s4 =	simm.s32 $0x0;
	s10 =	stileid.u32;
	s15 =	simm.s32 $0x5  }
0x5: {  	s16 =	simm.s32 $0x1;
	s17 =	simm.s32 $0x80;
	s18 =	simm.s32 $0x500  }
0x6: {  	s19 =	simm.s32 $0x200;
	s20 =	simm.s32 $0x2;
	s28 =	simm.s32 $0x4  }
0x7: {  	s29 =	simm.s32 $0x0;
	s3 =	sand.u32 $0x1, s3;
	[smem:$0x7FF] =	sst s4  }
0x8: {  	s7 =	smul.u32 $0x14000, s10;
	s5 =	sadd.s32 $0x3E00, s0;
	s8 =	sshll.u32 s10, $0x1  }
0x9: {  	s22 =	smul.u32 $0x50000, s10;
	s23 =	sadd.s32 $0x2B000, s0;
	s30 =	sshll.u32 s10, $0x6  }
0xa: {  	s6 =	smul.u32 $0x140000, s3;
	_ =	strace $0x8000004D;
	s21 =	sor.u32 s3, s8  }
0xb: {  	s3 =	ssub.s32 $0x2, s3;
	[dreg:$0x4] =	wrdreg s23;
	s8 =	sor.u32 $0x1C05, s30  }
0xc: {  	s23 =	simm.s32 $0x40;
	s9 =	smul.u32 $0xA400, s21;
	s24 =	sshrl.u32 s3, $0x1  }
0xd: {  	s25 =	sshrl.u32 s22, $0x2;
	s21 =	simm.s32 $0x4500;
	s22 =	simm.s32 $0x3  }
0xe: {  	s6 =	sadd.s32 s7, s6;
	s3 =	ssub.s32 s3, s24;
	s24 =	simm.s32 $0x400  }
0xf: {  	s6 =	sshrl.u32 s6, $0x3;
	s26 =	sshrl.u32 s9, $0x3;
	s10 =	sadd.s32 $0x400, s9  }
0x10: {  	s11 =	sadd.s32 $0x600, s9;
	s13 =	smax.u32 s3, $0x1;
	s7 =	sadd.s32 s1, s26  }
0x11: {  	s0 =	sadd.s32 s6, s0;
	s6 =	sadd.s32 s25, s2;
	s31 =	sadd.s32 $0x40, s7  }
0x12: {  	s25 =	simm.s32 $0x8500;
	s0 =	sadd.s32 $0x2D800, s0;
	[dreg:$0x5] =	wrdreg s31  }
0x13: {  	s26 =	simm.s32 $0x480;
	s14 =	sshrl.u32 s6, $0x3;
	[dreg:$0x6] =	wrdreg s0  }
.LBB2_1:
0x14: {  	s0 =	rddreg [dreg:$0x4]  }
0x15: {  	[spmem:s14], [sflag:s8] =	dma.local [hbm:s0], $0x2800  }
0x16: {  	_ =	swait.ge [sflag:s15], $0x2800  }
0x17: {  	[sflag:s15] =	ssyncset.done $0x0  }
0x18: {  	[sflag:s15] =	ssyncadd.s32 $0xFFFFD800  }
0x19: {  	[bflag:$0x0] =	sbarrier.arrive $0xFFFF  }
0x1a: {  	[tilespmem:s4], [sflag:$0x1] =	stream.linear.gather [hbm4b:s7+s4], $0x180, $0x38;
	[tilespmem:$0x1E500] =	vst v63  }
0x1b: {  	_ =	swait.ge [sflag:s16], $0x180  }
0x1c: {  	[sflag:s16] =	ssyncset.done $0x0  }
0x1d: {  	[sflag:s16] =	ssyncadd.s32 $0xFFFFFE80  }
0x1e: {  	[tilespmem:s18], [sflag:$0x3] =	stream.indirect.gather [hbm4b:s5+s17], $0x80, s4, s17, $0xb8;
	[tilespmem:$0x1E500] =	vst v63  }
0x1f: {  	s30 =	simm.s32 $0x0;
	s31 =	rddreg [dreg:$0x5]  }
0x20: {  	[tilespmem:s19], [sflag:$0x2] =	stream.linear.gather [hbm4b:s31+s4], $0x180, $0x38;
	[tilespmem:$0x1E500] =	vst v63  }
.LBB2_2:
0x21: {  	_ =	swait.ge [sflag:s20], $0x180  }
0x22: {  	[sflag:s20] =	ssyncset.done $0x0  }
0x23: {  	[sflag:s20] =	ssyncadd.s32 $0xFFFFFE80  }
0x24: {  	[tilespmem:s21], [sflag:$0x4] =	stream.indirect.gather [hbm4b:s5+s17], $0x80, s19, s17, $0xb8;
	[tilespmem:$0x1E500] =	vst v63  }
0x25: {  	_ =	swait.ge [sflag:s22], $0x4000  }
0x26: {  	[sflag:s22] =	ssyncset.done $0x0  }
0x27: {  	s0 =	simm.s32 $0x0;
	[sflag:s22] =	ssyncadd.s32 $0xFFFFC000  }
0x28: {  	v1 =	vmov s0;
	v0 =	vld [tilespmem:$0x80]  }
0x29: {  	v1 =	vand.u32 $0x7E, v1;
	v2 =	vld [tilespmem:$0x90]  }
0x2a: {  	v1 =	vor.u32 $0x100, v1;
	v3 =	vld [tilespmem:$0xA0]  }
0x2b: {  	v1 =	vbroadcast v1, $0x0;
	v4 =	vld [tilespmem:$0xB0];
	_ =	sdelay $0x1  }
0x2c: {  	[tilespmem:$0x400] =	vst v0  }
0x2d: {  	[tilespmem:$0x410] =	vst v2  }
0x2e: {  	[tilespmem:$0x420] =	vst v3  }
0x2f: {  	[tilespmem:$0x430] =	vst v4  }
0x30: {  	s0 =	simm.s32 $0x580;
	v0 =	vld.idx.msk [tilespmem:v1+s4+$0x0], $0xffff  }
0x31: {  	v1 =	vld [tilespmem:s0+$0xFFFFFF80];
	_ =	sdelay $0x4  }
0x32: {  	v1 =	vmul.f32 v0, v1  }
0x33: {  	s3 =	simm.s32 $0x8580  }
0x34: {  	[tilespmem:s3+$0xFFFFFF80] =	vst v1  }
0x35: {  	v1 =	vld [tilespmem:s0+$0xFFFFFF90];
	_ =	sdelay $0x4  }
0x36: {  	v1 =	vmul.f32 v0, v1;
	_ =	sdelay $0x1  }
0x37: {  	[tilespmem:s3+$0xFFFFFF90] =	vst v1  }
0x38: {  	v1 =	vld [tilespmem:s0+$0xFFFFFFA0];
	_ =	sdelay $0x4  }
0x39: {  	v1 =	vmul.f32 v0, v1;
	_ =	sdelay $0x1  }
0x3a: {  	[tilespmem:s3+$0xFFFFFFA0] =	vst v1  }
0x3b: {  	v1 =	vld [tilespmem:s0+$0xFFFFFFB0];
	_ =	sdelay $0x4  }
0x3c: {  	v1 =	vmul.f32 v0, v1;
	_ =	sdelay $0x1  }
0x3d: {  	[tilespmem:s3+$0xFFFFFFB0] =	vst v1  }
0x3e: {  	v1 =	vld [tilespmem:s0+$0xFFFFFFC0];
	_ =	sdelay $0x4  }
0x3f: {  	v1 =	vmul.f32 v0, v1;
	_ =	sdelay $0x1  }
0x40: {  	[tilespmem:s3+$0xFFFFFFC0] =	vst v1  }
0x41: {  	v1 =	vld [tilespmem:s0+$0xFFFFFFD0];
	_ =	sdelay $0x4  }
0x42: {  	v1 =	vmul.f32 v0, v1;
	_ =	sdelay $0x1  }
0x43: {  	[tilespmem:s3+$0xFFFFFFD0] =	vst v1  }
0x44: {  	v1 =	vld [tilespmem:s0+$0xFFFFFFE0];
	_ =	sdelay $0x4  }
0x45: {  	v1 =	vmul.f32 v0, v1  }
0x46: {  	s6 =	simm.s32 $0x1  }
0x47: {  	[tilespmem:s3+$0xFFFFFFE0] =	vst v1;
	v1 =	vmov s6  }
0x48: {  	v2 =	vld [tilespmem:s0+$0xFFFFFFF0];
	v1 =	vand.u32 $0x7F, v1  }
0x49: {  	v1 =	vor.u32 $0x100, v1  }
0x4a: {  	v1 =	vbroadcast v1, $0x0;
	_ =	sdelay $0x2  }
0x4b: {  	v0 =	vmul.f32 v0, v2;
	_ =	sdelay $0x1  }
0x4c: {  	[tilespmem:s3+$0xFFFFFFF0] =	vst v0  }
0x4d: {  	v0 =	vld.idx.msk [tilespmem:v1+s4+$0x0], $0xffff  }
0x4e: {  	v1 =	vld [tilespmem:s0+$0x0];
	_ =	sdelay $0x4  }
0x4f: {  	v1 =	vmul.f32 v0, v1;
	_ =	sdelay $0x1  }
0x50: {  	[tilespmem:s3+$0x0] =	vst v1  }
0x51: {  	v1 =	vld [tilespmem:s0+$0x10];
	_ =	sdelay $0x4  }
0x52: {  	v1 =	vmul.f32 v0, v1;
	_ =	sdelay $0x1  }
0x53: {  	[tilespmem:s3+$0x10] =	vst v1  }
0x54: {  	v1 =	vld [tilespmem:s0+$0x20];
	_ =	sdelay $0x4  }
0x55: {  	v1 =	vmul.f32 v0, v1;
	_ =	sdelay $0x1  }
0x56: {  	[tilespmem:s3+$0x20] =	vst v1  }
0x57: {  	v1 =	vld [tilespmem:s0+$0x30];
	_ =	sdelay $0x4  }
0x58: {  	v1 =	vmul.f32 v0, v1;
	_ =	sdelay $0x1  }
0x59: {  	[tilespmem:s3+$0x30] =	vst v1  }
0x5a: {  	v1 =	vld [tilespmem:s0+$0x40];
	_ =	sdelay $0x4  }
0x5b: {  	v1 =	vmul.f32 v0, v1;
	_ =	sdelay $0x1  }
0x5c: {  	[tilespmem:s3+$0x40] =	vst v1  }
0x5d: {  	v1 =	vld [tilespmem:s0+$0x50];
	_ =	sdelay $0x4  }
0x5e: {  	v1 =	vmul.f32 v0, v1;
	_ =	sdelay $0x1  }
0x5f: {  	[tilespmem:s3+$0x50] =	vst v1  }
0x60: {  	v1 =	vld [tilespmem:s0+$0x60];
	_ =	sdelay $0x4  }
0x61: {  	v2 =	vmul.f32 v0, v1  }
0x62: {  	s6 =	simm.s32 $0x2  }
0x63: {  	s31 =	simm.s32 $0x4;
	v1 =	vmov s6;
	[tilespmem:s3+$0x60] =	vst v2  }
.LBB2_3:
0x64: {  	p0 =	sne.s32 s31, $0x3E;
	v1 =	vand.u32 $0x7E, v1;
	v2 =	vld [tilespmem:s0+$0x70]  }
0x65: {  	v1 =	vor.u32 $0x100, v1  }
0x66: {  	v1 =	vbroadcast v1, $0x0;
	_ =	sdelay $0x2  }
0x67: {  	v0 =	vmul.f32 v0, v2;
	_ =	sdelay $0x1  }
0x68: {  	[tilespmem:s3+$0x70] =	vst v0  }
0x69: {  	s0 =	sadd.s32 $0x100, s0;
	v0 =	vld.idx.msk [tilespmem:v1+s4+$0x0], $0xffff  }
0x6a: {  	v1 =	vld [tilespmem:s0+$0xFFFFFF80];
	_ =	sdelay $0x4  }
0x6b: {  	v1 =	vmul.f32 v0, v1  }
0x6c: {  	s3 =	sadd.s32 $0x100, s3  }
0x6d: {  	[tilespmem:s3+$0xFFFFFF80] =	vst v1  }
0x6e: {  	v1 =	vld [tilespmem:s0+$0xFFFFFF90];
	_ =	sdelay $0x4  }
0x6f: {  	v1 =	vmul.f32 v0, v1;
	_ =	sdelay $0x1  }
0x70: {  	[tilespmem:s3+$0xFFFFFF90] =	vst v1  }
0x71: {  	v1 =	vld [tilespmem:s0+$0xFFFFFFA0];
	_ =	sdelay $0x4  }
0x72: {  	v1 =	vmul.f32 v0, v1;
	_ =	sdelay $0x1  }
0x73: {  	[tilespmem:s3+$0xFFFFFFA0] =	vst v1  }
0x74: {  	v1 =	vld [tilespmem:s0+$0xFFFFFFB0];
	_ =	sdelay $0x4  }
0x75: {  	v1 =	vmul.f32 v0, v1;
	_ =	sdelay $0x1  }
0x76: {  	[tilespmem:s3+$0xFFFFFFB0] =	vst v1  }
0x77: {  	v1 =	vld [tilespmem:s0+$0xFFFFFFC0];
	_ =	sdelay $0x4  }
0x78: {  	v1 =	vmul.f32 v0, v1;
	_ =	sdelay $0x1  }
0x79: {  	[tilespmem:s3+$0xFFFFFFC0] =	vst v1  }
0x7a: {  	v1 =	vld [tilespmem:s0+$0xFFFFFFD0];
	_ =	sdelay $0x4  }
0x7b: {  	v1 =	vmul.f32 v0, v1;
	_ =	sdelay $0x1  }
0x7c: {  	[tilespmem:s3+$0xFFFFFFD0] =	vst v1  }
0x7d: {  	v1 =	vld [tilespmem:s0+$0xFFFFFFE0];
	_ =	sdelay $0x4  }
0x7e: {  	v1 =	vmul.f32 v0, v1  }
0x7f: {  	s9 =	sadd.s32 $0x1, s6;
	s6 =	smov.u32 s31  }
0x80: {  	[tilespmem:s3+$0xFFFFFFE0] =	vst v1;
	v1 =	vmov s9  }
0x81: {  	v2 =	vld [tilespmem:s0+$0xFFFFFFF0];
	v1 =	vand.u32 $0x7F, v1  }
0x82: {  	v1 =	vor.u32 $0x100, v1  }
0x83: {  	v1 =	vbroadcast v1, $0x0;
	_ =	sdelay $0x2  }
0x84: {  	v0 =	vmul.f32 v0, v2;
	_ =	sdelay $0x1  }
0x85: {  	[tilespmem:s3+$0xFFFFFFF0] =	vst v0  }
0x86: {  	v0 =	vld.idx.msk [tilespmem:v1+s4+$0x0], $0xffff  }
0x87: {  	v1 =	vld [tilespmem:s0+$0x0];
	_ =	sdelay $0x4  }
0x88: {  	v1 =	vmul.f32 v0, v1;
	_ =	sdelay $0x1  }
0x89: {  	[tilespmem:s3+$0x0] =	vst v1  }
0x8a: {  	v1 =	vld [tilespmem:s0+$0x10];
	_ =	sdelay $0x4  }
0x8b: {  	v1 =	vmul.f32 v0, v1;
	_ =	sdelay $0x1  }
0x8c: {  	[tilespmem:s3+$0x10] =	vst v1  }
0x8d: {  	v1 =	vld [tilespmem:s0+$0x20];
	_ =	sdelay $0x4  }
0x8e: {  	v1 =	vmul.f32 v0, v1;
	_ =	sdelay $0x1  }
0x8f: {  	[tilespmem:s3+$0x20] =	vst v1  }
0x90: {  	v1 =	vld [tilespmem:s0+$0x30];
	_ =	sdelay $0x4  }
0x91: {  	v1 =	vmul.f32 v0, v1;
	_ =	sdelay $0x1  }
0x92: {  	[tilespmem:s3+$0x30] =	vst v1  }
0x93: {  	v1 =	vld [tilespmem:s0+$0x40];
	_ =	sdelay $0x4  }
0x94: {  	v1 =	vmul.f32 v0, v1;
	_ =	sdelay $0x1  }
0x95: {  	[tilespmem:s3+$0x40] =	vst v1  }
0x96: {  	v1 =	vld [tilespmem:s0+$0x50];
	_ =	sdelay $0x4  }
0x97: {  	v1 =	vmul.f32 v0, v1;
	_ =	sdelay $0x1  }
0x98: {  	[tilespmem:s3+$0x50] =	vst v1  }
0x99: {  	v1 =	vld [tilespmem:s0+$0x60];
	_ =	sdelay $0x2  }
.Ltmp0:
0x9a: {  	(pc) =	sbr.rel @p0 .LBB2_3-.Ltmp0, $3  }
0x9b: {  	_ = 	snop  }
0x9c: {  	v2 =	vmul.f32 v0, v1;
	_ =	sdelay $0x1  }
0x9d: {  	s31 =	sadd.s32 $0x2, s31;
	v1 =	vmov s6;
	[tilespmem:s3+$0x60] =	vst v2  }
0x9e: {  	v1 =	vand.u32 $0x7E, v1;
	v2 =	vld [tilespmem:s0+$0x70]  }
0x9f: {  	v1 =	vor.u32 $0x100, v1  }
0xa0: {  	v1 =	vbroadcast v1, $0x0;
	_ =	sdelay $0x2  }
0xa1: {  	v0 =	vmul.f32 v0, v2;
	_ =	sdelay $0x1  }
0xa2: {  	[tilespmem:s3+$0x70] =	vst v0  }
0xa3: {  	s9 =	sadd.s32 $0x100, s0;
	v0 =	vld.idx.msk [tilespmem:v1+s4+$0x0], $0xffff  }
0xa4: {  	v1 =	vld [tilespmem:s9+$0xFFFFFF80];
	_ =	sdelay $0x4  }
0xa5: {  	v1 =	vmul.f32 v0, v1  }
0xa6: {  	s12 =	sadd.s32 $0x100, s3  }
0xa7: {  	[tilespmem:s12+$0xFFFFFF80] =	vst v1  }
0xa8: {  	v1 =	vld [tilespmem:s9+$0xFFFFFF90];
	_ =	sdelay $0x4  }
0xa9: {  	v1 =	vmul.f32 v0, v1;
	_ =	sdelay $0x1  }
0xaa: {  	[tilespmem:s12+$0xFFFFFF90] =	vst v1  }
0xab: {  	v1 =	vld [tilespmem:s9+$0xFFFFFFA0];
	_ =	sdelay $0x4  }
0xac: {  	v1 =	vmul.f32 v0, v1;
	_ =	sdelay $0x1  }
0xad: {  	[tilespmem:s12+$0xFFFFFFA0] =	vst v1  }
0xae: {  	v1 =	vld [tilespmem:s9+$0xFFFFFFB0];
	_ =	sdelay $0x4  }
0xaf: {  	v1 =	vmul.f32 v0, v1;
	_ =	sdelay $0x1  }
0xb0: {  	[tilespmem:s12+$0xFFFFFFB0] =	vst v1  }
0xb1: {  	v1 =	vld [tilespmem:s9+$0xFFFFFFC0];
	_ =	sdelay $0x4  }
0xb2: {  	v1 =	vmul.f32 v0, v1;
	_ =	sdelay $0x1  }
0xb3: {  	[tilespmem:s12+$0xFFFFFFC0] =	vst v1  }
0xb4: {  	v1 =	vld [tilespmem:s9+$0xFFFFFFD0];
	_ =	sdelay $0x4  }
0xb5: {  	v1 =	vmul.f32 v0, v1;
	_ =	sdelay $0x1  }
0xb6: {  	[tilespmem:s12+$0xFFFFFFD0] =	vst v1  }
0xb7: {  	v1 =	vld [tilespmem:s9+$0xFFFFFFE0];
	_ =	sdelay $0x4  }
0xb8: {  	v1 =	vmul.f32 v0, v1  }
0xb9: {  	s6 =	sadd.s32 $0x1, s6  }
0xba: {  	[tilespmem:s12+$0xFFFFFFE0] =	vst v1;
	v1 =	vmov s6  }
0xbb: {  	v2 =	vld [tilespmem:s9+$0xFFFFFFF0];
	v1 =	vand.u32 $0x7F, v1  }
0xbc: {  	v1 =	vor.u32 $0x100, v1  }
0xbd: {  	v1 =	vbroadcast v1, $0x0;
	_ =	sdelay $0x2  }
0xbe: {  	v0 =	vmul.f32 v0, v2;
	_ =	sdelay $0x1  }
0xbf: {  	[tilespmem:s12+$0xFFFFFFF0] =	vst v0  }
0xc0: {  	v0 =	vld.idx.msk [tilespmem:v1+s4+$0x0], $0xffff  }
0xc1: {  	v1 =	vld [tilespmem:s9+$0x0];
	_ =	sdelay $0x4  }
0xc2: {  	v1 =	vmul.f32 v0, v1;
	_ =	sdelay $0x1  }
0xc3: {  	[tilespmem:s12+$0x0] =	vst v1  }
0xc4: {  	v1 =	vld [tilespmem:s9+$0x10];
	_ =	sdelay $0x4  }
0xc5: {  	v1 =	vmul.f32 v0, v1;
	_ =	sdelay $0x1  }
0xc6: {  	[tilespmem:s12+$0x10] =	vst v1  }
0xc7: {  	v1 =	vld [tilespmem:s9+$0x20];
	_ =	sdelay $0x4  }
0xc8: {  	v1 =	vmul.f32 v0, v1;
	_ =	sdelay $0x1  }
0xc9: {  	[tilespmem:s12+$0x20] =	vst v1  }
0xca: {  	v1 =	vld [tilespmem:s9+$0x30];
	_ =	sdelay $0x4  }
0xcb: {  	v1 =	vmul.f32 v0, v1;
	_ =	sdelay $0x1  }
0xcc: {  	[tilespmem:s12+$0x30] =	vst v1  }
0xcd: {  	v1 =	vld [tilespmem:s9+$0x40];
	_ =	sdelay $0x4  }
0xce: {  	v1 =	vmul.f32 v0, v1;
	_ =	sdelay $0x1  }
0xcf: {  	[tilespmem:s12+$0x40] =	vst v1  }
0xd0: {  	v1 =	vld [tilespmem:s9+$0x50];
	_ =	sdelay $0x4  }
0xd1: {  	v1 =	vmul.f32 v0, v1;
	_ =	sdelay $0x1  }
0xd2: {  	[tilespmem:s12+$0x50] =	vst v1  }
0xd3: {  	v1 =	vld [tilespmem:s9+$0x60];
	_ =	sdelay $0x4  }
0xd4: {  	v1 =	vmul.f32 v0, v1;
	_ =	sdelay $0x1  }
0xd5: {  	[tilespmem:s12+$0x60] =	vst v1  }
0xd6: {  	v1 =	vld [tilespmem:s9+$0x70];
	_ =	sdelay $0x4  }
0xd7: {  	v0 =	vmul.f32 v0, v1;
	_ =	sdelay $0x1  }
0xd8: {  	[tilespmem:s12+$0x70] =	vst v0  }
0xd9: {  	[spmem:s2] =	stream.indirect.scatter.add.f32 [tilespmem:s25], [sflag:$0x5], $0x80, s24, s23, $0xb8;
	[tilespmem:$0x1E500] =	vst v63  }
0xda: {  	_ =	swait.ge [sflag:s15], $0x2000  }
0xdb: {  	[sflag:s15] =	ssyncset.done $0x0  }
0xdc: {  	s9 =	simm.s32 $0x40;
	[sflag:s15] =	ssyncadd.s32 $0xFFFFE000  }
0xdd: {  	v1 =	vmov s9;
	v0 =	vld [tilespmem:$0xC0]  }
0xde: {  	v1 =	vand.u32 $0x7E, v1;
	v2 =	vld [tilespmem:$0xD0]  }
0xdf: {  	v1 =	vor.u32 $0x100, v1;
	v3 =	vld [tilespmem:$0xE0]  }
0xe0: {  	v1 =	vbroadcast v1, $0x0;
	v4 =	vld [tilespmem:$0xF0];
	_ =	sdelay $0x1  }
0xe1: {  	[tilespmem:$0x480] =	vst v0  }
0xe2: {  	[tilespmem:$0x490] =	vst v2  }
0xe3: {  	[tilespmem:$0x4A0] =	vst v3  }
0xe4: {  	[tilespmem:$0x4B0] =	vst v4  }
0xe5: {  	s31 =	simm.s32 $0x25F0;
	v0 =	vld.idx.msk [tilespmem:v1+s4+$0x0], $0xffff  }
0xe6: {  	v1 =	vld [tilespmem:s31+$0xFFFFFF10];
	_ =	sdelay $0x4  }
0xe7: {  	v1 =	vmul.f32 v0, v1  }
0xe8: {  	s0 =	simm.s32 $0x8580  }
0xe9: {  	[tilespmem:s0+$0xFFFFFF80] =	vst v1  }
0xea: {  	v1 =	vld [tilespmem:s31+$0xFFFFFF20];
	_ =	sdelay $0x4  }
0xeb: {  	v1 =	vmul.f32 v0, v1;
	_ =	sdelay $0x1  }
0xec: {  	[tilespmem:s0+$0xFFFFFF90] =	vst v1  }
0xed: {  	v1 =	vld [tilespmem:s31+$0xFFFFFF30];
	_ =	sdelay $0x4  }
0xee: {  	v1 =	vmul.f32 v0, v1;
	_ =	sdelay $0x1  }
0xef: {  	[tilespmem:s0+$0xFFFFFFA0] =	vst v1  }
0xf0: {  	v1 =	vld [tilespmem:s31+$0xFFFFFF40];
	_ =	sdelay $0x4  }
0xf1: {  	v1 =	vmul.f32 v0, v1;
	_ =	sdelay $0x1  }
0xf2: {  	[tilespmem:s0+$0xFFFFFFB0] =	vst v1  }
0xf3: {  	v1 =	vld [tilespmem:s31+$0xFFFFFF50];
	_ =	sdelay $0x4  }
0xf4: {  	v1 =	vmul.f32 v0, v1;
	_ =	sdelay $0x1  }
0xf5: {  	[tilespmem:s0+$0xFFFFFFC0] =	vst v1  }
0xf6: {  	v1 =	vld [tilespmem:s31+$0xFFFFFF60];
	_ =	sdelay $0x4  }
0xf7: {  	v1 =	vmul.f32 v0, v1;
	_ =	sdelay $0x1  }
0xf8: {  	[tilespmem:s0+$0xFFFFFFD0] =	vst v1  }
0xf9: {  	v1 =	vld [tilespmem:s31+$0xFFFFFF70];
	_ =	sdelay $0x4  }
0xfa: {  	v1 =	vmul.f32 v0, v1  }
0xfb: {  	s12 =	simm.s32 $0x41  }
0xfc: {  	[tilespmem:s0+$0xFFFFFFE0] =	vst v1;
	v1 =	vmov s12  }
0xfd: {  	v2 =	vld [tilespmem:s31+$0xFFFFFF80];
	v1 =	vand.u32 $0x7F, v1  }
0xfe: {  	v1 =	vor.u32 $0x100, v1  }
0xff: {  	v1 =	vbroadcast v1, $0x0;
	_ =	sdelay $0x2  }
0x100: {  	v0 =	vmul.f32 v0, v2;
	_ =	sdelay $0x1  }
0x101: {  	[tilespmem:s0+$0xFFFFFFF0] =	vst v0  }
0x102: {  	v0 =	vld.idx.msk [tilespmem:v1+s4+$0x0], $0xffff  }
0x103: {  	v1 =	vld [tilespmem:s31+$0xFFFFFF90];
	_ =	sdelay $0x4  }
0x104: {  	v1 =	vmul.f32 v0, v1;
	_ =	sdelay $0x1  }
0x105: {  	[tilespmem:s0+$0x0] =	vst v1  }
0x106: {  	v1 =	vld [tilespmem:s31+$0xFFFFFFA0];
	_ =	sdelay $0x4  }
0x107: {  	v1 =	vmul.f32 v0, v1;
	_ =	sdelay $0x1  }
0x108: {  	[tilespmem:s0+$0x10] =	vst v1  }
0x109: {  	v1 =	vld [tilespmem:s31+$0xFFFFFFB0];
	_ =	sdelay $0x4  }
0x10a: {  	v1 =	vmul.f32 v0, v1;
	_ =	sdelay $0x1  }
0x10b: {  	[tilespmem:s0+$0x20] =	vst v1  }
0x10c: {  	v1 =	vld [tilespmem:s31+$0xFFFFFFC0];
	_ =	sdelay $0x4  }
0x10d: {  	v1 =	vmul.f32 v0, v1;
	_ =	sdelay $0x1  }
0x10e: {  	[tilespmem:s0+$0x30] =	vst v1  }
0x10f: {  	v1 =	vld [tilespmem:s31+$0xFFFFFFD0];
	_ =	sdelay $0x4  }
0x110: {  	v1 =	vmul.f32 v0, v1;
	_ =	sdelay $0x1  }
0x111: {  	[tilespmem:s0+$0x40] =	vst v1  }
0x112: {  	v1 =	vld [tilespmem:s31+$0xFFFFFFE0];
	_ =	sdelay $0x4  }
0x113: {  	v1 =	vmul.f32 v0, v1;
	_ =	sdelay $0x1  }
0x114: {  	[tilespmem:s0+$0x50] =	vst v1  }
0x115: {  	v1 =	vld [tilespmem:s31+$0xFFFFFFF0];
	_ =	sdelay $0x4  }
0x116: {  	v1 =	vmul.f32 v0, v1  }
0x117: {  	s3 =	simm.s32 $0x43;
	s6 =	simm.s32 $0x45;
	s9 =	simm.s32 $0x42  }
.LBB2_5:
0x118: {  	p0 =	sne.s32 s6, $0x7F;
	v2 =	vmov s9;
	[tilespmem:s0+$0x60] =	vst v1  }
0x119: {  	v1 =	vand.u32 $0x7E, v2;
	v2 =	vld [tilespmem:s31+$0x0]  }
0x11a: {  	v1 =	vor.u32 $0x100, v1  }
0x11b: {  	v1 =	vbroadcast v1, $0x0;
	_ =	sdelay $0x2  }
0x11c: {  	v0 =	vmul.f32 v0, v2;
	_ =	sdelay $0x1  }
0x11d: {  	[tilespmem:s0+$0x70] =	vst v0  }
0x11e: {  	s31 =	sadd.s32 $0x100, s31;
	v0 =	vld.idx.msk [tilespmem:v1+s4+$0x0], $0xffff  }
0x11f: {  	v1 =	vld [tilespmem:s31+$0xFFFFFF10];
	_ =	sdelay $0x4  }
0x120: {  	v1 =	vmul.f32 v0, v1  }
0x121: {  	s0 =	sadd.s32 $0x100, s0  }
0x122: {  	[tilespmem:s0+$0xFFFFFF80] =	vst v1  }
0x123: {  	v1 =	vld [tilespmem:s31+$0xFFFFFF20];
	_ =	sdelay $0x4  }
0x124: {  	v1 =	vmul.f32 v0, v1;
	_ =	sdelay $0x1  }
0x125: {  	[tilespmem:s0+$0xFFFFFF90] =	vst v1  }
0x126: {  	v1 =	vld [tilespmem:s31+$0xFFFFFF30];
	_ =	sdelay $0x4  }
0x127: {  	v1 =	vmul.f32 v0, v1;
	_ =	sdelay $0x1  }
0x128: {  	[tilespmem:s0+$0xFFFFFFA0] =	vst v1  }
0x129: {  	v1 =	vld [tilespmem:s31+$0xFFFFFF40];
	_ =	sdelay $0x4  }
0x12a: {  	v1 =	vmul.f32 v0, v1;
	_ =	sdelay $0x1  }
0x12b: {  	[tilespmem:s0+$0xFFFFFFB0] =	vst v1  }
0x12c: {  	v1 =	vld [tilespmem:s31+$0xFFFFFF50];
	_ =	sdelay $0x4  }
0x12d: {  	v1 =	vmul.f32 v0, v1;
	_ =	sdelay $0x1  }
0x12e: {  	[tilespmem:s0+$0xFFFFFFC0] =	vst v1  }
0x12f: {  	v1 =	vld [tilespmem:s31+$0xFFFFFF60];
	_ =	sdelay $0x4  }
0x130: {  	v1 =	vmul.f32 v0, v1;
	_ =	sdelay $0x1  }
0x131: {  	[tilespmem:s0+$0xFFFFFFD0] =	vst v1  }
0x132: {  	v1 =	vld [tilespmem:s31+$0xFFFFFF70];
	_ =	sdelay $0x4  }
0x133: {  	v1 =	vmul.f32 v0, v1;
	_ =	sdelay $0x1  }
0x134: {  	[tilespmem:s0+$0xFFFFFFE0] =	vst v1;
	v1 =	vmov s3;
	s3 =	smov.u32 s6  }
0x135: {  	v2 =	vld [tilespmem:s31+$0xFFFFFF80];
	v1 =	vand.u32 $0x7F, v1  }
0x136: {  	v1 =	vor.u32 $0x100, v1  }
0x137: {  	v1 =	vbroadcast v1, $0x0;
	_ =	sdelay $0x2  }
0x138: {  	v0 =	vmul.f32 v0, v2;
	_ =	sdelay $0x1  }
0x139: {  	[tilespmem:s0+$0xFFFFFFF0] =	vst v0  }
0x13a: {  	v0 =	vld.idx.msk [tilespmem:v1+s4+$0x0], $0xffff  }
0x13b: {  	v1 =	vld [tilespmem:s31+$0xFFFFFF90];
	_ =	sdelay $0x4  }
0x13c: {  	v1 =	vmul.f32 v0, v1;
	_ =	sdelay $0x1  }
0x13d: {  	[tilespmem:s0+$0x0] =	vst v1  }
0x13e: {  	v1 =	vld [tilespmem:s31+$0xFFFFFFA0];
	_ =	sdelay $0x4  }
0x13f: {  	v1 =	vmul.f32 v0, v1;
	_ =	sdelay $0x1  }
0x140: {  	[tilespmem:s0+$0x10] =	vst v1  }
0x141: {  	v1 =	vld [tilespmem:s31+$0xFFFFFFB0];
	_ =	sdelay $0x4  }
0x142: {  	v1 =	vmul.f32 v0, v1;
	_ =	sdelay $0x1  }
0x143: {  	[tilespmem:s0+$0x20] =	vst v1  }
0x144: {  	v1 =	vld [tilespmem:s31+$0xFFFFFFC0];
	_ =	sdelay $0x4  }
0x145: {  	v1 =	vmul.f32 v0, v1;
	_ =	sdelay $0x1  }
0x146: {  	[tilespmem:s0+$0x30] =	vst v1  }
0x147: {  	v1 =	vld [tilespmem:s31+$0xFFFFFFD0];
	_ =	sdelay $0x4  }
0x148: {  	v1 =	vmul.f32 v0, v1;
	_ =	sdelay $0x1  }
0x149: {  	[tilespmem:s0+$0x40] =	vst v1  }
0x14a: {  	v1 =	vld [tilespmem:s31+$0xFFFFFFE0];
	_ =	sdelay $0x4  }
0x14b: {  	v1 =	vmul.f32 v0, v1;
	_ =	sdelay $0x1  }
0x14c: {  	[tilespmem:s0+$0x50] =	vst v1  }
0x14d: {  	v1 =	vld [tilespmem:s31+$0xFFFFFFF0];
	_ =	sdelay $0x1  }
.Ltmp1:
0x14e: {  	(pc) =	sbr.rel @p0 .LBB2_5-.Ltmp1, $3  }
0x14f: {  	_ =	sdelay $0x1  }
0x150: {  	v1 =	vmul.f32 v0, v1  }
0x151: {  	s6 =	sadd.s32 $0x2, s6;
	s9 =	sadd.s32 $0xFFFFFFFF, s3  }
0x152: {  	v2 =	vmov s9;
	[tilespmem:s0+$0x60] =	vst v1  }
0x153: {  	v1 =	vand.u32 $0x7E, v2;
	v2 =	vld [tilespmem:s31+$0x0]  }
0x154: {  	v1 =	vor.u32 $0x100, v1  }
0x155: {  	v1 =	vbroadcast v1, $0x0;
	_ =	sdelay $0x2  }
0x156: {  	v0 =	vmul.f32 v0, v2;
	_ =	sdelay $0x1  }
0x157: {  	[tilespmem:s0+$0x70] =	vst v0  }
0x158: {  	s6 =	sadd.s32 $0x100, s31;
	v0 =	vld.idx.msk [tilespmem:v1+s4+$0x0], $0xffff  }
0x159: {  	v1 =	vld [tilespmem:s6+$0xFFFFFF10];
	_ =	sdelay $0x4  }
0x15a: {  	v1 =	vmul.f32 v0, v1  }
0x15b: {  	s12 =	sadd.s32 $0x100, s0  }
0x15c: {  	[tilespmem:s12+$0xFFFFFF80] =	vst v1  }
0x15d: {  	v1 =	vld [tilespmem:s6+$0xFFFFFF20];
	_ =	sdelay $0x4  }
0x15e: {  	v1 =	vmul.f32 v0, v1;
	_ =	sdelay $0x1  }
0x15f: {  	[tilespmem:s12+$0xFFFFFF90] =	vst v1  }
0x160: {  	v1 =	vld [tilespmem:s6+$0xFFFFFF30];
	_ =	sdelay $0x4  }
0x161: {  	v1 =	vmul.f32 v0, v1;
	_ =	sdelay $0x1  }
0x162: {  	[tilespmem:s12+$0xFFFFFFA0] =	vst v1  }
0x163: {  	v1 =	vld [tilespmem:s6+$0xFFFFFF40];
	_ =	sdelay $0x4  }
0x164: {  	v1 =	vmul.f32 v0, v1;
	_ =	sdelay $0x1  }
0x165: {  	[tilespmem:s12+$0xFFFFFFB0] =	vst v1  }
0x166: {  	v1 =	vld [tilespmem:s6+$0xFFFFFF50];
	_ =	sdelay $0x4  }
0x167: {  	v1 =	vmul.f32 v0, v1;
	_ =	sdelay $0x1  }
0x168: {  	[tilespmem:s12+$0xFFFFFFC0] =	vst v1  }
0x169: {  	v1 =	vld [tilespmem:s6+$0xFFFFFF60];
	_ =	sdelay $0x4  }
0x16a: {  	v1 =	vmul.f32 v0, v1;
	_ =	sdelay $0x1  }
0x16b: {  	[tilespmem:s12+$0xFFFFFFD0] =	vst v1  }
0x16c: {  	v1 =	vld [tilespmem:s6+$0xFFFFFF70];
	_ =	sdelay $0x4  }
0x16d: {  	v1 =	vmul.f32 v0, v1;
	_ =	sdelay $0x1  }
0x16e: {  	[tilespmem:s12+$0xFFFFFFE0] =	vst v1;
	v1 =	vmov s3  }
0x16f: {  	v2 =	vld [tilespmem:s6+$0xFFFFFF80];
	v1 =	vand.u32 $0x7F, v1  }
0x170: {  	v1 =	vor.u32 $0x100, v1  }
0x171: {  	v1 =	vbroadcast v1, $0x0;
	_ =	sdelay $0x2  }
0x172: {  	v0 =	vmul.f32 v0, v2;
	_ =	sdelay $0x1  }
0x173: {  	[tilespmem:s12+$0xFFFFFFF0] =	vst v0  }
0x174: {  	v0 =	vld.idx.msk [tilespmem:v1+s4+$0x0], $0xffff  }
0x175: {  	v1 =	vld [tilespmem:s6+$0xFFFFFF90];
	_ =	sdelay $0x4  }
0x176: {  	v1 =	vmul.f32 v0, v1;
	_ =	sdelay $0x1  }
0x177: {  	[tilespmem:s12+$0x0] =	vst v1  }
0x178: {  	v1 =	vld [tilespmem:s6+$0xFFFFFFA0];
	_ =	sdelay $0x4  }
0x179: {  	v1 =	vmul.f32 v0, v1;
	_ =	sdelay $0x1  }
0x17a: {  	[tilespmem:s12+$0x10] =	vst v1  }
0x17b: {  	v1 =	vld [tilespmem:s6+$0xFFFFFFB0];
	_ =	sdelay $0x4  }
0x17c: {  	v1 =	vmul.f32 v0, v1;
	_ =	sdelay $0x1  }
0x17d: {  	[tilespmem:s12+$0x20] =	vst v1  }
0x17e: {  	v1 =	vld [tilespmem:s6+$0xFFFFFFC0];
	_ =	sdelay $0x4  }
0x17f: {  	v1 =	vmul.f32 v0, v1;
	_ =	sdelay $0x1  }
0x180: {  	[tilespmem:s12+$0x30] =	vst v1  }
0x181: {  	v1 =	vld [tilespmem:s6+$0xFFFFFFD0];
	_ =	sdelay $0x4  }
0x182: {  	v1 =	vmul.f32 v0, v1;
	_ =	sdelay $0x1  }
0x183: {  	[tilespmem:s12+$0x40] =	vst v1  }
0x184: {  	v1 =	vld [tilespmem:s6+$0xFFFFFFE0];
	_ =	sdelay $0x4  }
0x185: {  	v1 =	vmul.f32 v0, v1;
	_ =	sdelay $0x1  }
0x186: {  	[tilespmem:s12+$0x50] =	vst v1  }
0x187: {  	v1 =	vld [tilespmem:s6+$0xFFFFFFF0];
	_ =	sdelay $0x4  }
0x188: {  	v1 =	vmul.f32 v0, v1;
	_ =	sdelay $0x1  }
0x189: {  	[tilespmem:s12+$0x60] =	vst v1  }
0x18a: {  	v1 =	vld [tilespmem:s6+$0x0];
	_ =	sdelay $0x4  }
0x18b: {  	v0 =	vmul.f32 v0, v1;
	_ =	sdelay $0x1  }
0x18c: {  	s31 =	sshll.u32 s30, $0xA;
	[tilespmem:s12+$0x70] =	vst v0  }
0x18d: {  	[spmem:s2] =	stream.indirect.scatter.add.f32 [tilespmem:s25], [sflag:$0x5], $0x80, s26, s23, $0xb8;
	[tilespmem:$0x1E500] =	vst v63  }
0x18e: {  	s6 =	sadd.s32 s31, s10;
	_ =	swait.ge [sflag:s15], $0x2000  }
0x18f: {  	s0 =	sshrl.u32 s6, $0x3;
	[sflag:s15] =	ssyncset.done $0x0  }
0x190: {  	s9 =	simm.s32 $0x0;
	s0 =	sadd.s32 s1, s0;
	[sflag:s15] =	ssyncadd.s32 $0xFFFFE000  }
0x191: {  	[tilespmem:s9], [sflag:$0x1] =	stream.linear.gather [hbm4b:s0+s9], $0x180, $0x38;
	[tilespmem:$0x1E500] =	vst v63  }
0x192: {  	_ =	swait.ge [sflag:s16], $0x180  }
0x193: {  	[sflag:s16] =	ssyncset.done $0x0  }
0x194: {  	[sflag:s16] =	ssyncadd.s32 $0xFFFFFE80  }
0x195: {  	[tilespmem:s18], [sflag:$0x3] =	stream.indirect.gather [hbm4b:s5+s17], $0x80, s9, s17, $0xb8;
	[tilespmem:$0x1E500] =	vst v63  }
0x196: {  	_ =	swait.ge [sflag:s28], $0x4000  }
0x197: {  	[sflag:s28] =	ssyncset.done $0x0  }
0x198: {  	[sflag:s28] =	ssyncadd.s32 $0xFFFFC000  }
0x199: {  	v1 =	vmov s9;
	v0 =	vld [tilespmem:$0x280]  }
0x19a: {  	v1 =	vand.u32 $0x7E, v1;
	v2 =	vld [tilespmem:$0x290]  }
0x19b: {  	v1 =	vor.u32 $0x100, v1;
	v3 =	vld [tilespmem:$0x2A0]  }
0x19c: {  	v1 =	vbroadcast v1, $0x0;
	v4 =	vld [tilespmem:$0x2B0];
	_ =	sdelay $0x1  }
0x19d: {  	[tilespmem:$0x400] =	vst v0  }
0x19e: {  	[tilespmem:$0x410] =	vst v2  }
0x19f: {  	[tilespmem:$0x420] =	vst v3  }
0x1a0: {  	[tilespmem:$0x430] =	vst v4  }
0x1a1: {  	s0 =	simm.s32 $0x4580;
	v0 =	vld.idx.msk [tilespmem:v1+s19+$0x0], $0xffff  }
0x1a2: {  	v1 =	vld [tilespmem:s0+$0xFFFFFF80];
	_ =	sdelay $0x4  }
0x1a3: {  	v1 =	vmul.f32 v0, v1  }
0x1a4: {  	s3 =	simm.s32 $0x8580  }
0x1a5: {  	[tilespmem:s3+$0xFFFFFF80] =	vst v1  }
0x1a6: {  	v1 =	vld [tilespmem:s0+$0xFFFFFF90];
	_ =	sdelay $0x4  }
0x1a7: {  	v1 =	vmul.f32 v0, v1;
	_ =	sdelay $0x1  }
0x1a8: {  	[tilespmem:s3+$0xFFFFFF90] =	vst v1  }
0x1a9: {  	v1 =	vld [tilespmem:s0+$0xFFFFFFA0];
	_ =	sdelay $0x4  }
0x1aa: {  	v1 =	vmul.f32 v0, v1;
	_ =	sdelay $0x1  }
0x1ab: {  	[tilespmem:s3+$0xFFFFFFA0] =	vst v1  }
0x1ac: {  	v1 =	vld [tilespmem:s0+$0xFFFFFFB0];
	_ =	sdelay $0x4  }
0x1ad: {  	v1 =	vmul.f32 v0, v1;
	_ =	sdelay $0x1  }
0x1ae: {  	[tilespmem:s3+$0xFFFFFFB0] =	vst v1  }
0x1af: {  	v1 =	vld [tilespmem:s0+$0xFFFFFFC0];
	_ =	sdelay $0x4  }
0x1b0: {  	v1 =	vmul.f32 v0, v1;
	_ =	sdelay $0x1  }
0x1b1: {  	[tilespmem:s3+$0xFFFFFFC0] =	vst v1  }
0x1b2: {  	v1 =	vld [tilespmem:s0+$0xFFFFFFD0];
	_ =	sdelay $0x4  }
0x1b3: {  	v1 =	vmul.f32 v0, v1;
	_ =	sdelay $0x1  }
0x1b4: {  	[tilespmem:s3+$0xFFFFFFD0] =	vst v1  }
0x1b5: {  	v1 =	vld [tilespmem:s0+$0xFFFFFFE0];
	_ =	sdelay $0x4  }
0x1b6: {  	v1 =	vmul.f32 v0, v1  }
0x1b7: {  	s12 =	simm.s32 $0x1  }
0x1b8: {  	[tilespmem:s3+$0xFFFFFFE0] =	vst v1;
	v1 =	vmov s12  }
0x1b9: {  	v2 =	vld [tilespmem:s0+$0xFFFFFFF0];
	v1 =	vand.u32 $0x7F, v1  }
0x1ba: {  	v1 =	vor.u32 $0x100, v1  }
0x1bb: {  	v1 =	vbroadcast v1, $0x0;
	_ =	sdelay $0x2  }
0x1bc: {  	v0 =	vmul.f32 v0, v2;
	_ =	sdelay $0x1  }
0x1bd: {  	[tilespmem:s3+$0xFFFFFFF0] =	vst v0  }
0x1be: {  	v0 =	vld.idx.msk [tilespmem:v1+s19+$0x0], $0xffff  }
0x1bf: {  	v1 =	vld [tilespmem:s0+$0x0];
	_ =	sdelay $0x4  }
0x1c0: {  	v1 =	vmul.f32 v0, v1;
	_ =	sdelay $0x1  }
0x1c1: {  	[tilespmem:s3+$0x0] =	vst v1  }
0x1c2: {  	v1 =	vld [tilespmem:s0+$0x10];
	_ =	sdelay $0x4  }
0x1c3: {  	v1 =	vmul.f32 v0, v1;
	_ =	sdelay $0x1  }
0x1c4: {  	[tilespmem:s3+$0x10] =	vst v1  }
0x1c5: {  	v1 =	vld [tilespmem:s0+$0x20];
	_ =	sdelay $0x4  }
0x1c6: {  	v1 =	vmul.f32 v0, v1;
	_ =	sdelay $0x1  }
0x1c7: {  	[tilespmem:s3+$0x20] =	vst v1  }
0x1c8: {  	v1 =	vld [tilespmem:s0+$0x30];
	_ =	sdelay $0x4  }
0x1c9: {  	v1 =	vmul.f32 v0, v1;
	_ =	sdelay $0x1  }
0x1ca: {  	[tilespmem:s3+$0x30] =	vst v1  }
0x1cb: {  	v1 =	vld [tilespmem:s0+$0x40];
	_ =	sdelay $0x4  }
0x1cc: {  	v1 =	vmul.f32 v0, v1;
	_ =	sdelay $0x1  }
0x1cd: {  	[tilespmem:s3+$0x40] =	vst v1  }
0x1ce: {  	v1 =	vld [tilespmem:s0+$0x50];
	_ =	sdelay $0x4  }
0x1cf: {  	v1 =	vmul.f32 v0, v1;
	_ =	sdelay $0x1  }
0x1d0: {  	[tilespmem:s3+$0x50] =	vst v1  }
0x1d1: {  	v1 =	vld [tilespmem:s0+$0x60];
	_ =	sdelay $0x4  }
0x1d2: {  	v2 =	vmul.f32 v0, v1  }
0x1d3: {  	s6 =	simm.s32 $0x2  }
0x1d4: {  	s9 =	simm.s32 $0x4;
	v1 =	vmov s6;
	[tilespmem:s3+$0x60] =	vst v2  }
.LBB2_7:
0x1d5: {  	p0 =	sne.s32 s9, $0x3E;
	v1 =	vand.u32 $0x7E, v1;
	v2 =	vld [tilespmem:s0+$0x70]  }
0x1d6: {  	v1 =	vor.u32 $0x100, v1  }
0x1d7: {  	v1 =	vbroadcast v1, $0x0;
	_ =	sdelay $0x2  }
0x1d8: {  	v0 =	vmul.f32 v0, v2;
	_ =	sdelay $0x1  }
0x1d9: {  	[tilespmem:s3+$0x70] =	vst v0  }
0x1da: {  	s0 =	sadd.s32 $0x100, s0;
	v0 =	vld.idx.msk [tilespmem:v1+s19+$0x0], $0xffff  }
0x1db: {  	v1 =	vld [tilespmem:s0+$0xFFFFFF80];
	_ =	sdelay $0x4  }
0x1dc: {  	v1 =	vmul.f32 v0, v1  }
0x1dd: {  	s3 =	sadd.s32 $0x100, s3  }
0x1de: {  	[tilespmem:s3+$0xFFFFFF80] =	vst v1  }
0x1df: {  	v1 =	vld [tilespmem:s0+$0xFFFFFF90];
	_ =	sdelay $0x4  }
0x1e0: {  	v1 =	vmul.f32 v0, v1;
	_ =	sdelay $0x1  }
0x1e1: {  	[tilespmem:s3+$0xFFFFFF90] =	vst v1  }
0x1e2: {  	v1 =	vld [tilespmem:s0+$0xFFFFFFA0];
	_ =	sdelay $0x4  }
0x1e3: {  	v1 =	vmul.f32 v0, v1;
	_ =	sdelay $0x1  }
0x1e4: {  	[tilespmem:s3+$0xFFFFFFA0] =	vst v1  }
0x1e5: {  	v1 =	vld [tilespmem:s0+$0xFFFFFFB0];
	_ =	sdelay $0x4  }
0x1e6: {  	v1 =	vmul.f32 v0, v1;
	_ =	sdelay $0x1  }
0x1e7: {  	[tilespmem:s3+$0xFFFFFFB0] =	vst v1  }
0x1e8: {  	v1 =	vld [tilespmem:s0+$0xFFFFFFC0];
	_ =	sdelay $0x4  }
0x1e9: {  	v1 =	vmul.f32 v0, v1;
	_ =	sdelay $0x1  }
0x1ea: {  	[tilespmem:s3+$0xFFFFFFC0] =	vst v1  }
0x1eb: {  	v1 =	vld [tilespmem:s0+$0xFFFFFFD0];
	_ =	sdelay $0x4  }
0x1ec: {  	v1 =	vmul.f32 v0, v1;
	_ =	sdelay $0x1  }
0x1ed: {  	[tilespmem:s3+$0xFFFFFFD0] =	vst v1  }
0x1ee: {  	v1 =	vld [tilespmem:s0+$0xFFFFFFE0];
	_ =	sdelay $0x4  }
0x1ef: {  	v1 =	vmul.f32 v0, v1  }
0x1f0: {  	s12 =	sadd.s32 $0x1, s6;
	s6 =	smov.u32 s9  }
0x1f1: {  	[tilespmem:s3+$0xFFFFFFE0] =	vst v1;
	v1 =	vmov s12  }
0x1f2: {  	v2 =	vld [tilespmem:s0+$0xFFFFFFF0];
	v1 =	vand.u32 $0x7F, v1  }
0x1f3: {  	v1 =	vor.u32 $0x100, v1  }
0x1f4: {  	v1 =	vbroadcast v1, $0x0;
	_ =	sdelay $0x2  }
0x1f5: {  	v0 =	vmul.f32 v0, v2;
	_ =	sdelay $0x1  }
0x1f6: {  	[tilespmem:s3+$0xFFFFFFF0] =	vst v0  }
0x1f7: {  	v0 =	vld.idx.msk [tilespmem:v1+s19+$0x0], $0xffff  }
0x1f8: {  	v1 =	vld [tilespmem:s0+$0x0];
	_ =	sdelay $0x4  }
0x1f9: {  	v1 =	vmul.f32 v0, v1;
	_ =	sdelay $0x1  }
0x1fa: {  	[tilespmem:s3+$0x0] =	vst v1  }
0x1fb: {  	v1 =	vld [tilespmem:s0+$0x10];
	_ =	sdelay $0x4  }
0x1fc: {  	v1 =	vmul.f32 v0, v1;
	_ =	sdelay $0x1  }
0x1fd: {  	[tilespmem:s3+$0x10] =	vst v1  }
0x1fe: {  	v1 =	vld [tilespmem:s0+$0x20];
	_ =	sdelay $0x4  }
0x1ff: {  	v1 =	vmul.f32 v0, v1;
	_ =	sdelay $0x1  }
0x200: {  	[tilespmem:s3+$0x20] =	vst v1  }
0x201: {  	v1 =	vld [tilespmem:s0+$0x30];
	_ =	sdelay $0x4  }
0x202: {  	v1 =	vmul.f32 v0, v1;
	_ =	sdelay $0x1  }
0x203: {  	[tilespmem:s3+$0x30] =	vst v1  }
0x204: {  	v1 =	vld [tilespmem:s0+$0x40];
	_ =	sdelay $0x4  }
0x205: {  	v1 =	vmul.f32 v0, v1;
	_ =	sdelay $0x1  }
0x206: {  	[tilespmem:s3+$0x40] =	vst v1  }
0x207: {  	v1 =	vld [tilespmem:s0+$0x50];
	_ =	sdelay $0x4  }
0x208: {  	v1 =	vmul.f32 v0, v1;
	_ =	sdelay $0x1  }
0x209: {  	[tilespmem:s3+$0x50] =	vst v1  }
0x20a: {  	v1 =	vld [tilespmem:s0+$0x60];
	_ =	sdelay $0x2  }
.Ltmp2:
0x20b: {  	(pc) =	sbr.rel @p0 .LBB2_7-.Ltmp2, $3  }
0x20c: {  	_ = 	snop  }
0x20d: {  	v2 =	vmul.f32 v0, v1;
	_ =	sdelay $0x1  }
0x20e: {  	s9 =	sadd.s32 $0x2, s9;
	v1 =	vmov s6;
	[tilespmem:s3+$0x60] =	vst v2  }
0x20f: {  	v1 =	vand.u32 $0x7E, v1;
	v2 =	vld [tilespmem:s0+$0x70]  }
0x210: {  	v1 =	vor.u32 $0x100, v1  }
0x211: {  	v1 =	vbroadcast v1, $0x0;
	_ =	sdelay $0x2  }
0x212: {  	v0 =	vmul.f32 v0, v2;
	_ =	sdelay $0x1  }
0x213: {  	[tilespmem:s3+$0x70] =	vst v0  }
0x214: {  	s9 =	sadd.s32 $0x100, s0;
	v0 =	vld.idx.msk [tilespmem:v1+s19+$0x0], $0xffff  }
0x215: {  	v1 =	vld [tilespmem:s9+$0xFFFFFF80];
	_ =	sdelay $0x4  }
0x216: {  	v1 =	vmul.f32 v0, v1  }
0x217: {  	s12 =	sadd.s32 $0x100, s3  }
0x218: {  	[tilespmem:s12+$0xFFFFFF80] =	vst v1  }
0x219: {  	v1 =	vld [tilespmem:s9+$0xFFFFFF90];
	_ =	sdelay $0x4  }
0x21a: {  	v1 =	vmul.f32 v0, v1;
	_ =	sdelay $0x1  }
0x21b: {  	[tilespmem:s12+$0xFFFFFF90] =	vst v1  }
0x21c: {  	v1 =	vld [tilespmem:s9+$0xFFFFFFA0];
	_ =	sdelay $0x4  }
0x21d: {  	v1 =	vmul.f32 v0, v1;
	_ =	sdelay $0x1  }
0x21e: {  	[tilespmem:s12+$0xFFFFFFA0] =	vst v1  }
0x21f: {  	v1 =	vld [tilespmem:s9+$0xFFFFFFB0];
	_ =	sdelay $0x4  }
0x220: {  	v1 =	vmul.f32 v0, v1;
	_ =	sdelay $0x1  }
0x221: {  	[tilespmem:s12+$0xFFFFFFB0] =	vst v1  }
0x222: {  	v1 =	vld [tilespmem:s9+$0xFFFFFFC0];
	_ =	sdelay $0x4  }
0x223: {  	v1 =	vmul.f32 v0, v1;
	_ =	sdelay $0x1  }
0x224: {  	[tilespmem:s12+$0xFFFFFFC0] =	vst v1  }
0x225: {  	v1 =	vld [tilespmem:s9+$0xFFFFFFD0];
	_ =	sdelay $0x4  }
0x226: {  	v1 =	vmul.f32 v0, v1;
	_ =	sdelay $0x1  }
0x227: {  	[tilespmem:s12+$0xFFFFFFD0] =	vst v1  }
0x228: {  	v1 =	vld [tilespmem:s9+$0xFFFFFFE0];
	_ =	sdelay $0x4  }
0x229: {  	v1 =	vmul.f32 v0, v1  }
0x22a: {  	s6 =	sadd.s32 $0x1, s6  }
0x22b: {  	[tilespmem:s12+$0xFFFFFFE0] =	vst v1;
	v1 =	vmov s6  }
0x22c: {  	v2 =	vld [tilespmem:s9+$0xFFFFFFF0];
	v1 =	vand.u32 $0x7F, v1  }
0x22d: {  	v1 =	vor.u32 $0x100, v1  }
0x22e: {  	v1 =	vbroadcast v1, $0x0;
	_ =	sdelay $0x2  }
0x22f: {  	v0 =	vmul.f32 v0, v2;
	_ =	sdelay $0x1  }
0x230: {  	[tilespmem:s12+$0xFFFFFFF0] =	vst v0  }
0x231: {  	v0 =	vld.idx.msk [tilespmem:v1+s19+$0x0], $0xffff  }
0x232: {  	v1 =	vld [tilespmem:s9+$0x0];
	_ =	sdelay $0x4  }
0x233: {  	v1 =	vmul.f32 v0, v1;
	_ =	sdelay $0x1  }
0x234: {  	[tilespmem:s12+$0x0] =	vst v1  }
0x235: {  	v1 =	vld [tilespmem:s9+$0x10];
	_ =	sdelay $0x4  }
0x236: {  	v1 =	vmul.f32 v0, v1;
	_ =	sdelay $0x1  }
0x237: {  	[tilespmem:s12+$0x10] =	vst v1  }
0x238: {  	v1 =	vld [tilespmem:s9+$0x20];
	_ =	sdelay $0x4  }
0x239: {  	v1 =	vmul.f32 v0, v1;
	_ =	sdelay $0x1  }
0x23a: {  	[tilespmem:s12+$0x20] =	vst v1  }
0x23b: {  	v1 =	vld [tilespmem:s9+$0x30];
	_ =	sdelay $0x4  }
0x23c: {  	v1 =	vmul.f32 v0, v1;
	_ =	sdelay $0x1  }
0x23d: {  	[tilespmem:s12+$0x30] =	vst v1  }
0x23e: {  	v1 =	vld [tilespmem:s9+$0x40];
	_ =	sdelay $0x4  }
0x23f: {  	v1 =	vmul.f32 v0, v1;
	_ =	sdelay $0x1  }
0x240: {  	[tilespmem:s12+$0x40] =	vst v1  }
0x241: {  	v1 =	vld [tilespmem:s9+$0x50];
	_ =	sdelay $0x4  }
0x242: {  	v1 =	vmul.f32 v0, v1;
	_ =	sdelay $0x1  }
0x243: {  	[tilespmem:s12+$0x50] =	vst v1  }
0x244: {  	v1 =	vld [tilespmem:s9+$0x60];
	_ =	sdelay $0x4  }
0x245: {  	v1 =	vmul.f32 v0, v1;
	_ =	sdelay $0x1  }
0x246: {  	[tilespmem:s12+$0x60] =	vst v1  }
0x247: {  	v1 =	vld [tilespmem:s9+$0x70];
	_ =	sdelay $0x4  }
0x248: {  	v0 =	vmul.f32 v0, v1;
	_ =	sdelay $0x1  }
0x249: {  	[tilespmem:s12+$0x70] =	vst v0  }
0x24a: {  	[spmem:s2] =	stream.indirect.scatter.add.f32 [tilespmem:s25], [sflag:$0x5], $0x80, s24, s23, $0xb8;
	[tilespmem:$0x1E500] =	vst v63  }
0x24b: {  	_ =	swait.ge [sflag:s15], $0x2000  }
0x24c: {  	[sflag:s15] =	ssyncset.done $0x0  }
0x24d: {  	s9 =	simm.s32 $0x40;
	[sflag:s15] =	ssyncadd.s32 $0xFFFFE000  }
0x24e: {  	v1 =	vmov s9;
	v0 =	vld [tilespmem:$0x2C0]  }
0x24f: {  	v1 =	vand.u32 $0x7E, v1;
	v2 =	vld [tilespmem:$0x2D0]  }
0x250: {  	v1 =	vor.u32 $0x100, v1;
	v3 =	vld [tilespmem:$0x2E0]  }
0x251: {  	v1 =	vbroadcast v1, $0x0;
	v4 =	vld [tilespmem:$0x2F0];
	_ =	sdelay $0x1  }
0x252: {  	[tilespmem:$0x480] =	vst v0  }
0x253: {  	[tilespmem:$0x490] =	vst v2  }
0x254: {  	[tilespmem:$0x4A0] =	vst v3  }
0x255: {  	[tilespmem:$0x4B0] =	vst v4  }
0x256: {  	s0 =	simm.s32 $0x65F0;
	v0 =	vld.idx.msk [tilespmem:v1+s19+$0x0], $0xffff  }
0x257: {  	v1 =	vld [tilespmem:s0+$0xFFFFFF10];
	_ =	sdelay $0x4  }
0x258: {  	v1 =	vmul.f32 v0, v1  }
0x259: {  	s3 =	simm.s32 $0x8580  }
0x25a: {  	[tilespmem:s3+$0xFFFFFF80] =	vst v1  }
0x25b: {  	v1 =	vld [tilespmem:s0+$0xFFFFFF20];
	_ =	sdelay $0x4  }
0x25c: {  	v1 =	vmul.f32 v0, v1;
	_ =	sdelay $0x1  }
0x25d: {  	[tilespmem:s3+$0xFFFFFF90] =	vst v1  }
0x25e: {  	v1 =	vld [tilespmem:s0+$0xFFFFFF30];
	_ =	sdelay $0x4  }
0x25f: {  	v1 =	vmul.f32 v0, v1;
	_ =	sdelay $0x1  }
0x260: {  	[tilespmem:s3+$0xFFFFFFA0] =	vst v1  }
0x261: {  	v1 =	vld [tilespmem:s0+$0xFFFFFF40];
	_ =	sdelay $0x4  }
0x262: {  	v1 =	vmul.f32 v0, v1;
	_ =	sdelay $0x1  }
0x263: {  	[tilespmem:s3+$0xFFFFFFB0] =	vst v1  }
0x264: {  	v1 =	vld [tilespmem:s0+$0xFFFFFF50];
	_ =	sdelay $0x4  }
0x265: {  	v1 =	vmul.f32 v0, v1;
	_ =	sdelay $0x1  }
0x266: {  	[tilespmem:s3+$0xFFFFFFC0] =	vst v1  }
0x267: {  	v1 =	vld [tilespmem:s0+$0xFFFFFF60];
	_ =	sdelay $0x4  }
0x268: {  	v1 =	vmul.f32 v0, v1;
	_ =	sdelay $0x1  }
0x269: {  	[tilespmem:s3+$0xFFFFFFD0] =	vst v1  }
0x26a: {  	v1 =	vld [tilespmem:s0+$0xFFFFFF70];
	_ =	sdelay $0x4  }
0x26b: {  	v1 =	vmul.f32 v0, v1  }
0x26c: {  	s12 =	simm.s32 $0x41  }
0x26d: {  	[tilespmem:s3+$0xFFFFFFE0] =	vst v1;
	v1 =	vmov s12  }
0x26e: {  	v2 =	vld [tilespmem:s0+$0xFFFFFF80];
	v1 =	vand.u32 $0x7F, v1  }
0x26f: {  	v1 =	vor.u32 $0x100, v1  }
0x270: {  	v1 =	vbroadcast v1, $0x0;
	_ =	sdelay $0x2  }
0x271: {  	v0 =	vmul.f32 v0, v2;
	_ =	sdelay $0x1  }
0x272: {  	[tilespmem:s3+$0xFFFFFFF0] =	vst v0  }
0x273: {  	v0 =	vld.idx.msk [tilespmem:v1+s19+$0x0], $0xffff  }
0x274: {  	v1 =	vld [tilespmem:s0+$0xFFFFFF90];
	_ =	sdelay $0x4  }
0x275: {  	v1 =	vmul.f32 v0, v1;
	_ =	sdelay $0x1  }
0x276: {  	[tilespmem:s3+$0x0] =	vst v1  }
0x277: {  	v1 =	vld [tilespmem:s0+$0xFFFFFFA0];
	_ =	sdelay $0x4  }
0x278: {  	v1 =	vmul.f32 v0, v1;
	_ =	sdelay $0x1  }
0x279: {  	[tilespmem:s3+$0x10] =	vst v1  }
0x27a: {  	v1 =	vld [tilespmem:s0+$0xFFFFFFB0];
	_ =	sdelay $0x4  }
0x27b: {  	v1 =	vmul.f32 v0, v1;
	_ =	sdelay $0x1  }
0x27c: {  	[tilespmem:s3+$0x20] =	vst v1  }
0x27d: {  	v1 =	vld [tilespmem:s0+$0xFFFFFFC0];
	_ =	sdelay $0x4  }
0x27e: {  	v1 =	vmul.f32 v0, v1;
	_ =	sdelay $0x1  }
0x27f: {  	[tilespmem:s3+$0x30] =	vst v1  }
0x280: {  	v1 =	vld [tilespmem:s0+$0xFFFFFFD0];
	_ =	sdelay $0x4  }
0x281: {  	v1 =	vmul.f32 v0, v1;
	_ =	sdelay $0x1  }
0x282: {  	[tilespmem:s3+$0x40] =	vst v1  }
0x283: {  	v1 =	vld [tilespmem:s0+$0xFFFFFFE0];
	_ =	sdelay $0x4  }
0x284: {  	v1 =	vmul.f32 v0, v1;
	_ =	sdelay $0x1  }
0x285: {  	[tilespmem:s3+$0x50] =	vst v1  }
0x286: {  	v1 =	vld [tilespmem:s0+$0xFFFFFFF0];
	_ =	sdelay $0x4  }
0x287: {  	v1 =	vmul.f32 v0, v1  }
0x288: {  	s6 =	simm.s32 $0x43;
	s9 =	simm.s32 $0x45;
	s12 =	simm.s32 $0x42  }
.LBB2_9:
0x289: {  	p0 =	sne.s32 s9, $0x7F;
	v2 =	vmov s12;
	[tilespmem:s3+$0x60] =	vst v1  }
0x28a: {  	v1 =	vand.u32 $0x7E, v2;
	v2 =	vld [tilespmem:s0+$0x0]  }
0x28b: {  	v1 =	vor.u32 $0x100, v1  }
0x28c: {  	v1 =	vbroadcast v1, $0x0;
	_ =	sdelay $0x2  }
0x28d: {  	v0 =	vmul.f32 v0, v2;
	_ =	sdelay $0x1  }
0x28e: {  	[tilespmem:s3+$0x70] =	vst v0  }
0x28f: {  	s0 =	sadd.s32 $0x100, s0;
	v0 =	vld.idx.msk [tilespmem:v1+s19+$0x0], $0xffff  }
0x290: {  	v1 =	vld [tilespmem:s0+$0xFFFFFF10];
	_ =	sdelay $0x4  }
0x291: {  	v1 =	vmul.f32 v0, v1  }
0x292: {  	s3 =	sadd.s32 $0x100, s3  }
0x293: {  	[tilespmem:s3+$0xFFFFFF80] =	vst v1  }
0x294: {  	v1 =	vld [tilespmem:s0+$0xFFFFFF20];
	_ =	sdelay $0x4  }
0x295: {  	v1 =	vmul.f32 v0, v1;
	_ =	sdelay $0x1  }
0x296: {  	[tilespmem:s3+$0xFFFFFF90] =	vst v1  }
0x297: {  	v1 =	vld [tilespmem:s0+$0xFFFFFF30];
	_ =	sdelay $0x4  }
0x298: {  	v1 =	vmul.f32 v0, v1;
	_ =	sdelay $0x1  }
0x299: {  	[tilespmem:s3+$0xFFFFFFA0] =	vst v1  }
0x29a: {  	v1 =	vld [tilespmem:s0+$0xFFFFFF40];
	_ =	sdelay $0x4  }
0x29b: {  	v1 =	vmul.f32 v0, v1;
	_ =	sdelay $0x1  }
0x29c: {  	[tilespmem:s3+$0xFFFFFFB0] =	vst v1  }
0x29d: {  	v1 =	vld [tilespmem:s0+$0xFFFFFF50];
	_ =	sdelay $0x4  }
0x29e: {  	v1 =	vmul.f32 v0, v1;
	_ =	sdelay $0x1  }
0x29f: {  	[tilespmem:s3+$0xFFFFFFC0] =	vst v1  }
0x2a0: {  	v1 =	vld [tilespmem:s0+$0xFFFFFF60];
	_ =	sdelay $0x4  }
0x2a1: {  	v1 =	vmul.f32 v0, v1;
	_ =	sdelay $0x1  }
0x2a2: {  	[tilespmem:s3+$0xFFFFFFD0] =	vst v1  }
0x2a3: {  	v1 =	vld [tilespmem:s0+$0xFFFFFF70];
	_ =	sdelay $0x4  }
0x2a4: {  	v1 =	vmul.f32 v0, v1;
	_ =	sdelay $0x1  }
0x2a5: {  	[tilespmem:s3+$0xFFFFFFE0] =	vst v1;
	v1 =	vmov s6;
	s6 =	smov.u32 s9  }
0x2a6: {  	v2 =	vld [tilespmem:s0+$0xFFFFFF80];
	v1 =	vand.u32 $0x7F, v1  }
0x2a7: {  	v1 =	vor.u32 $0x100, v1  }
0x2a8: {  	v1 =	vbroadcast v1, $0x0;
	_ =	sdelay $0x2  }
0x2a9: {  	v0 =	vmul.f32 v0, v2;
	_ =	sdelay $0x1  }
0x2aa: {  	[tilespmem:s3+$0xFFFFFFF0] =	vst v0  }
0x2ab: {  	v0 =	vld.idx.msk [tilespmem:v1+s19+$0x0], $0xffff  }
0x2ac: {  	v1 =	vld [tilespmem:s0+$0xFFFFFF90];
	_ =	sdelay $0x4  }
0x2ad: {  	v1 =	vmul.f32 v0, v1;
	_ =	sdelay $0x1  }
0x2ae: {  	[tilespmem:s3+$0x0] =	vst v1  }
0x2af: {  	v1 =	vld [tilespmem:s0+$0xFFFFFFA0];
	_ =	sdelay $0x4  }
0x2b0: {  	v1 =	vmul.f32 v0, v1;
	_ =	sdelay $0x1  }
0x2b1: {  	[tilespmem:s3+$0x10] =	vst v1  }
0x2b2: {  	v1 =	vld [tilespmem:s0+$0xFFFFFFB0];
	_ =	sdelay $0x4  }
0x2b3: {  	v1 =	vmul.f32 v0, v1;
	_ =	sdelay $0x1  }
0x2b4: {  	[tilespmem:s3+$0x20] =	vst v1  }
0x2b5: {  	v1 =	vld [tilespmem:s0+$0xFFFFFFC0];
	_ =	sdelay $0x4  }
0x2b6: {  	v1 =	vmul.f32 v0, v1;
	_ =	sdelay $0x1  }
0x2b7: {  	[tilespmem:s3+$0x30] =	vst v1  }
0x2b8: {  	v1 =	vld [tilespmem:s0+$0xFFFFFFD0];
	_ =	sdelay $0x4  }
0x2b9: {  	v1 =	vmul.f32 v0, v1;
	_ =	sdelay $0x1  }
0x2ba: {  	[tilespmem:s3+$0x40] =	vst v1  }
0x2bb: {  	v1 =	vld [tilespmem:s0+$0xFFFFFFE0];
	_ =	sdelay $0x4  }
0x2bc: {  	v1 =	vmul.f32 v0, v1;
	_ =	sdelay $0x1  }
0x2bd: {  	[tilespmem:s3+$0x50] =	vst v1  }
0x2be: {  	v1 =	vld [tilespmem:s0+$0xFFFFFFF0];
	_ =	sdelay $0x1  }
.Ltmp3:
0x2bf: {  	(pc) =	sbr.rel @p0 .LBB2_9-.Ltmp3, $3  }
0x2c0: {  	_ =	sdelay $0x1  }
0x2c1: {  	v1 =	vmul.f32 v0, v1  }
0x2c2: {  	s9 =	sadd.s32 $0x2, s9;
	s12 =	sadd.s32 $0xFFFFFFFF, s6  }
0x2c3: {  	v2 =	vmov s12;
	[tilespmem:s3+$0x60] =	vst v1  }
0x2c4: {  	v58 =	vand.u32 $0x7E, v2;
	v59 =	vld [tilespmem:s0+$0x0]  }
0x2c5: {  	v1 =	vor.u32 $0x100, v58  }
0x2c6: {  	v1 =	vbroadcast v1, $0x0;
	_ =	sdelay $0x2  }
0x2c7: {  	v0 =	vmul.f32 v0, v59;
	_ =	sdelay $0x1  }
0x2c8: {  	[tilespmem:s3+$0x70] =	vst v0  }
0x2c9: {  	s9 =	sadd.s32 $0x100, s0;
	v0 =	vld.idx.msk [tilespmem:v1+s19+$0x0], $0xffff  }
0x2ca: {  	v60 =	vld [tilespmem:s9+$0xFFFFFF10];
	_ =	sdelay $0x4  }
0x2cb: {  	v1 =	vmul.f32 v0, v60  }
0x2cc: {  	s12 =	sadd.s32 $0x100, s3  }
0x2cd: {  	[tilespmem:s12+$0xFFFFFF80] =	vst v1  }
0x2ce: {  	v1 =	vld [tilespmem:s9+$0xFFFFFF20];
	_ =	sdelay $0x4  }
0x2cf: {  	v1 =	vmul.f32 v0, v1;
	_ =	sdelay $0x1  }
0x2d0: {  	[tilespmem:s12+$0xFFFFFF90] =	vst v1  }
0x2d1: {  	v1 =	vld [tilespmem:s9+$0xFFFFFF30];
	_ =	sdelay $0x4  }
0x2d2: {  	v1 =	vmul.f32 v0, v1;
	_ =	sdelay $0x1  }
0x2d3: {  	[tilespmem:s12+$0xFFFFFFA0] =	vst v1  }
0x2d4: {  	v1 =	vld [tilespmem:s9+$0xFFFFFF40];
	_ =	sdelay $0x4  }
0x2d5: {  	v1 =	vmul.f32 v0, v1;
	_ =	sdelay $0x1  }
0x2d6: {  	[tilespmem:s12+$0xFFFFFFB0] =	vst v1  }
0x2d7: {  	v1 =	vld [tilespmem:s9+$0xFFFFFF50];
	_ =	sdelay $0x4  }
0x2d8: {  	v1 =	vmul.f32 v0, v1;
	_ =	sdelay $0x1  }
0x2d9: {  	[tilespmem:s12+$0xFFFFFFC0] =	vst v1  }
0x2da: {  	v1 =	vld [tilespmem:s9+$0xFFFFFF60];
	_ =	sdelay $0x4  }
0x2db: {  	v1 =	vmul.f32 v0, v1;
	_ =	sdelay $0x1  }
0x2dc: {  	[tilespmem:s12+$0xFFFFFFD0] =	vst v1  }
0x2dd: {  	v1 =	vld [tilespmem:s9+$0xFFFFFF70];
	_ =	sdelay $0x4  }
0x2de: {  	v1 =	vmul.f32 v0, v1;
	_ =	sdelay $0x1  }
0x2df: {  	v61 =	vmov s6;
	[tilespmem:s12+$0xFFFFFFE0] =	vst v1  }
0x2e0: {  	v1 =	vand.u32 $0x7F, v61;
	v62 =	vld [tilespmem:s9+$0xFFFFFF80]  }
0x2e1: {  	v1 =	vor.u32 $0x100, v1  }
0x2e2: {  	v1 =	vbroadcast v1, $0x0;
	_ =	sdelay $0x2  }
0x2e3: {  	v0 =	vmul.f32 v0, v62;
	_ =	sdelay $0x1  }
0x2e4: {  	[tilespmem:s12+$0xFFFFFFF0] =	vst v0  }
0x2e5: {  	v0 =	vld.idx.msk [tilespmem:v1+s19+$0x0], $0xffff  }
0x2e6: {  	v63 =	vld [tilespmem:s9+$0xFFFFFF90];
	_ =	sdelay $0x4  }
0x2e7: {  	v1 =	vmul.f32 v0, v63;
	_ =	sdelay $0x1  }
0x2e8: {  	[tilespmem:s12+$0x0] =	vst v1  }
0x2e9: {  	v1 =	vld [tilespmem:s9+$0xFFFFFFA0];
	_ =	sdelay $0x4  }
0x2ea: {  	v1 =	vmul.f32 v0, v1;
	_ =	sdelay $0x1  }
0x2eb: {  	[tilespmem:s12+$0x10] =	vst v1  }
0x2ec: {  	v1 =	vld [tilespmem:s9+$0xFFFFFFB0];
	_ =	sdelay $0x4  }
0x2ed: {  	v1 =	vmul.f32 v0, v1;
	_ =	sdelay $0x1  }
0x2ee: {  	[tilespmem:s12+$0x20] =	vst v1  }
0x2ef: {  	v1 =	vld [tilespmem:s9+$0xFFFFFFC0];
	_ =	sdelay $0x4  }
0x2f0: {  	v1 =	vmul.f32 v0, v1;
	_ =	sdelay $0x1  }
0x2f1: {  	[tilespmem:s12+$0x30] =	vst v1  }
0x2f2: {  	v1 =	vld [tilespmem:s9+$0xFFFFFFD0];
	_ =	sdelay $0x4  }
0x2f3: {  	v1 =	vmul.f32 v0, v1;
	_ =	sdelay $0x1  }
0x2f4: {  	[tilespmem:s12+$0x40] =	vst v1  }
0x2f5: {  	v1 =	vld [tilespmem:s9+$0xFFFFFFE0];
	_ =	sdelay $0x4  }
0x2f6: {  	v1 =	vmul.f32 v0, v1;
	_ =	sdelay $0x1  }
0x2f7: {  	[tilespmem:s12+$0x50] =	vst v1  }
0x2f8: {  	v1 =	vld [tilespmem:s9+$0xFFFFFFF0];
	_ =	sdelay $0x4  }
0x2f9: {  	v1 =	vmul.f32 v0, v1;
	_ =	sdelay $0x1  }
0x2fa: {  	[tilespmem:s12+$0x60] =	vst v1  }
0x2fb: {  	v1 =	vld [tilespmem:s9+$0x0];
	_ =	sdelay $0x4  }
0x2fc: {  	v0 =	vmul.f32 v0, v1  }
0x2fd: {  	s30 =	sadd.s32 $0x1, s30  }
0x2fe: {  	p0 =	sne.s32 s30, $0x28;
	[tilespmem:s12+$0x70] =	vst v0  }
0x2ff: {  	[spmem:s2] =	stream.indirect.scatter.add.f32 [tilespmem:s25], [sflag:$0x5], $0x80, s26, s23, $0xb8;
	[tilespmem:$0x1E500] =	vst v63  }
.Ltmp4:
0x300: {  	_ = 	snop;
	(pc) =	sbr.rel @p0 .LBB2_2-.Ltmp4, $4  }
0x301: {  	s31 =	sadd.s32 s31, s11;
	_ =	swait.ge [sflag:s15], $0x2000  }
0x302: {  	s0 =	sshrl.u32 s31, $0x3;
	[sflag:s15] =	ssyncset.done $0x0  }
0x303: {  	s0 =	sadd.s32 s1, s0;
	[sflag:s15] =	ssyncadd.s32 $0xFFFFE000  }
0x304: {  	[tilespmem:s19], [sflag:$0x2] =	stream.linear.gather [hbm4b:s0+s4], $0x180, $0x38;
	[tilespmem:$0x1E500] =	vst v63  }
0x305: {  	_ =	swait.ge [sflag:s22], $0x4000  }
0x306: {  	[sflag:s22] =	ssyncset.done $0x0  }
0x307: {  	[sflag:s22] =	ssyncadd.s32 $0xFFFFC000  }
0x308: {  	_ =	swait.ge [sflag:s20], $0x180  }
0x309: {  	[sflag:s20] =	ssyncset.done $0x0  }
0x30a: {  	s29 =	sadd.s32 $0x1, s29;
	[sflag:s20] =	ssyncadd.s32 $0xFFFFFE80  }
0x30b: {  	p0 =	sne.s32 s29, s13;
	[bflag:$0x0] =	sbarrier.arrive $0xFFFF  }
.Ltmp5:
0x30c: {  	s0 =	rddreg [dreg:$0x6];
	(pc) =	sbr.rel @p0 .LBB2_1-.Ltmp5, $4  }
0x30d: {  	[hbm:s0], [sflag:s8] =	dma.local [spmem:s14], $0x2800  }
0x30e: {  	_ =	swait.ge [sflag:s15], $0x2800  }
0x30f: {  	[sflag:s15] =	ssyncset.done $0x0  }
0x310: {  	[sflag:s15] =	ssyncadd.s32 $0xFFFFD800  }
0x311: {  	_ =	sfence.sel $0x180000  }
0x312: {  	[bflag:$0x0] =	sbarrier.arrive $0xFFFF  }
0x313: {  	_ =	strace $0x9000004D  }
0x314: {  	s0 =	stileid.u32;
	[bflag:$0x2] =	sbarrier.arrive $0xFFFF  }
0x315: {  	p0 =	sne.s32 s0, $0x0;
	s0 =	rddreg [dreg:$0x3]  }
0x316: {  	s0 =	sadd.s32 @!p0 $0x100000, s0  }
0x317: {  	[sflag:s0] =	ssyncadd.tile.s32 @!p0 $0x1;
	_ =	shalt  }
.Lfunc_end2:
_tile_overlayer_lowered:
.L_overlay_start_2:
0x318: {  	(tag) =	ssettag $0x2  }
0x319: {  	s0 =	rddreg [dreg:$0x0];
	s2 =	stileid.u32  }
0x31a: {  	s1 =	rddreg [dreg:$0x1];
	p0 =	sne.s32 s2, $0x0  }
0x31b: {  	s3 =	rddreg [dreg:$0x2];
	[bflag:$0x3] =	sbarrier.arrive $0xFFFF;
	s2 =	simm.s32 @!p0 $0x1C05  }
0x31c: {  	[timem:s3], [sflag:s2] =	dma.local @!p0 [hbm:s0], s1  }
0x31d: {  	s0 =	simm.s32 @!p0 $0x5  }
0x31e: {  	_ =	swait.ge @!p0 [sflag:s0], s1  }
0x31f: {  	s1 =	ssub.s32 @!p0 $0x0, s1;
	[sflag:s0] =	ssyncset.done @!p0 $0x0  }
0x320: {  	[sflag:s0] =	ssyncadd.s32 @!p0 s1  }
0x321: {  	[bflag:$0x3] =	sbarrier.arrive $0xFFFF  }
0x322: {  	_ =	shalt  }

// kernel: kernel.14.cloned.1.call-start
scs
__scs_entry_jumppad:
0x0: {  	(pc) =	sbr.rel $0x88, $3  }
0x1: {  	(tag) =	ssettag $0x0;
	lr =	simm.s32 $0x1  }
0x2: {  	[smem:$0x3F93] =	sst lr;
	_ =	strace $0xD0000000  }
0x3: {  	_ = 	snop  }
0x4: {  	_ = 	snop  }
0x5: {  	_ = 	snop  }
0x6: {  	_ = 	snop  }
0x7: {  	_ = 	snop  }
__scs_overlays_trampoline_lowered:
0x8: {  	[smem:$0x3FA2] =	sst s0  }
0x9: {  	[smem:$0x3FA3] =	sst s1  }
0xa: {  	[smem:$0x3FA4] =	sst s2  }
0xb: {  	[smem:$0x3FA5] =	sst s3  }
0xc: {  	[smem:$0x3FA6] =	sst s4  }
0xd: {  	[smem:$0x3FA7] =	sst s5  }
0xe: {  	[smem:$0x3FA8] =	sst s6  }
0xf: {  	[smem:$0x3FA9] =	sst s7  }
0x10: {  	[smem:$0x3FAA] =	sst s8  }
0x11: {  	[smem:$0x3FAB] =	sst s9;
	s0 =	simm.s32 @!p0 $0x0  }
0x12: {  	s1 =	sld [smem:$0x3F91];
	s0 =	simm.s32 @p0 $0x1  }
0x13: {  	[smem:$0x3FAC] =	sst s0;
	s0 =	simm.s32 @!p1 $0x0  }
0x14: {  	s2 =	sld [smem:$0x3F90];
	s0 =	simm.s32 @p1 $0x1  }
0x15: {  	[smem:$0x3FAD] =	sst s0;
	s0 =	simm.s32 @!p2 $0x0  }
0x16: {  	s3 =	sld [smem:$0x3FDB];
	s0 =	simm.s32 @p2 $0x1  }
0x17: {  	s4 =	simm.s32 $0x1BF5;
	[smem:$0x3FAF] =	sst s0  }
0x18: {  	s0 =	sld [smem:$0x3F92];
	_ =	swait.ge [sflag:s4], $0x0  }
0x19: {  	s7 =	sld [smem:$0x3F93]  }
0x1a: {  	s8 =	sadd.s32 $0xFFFFE003, lr  }
0x1b: {  	s9 =	sadd.s32 $0xFFFFFEF7, lr;
	s5 =	simm.s32 $0xFFFFFFFF;
	p2 =	slt.u32 s8, $0xFFFFF086  }
0x1c: {  	p1 =	slt.u32 s9, $0xF7A;
	s5 =	simm.s32 @!p2 $0x0  }
0x1d: {  	s5 =	simm.s32 @p1 $0x1;
	p0 =	seq.s32 s7, s2  }
0x1e: {  	s7 =	smul.u32 @!p0 $0xF7A, s2;
	p2 =	seq.s32 @!p0 s5, $0x0  }
0x1f: {  	s9 =	smul.u32 $0xF7A, s1;
	s8 =	simm.s32 @!p0 $0x1BF5;
	p2 =	por !p2, p0  }
0x20: {  	[sflag:s8] =	ssyncset.s32 @!p0 $0xFFFFF086;
	s6 =	sadd.s32 @!p0 s3, s7;
	s7 =	simm.s32 @!p0 $0x108  }
0x21: {  	s3 =	sadd.s32 s3, s9;
	s6 =	sadd.s32 @!p0 $0x88, s6;
	s7 =	simm.s32 @p2 $0x1082  }
0x22: {  	[simem:s7], [sflag:s8] =	dma.local @!p0 [hbm:s6], $0xF7A  }
0x23: {  	s9 =	sor.u32 $0xD0000000, s2;
	s6 =	simm.s32 $0x108;
	_ =	swait.ge @!p0 [sflag:s8], $0x0  }
0x24: {  	s3 =	sadd.s32 $0x88, s3;
	s6 =	simm.s32 @!p1 $0x1082;
	[sflag:s4] =	ssyncset.s32 $0xFFFFF086  }
0x25: {  	[simem:s6], [sflag:s4] =	dma.local [hbm:s3], $0xF7A  }
0x26: {  	[smem:$0x3F93] =	sst s1;
	(tag) =	ssettag s2;
	_ =	strace s9  }
0x27: {  	s1 =	sld [smem:$0x3FA3]  }
0x28: {  	s2 =	sld [smem:$0x3FA4]  }
0x29: {  	s4 =	sld [smem:$0x3FA6]  }
0x2a: {  	p0 =	seq.s32 s5, $0x0;
	s5 =	sld [smem:$0x3FA7]  }
0x2b: {  	s6 =	sld [smem:$0x3FA8]  }
0x2c: {  	s7 =	sld [smem:$0x3FA9]  }
0x2d: {  	s3 =	simm.s32 $0x108;
	s8 =	sld [smem:$0x3FAA]  }
0x2e: {  	s3 =	simm.s32 @!p0 $0x1082;
	s9 =	sld [smem:$0x3FAB]  }
0x2f: {  	lr =	sadd.s32 s0, s3;
	s0 =	sld [smem:$0x3FA2]  }
0x30: {  	s3 =	sld [smem:$0x3FA5]  }
0x31: {  	[smem:$0x3FAE] =	sst s10  }
0x32: {  	s10 =	sld [smem:$0x3FAC];
	_ =	sdelay $0x3  }
0x33: {  	p0 =	seq.s32 s10, $0x1;
	s10 =	sld [smem:$0x3FAE];
	_ =	sdelay $0x3  }
0x34: {  	[smem:$0x3FAE] =	sst s10  }
0x35: {  	s10 =	sld [smem:$0x3FAD];
	_ =	sdelay $0x3  }
0x36: {  	p1 =	seq.s32 s10, $0x1;
	s10 =	sld [smem:$0x3FAE];
	_ =	sdelay $0x3  }
0x37: {  	[smem:$0x3FAE] =	sst s10  }
0x38: {  	s10 =	sld [smem:$0x3FAF]  }
0x39: {  	_ = 	snop;
	(pc) =	sbr.ind lr, $3  }
0x3a: {  	_ = 	snop  }
0x3b: {  	_ = 	snop  }
0x3c: {  	p2 =	seq.s32 s10, $0x1;
	s10 =	sld [smem:$0x3FAE]  }
0x3d: {  	_ =	shalt  }
0x3e: {  	_ =	shalt  }
0x3f: {  	_ =	shalt  }
0x40: {  	_ =	shalt  }
0x41: {  	_ =	shalt  }
0x42: {  	_ =	shalt  }
0x43: {  	_ =	shalt  }
0x44: {  	_ =	shalt  }
0x45: {  	_ =	shalt  }
0x46: {  	_ =	shalt  }
0x47: {  	_ =	shalt  }
0x48: {  	_ =	shalt  }
0x49: {  	_ =	shalt  }
0x4a: {  	_ =	shalt  }
0x4b: {  	_ =	shalt  }
0x4c: {  	_ =	shalt  }
0x4d: {  	_ =	shalt  }
0x4e: {  	_ =	shalt  }
0x4f: {  	_ =	shalt  }
0x50: {  	_ =	shalt  }
0x51: {  	_ =	shalt  }
0x52: {  	_ =	shalt  }
0x53: {  	_ =	shalt  }
0x54: {  	_ =	shalt  }
0x55: {  	_ =	shalt  }
0x56: {  	_ =	shalt  }
0x57: {  	_ =	shalt  }
0x58: {  	_ =	shalt  }
0x59: {  	_ =	shalt  }
0x5a: {  	_ =	shalt  }
0x5b: {  	_ =	shalt  }
0x5c: {  	_ =	shalt  }
0x5d: {  	_ =	shalt  }
0x5e: {  	_ =	shalt  }
0x5f: {  	_ =	shalt  }
0x60: {  	_ =	shalt  }
0x61: {  	_ =	shalt  }
0x62: {  	_ =	shalt  }
0x63: {  	_ =	shalt  }
0x64: {  	_ =	shalt  }
0x65: {  	_ =	shalt  }
0x66: {  	_ =	shalt  }
0x67: {  	_ =	shalt  }
0x68: {  	_ =	shalt  }
0x69: {  	_ =	shalt  }
0x6a: {  	_ =	shalt  }
0x6b: {  	_ =	shalt  }
0x6c: {  	_ =	shalt  }
0x6d: {  	_ =	shalt  }
0x6e: {  	_ =	shalt  }
0x6f: {  	_ =	shalt  }
0x70: {  	_ =	shalt  }
0x71: {  	_ =	shalt  }
0x72: {  	_ =	shalt  }
0x73: {  	_ =	shalt  }
0x74: {  	_ =	shalt  }
0x75: {  	_ =	shalt  }
0x76: {  	_ =	shalt  }
0x77: {  	_ =	shalt  }
0x78: {  	_ =	shalt  }
0x79: {  	_ =	shalt  }
0x7a: {  	_ =	shalt  }
0x7b: {  	_ =	shalt  }
0x7c: {  	_ =	shalt  }
0x7d: {  	_ =	shalt  }
0x7e: {  	_ =	shalt  }
0x7f: {  	_ =	shalt  }
0x80: {  	_ =	shalt  }
0x81: {  	_ =	shalt  }
0x82: {  	_ =	shalt  }
0x83: {  	_ =	shalt  }
0x84: {  	_ =	shalt  }
0x85: {  	_ =	shalt  }
0x86: {  	_ =	shalt  }
0x87: {  	_ =	shalt  }
.Lfunc_end0:
.L_simem_size_0:
called_computation.3_lowered:
.L_overlay_start_0:
0x88: {  	s2 =	sld [smem:$0x3FD9]  }
0x89: {  	s3 =	sld [smem:$0x3FFE];
	_ =	sdelay $0x1  }
0x8a: {  	s1 =	srdreg.scid  }
0x8b: {  	s0 =	sand.u32 $0x1, s1  }
0x8c: {  	s17 =	sshll.u32 s0, $0xA;
	s2 =	sadd.s32 s3, s2  }
0x8d: {  	s2 =	sadd.s32 s2, s17  }
0x8e: {  	[smem:$0x3FBA] =	sst s2  }
0x8f: {  	_ = 	snop  }
0x90: {  	s2 =	sld [smem:$0x3FD0];
	(tm) =	ssettm $0x1  }
0x91: {  	s18 =	sld [smem:$0x3FFB];
	_ =	sdelay $0x3  }
0x92: {  	_ =	strace s18  }
0x93: {  	s3 =	sld [smem:$0x3FFC];
	_ =	sdelay $0x3  }
0x94: {  	_ =	strace s3  }
0x95: {  	s3 =	sld [smem:$0x3FFD];
	_ =	sdelay $0x3  }
0x96: {  	_ =	strace s3  }
0x97: {  	_ =	strace $0x8FFFFFFF  }
0x98: {  	s19 =	sld [smem:$0x3FDB];
	_ =	sdelay $0x1  }
0x99: {  	s4 =	simm.s32 $_scs_section_size  }
0x9a: {  	s5 =	simm.s32 $_size__tile_overlayer_lowered;
	s6 =	simm.s32 $_tile_overlayer_lowered  }
0x9b: {  	s22 =	simm.s32 $0x1BFF;
	s21 =	sshll.u32 s6, $0x1;
	s3 =	sadd.s32 s4, s19  }
0x9c: {  	s7 =	simm.s32 $0x0;
	s20 =	sshll.u32 s5, $0x1;
	s5 =	sadd.s32 s21, s3  }
0x9d: {  	[timem:s7], [sflag:s22] =	dma.local [hbm:s5], s20  }
0x9e: {  	_ =	swait.ge [sflag:s22], s20  }
0x9f: {  	s4 =	ssub.s32 $0x0, s20;
	[sflag:s22] =	ssyncset.done $0x0  }
0xa0: {  	[sflag:s22] =	ssyncadd.s32 s4;
	_ =	sdelay $0x1  }
0xa1: {  	s23 =	simm.s32 $0x1B8B  }
0xa2: {  	_ =	swait.ge [sflag:s23], $0x1  }
0xa3: {  	[sflag:s23] =	ssyncset.done $0x0  }
0xa4: {  	s25 =	simm.s32 $0x1B8E;
	s24 =	sld [smem:$0x3FFE];
	[sflag:s23] =	ssyncadd.s32 $0xFFFFFFFF  }
0xa5: {  	s26 =	simm.s32 $execute0_lowered;
	[smem:$0x3FD2] =	sst s25  }
0xa6: {  	s5 =	sshll.u32 s26, $0x1;
	_ =	strace $0x8000004F;
	[dreg:$0x1] =	wrdreg $0xFFFFFFFF  }
0xa7: {  	s28 =	simm.s32 $_size_execute0_lowered;
	s3 =	sadd.s32 s3, s5;
	[dreg:$0x0] =	wrdreg $0x0  }
0xa8: {  	s5 =	sshll.u32 s28, $0x1;
	[dreg:$0x2] =	wrdreg s3  }
0xa9: {  	[dreg:$0x3] =	wrdreg s5  }
0xaa: {  	[dreg:$0x4] =	wrdreg $0xC0  }
0xab: {  	_ =	task [dreg:s7], $0x5FFFF  }
0xac: {  	[dreg:$0x1] =	wrdreg $0xFFFFFFFF  }
0xad: {  	[dreg:$0x0] =	wrdreg $0x60  }
0xae: {  	[dreg:$0x2] =	wrdreg s24  }
0xaf: {  	[dreg:$0x3] =	wrdreg s2  }
0xb0: {  	[dreg:$0x4] =	wrdreg $0xA5000  }
0xb1: {  	[dreg:$0x5] =	wrdreg $0x9  }
0xb2: {  	_ =	task.clear_ibuf [dreg:s7], $0x6FFFF;
	_ =	strace $0x9000004F  }
0xb3: {  	s29 =	simm.s32 $0x9;
	_ =	strace $0x80000051  }
0xb4: {  	_ =	swait.ge [sflag:s29], $0x1  }
0xb5: {  	[sflag:s29] =	ssyncadd.s32 $0xFFFFFFFF  }
0xb6: {  	_ =	strace $0x90000051  }
0xb7: {  	_ =	sfence  }
0xb8: {  	s30 =	sld [smem:$0x0];
	_ =	sdelay $0x2  }
0xb9: {  	s31 =	sshll.u32 s1, $0xD;
	s1 =	sshrl.u32 s1, $0x2  }
0xba: {  	s3 =	sand.u32 $0x4000, s31;
	s1 =	sadd.s32 s1, s30  }
0xbb: {  	s0 =	sor.u32 s3, s0;
	s1 =	sshll.u32 s1, $0x11  }
0xbc: {  	s0 =	sor.u32 s1, s0  }
0xbd: {  	s0 =	sadd.s32 $0x8F2B, s0  }
0xbe: {  	[sflag:s0] =	ssyncadd.remote.s32 $0x1  }
0xbf: {  	_ =	sfence.sel $0xFFFF  }
0xc0: {  	[dreg:$0x0] =	wrdreg $0xFFFFFFFF;
	(pc) =	sbr.abs _section_cstart, $3  }
0xc1: {  	[dreg:$0x1] =	wrdreg $0xFFFFFFFF  }
0xc2: {  	_ =	task.clear_ibuf [dreg:s7], $0x2FFFF;
	_ =	strace $0x9FFFFFFF  }
0xc3: {  	(tm) =	ssettm $0x7FFFFFFF  }
tec
execute0_lowered:
.L_overlay_start_1:
0x0: {  	(tag) =	ssettag $0x1  }
0x1: {  	s0 =	rddreg [dreg:$0x0]  }
0x2: {  	s1 =	rddreg [dreg:$0x1]  }
0x3: {  	s2 =	rddreg [dreg:$0x2];
	s3 =	srdreg.scid  }
0x4: {  	s4 =	simm.s32 $0x0;
	s10 =	stileid.u32;
	s15 =	simm.s32 $0x5  }
0x5: {  	s16 =	simm.s32 $0x1;
	s17 =	simm.s32 $0x80;
	s18 =	simm.s32 $0x500  }
0x6: {  	s19 =	simm.s32 $0x200;
	s20 =	simm.s32 $0x2;
	s28 =	simm.s32 $0x4  }
0x7: {  	s29 =	simm.s32 $0x0;
	s3 =	sand.u32 $0x1, s3;
	[smem:$0x7FF] =	sst s4  }
0x8: {  	s7 =	smul.u32 $0x14000, s10;
	s5 =	sadd.s32 $0x3E00, s0;
	s8 =	sshll.u32 s10, $0x1  }
0x9: {  	s22 =	smul.u32 $0x50000, s10;
	s23 =	sadd.s32 $0x2B000, s0;
	s30 =	sshll.u32 s10, $0x6  }
0xa: {  	s6 =	smul.u32 $0x140000, s3;
	_ =	strace $0x80000050;
	s21 =	sor.u32 s3, s8  }
0xb: {  	s3 =	ssub.s32 $0x2, s3;
	[dreg:$0x4] =	wrdreg s23;
	s8 =	sor.u32 $0x1C05, s30  }
0xc: {  	s23 =	simm.s32 $0x40;
	s9 =	smul.u32 $0xA400, s21;
	s24 =	sshrl.u32 s3, $0x1  }
0xd: {  	s25 =	sshrl.u32 s22, $0x2;
	s21 =	simm.s32 $0x4500;
	s22 =	simm.s32 $0x3  }
0xe: {  	s6 =	sadd.s32 s7, s6;
	s3 =	ssub.s32 s3, s24;
	s24 =	simm.s32 $0x400  }
0xf: {  	s6 =	sshrl.u32 s6, $0x3;
	s26 =	sshrl.u32 s9, $0x3;
	s10 =	sadd.s32 $0x400, s9  }
0x10: {  	s11 =	sadd.s32 $0x600, s9;
	s13 =	smax.u32 s3, $0x1;
	s7 =	sadd.s32 s1, s26  }
0x11: {  	s0 =	sadd.s32 s6, s0;
	s6 =	sadd.s32 s25, s2;
	s31 =	sadd.s32 $0x40, s7  }
0x12: {  	s25 =	simm.s32 $0x8500;
	s0 =	sadd.s32 $0x2D800, s0;
	[dreg:$0x5] =	wrdreg s31  }
0x13: {  	s26 =	simm.s32 $0x480;
	s14 =	sshrl.u32 s6, $0x3;
	[dreg:$0x6] =	wrdreg s0  }
.LBB2_1:
0x14: {  	s0 =	rddreg [dreg:$0x4]  }
0x15: {  	[spmem:s14], [sflag:s8] =	dma.local [hbm:s0], $0x2800  }
0x16: {  	_ =	swait.ge [sflag:s15], $0x2800  }
0x17: {  	[sflag:s15] =	ssyncset.done $0x0  }
0x18: {  	[sflag:s15] =	ssyncadd.s32 $0xFFFFD800  }
0x19: {  	[bflag:$0x0] =	sbarrier.arrive $0xFFFF  }
0x1a: {  	[tilespmem:s4], [sflag:$0x1] =	stream.linear.gather [hbm4b:s7+s4], $0x180, $0x38;
	[tilespmem:$0x1E500] =	vst v63  }
0x1b: {  	_ =	swait.ge [sflag:s16], $0x180  }
0x1c: {  	[sflag:s16] =	ssyncset.done $0x0  }
0x1d: {  	[sflag:s16] =	ssyncadd.s32 $0xFFFFFE80  }
0x1e: {  	[tilespmem:s18], [sflag:$0x3] =	stream.indirect.gather [hbm4b:s5+s17], $0x80, s4, s17, $0xb8;
	[tilespmem:$0x1E500] =	vst v63  }
0x1f: {  	s30 =	simm.s32 $0x0;
	s31 =	rddreg [dreg:$0x5]  }
0x20: {  	[tilespmem:s19], [sflag:$0x2] =	stream.linear.gather [hbm4b:s31+s4], $0x180, $0x38;
	[tilespmem:$0x1E500] =	vst v63  }
.LBB2_2:
0x21: {  	_ =	swait.ge [sflag:s20], $0x180  }
0x22: {  	[sflag:s20] =	ssyncset.done $0x0  }
0x23: {  	[sflag:s20] =	ssyncadd.s32 $0xFFFFFE80  }
0x24: {  	[tilespmem:s21], [sflag:$0x4] =	stream.indirect.gather [hbm4b:s5+s17], $0x80, s19, s17, $0xb8;
	[tilespmem:$0x1E500] =	vst v63  }
0x25: {  	_ =	swait.ge [sflag:s22], $0x4000  }
0x26: {  	[sflag:s22] =	ssyncset.done $0x0  }
0x27: {  	s0 =	simm.s32 $0x0;
	[sflag:s22] =	ssyncadd.s32 $0xFFFFC000  }
0x28: {  	v1 =	vmov s0;
	v0 =	vld [tilespmem:$0x80]  }
0x29: {  	v1 =	vand.u32 $0x7E, v1;
	v2 =	vld [tilespmem:$0x90]  }
0x2a: {  	v1 =	vor.u32 $0x100, v1;
	v3 =	vld [tilespmem:$0xA0]  }
0x2b: {  	v1 =	vbroadcast v1, $0x0;
	v4 =	vld [tilespmem:$0xB0];
	_ =	sdelay $0x1  }
0x2c: {  	[tilespmem:$0x400] =	vst v0  }
0x2d: {  	[tilespmem:$0x410] =	vst v2  }
0x2e: {  	[tilespmem:$0x420] =	vst v3  }
0x2f: {  	[tilespmem:$0x430] =	vst v4  }
0x30: {  	s0 =	simm.s32 $0x580;
	v0 =	vld.idx.msk [tilespmem:v1+s4+$0x0], $0xffff  }
0x31: {  	v1 =	vld [tilespmem:s0+$0xFFFFFF80];
	_ =	sdelay $0x4  }
0x32: {  	v1 =	vmul.f32 v0, v1  }
0x33: {  	s3 =	simm.s32 $0x8580  }
0x34: {  	[tilespmem:s3+$0xFFFFFF80] =	vst v1  }
0x35: {  	v1 =	vld [tilespmem:s0+$0xFFFFFF90];
	_ =	sdelay $0x4  }
0x36: {  	v1 =	vmul.f32 v0, v1;
	_ =	sdelay $0x1  }
0x37: {  	[tilespmem:s3+$0xFFFFFF90] =	vst v1  }
0x38: {  	v1 =	vld [tilespmem:s0+$0xFFFFFFA0];
	_ =	sdelay $0x4  }
0x39: {  	v1 =	vmul.f32 v0, v1;
	_ =	sdelay $0x1  }
0x3a: {  	[tilespmem:s3+$0xFFFFFFA0] =	vst v1  }
0x3b: {  	v1 =	vld [tilespmem:s0+$0xFFFFFFB0];
	_ =	sdelay $0x4  }
0x3c: {  	v1 =	vmul.f32 v0, v1;
	_ =	sdelay $0x1  }
0x3d: {  	[tilespmem:s3+$0xFFFFFFB0] =	vst v1  }
0x3e: {  	v1 =	vld [tilespmem:s0+$0xFFFFFFC0];
	_ =	sdelay $0x4  }
0x3f: {  	v1 =	vmul.f32 v0, v1;
	_ =	sdelay $0x1  }
0x40: {  	[tilespmem:s3+$0xFFFFFFC0] =	vst v1  }
0x41: {  	v1 =	vld [tilespmem:s0+$0xFFFFFFD0];
	_ =	sdelay $0x4  }
0x42: {  	v1 =	vmul.f32 v0, v1;
	_ =	sdelay $0x1  }
0x43: {  	[tilespmem:s3+$0xFFFFFFD0] =	vst v1  }
0x44: {  	v1 =	vld [tilespmem:s0+$0xFFFFFFE0];
	_ =	sdelay $0x4  }
0x45: {  	v1 =	vmul.f32 v0, v1  }
0x46: {  	s6 =	simm.s32 $0x1  }
0x47: {  	[tilespmem:s3+$0xFFFFFFE0] =	vst v1;
	v1 =	vmov s6  }
0x48: {  	v2 =	vld [tilespmem:s0+$0xFFFFFFF0];
	v1 =	vand.u32 $0x7F, v1  }
0x49: {  	v1 =	vor.u32 $0x100, v1  }
0x4a: {  	v1 =	vbroadcast v1, $0x0;
	_ =	sdelay $0x2  }
0x4b: {  	v0 =	vmul.f32 v0, v2;
	_ =	sdelay $0x1  }
0x4c: {  	[tilespmem:s3+$0xFFFFFFF0] =	vst v0  }
0x4d: {  	v0 =	vld.idx.msk [tilespmem:v1+s4+$0x0], $0xffff  }
0x4e: {  	v1 =	vld [tilespmem:s0+$0x0];
	_ =	sdelay $0x4  }
0x4f: {  	v1 =	vmul.f32 v0, v1;
	_ =	sdelay $0x1  }
0x50: {  	[tilespmem:s3+$0x0] =	vst v1  }
0x51: {  	v1 =	vld [tilespmem:s0+$0x10];
	_ =	sdelay $0x4  }
0x52: {  	v1 =	vmul.f32 v0, v1;
	_ =	sdelay $0x1  }
0x53: {  	[tilespmem:s3+$0x10] =	vst v1  }
0x54: {  	v1 =	vld [tilespmem:s0+$0x20];
	_ =	sdelay $0x4  }
0x55: {  	v1 =	vmul.f32 v0, v1;
	_ =	sdelay $0x1  }
0x56: {  	[tilespmem:s3+$0x20] =	vst v1  }
0x57: {  	v1 =	vld [tilespmem:s0+$0x30];
	_ =	sdelay $0x4  }
0x58: {  	v1 =	vmul.f32 v0, v1;
	_ =	sdelay $0x1  }
0x59: {  	[tilespmem:s3+$0x30] =	vst v1  }
0x5a: {  	v1 =	vld [tilespmem:s0+$0x40];
	_ =	sdelay $0x4  }
0x5b: {  	v1 =	vmul.f32 v0, v1;
	_ =	sdelay $0x1  }
0x5c: {  	[tilespmem:s3+$0x40] =	vst v1  }
0x5d: {  	v1 =	vld [tilespmem:s0+$0x50];
	_ =	sdelay $0x4  }
0x5e: {  	v1 =	vmul.f32 v0, v1;
	_ =	sdelay $0x1  }
0x5f: {  	[tilespmem:s3+$0x50] =	vst v1  }
0x60: {  	v1 =	vld [tilespmem:s0+$0x60];
	_ =	sdelay $0x4  }
0x61: {  	v2 =	vmul.f32 v0, v1  }
0x62: {  	s6 =	simm.s32 $0x2  }
0x63: {  	s31 =	simm.s32 $0x4;
	v1 =	vmov s6;
	[tilespmem:s3+$0x60] =	vst v2  }
.LBB2_3:
0x64: {  	p0 =	sne.s32 s31, $0x3E;
	v1 =	vand.u32 $0x7E, v1;
	v2 =	vld [tilespmem:s0+$0x70]  }
0x65: {  	v1 =	vor.u32 $0x100, v1  }
0x66: {  	v1 =	vbroadcast v1, $0x0;
	_ =	sdelay $0x2  }
0x67: {  	v0 =	vmul.f32 v0, v2;
	_ =	sdelay $0x1  }
0x68: {  	[tilespmem:s3+$0x70] =	vst v0  }
0x69: {  	s0 =	sadd.s32 $0x100, s0;
	v0 =	vld.idx.msk [tilespmem:v1+s4+$0x0], $0xffff  }
0x6a: {  	v1 =	vld [tilespmem:s0+$0xFFFFFF80];
	_ =	sdelay $0x4  }
0x6b: {  	v1 =	vmul.f32 v0, v1  }
0x6c: {  	s3 =	sadd.s32 $0x100, s3  }
0x6d: {  	[tilespmem:s3+$0xFFFFFF80] =	vst v1  }
0x6e: {  	v1 =	vld [tilespmem:s0+$0xFFFFFF90];
	_ =	sdelay $0x4  }
0x6f: {  	v1 =	vmul.f32 v0, v1;
	_ =	sdelay $0x1  }
0x70: {  	[tilespmem:s3+$0xFFFFFF90] =	vst v1  }
0x71: {  	v1 =	vld [tilespmem:s0+$0xFFFFFFA0];
	_ =	sdelay $0x4  }
0x72: {  	v1 =	vmul.f32 v0, v1;
	_ =	sdelay $0x1  }
0x73: {  	[tilespmem:s3+$0xFFFFFFA0] =	vst v1  }
0x74: {  	v1 =	vld [tilespmem:s0+$0xFFFFFFB0];
	_ =	sdelay $0x4  }
0x75: {  	v1 =	vmul.f32 v0, v1;
	_ =	sdelay $0x1  }
0x76: {  	[tilespmem:s3+$0xFFFFFFB0] =	vst v1  }
0x77: {  	v1 =	vld [tilespmem:s0+$0xFFFFFFC0];
	_ =	sdelay $0x4  }
0x78: {  	v1 =	vmul.f32 v0, v1;
	_ =	sdelay $0x1  }
0x79: {  	[tilespmem:s3+$0xFFFFFFC0] =	vst v1  }
0x7a: {  	v1 =	vld [tilespmem:s0+$0xFFFFFFD0];
	_ =	sdelay $0x4  }
0x7b: {  	v1 =	vmul.f32 v0, v1;
	_ =	sdelay $0x1  }
0x7c: {  	[tilespmem:s3+$0xFFFFFFD0] =	vst v1  }
0x7d: {  	v1 =	vld [tilespmem:s0+$0xFFFFFFE0];
	_ =	sdelay $0x4  }
0x7e: {  	v1 =	vmul.f32 v0, v1  }
0x7f: {  	s9 =	sadd.s32 $0x1, s6;
	s6 =	smov.u32 s31  }
0x80: {  	[tilespmem:s3+$0xFFFFFFE0] =	vst v1;
	v1 =	vmov s9  }
0x81: {  	v2 =	vld [tilespmem:s0+$0xFFFFFFF0];
	v1 =	vand.u32 $0x7F, v1  }
0x82: {  	v1 =	vor.u32 $0x100, v1  }
0x83: {  	v1 =	vbroadcast v1, $0x0;
	_ =	sdelay $0x2  }
0x84: {  	v0 =	vmul.f32 v0, v2;
	_ =	sdelay $0x1  }
0x85: {  	[tilespmem:s3+$0xFFFFFFF0] =	vst v0  }
0x86: {  	v0 =	vld.idx.msk [tilespmem:v1+s4+$0x0], $0xffff  }
0x87: {  	v1 =	vld [tilespmem:s0+$0x0];
	_ =	sdelay $0x4  }
0x88: {  	v1 =	vmul.f32 v0, v1;
	_ =	sdelay $0x1  }
0x89: {  	[tilespmem:s3+$0x0] =	vst v1  }
0x8a: {  	v1 =	vld [tilespmem:s0+$0x10];
	_ =	sdelay $0x4  }
0x8b: {  	v1 =	vmul.f32 v0, v1;
	_ =	sdelay $0x1  }
0x8c: {  	[tilespmem:s3+$0x10] =	vst v1  }
0x8d: {  	v1 =	vld [tilespmem:s0+$0x20];
	_ =	sdelay $0x4  }
0x8e: {  	v1 =	vmul.f32 v0, v1;
	_ =	sdelay $0x1  }
0x8f: {  	[tilespmem:s3+$0x20] =	vst v1  }
0x90: {  	v1 =	vld [tilespmem:s0+$0x30];
	_ =	sdelay $0x4  }
0x91: {  	v1 =	vmul.f32 v0, v1;
	_ =	sdelay $0x1  }
0x92: {  	[tilespmem:s3+$0x30] =	vst v1  }
0x93: {  	v1 =	vld [tilespmem:s0+$0x40];
	_ =	sdelay $0x4  }
0x94: {  	v1 =	vmul.f32 v0, v1;
	_ =	sdelay $0x1  }
0x95: {  	[tilespmem:s3+$0x40] =	vst v1  }
0x96: {  	v1 =	vld [tilespmem:s0+$0x50];
	_ =	sdelay $0x4  }
0x97: {  	v1 =	vmul.f32 v0, v1;
	_ =	sdelay $0x1  }
0x98: {  	[tilespmem:s3+$0x50] =	vst v1  }
0x99: {  	v1 =	vld [tilespmem:s0+$0x60];
	_ =	sdelay $0x2  }
.Ltmp0:
0x9a: {  	(pc) =	sbr.rel @p0 .LBB2_3-.Ltmp0, $3  }
0x9b: {  	_ = 	snop  }
0x9c: {  	v2 =	vmul.f32 v0, v1;
	_ =	sdelay $0x1  }
0x9d: {  	s31 =	sadd.s32 $0x2, s31;
	v1 =	vmov s6;
	[tilespmem:s3+$0x60] =	vst v2  }
0x9e: {  	v1 =	vand.u32 $0x7E, v1;
	v2 =	vld [tilespmem:s0+$0x70]  }
0x9f: {  	v1 =	vor.u32 $0x100, v1  }
0xa0: {  	v1 =	vbroadcast v1, $0x0;
	_ =	sdelay $0x2  }
0xa1: {  	v0 =	vmul.f32 v0, v2;
	_ =	sdelay $0x1  }
0xa2: {  	[tilespmem:s3+$0x70] =	vst v0  }
0xa3: {  	s9 =	sadd.s32 $0x100, s0;
	v0 =	vld.idx.msk [tilespmem:v1+s4+$0x0], $0xffff  }
0xa4: {  	v1 =	vld [tilespmem:s9+$0xFFFFFF80];
	_ =	sdelay $0x4  }
0xa5: {  	v1 =	vmul.f32 v0, v1  }
0xa6: {  	s12 =	sadd.s32 $0x100, s3  }
0xa7: {  	[tilespmem:s12+$0xFFFFFF80] =	vst v1  }
0xa8: {  	v1 =	vld [tilespmem:s9+$0xFFFFFF90];
	_ =	sdelay $0x4  }
0xa9: {  	v1 =	vmul.f32 v0, v1;
	_ =	sdelay $0x1  }
0xaa: {  	[tilespmem:s12+$0xFFFFFF90] =	vst v1  }
0xab: {  	v1 =	vld [tilespmem:s9+$0xFFFFFFA0];
	_ =	sdelay $0x4  }
0xac: {  	v1 =	vmul.f32 v0, v1;
	_ =	sdelay $0x1  }
0xad: {  	[tilespmem:s12+$0xFFFFFFA0] =	vst v1  }
0xae: {  	v1 =	vld [tilespmem:s9+$0xFFFFFFB0];
	_ =	sdelay $0x4  }
0xaf: {  	v1 =	vmul.f32 v0, v1;
	_ =	sdelay $0x1  }
0xb0: {  	[tilespmem:s12+$0xFFFFFFB0] =	vst v1  }
0xb1: {  	v1 =	vld [tilespmem:s9+$0xFFFFFFC0];
	_ =	sdelay $0x4  }
0xb2: {  	v1 =	vmul.f32 v0, v1;
	_ =	sdelay $0x1  }
0xb3: {  	[tilespmem:s12+$0xFFFFFFC0] =	vst v1  }
0xb4: {  	v1 =	vld [tilespmem:s9+$0xFFFFFFD0];
	_ =	sdelay $0x4  }
0xb5: {  	v1 =	vmul.f32 v0, v1;
	_ =	sdelay $0x1  }
0xb6: {  	[tilespmem:s12+$0xFFFFFFD0] =	vst v1  }
0xb7: {  	v1 =	vld [tilespmem:s9+$0xFFFFFFE0];
	_ =	sdelay $0x4  }
0xb8: {  	v1 =	vmul.f32 v0, v1  }
0xb9: {  	s6 =	sadd.s32 $0x1, s6  }
0xba: {  	[tilespmem:s12+$0xFFFFFFE0] =	vst v1;
	v1 =	vmov s6  }
0xbb: {  	v2 =	vld [tilespmem:s9+$0xFFFFFFF0];
	v1 =	vand.u32 $0x7F, v1  }
0xbc: {  	v1 =	vor.u32 $0x100, v1  }
0xbd: {  	v1 =	vbroadcast v1, $0x0;
	_ =	sdelay $0x2  }
0xbe: {  	v0 =	vmul.f32 v0, v2;
	_ =	sdelay $0x1  }
0xbf: {  	[tilespmem:s12+$0xFFFFFFF0] =	vst v0  }
0xc0: {  	v0 =	vld.idx.msk [tilespmem:v1+s4+$0x0], $0xffff  }
0xc1: {  	v1 =	vld [tilespmem:s9+$0x0];
	_ =	sdelay $0x4  }
0xc2: {  	v1 =	vmul.f32 v0, v1;
	_ =	sdelay $0x1  }
0xc3: {  	[tilespmem:s12+$0x0] =	vst v1  }
0xc4: {  	v1 =	vld [tilespmem:s9+$0x10];
	_ =	sdelay $0x4  }
0xc5: {  	v1 =	vmul.f32 v0, v1;
	_ =	sdelay $0x1  }
0xc6: {  	[tilespmem:s12+$0x10] =	vst v1  }
0xc7: {  	v1 =	vld [tilespmem:s9+$0x20];
	_ =	sdelay $0x4  }
0xc8: {  	v1 =	vmul.f32 v0, v1;
	_ =	sdelay $0x1  }
0xc9: {  	[tilespmem:s12+$0x20] =	vst v1  }
0xca: {  	v1 =	vld [tilespmem:s9+$0x30];
	_ =	sdelay $0x4  }
0xcb: {  	v1 =	vmul.f32 v0, v1;
	_ =	sdelay $0x1  }
0xcc: {  	[tilespmem:s12+$0x30] =	vst v1  }
0xcd: {  	v1 =	vld [tilespmem:s9+$0x40];
	_ =	sdelay $0x4  }
0xce: {  	v1 =	vmul.f32 v0, v1;
	_ =	sdelay $0x1  }
0xcf: {  	[tilespmem:s12+$0x40] =	vst v1  }
0xd0: {  	v1 =	vld [tilespmem:s9+$0x50];
	_ =	sdelay $0x4  }
0xd1: {  	v1 =	vmul.f32 v0, v1;
	_ =	sdelay $0x1  }
0xd2: {  	[tilespmem:s12+$0x50] =	vst v1  }
0xd3: {  	v1 =	vld [tilespmem:s9+$0x60];
	_ =	sdelay $0x4  }
0xd4: {  	v1 =	vmul.f32 v0, v1;
	_ =	sdelay $0x1  }
0xd5: {  	[tilespmem:s12+$0x60] =	vst v1  }
0xd6: {  	v1 =	vld [tilespmem:s9+$0x70];
	_ =	sdelay $0x4  }
0xd7: {  	v0 =	vmul.f32 v0, v1;
	_ =	sdelay $0x1  }
0xd8: {  	[tilespmem:s12+$0x70] =	vst v0  }
0xd9: {  	[spmem:s2] =	stream.indirect.scatter.add.f32 [tilespmem:s25], [sflag:$0x5], $0x80, s24, s23, $0xb8;
	[tilespmem:$0x1E500] =	vst v63  }
0xda: {  	_ =	swait.ge [sflag:s15], $0x2000  }
0xdb: {  	[sflag:s15] =	ssyncset.done $0x0  }
0xdc: {  	s9 =	simm.s32 $0x40;
	[sflag:s15] =	ssyncadd.s32 $0xFFFFE000  }
0xdd: {  	v1 =	vmov s9;
	v0 =	vld [tilespmem:$0xC0]  }
0xde: {  	v1 =	vand.u32 $0x7E, v1;
	v2 =	vld [tilespmem:$0xD0]  }
0xdf: {  	v1 =	vor.u32 $0x100, v1;
	v3 =	vld [tilespmem:$0xE0]  }
0xe0: {  	v1 =	vbroadcast v1, $0x0;
	v4 =	vld [tilespmem:$0xF0];
	_ =	sdelay $0x1  }
0xe1: {  	[tilespmem:$0x480] =	vst v0  }
0xe2: {  	[tilespmem:$0x490] =	vst v2  }
0xe3: {  	[tilespmem:$0x4A0] =	vst v3  }
0xe4: {  	[tilespmem:$0x4B0] =	vst v4  }
0xe5: {  	s31 =	simm.s32 $0x25F0;
	v0 =	vld.idx.msk [tilespmem:v1+s4+$0x0], $0xffff  }
0xe6: {  	v1 =	vld [tilespmem:s31+$0xFFFFFF10];
	_ =	sdelay $0x4  }
0xe7: {  	v1 =	vmul.f32 v0, v1  }
0xe8: {  	s0 =	simm.s32 $0x8580  }
0xe9: {  	[tilespmem:s0+$0xFFFFFF80] =	vst v1  }
0xea: {  	v1 =	vld [tilespmem:s31+$0xFFFFFF20];
	_ =	sdelay $0x4  }
0xeb: {  	v1 =	vmul.f32 v0, v1;
	_ =	sdelay $0x1  }
0xec: {  	[tilespmem:s0+$0xFFFFFF90] =	vst v1  }
0xed: {  	v1 =	vld [tilespmem:s31+$0xFFFFFF30];
	_ =	sdelay $0x4  }
0xee: {  	v1 =	vmul.f32 v0, v1;
	_ =	sdelay $0x1  }
0xef: {  	[tilespmem:s0+$0xFFFFFFA0] =	vst v1  }
0xf0: {  	v1 =	vld [tilespmem:s31+$0xFFFFFF40];
	_ =	sdelay $0x4  }
0xf1: {  	v1 =	vmul.f32 v0, v1;
	_ =	sdelay $0x1  }
0xf2: {  	[tilespmem:s0+$0xFFFFFFB0] =	vst v1  }
0xf3: {  	v1 =	vld [tilespmem:s31+$0xFFFFFF50];
	_ =	sdelay $0x4  }
0xf4: {  	v1 =	vmul.f32 v0, v1;
	_ =	sdelay $0x1  }
0xf5: {  	[tilespmem:s0+$0xFFFFFFC0] =	vst v1  }
0xf6: {  	v1 =	vld [tilespmem:s31+$0xFFFFFF60];
	_ =	sdelay $0x4  }
0xf7: {  	v1 =	vmul.f32 v0, v1;
	_ =	sdelay $0x1  }
0xf8: {  	[tilespmem:s0+$0xFFFFFFD0] =	vst v1  }
0xf9: {  	v1 =	vld [tilespmem:s31+$0xFFFFFF70];
	_ =	sdelay $0x4  }
0xfa: {  	v1 =	vmul.f32 v0, v1  }
0xfb: {  	s12 =	simm.s32 $0x41  }
0xfc: {  	[tilespmem:s0+$0xFFFFFFE0] =	vst v1;
	v1 =	vmov s12  }
0xfd: {  	v2 =	vld [tilespmem:s31+$0xFFFFFF80];
	v1 =	vand.u32 $0x7F, v1  }
0xfe: {  	v1 =	vor.u32 $0x100, v1  }
0xff: {  	v1 =	vbroadcast v1, $0x0;
	_ =	sdelay $0x2  }
0x100: {  	v0 =	vmul.f32 v0, v2;
	_ =	sdelay $0x1  }
0x101: {  	[tilespmem:s0+$0xFFFFFFF0] =	vst v0  }
0x102: {  	v0 =	vld.idx.msk [tilespmem:v1+s4+$0x0], $0xffff  }
0x103: {  	v1 =	vld [tilespmem:s31+$0xFFFFFF90];
	_ =	sdelay $0x4  }
0x104: {  	v1 =	vmul.f32 v0, v1;
	_ =	sdelay $0x1  }
0x105: {  	[tilespmem:s0+$0x0] =	vst v1  }
0x106: {  	v1 =	vld [tilespmem:s31+$0xFFFFFFA0];
	_ =	sdelay $0x4  }
0x107: {  	v1 =	vmul.f32 v0, v1;
	_ =	sdelay $0x1  }
0x108: {  	[tilespmem:s0+$0x10] =	vst v1  }
0x109: {  	v1 =	vld [tilespmem:s31+$0xFFFFFFB0];
	_ =	sdelay $0x4  }
0x10a: {  	v1 =	vmul.f32 v0, v1;
	_ =	sdelay $0x1  }
0x10b: {  	[tilespmem:s0+$0x20] =	vst v1  }
0x10c: {  	v1 =	vld [tilespmem:s31+$0xFFFFFFC0];
	_ =	sdelay $0x4  }
0x10d: {  	v1 =	vmul.f32 v0, v1;
	_ =	sdelay $0x1  }
0x10e: {  	[tilespmem:s0+$0x30] =	vst v1  }
0x10f: {  	v1 =	vld [tilespmem:s31+$0xFFFFFFD0];
	_ =	sdelay $0x4  }
0x110: {  	v1 =	vmul.f32 v0, v1;
	_ =	sdelay $0x1  }
0x111: {  	[tilespmem:s0+$0x40] =	vst v1  }
0x112: {  	v1 =	vld [tilespmem:s31+$0xFFFFFFE0];
	_ =	sdelay $0x4  }
0x113: {  	v1 =	vmul.f32 v0, v1;
	_ =	sdelay $0x1  }
0x114: {  	[tilespmem:s0+$0x50] =	vst v1  }
0x115: {  	v1 =	vld [tilespmem:s31+$0xFFFFFFF0];
	_ =	sdelay $0x4  }
0x116: {  	v1 =	vmul.f32 v0, v1  }
0x117: {  	s3 =	simm.s32 $0x43;
	s6 =	simm.s32 $0x45;
	s9 =	simm.s32 $0x42  }
.LBB2_5:
0x118: {  	p0 =	sne.s32 s6, $0x7F;
	v2 =	vmov s9;
	[tilespmem:s0+$0x60] =	vst v1  }
0x119: {  	v1 =	vand.u32 $0x7E, v2;
	v2 =	vld [tilespmem:s31+$0x0]  }
0x11a: {  	v1 =	vor.u32 $0x100, v1  }
0x11b: {  	v1 =	vbroadcast v1, $0x0;
	_ =	sdelay $0x2  }
0x11c: {  	v0 =	vmul.f32 v0, v2;
	_ =	sdelay $0x1  }
0x11d: {  	[tilespmem:s0+$0x70] =	vst v0  }
0x11e: {  	s31 =	sadd.s32 $0x100, s31;
	v0 =	vld.idx.msk [tilespmem:v1+s4+$0x0], $0xffff  }
0x11f: {  	v1 =	vld [tilespmem:s31+$0xFFFFFF10];
	_ =	sdelay $0x4  }
0x120: {  	v1 =	vmul.f32 v0, v1  }
0x121: {  	s0 =	sadd.s32 $0x100, s0  }
0x122: {  	[tilespmem:s0+$0xFFFFFF80] =	vst v1  }
0x123: {  	v1 =	vld [tilespmem:s31+$0xFFFFFF20];
	_ =	sdelay $0x4  }
0x124: {  	v1 =	vmul.f32 v0, v1;
	_ =	sdelay $0x1  }
0x125: {  	[tilespmem:s0+$0xFFFFFF90] =	vst v1  }
0x126: {  	v1 =	vld [tilespmem:s31+$0xFFFFFF30];
	_ =	sdelay $0x4  }
0x127: {  	v1 =	vmul.f32 v0, v1;
	_ =	sdelay $0x1  }
0x128: {  	[tilespmem:s0+$0xFFFFFFA0] =	vst v1  }
0x129: {  	v1 =	vld [tilespmem:s31+$0xFFFFFF40];
	_ =	sdelay $0x4  }
0x12a: {  	v1 =	vmul.f32 v0, v1;
	_ =	sdelay $0x1  }
0x12b: {  	[tilespmem:s0+$0xFFFFFFB0] =	vst v1  }
0x12c: {  	v1 =	vld [tilespmem:s31+$0xFFFFFF50];
	_ =	sdelay $0x4  }
0x12d: {  	v1 =	vmul.f32 v0, v1;
	_ =	sdelay $0x1  }
0x12e: {  	[tilespmem:s0+$0xFFFFFFC0] =	vst v1  }
0x12f: {  	v1 =	vld [tilespmem:s31+$0xFFFFFF60];
	_ =	sdelay $0x4  }
0x130: {  	v1 =	vmul.f32 v0, v1;
	_ =	sdelay $0x1  }
0x131: {  	[tilespmem:s0+$0xFFFFFFD0] =	vst v1  }
0x132: {  	v1 =	vld [tilespmem:s31+$0xFFFFFF70];
	_ =	sdelay $0x4  }
0x133: {  	v1 =	vmul.f32 v0, v1;
	_ =	sdelay $0x1  }
0x134: {  	[tilespmem:s0+$0xFFFFFFE0] =	vst v1;
	v1 =	vmov s3;
	s3 =	smov.u32 s6  }
0x135: {  	v2 =	vld [tilespmem:s31+$0xFFFFFF80];
	v1 =	vand.u32 $0x7F, v1  }
0x136: {  	v1 =	vor.u32 $0x100, v1  }
0x137: {  	v1 =	vbroadcast v1, $0x0;
	_ =	sdelay $0x2  }
0x138: {  	v0 =	vmul.f32 v0, v2;
	_ =	sdelay $0x1  }
0x139: {  	[tilespmem:s0+$0xFFFFFFF0] =	vst v0  }
0x13a: {  	v0 =	vld.idx.msk [tilespmem:v1+s4+$0x0], $0xffff  }
0x13b: {  	v1 =	vld [tilespmem:s31+$0xFFFFFF90];
	_ =	sdelay $0x4  }
0x13c: {  	v1 =	vmul.f32 v0, v1;
	_ =	sdelay $0x1  }
0x13d: {  	[tilespmem:s0+$0x0] =	vst v1  }
0x13e: {  	v1 =	vld [tilespmem:s31+$0xFFFFFFA0];
	_ =	sdelay $0x4  }
0x13f: {  	v1 =	vmul.f32 v0, v1;
	_ =	sdelay $0x1  }
0x140: {  	[tilespmem:s0+$0x10] =	vst v1  }
0x141: {  	v1 =	vld [tilespmem:s31+$0xFFFFFFB0];
	_ =	sdelay $0x4  }
0x142: {  	v1 =	vmul.f32 v0, v1;
	_ =	sdelay $0x1  }
0x143: {  	[tilespmem:s0+$0x20] =	vst v1  }
0x144: {  	v1 =	vld [tilespmem:s31+$0xFFFFFFC0];
	_ =	sdelay $0x4  }
0x145: {  	v1 =	vmul.f32 v0, v1;
	_ =	sdelay $0x1  }
0x146: {  	[tilespmem:s0+$0x30] =	vst v1  }
0x147: {  	v1 =	vld [tilespmem:s31+$0xFFFFFFD0];
	_ =	sdelay $0x4  }
0x148: {  	v1 =	vmul.f32 v0, v1;
	_ =	sdelay $0x1  }
0x149: {  	[tilespmem:s0+$0x40] =	vst v1  }
0x14a: {  	v1 =	vld [tilespmem:s31+$0xFFFFFFE0];
	_ =	sdelay $0x4  }
0x14b: {  	v1 =	vmul.f32 v0, v1;
	_ =	sdelay $0x1  }
0x14c: {  	[tilespmem:s0+$0x50] =	vst v1  }
0x14d: {  	v1 =	vld [tilespmem:s31+$0xFFFFFFF0];
	_ =	sdelay $0x1  }
.Ltmp1:
0x14e: {  	(pc) =	sbr.rel @p0 .LBB2_5-.Ltmp1, $3  }
0x14f: {  	_ =	sdelay $0x1  }
0x150: {  	v1 =	vmul.f32 v0, v1  }
0x151: {  	s6 =	sadd.s32 $0x2, s6;
	s9 =	sadd.s32 $0xFFFFFFFF, s3  }
0x152: {  	v2 =	vmov s9;
	[tilespmem:s0+$0x60] =	vst v1  }
0x153: {  	v1 =	vand.u32 $0x7E, v2;
	v2 =	vld [tilespmem:s31+$0x0]  }
0x154: {  	v1 =	vor.u32 $0x100, v1  }
0x155: {  	v1 =	vbroadcast v1, $0x0;
	_ =	sdelay $0x2  }
0x156: {  	v0 =	vmul.f32 v0, v2;
	_ =	sdelay $0x1  }
0x157: {  	[tilespmem:s0+$0x70] =	vst v0  }
0x158: {  	s6 =	sadd.s32 $0x100, s31;
	v0 =	vld.idx.msk [tilespmem:v1+s4+$0x0], $0xffff  }
0x159: {  	v1 =	vld [tilespmem:s6+$0xFFFFFF10];
	_ =	sdelay $0x4  }
0x15a: {  	v1 =	vmul.f32 v0, v1  }
0x15b: {  	s12 =	sadd.s32 $0x100, s0  }
0x15c: {  	[tilespmem:s12+$0xFFFFFF80] =	vst v1  }
0x15d: {  	v1 =	vld [tilespmem:s6+$0xFFFFFF20];
	_ =	sdelay $0x4  }
0x15e: {  	v1 =	vmul.f32 v0, v1;
	_ =	sdelay $0x1  }
0x15f: {  	[tilespmem:s12+$0xFFFFFF90] =	vst v1  }
0x160: {  	v1 =	vld [tilespmem:s6+$0xFFFFFF30];
	_ =	sdelay $0x4  }
0x161: {  	v1 =	vmul.f32 v0, v1;
	_ =	sdelay $0x1  }
0x162: {  	[tilespmem:s12+$0xFFFFFFA0] =	vst v1  }
0x163: {  	v1 =	vld [tilespmem:s6+$0xFFFFFF40];
	_ =	sdelay $0x4  }
0x164: {  	v1 =	vmul.f32 v0, v1;
	_ =	sdelay $0x1  }
0x165: {  	[tilespmem:s12+$0xFFFFFFB0] =	vst v1  }
0x166: {  	v1 =	vld [tilespmem:s6+$0xFFFFFF50];
	_ =	sdelay $0x4  }
0x167: {  	v1 =	vmul.f32 v0, v1;
	_ =	sdelay $0x1  }
0x168: {  	[tilespmem:s12+$0xFFFFFFC0] =	vst v1  }
0x169: {  	v1 =	vld [tilespmem:s6+$0xFFFFFF60];
	_ =	sdelay $0x4  }
0x16a: {  	v1 =	vmul.f32 v0, v1;
	_ =	sdelay $0x1  }
0x16b: {  	[tilespmem:s12+$0xFFFFFFD0] =	vst v1  }
0x16c: {  	v1 =	vld [tilespmem:s6+$0xFFFFFF70];
	_ =	sdelay $0x4  }
0x16d: {  	v1 =	vmul.f32 v0, v1;
	_ =	sdelay $0x1  }
0x16e: {  	[tilespmem:s12+$0xFFFFFFE0] =	vst v1;
	v1 =	vmov s3  }
0x16f: {  	v2 =	vld [tilespmem:s6+$0xFFFFFF80];
	v1 =	vand.u32 $0x7F, v1  }
0x170: {  	v1 =	vor.u32 $0x100, v1  }
0x171: {  	v1 =	vbroadcast v1, $0x0;
	_ =	sdelay $0x2  }
0x172: {  	v0 =	vmul.f32 v0, v2;
	_ =	sdelay $0x1  }
0x173: {  	[tilespmem:s12+$0xFFFFFFF0] =	vst v0  }
0x174: {  	v0 =	vld.idx.msk [tilespmem:v1+s4+$0x0], $0xffff  }
0x175: {  	v1 =	vld [tilespmem:s6+$0xFFFFFF90];
	_ =	sdelay $0x4  }
0x176: {  	v1 =	vmul.f32 v0, v1;
	_ =	sdelay $0x1  }
0x177: {  	[tilespmem:s12+$0x0] =	vst v1  }
0x178: {  	v1 =	vld [tilespmem:s6+$0xFFFFFFA0];
	_ =	sdelay $0x4  }
0x179: {  	v1 =	vmul.f32 v0, v1;
	_ =	sdelay $0x1  }
0x17a: {  	[tilespmem:s12+$0x10] =	vst v1  }
0x17b: {  	v1 =	vld [tilespmem:s6+$0xFFFFFFB0];
	_ =	sdelay $0x4  }
0x17c: {  	v1 =	vmul.f32 v0, v1;
	_ =	sdelay $0x1  }
0x17d: {  	[tilespmem:s12+$0x20] =	vst v1  }
0x17e: {  	v1 =	vld [tilespmem:s6+$0xFFFFFFC0];
	_ =	sdelay $0x4  }
0x17f: {  	v1 =	vmul.f32 v0, v1;
	_ =	sdelay $0x1  }
0x180: {  	[tilespmem:s12+$0x30] =	vst v1  }
0x181: {  	v1 =	vld [tilespmem:s6+$0xFFFFFFD0];
	_ =	sdelay $0x4  }
0x182: {  	v1 =	vmul.f32 v0, v1;
	_ =	sdelay $0x1  }
0x183: {  	[tilespmem:s12+$0x40] =	vst v1  }
0x184: {  	v1 =	vld [tilespmem:s6+$0xFFFFFFE0];
	_ =	sdelay $0x4  }
0x185: {  	v1 =	vmul.f32 v0, v1;
	_ =	sdelay $0x1  }
0x186: {  	[tilespmem:s12+$0x50] =	vst v1  }
0x187: {  	v1 =	vld [tilespmem:s6+$0xFFFFFFF0];
	_ =	sdelay $0x4  }
0x188: {  	v1 =	vmul.f32 v0, v1;
	_ =	sdelay $0x1  }
0x189: {  	[tilespmem:s12+$0x60] =	vst v1  }
0x18a: {  	v1 =	vld [tilespmem:s6+$0x0];
	_ =	sdelay $0x4  }
0x18b: {  	v0 =	vmul.f32 v0, v1;
	_ =	sdelay $0x1  }
0x18c: {  	s31 =	sshll.u32 s30, $0xA;
	[tilespmem:s12+$0x70] =	vst v0  }
0x18d: {  	[spmem:s2] =	stream.indirect.scatter.add.f32 [tilespmem:s25], [sflag:$0x5], $0x80, s26, s23, $0xb8;
	[tilespmem:$0x1E500] =	vst v63  }
0x18e: {  	s6 =	sadd.s32 s31, s10;
	_ =	swait.ge [sflag:s15], $0x2000  }
0x18f: {  	s0 =	sshrl.u32 s6, $0x3;
	[sflag:s15] =	ssyncset.done $0x0  }
0x190: {  	s9 =	simm.s32 $0x0;
	s0 =	sadd.s32 s1, s0;
	[sflag:s15] =	ssyncadd.s32 $0xFFFFE000  }
0x191: {  	[tilespmem:s9], [sflag:$0x1] =	stream.linear.gather [hbm4b:s0+s9], $0x180, $0x38;
	[tilespmem:$0x1E500] =	vst v63  }
0x192: {  	_ =	swait.ge [sflag:s16], $0x180  }
0x193: {  	[sflag:s16] =	ssyncset.done $0x0  }
0x194: {  	[sflag:s16] =	ssyncadd.s32 $0xFFFFFE80  }
0x195: {  	[tilespmem:s18], [sflag:$0x3] =	stream.indirect.gather [hbm4b:s5+s17], $0x80, s9, s17, $0xb8;
	[tilespmem:$0x1E500] =	vst v63  }
0x196: {  	_ =	swait.ge [sflag:s28], $0x4000  }
0x197: {  	[sflag:s28] =	ssyncset.done $0x0  }
0x198: {  	[sflag:s28] =	ssyncadd.s32 $0xFFFFC000  }
0x199: {  	v1 =	vmov s9;
	v0 =	vld [tilespmem:$0x280]  }
0x19a: {  	v1 =	vand.u32 $0x7E, v1;
	v2 =	vld [tilespmem:$0x290]  }
0x19b: {  	v1 =	vor.u32 $0x100, v1;
	v3 =	vld [tilespmem:$0x2A0]  }
0x19c: {  	v1 =	vbroadcast v1, $0x0;
	v4 =	vld [tilespmem:$0x2B0];
	_ =	sdelay $0x1  }
0x19d: {  	[tilespmem:$0x400] =	vst v0  }
0x19e: {  	[tilespmem:$0x410] =	vst v2  }
0x19f: {  	[tilespmem:$0x420] =	vst v3  }
0x1a0: {  	[tilespmem:$0x430] =	vst v4  }
0x1a1: {  	s0 =	simm.s32 $0x4580;
	v0 =	vld.idx.msk [tilespmem:v1+s19+$0x0], $0xffff  }
0x1a2: {  	v1 =	vld [tilespmem:s0+$0xFFFFFF80];
	_ =	sdelay $0x4  }
0x1a3: {  	v1 =	vmul.f32 v0, v1  }
0x1a4: {  	s3 =	simm.s32 $0x8580  }
0x1a5: {  	[tilespmem:s3+$0xFFFFFF80] =	vst v1  }
0x1a6: {  	v1 =	vld [tilespmem:s0+$0xFFFFFF90];
	_ =	sdelay $0x4  }
0x1a7: {  	v1 =	vmul.f32 v0, v1;
	_ =	sdelay $0x1  }
0x1a8: {  	[tilespmem:s3+$0xFFFFFF90] =	vst v1  }
0x1a9: {  	v1 =	vld [tilespmem:s0+$0xFFFFFFA0];
	_ =	sdelay $0x4  }
0x1aa: {  	v1 =	vmul.f32 v0, v1;
	_ =	sdelay $0x1  }
0x1ab: {  	[tilespmem:s3+$0xFFFFFFA0] =	vst v1  }
0x1ac: {  	v1 =	vld [tilespmem:s0+$0xFFFFFFB0];
	_ =	sdelay $0x4  }
0x1ad: {  	v1 =	vmul.f32 v0, v1;
	_ =	sdelay $0x1  }
0x1ae: {  	[tilespmem:s3+$0xFFFFFFB0] =	vst v1  }
0x1af: {  	v1 =	vld [tilespmem:s0+$0xFFFFFFC0];
	_ =	sdelay $0x4  }
0x1b0: {  	v1 =	vmul.f32 v0, v1;
	_ =	sdelay $0x1  }
0x1b1: {  	[tilespmem:s3+$0xFFFFFFC0] =	vst v1  }
0x1b2: {  	v1 =	vld [tilespmem:s0+$0xFFFFFFD0];
	_ =	sdelay $0x4  }
0x1b3: {  	v1 =	vmul.f32 v0, v1;
	_ =	sdelay $0x1  }
0x1b4: {  	[tilespmem:s3+$0xFFFFFFD0] =	vst v1  }
0x1b5: {  	v1 =	vld [tilespmem:s0+$0xFFFFFFE0];
	_ =	sdelay $0x4  }
0x1b6: {  	v1 =	vmul.f32 v0, v1  }
0x1b7: {  	s12 =	simm.s32 $0x1  }
0x1b8: {  	[tilespmem:s3+$0xFFFFFFE0] =	vst v1;
	v1 =	vmov s12  }
0x1b9: {  	v2 =	vld [tilespmem:s0+$0xFFFFFFF0];
	v1 =	vand.u32 $0x7F, v1  }
0x1ba: {  	v1 =	vor.u32 $0x100, v1  }
0x1bb: {  	v1 =	vbroadcast v1, $0x0;
	_ =	sdelay $0x2  }
0x1bc: {  	v0 =	vmul.f32 v0, v2;
	_ =	sdelay $0x1  }
0x1bd: {  	[tilespmem:s3+$0xFFFFFFF0] =	vst v0  }
0x1be: {  	v0 =	vld.idx.msk [tilespmem:v1+s19+$0x0], $0xffff  }
0x1bf: {  	v1 =	vld [tilespmem:s0+$0x0];
	_ =	sdelay $0x4  }
0x1c0: {  	v1 =	vmul.f32 v0, v1;
	_ =	sdelay $0x1  }
0x1c1: {  	[tilespmem:s3+$0x0] =	vst v1  }
0x1c2: {  	v1 =	vld [tilespmem:s0+$0x10];
	_ =	sdelay $0x4  }
0x1c3: {  	v1 =	vmul.f32 v0, v1;
	_ =	sdelay $0x1  }
0x1c4: {  	[tilespmem:s3+$0x10] =	vst v1  }
0x1c5: {  	v1 =	vld [tilespmem:s0+$0x20];
	_ =	sdelay $0x4  }
0x1c6: {  	v1 =	vmul.f32 v0, v1;
	_ =	sdelay $0x1  }
0x1c7: {  	[tilespmem:s3+$0x20] =	vst v1  }
0x1c8: {  	v1 =	vld [tilespmem:s0+$0x30];
	_ =	sdelay $0x4  }
0x1c9: {  	v1 =	vmul.f32 v0, v1;
	_ =	sdelay $0x1  }
0x1ca: {  	[tilespmem:s3+$0x30] =	vst v1  }
0x1cb: {  	v1 =	vld [tilespmem:s0+$0x40];
	_ =	sdelay $0x4  }
0x1cc: {  	v1 =	vmul.f32 v0, v1;
	_ =	sdelay $0x1  }
0x1cd: {  	[tilespmem:s3+$0x40] =	vst v1  }
0x1ce: {  	v1 =	vld [tilespmem:s0+$0x50];
	_ =	sdelay $0x4  }
0x1cf: {  	v1 =	vmul.f32 v0, v1;
	_ =	sdelay $0x1  }
0x1d0: {  	[tilespmem:s3+$0x50] =	vst v1  }
0x1d1: {  	v1 =	vld [tilespmem:s0+$0x60];
	_ =	sdelay $0x4  }
0x1d2: {  	v2 =	vmul.f32 v0, v1  }
0x1d3: {  	s6 =	simm.s32 $0x2  }
0x1d4: {  	s9 =	simm.s32 $0x4;
	v1 =	vmov s6;
	[tilespmem:s3+$0x60] =	vst v2  }
.LBB2_7:
0x1d5: {  	p0 =	sne.s32 s9, $0x3E;
	v1 =	vand.u32 $0x7E, v1;
	v2 =	vld [tilespmem:s0+$0x70]  }
0x1d6: {  	v1 =	vor.u32 $0x100, v1  }
0x1d7: {  	v1 =	vbroadcast v1, $0x0;
	_ =	sdelay $0x2  }
0x1d8: {  	v0 =	vmul.f32 v0, v2;
	_ =	sdelay $0x1  }
0x1d9: {  	[tilespmem:s3+$0x70] =	vst v0  }
0x1da: {  	s0 =	sadd.s32 $0x100, s0;
	v0 =	vld.idx.msk [tilespmem:v1+s19+$0x0], $0xffff  }
0x1db: {  	v1 =	vld [tilespmem:s0+$0xFFFFFF80];
	_ =	sdelay $0x4  }
0x1dc: {  	v1 =	vmul.f32 v0, v1  }
0x1dd: {  	s3 =	sadd.s32 $0x100, s3  }
0x1de: {  	[tilespmem:s3+$0xFFFFFF80] =	vst v1  }
0x1df: {  	v1 =	vld [tilespmem:s0+$0xFFFFFF90];
	_ =	sdelay $0x4  }
0x1e0: {  	v1 =	vmul.f32 v0, v1;
	_ =	sdelay $0x1  }
0x1e1: {  	[tilespmem:s3+$0xFFFFFF90] =	vst v1  }
0x1e2: {  	v1 =	vld [tilespmem:s0+$0xFFFFFFA0];
	_ =	sdelay $0x4  }
0x1e3: {  	v1 =	vmul.f32 v0, v1;
	_ =	sdelay $0x1  }
0x1e4: {  	[tilespmem:s3+$0xFFFFFFA0] =	vst v1  }
0x1e5: {  	v1 =	vld [tilespmem:s0+$0xFFFFFFB0];
	_ =	sdelay $0x4  }
0x1e6: {  	v1 =	vmul.f32 v0, v1;
	_ =	sdelay $0x1  }
0x1e7: {  	[tilespmem:s3+$0xFFFFFFB0] =	vst v1  }
0x1e8: {  	v1 =	vld [tilespmem:s0+$0xFFFFFFC0];
	_ =	sdelay $0x4  }
0x1e9: {  	v1 =	vmul.f32 v0, v1;
	_ =	sdelay $0x1  }
0x1ea: {  	[tilespmem:s3+$0xFFFFFFC0] =	vst v1  }
0x1eb: {  	v1 =	vld [tilespmem:s0+$0xFFFFFFD0];
	_ =	sdelay $0x4  }
0x1ec: {  	v1 =	vmul.f32 v0, v1;
	_ =	sdelay $0x1  }
0x1ed: {  	[tilespmem:s3+$0xFFFFFFD0] =	vst v1  }
0x1ee: {  	v1 =	vld [tilespmem:s0+$0xFFFFFFE0];
	_ =	sdelay $0x4  }
0x1ef: {  	v1 =	vmul.f32 v0, v1  }
0x1f0: {  	s12 =	sadd.s32 $0x1, s6;
	s6 =	smov.u32 s9  }
0x1f1: {  	[tilespmem:s3+$0xFFFFFFE0] =	vst v1;
	v1 =	vmov s12  }
0x1f2: {  	v2 =	vld [tilespmem:s0+$0xFFFFFFF0];
	v1 =	vand.u32 $0x7F, v1  }
0x1f3: {  	v1 =	vor.u32 $0x100, v1  }
0x1f4: {  	v1 =	vbroadcast v1, $0x0;
	_ =	sdelay $0x2  }
0x1f5: {  	v0 =	vmul.f32 v0, v2;
	_ =	sdelay $0x1  }
0x1f6: {  	[tilespmem:s3+$0xFFFFFFF0] =	vst v0  }
0x1f7: {  	v0 =	vld.idx.msk [tilespmem:v1+s19+$0x0], $0xffff  }
0x1f8: {  	v1 =	vld [tilespmem:s0+$0x0];
	_ =	sdelay $0x4  }
0x1f9: {  	v1 =	vmul.f32 v0, v1;
	_ =	sdelay $0x1  }
0x1fa: {  	[tilespmem:s3+$0x0] =	vst v1  }
0x1fb: {  	v1 =	vld [tilespmem:s0+$0x10];
	_ =	sdelay $0x4  }
0x1fc: {  	v1 =	vmul.f32 v0, v1;
	_ =	sdelay $0x1  }
0x1fd: {  	[tilespmem:s3+$0x10] =	vst v1  }
0x1fe: {  	v1 =	vld [tilespmem:s0+$0x20];
	_ =	sdelay $0x4  }
0x1ff: {  	v1 =	vmul.f32 v0, v1;
	_ =	sdelay $0x1  }
0x200: {  	[tilespmem:s3+$0x20] =	vst v1  }
0x201: {  	v1 =	vld [tilespmem:s0+$0x30];
	_ =	sdelay $0x4  }
0x202: {  	v1 =	vmul.f32 v0, v1;
	_ =	sdelay $0x1  }
0x203: {  	[tilespmem:s3+$0x30] =	vst v1  }
0x204: {  	v1 =	vld [tilespmem:s0+$0x40];
	_ =	sdelay $0x4  }
0x205: {  	v1 =	vmul.f32 v0, v1;
	_ =	sdelay $0x1  }
0x206: {  	[tilespmem:s3+$0x40] =	vst v1  }
0x207: {  	v1 =	vld [tilespmem:s0+$0x50];
	_ =	sdelay $0x4  }
0x208: {  	v1 =	vmul.f32 v0, v1;
	_ =	sdelay $0x1  }
0x209: {  	[tilespmem:s3+$0x50] =	vst v1  }
0x20a: {  	v1 =	vld [tilespmem:s0+$0x60];
	_ =	sdelay $0x2  }
.Ltmp2:
0x20b: {  	(pc) =	sbr.rel @p0 .LBB2_7-.Ltmp2, $3  }
0x20c: {  	_ = 	snop  }
0x20d: {  	v2 =	vmul.f32 v0, v1;
	_ =	sdelay $0x1  }
0x20e: {  	s9 =	sadd.s32 $0x2, s9;
	v1 =	vmov s6;
	[tilespmem:s3+$0x60] =	vst v2  }
0x20f: {  	v1 =	vand.u32 $0x7E, v1;
	v2 =	vld [tilespmem:s0+$0x70]  }
0x210: {  	v1 =	vor.u32 $0x100, v1  }
0x211: {  	v1 =	vbroadcast v1, $0x0;
	_ =	sdelay $0x2  }
0x212: {  	v0 =	vmul.f32 v0, v2;
	_ =	sdelay $0x1  }
0x213: {  	[tilespmem:s3+$0x70] =	vst v0  }
0x214: {  	s9 =	sadd.s32 $0x100, s0;
	v0 =	vld.idx.msk [tilespmem:v1+s19+$0x0], $0xffff  }
0x215: {  	v1 =	vld [tilespmem:s9+$0xFFFFFF80];
	_ =	sdelay $0x4  }
0x216: {  	v1 =	vmul.f32 v0, v1  }
0x217: {  	s12 =	sadd.s32 $0x100, s3  }
0x218: {  	[tilespmem:s12+$0xFFFFFF80] =	vst v1  }
0x219: {  	v1 =	vld [tilespmem:s9+$0xFFFFFF90];
	_ =	sdelay $0x4  }
0x21a: {  	v1 =	vmul.f32 v0, v1;
	_ =	sdelay $0x1  }
0x21b: {  	[tilespmem:s12+$0xFFFFFF90] =	vst v1  }
0x21c: {  	v1 =	vld [tilespmem:s9+$0xFFFFFFA0];
	_ =	sdelay $0x4  }
0x21d: {  	v1 =	vmul.f32 v0, v1;
	_ =	sdelay $0x1  }
0x21e: {  	[tilespmem:s12+$0xFFFFFFA0] =	vst v1  }
0x21f: {  	v1 =	vld [tilespmem:s9+$0xFFFFFFB0];
	_ =	sdelay $0x4  }
0x220: {  	v1 =	vmul.f32 v0, v1;
	_ =	sdelay $0x1  }
0x221: {  	[tilespmem:s12+$0xFFFFFFB0] =	vst v1  }
0x222: {  	v1 =	vld [tilespmem:s9+$0xFFFFFFC0];
	_ =	sdelay $0x4  }
0x223: {  	v1 =	vmul.f32 v0, v1;
	_ =	sdelay $0x1  }
0x224: {  	[tilespmem:s12+$0xFFFFFFC0] =	vst v1  }
0x225: {  	v1 =	vld [tilespmem:s9+$0xFFFFFFD0];
	_ =	sdelay $0x4  }
0x226: {  	v1 =	vmul.f32 v0, v1;
	_ =	sdelay $0x1  }
0x227: {  	[tilespmem:s12+$0xFFFFFFD0] =	vst v1  }
0x228: {  	v1 =	vld [tilespmem:s9+$0xFFFFFFE0];
	_ =	sdelay $0x4  }
0x229: {  	v1 =	vmul.f32 v0, v1  }
0x22a: {  	s6 =	sadd.s32 $0x1, s6  }
0x22b: {  	[tilespmem:s12+$0xFFFFFFE0] =	vst v1;
	v1 =	vmov s6  }
0x22c: {  	v2 =	vld [tilespmem:s9+$0xFFFFFFF0];
	v1 =	vand.u32 $0x7F, v1  }
0x22d: {  	v1 =	vor.u32 $0x100, v1  }
0x22e: {  	v1 =	vbroadcast v1, $0x0;
	_ =	sdelay $0x2  }
0x22f: {  	v0 =	vmul.f32 v0, v2;
	_ =	sdelay $0x1  }
0x230: {  	[tilespmem:s12+$0xFFFFFFF0] =	vst v0  }
0x231: {  	v0 =	vld.idx.msk [tilespmem:v1+s19+$0x0], $0xffff  }
0x232: {  	v1 =	vld [tilespmem:s9+$0x0];
	_ =	sdelay $0x4  }
0x233: {  	v1 =	vmul.f32 v0, v1;
	_ =	sdelay $0x1  }
0x234: {  	[tilespmem:s12+$0x0] =	vst v1  }
0x235: {  	v1 =	vld [tilespmem:s9+$0x10];
	_ =	sdelay $0x4  }
0x236: {  	v1 =	vmul.f32 v0, v1;
	_ =	sdelay $0x1  }
0x237: {  	[tilespmem:s12+$0x10] =	vst v1  }
0x238: {  	v1 =	vld [tilespmem:s9+$0x20];
	_ =	sdelay $0x4  }
0x239: {  	v1 =	vmul.f32 v0, v1;
	_ =	sdelay $0x1  }
0x23a: {  	[tilespmem:s12+$0x20] =	vst v1  }
0x23b: {  	v1 =	vld [tilespmem:s9+$0x30];
	_ =	sdelay $0x4  }
0x23c: {  	v1 =	vmul.f32 v0, v1;
	_ =	sdelay $0x1  }
0x23d: {  	[tilespmem:s12+$0x30] =	vst v1  }
0x23e: {  	v1 =	vld [tilespmem:s9+$0x40];
	_ =	sdelay $0x4  }
0x23f: {  	v1 =	vmul.f32 v0, v1;
	_ =	sdelay $0x1  }
0x240: {  	[tilespmem:s12+$0x40] =	vst v1  }
0x241: {  	v1 =	vld [tilespmem:s9+$0x50];
	_ =	sdelay $0x4  }
0x242: {  	v1 =	vmul.f32 v0, v1;
	_ =	sdelay $0x1  }
0x243: {  	[tilespmem:s12+$0x50] =	vst v1  }
0x244: {  	v1 =	vld [tilespmem:s9+$0x60];
	_ =	sdelay $0x4  }
0x245: {  	v1 =	vmul.f32 v0, v1;
	_ =	sdelay $0x1  }
0x246: {  	[tilespmem:s12+$0x60] =	vst v1  }
0x247: {  	v1 =	vld [tilespmem:s9+$0x70];
	_ =	sdelay $0x4  }
0x248: {  	v0 =	vmul.f32 v0, v1;
	_ =	sdelay $0x1  }
0x249: {  	[tilespmem:s12+$0x70] =	vst v0  }
0x24a: {  	[spmem:s2] =	stream.indirect.scatter.add.f32 [tilespmem:s25], [sflag:$0x5], $0x80, s24, s23, $0xb8;
	[tilespmem:$0x1E500] =	vst v63  }
0x24b: {  	_ =	swait.ge [sflag:s15], $0x2000  }
0x24c: {  	[sflag:s15] =	ssyncset.done $0x0  }
0x24d: {  	s9 =	simm.s32 $0x40;
	[sflag:s15] =	ssyncadd.s32 $0xFFFFE000  }
0x24e: {  	v1 =	vmov s9;
	v0 =	vld [tilespmem:$0x2C0]  }
0x24f: {  	v1 =	vand.u32 $0x7E, v1;
	v2 =	vld [tilespmem:$0x2D0]  }
0x250: {  	v1 =	vor.u32 $0x100, v1;
	v3 =	vld [tilespmem:$0x2E0]  }
0x251: {  	v1 =	vbroadcast v1, $0x0;
	v4 =	vld [tilespmem:$0x2F0];
	_ =	sdelay $0x1  }
0x252: {  	[tilespmem:$0x480] =	vst v0  }
0x253: {  	[tilespmem:$0x490] =	vst v2  }
0x254: {  	[tilespmem:$0x4A0] =	vst v3  }
0x255: {  	[tilespmem:$0x4B0] =	vst v4  }
0x256: {  	s0 =	simm.s32 $0x65F0;
	v0 =	vld.idx.msk [tilespmem:v1+s19+$0x0], $0xffff  }
0x257: {  	v1 =	vld [tilespmem:s0+$0xFFFFFF10];
	_ =	sdelay $0x4  }
0x258: {  	v1 =	vmul.f32 v0, v1  }
0x259: {  	s3 =	simm.s32 $0x8580  }
0x25a: {  	[tilespmem:s3+$0xFFFFFF80] =	vst v1  }
0x25b: {  	v1 =	vld [tilespmem:s0+$0xFFFFFF20];
	_ =	sdelay $0x4  }
0x25c: {  	v1 =	vmul.f32 v0, v1;
	_ =	sdelay $0x1  }
0x25d: {  	[tilespmem:s3+$0xFFFFFF90] =	vst v1  }
0x25e: {  	v1 =	vld [tilespmem:s0+$0xFFFFFF30];
	_ =	sdelay $0x4  }
0x25f: {  	v1 =	vmul.f32 v0, v1;
	_ =	sdelay $0x1  }
0x260: {  	[tilespmem:s3+$0xFFFFFFA0] =	vst v1  }
0x261: {  	v1 =	vld [tilespmem:s0+$0xFFFFFF40];
	_ =	sdelay $0x4  }
0x262: {  	v1 =	vmul.f32 v0, v1;
	_ =	sdelay $0x1  }
0x263: {  	[tilespmem:s3+$0xFFFFFFB0] =	vst v1  }
0x264: {  	v1 =	vld [tilespmem:s0+$0xFFFFFF50];
	_ =	sdelay $0x4  }
0x265: {  	v1 =	vmul.f32 v0, v1;
	_ =	sdelay $0x1  }
0x266: {  	[tilespmem:s3+$0xFFFFFFC0] =	vst v1  }
0x267: {  	v1 =	vld [tilespmem:s0+$0xFFFFFF60];
	_ =	sdelay $0x4  }
0x268: {  	v1 =	vmul.f32 v0, v1;
	_ =	sdelay $0x1  }
0x269: {  	[tilespmem:s3+$0xFFFFFFD0] =	vst v1  }
0x26a: {  	v1 =	vld [tilespmem:s0+$0xFFFFFF70];
	_ =	sdelay $0x4  }
0x26b: {  	v1 =	vmul.f32 v0, v1  }
0x26c: {  	s12 =	simm.s32 $0x41  }
0x26d: {  	[tilespmem:s3+$0xFFFFFFE0] =	vst v1;
	v1 =	vmov s12  }
0x26e: {  	v2 =	vld [tilespmem:s0+$0xFFFFFF80];
	v1 =	vand.u32 $0x7F, v1  }
0x26f: {  	v1 =	vor.u32 $0x100, v1  }
0x270: {  	v1 =	vbroadcast v1, $0x0;
	_ =	sdelay $0x2  }
0x271: {  	v0 =	vmul.f32 v0, v2;
	_ =	sdelay $0x1  }
0x272: {  	[tilespmem:s3+$0xFFFFFFF0] =	vst v0  }
0x273: {  	v0 =	vld.idx.msk [tilespmem:v1+s19+$0x0], $0xffff  }
0x274: {  	v1 =	vld [tilespmem:s0+$0xFFFFFF90];
	_ =	sdelay $0x4  }
0x275: {  	v1 =	vmul.f32 v0, v1;
	_ =	sdelay $0x1  }
0x276: {  	[tilespmem:s3+$0x0] =	vst v1  }
0x277: {  	v1 =	vld [tilespmem:s0+$0xFFFFFFA0];
	_ =	sdelay $0x4  }
0x278: {  	v1 =	vmul.f32 v0, v1;
	_ =	sdelay $0x1  }
0x279: {  	[tilespmem:s3+$0x10] =	vst v1  }
0x27a: {  	v1 =	vld [tilespmem:s0+$0xFFFFFFB0];
	_ =	sdelay $0x4  }
0x27b: {  	v1 =	vmul.f32 v0, v1;
	_ =	sdelay $0x1  }
0x27c: {  	[tilespmem:s3+$0x20] =	vst v1  }
0x27d: {  	v1 =	vld [tilespmem:s0+$0xFFFFFFC0];
	_ =	sdelay $0x4  }
0x27e: {  	v1 =	vmul.f32 v0, v1;
	_ =	sdelay $0x1  }
0x27f: {  	[tilespmem:s3+$0x30] =	vst v1  }
0x280: {  	v1 =	vld [tilespmem:s0+$0xFFFFFFD0];
	_ =	sdelay $0x4  }
0x281: {  	v1 =	vmul.f32 v0, v1;
	_ =	sdelay $0x1  }
0x282: {  	[tilespmem:s3+$0x40] =	vst v1  }
0x283: {  	v1 =	vld [tilespmem:s0+$0xFFFFFFE0];
	_ =	sdelay $0x4  }
0x284: {  	v1 =	vmul.f32 v0, v1;
	_ =	sdelay $0x1  }
0x285: {  	[tilespmem:s3+$0x50] =	vst v1  }
0x286: {  	v1 =	vld [tilespmem:s0+$0xFFFFFFF0];
	_ =	sdelay $0x4  }
0x287: {  	v1 =	vmul.f32 v0, v1  }
0x288: {  	s6 =	simm.s32 $0x43;
	s9 =	simm.s32 $0x45;
	s12 =	simm.s32 $0x42  }
.LBB2_9:
0x289: {  	p0 =	sne.s32 s9, $0x7F;
	v2 =	vmov s12;
	[tilespmem:s3+$0x60] =	vst v1  }
0x28a: {  	v1 =	vand.u32 $0x7E, v2;
	v2 =	vld [tilespmem:s0+$0x0]  }
0x28b: {  	v1 =	vor.u32 $0x100, v1  }
0x28c: {  	v1 =	vbroadcast v1, $0x0;
	_ =	sdelay $0x2  }
0x28d: {  	v0 =	vmul.f32 v0, v2;
	_ =	sdelay $0x1  }
0x28e: {  	[tilespmem:s3+$0x70] =	vst v0  }
0x28f: {  	s0 =	sadd.s32 $0x100, s0;
	v0 =	vld.idx.msk [tilespmem:v1+s19+$0x0], $0xffff  }
0x290: {  	v1 =	vld [tilespmem:s0+$0xFFFFFF10];
	_ =	sdelay $0x4  }
0x291: {  	v1 =	vmul.f32 v0, v1  }
0x292: {  	s3 =	sadd.s32 $0x100, s3  }
0x293: {  	[tilespmem:s3+$0xFFFFFF80] =	vst v1  }
0x294: {  	v1 =	vld [tilespmem:s0+$0xFFFFFF20];
	_ =	sdelay $0x4  }
0x295: {  	v1 =	vmul.f32 v0, v1;
	_ =	sdelay $0x1  }
0x296: {  	[tilespmem:s3+$0xFFFFFF90] =	vst v1  }
0x297: {  	v1 =	vld [tilespmem:s0+$0xFFFFFF30];
	_ =	sdelay $0x4  }
0x298: {  	v1 =	vmul.f32 v0, v1;
	_ =	sdelay $0x1  }
0x299: {  	[tilespmem:s3+$0xFFFFFFA0] =	vst v1  }
0x29a: {  	v1 =	vld [tilespmem:s0+$0xFFFFFF40];
	_ =	sdelay $0x4  }
0x29b: {  	v1 =	vmul.f32 v0, v1;
	_ =	sdelay $0x1  }
0x29c: {  	[tilespmem:s3+$0xFFFFFFB0] =	vst v1  }
0x29d: {  	v1 =	vld [tilespmem:s0+$0xFFFFFF50];
	_ =	sdelay $0x4  }
0x29e: {  	v1 =	vmul.f32 v0, v1;
	_ =	sdelay $0x1  }
0x29f: {  	[tilespmem:s3+$0xFFFFFFC0] =	vst v1  }
0x2a0: {  	v1 =	vld [tilespmem:s0+$0xFFFFFF60];
	_ =	sdelay $0x4  }
0x2a1: {  	v1 =	vmul.f32 v0, v1;
	_ =	sdelay $0x1  }
0x2a2: {  	[tilespmem:s3+$0xFFFFFFD0] =	vst v1  }
0x2a3: {  	v1 =	vld [tilespmem:s0+$0xFFFFFF70];
	_ =	sdelay $0x4  }
0x2a4: {  	v1 =	vmul.f32 v0, v1;
	_ =	sdelay $0x1  }
0x2a5: {  	[tilespmem:s3+$0xFFFFFFE0] =	vst v1;
	v1 =	vmov s6;
	s6 =	smov.u32 s9  }
0x2a6: {  	v2 =	vld [tilespmem:s0+$0xFFFFFF80];
	v1 =	vand.u32 $0x7F, v1  }
0x2a7: {  	v1 =	vor.u32 $0x100, v1  }
0x2a8: {  	v1 =	vbroadcast v1, $0x0;
	_ =	sdelay $0x2  }
0x2a9: {  	v0 =	vmul.f32 v0, v2;
	_ =	sdelay $0x1  }
0x2aa: {  	[tilespmem:s3+$0xFFFFFFF0] =	vst v0  }
0x2ab: {  	v0 =	vld.idx.msk [tilespmem:v1+s19+$0x0], $0xffff  }
0x2ac: {  	v1 =	vld [tilespmem:s0+$0xFFFFFF90];
	_ =	sdelay $0x4  }
0x2ad: {  	v1 =	vmul.f32 v0, v1;
	_ =	sdelay $0x1  }
0x2ae: {  	[tilespmem:s3+$0x0] =	vst v1  }
0x2af: {  	v1 =	vld [tilespmem:s0+$0xFFFFFFA0];
	_ =	sdelay $0x4  }
0x2b0: {  	v1 =	vmul.f32 v0, v1;
	_ =	sdelay $0x1  }
0x2b1: {  	[tilespmem:s3+$0x10] =	vst v1  }
0x2b2: {  	v1 =	vld [tilespmem:s0+$0xFFFFFFB0];
	_ =	sdelay $0x4  }
0x2b3: {  	v1 =	vmul.f32 v0, v1;
	_ =	sdelay $0x1  }
0x2b4: {  	[tilespmem:s3+$0x20] =	vst v1  }
0x2b5: {  	v1 =	vld [tilespmem:s0+$0xFFFFFFC0];
	_ =	sdelay $0x4  }
0x2b6: {  	v1 =	vmul.f32 v0, v1;
	_ =	sdelay $0x1  }
0x2b7: {  	[tilespmem:s3+$0x30] =	vst v1  }
0x2b8: {  	v1 =	vld [tilespmem:s0+$0xFFFFFFD0];
	_ =	sdelay $0x4  }
0x2b9: {  	v1 =	vmul.f32 v0, v1;
	_ =	sdelay $0x1  }
0x2ba: {  	[tilespmem:s3+$0x40] =	vst v1  }
0x2bb: {  	v1 =	vld [tilespmem:s0+$0xFFFFFFE0];
	_ =	sdelay $0x4  }
0x2bc: {  	v1 =	vmul.f32 v0, v1;
	_ =	sdelay $0x1  }
0x2bd: {  	[tilespmem:s3+$0x50] =	vst v1  }
0x2be: {  	v1 =	vld [tilespmem:s0+$0xFFFFFFF0];
	_ =	sdelay $0x1  }
.Ltmp3:
0x2bf: {  	(pc) =	sbr.rel @p0 .LBB2_9-.Ltmp3, $3  }
0x2c0: {  	_ =	sdelay $0x1  }
0x2c1: {  	v1 =	vmul.f32 v0, v1  }
0x2c2: {  	s9 =	sadd.s32 $0x2, s9;
	s12 =	sadd.s32 $0xFFFFFFFF, s6  }
0x2c3: {  	v2 =	vmov s12;
	[tilespmem:s3+$0x60] =	vst v1  }
0x2c4: {  	v58 =	vand.u32 $0x7E, v2;
	v59 =	vld [tilespmem:s0+$0x0]  }
0x2c5: {  	v1 =	vor.u32 $0x100, v58  }
0x2c6: {  	v1 =	vbroadcast v1, $0x0;
	_ =	sdelay $0x2  }
0x2c7: {  	v0 =	vmul.f32 v0, v59;
	_ =	sdelay $0x1  }
0x2c8: {  	[tilespmem:s3+$0x70] =	vst v0  }
0x2c9: {  	s9 =	sadd.s32 $0x100, s0;
	v0 =	vld.idx.msk [tilespmem:v1+s19+$0x0], $0xffff  }
0x2ca: {  	v60 =	vld [tilespmem:s9+$0xFFFFFF10];
	_ =	sdelay $0x4  }
0x2cb: {  	v1 =	vmul.f32 v0, v60  }
0x2cc: {  	s12 =	sadd.s32 $0x100, s3  }
0x2cd: {  	[tilespmem:s12+$0xFFFFFF80] =	vst v1  }
0x2ce: {  	v1 =	vld [tilespmem:s9+$0xFFFFFF20];
	_ =	sdelay $0x4  }
0x2cf: {  	v1 =	vmul.f32 v0, v1;
	_ =	sdelay $0x1  }
0x2d0: {  	[tilespmem:s12+$0xFFFFFF90] =	vst v1  }
0x2d1: {  	v1 =	vld [tilespmem:s9+$0xFFFFFF30];
	_ =	sdelay $0x4  }
0x2d2: {  	v1 =	vmul.f32 v0, v1;
	_ =	sdelay $0x1  }
0x2d3: {  	[tilespmem:s12+$0xFFFFFFA0] =	vst v1  }
0x2d4: {  	v1 =	vld [tilespmem:s9+$0xFFFFFF40];
	_ =	sdelay $0x4  }
0x2d5: {  	v1 =	vmul.f32 v0, v1;
	_ =	sdelay $0x1  }
0x2d6: {  	[tilespmem:s12+$0xFFFFFFB0] =	vst v1  }
0x2d7: {  	v1 =	vld [tilespmem:s9+$0xFFFFFF50];
	_ =	sdelay $0x4  }
0x2d8: {  	v1 =	vmul.f32 v0, v1;
	_ =	sdelay $0x1  }
0x2d9: {  	[tilespmem:s12+$0xFFFFFFC0] =	vst v1  }
0x2da: {  	v1 =	vld [tilespmem:s9+$0xFFFFFF60];
	_ =	sdelay $0x4  }
0x2db: {  	v1 =	vmul.f32 v0, v1;
	_ =	sdelay $0x1  }
0x2dc: {  	[tilespmem:s12+$0xFFFFFFD0] =	vst v1  }
0x2dd: {  	v1 =	vld [tilespmem:s9+$0xFFFFFF70];
	_ =	sdelay $0x4  }
0x2de: {  	v1 =	vmul.f32 v0, v1;
	_ =	sdelay $0x1  }
0x2df: {  	v61 =	vmov s6;
	[tilespmem:s12+$0xFFFFFFE0] =	vst v1  }
0x2e0: {  	v1 =	vand.u32 $0x7F, v61;
	v62 =	vld [tilespmem:s9+$0xFFFFFF80]  }
0x2e1: {  	v1 =	vor.u32 $0x100, v1  }
0x2e2: {  	v1 =	vbroadcast v1, $0x0;
	_ =	sdelay $0x2  }
0x2e3: {  	v0 =	vmul.f32 v0, v62;
	_ =	sdelay $0x1  }
0x2e4: {  	[tilespmem:s12+$0xFFFFFFF0] =	vst v0  }
0x2e5: {  	v0 =	vld.idx.msk [tilespmem:v1+s19+$0x0], $0xffff  }
0x2e6: {  	v63 =	vld [tilespmem:s9+$0xFFFFFF90];
	_ =	sdelay $0x4  }
0x2e7: {  	v1 =	vmul.f32 v0, v63;
	_ =	sdelay $0x1  }
0x2e8: {  	[tilespmem:s12+$0x0] =	vst v1  }
0x2e9: {  	v1 =	vld [tilespmem:s9+$0xFFFFFFA0];
	_ =	sdelay $0x4  }
0x2ea: {  	v1 =	vmul.f32 v0, v1;
	_ =	sdelay $0x1  }
0x2eb: {  	[tilespmem:s12+$0x10] =	vst v1  }
0x2ec: {  	v1 =	vld [tilespmem:s9+$0xFFFFFFB0];
	_ =	sdelay $0x4  }
0x2ed: {  	v1 =	vmul.f32 v0, v1;
	_ =	sdelay $0x1  }
0x2ee: {  	[tilespmem:s12+$0x20] =	vst v1  }
0x2ef: {  	v1 =	vld [tilespmem:s9+$0xFFFFFFC0];
	_ =	sdelay $0x4  }
0x2f0: {  	v1 =	vmul.f32 v0, v1;
	_ =	sdelay $0x1  }
0x2f1: {  	[tilespmem:s12+$0x30] =	vst v1  }
0x2f2: {  	v1 =	vld [tilespmem:s9+$0xFFFFFFD0];
	_ =	sdelay $0x4  }
0x2f3: {  	v1 =	vmul.f32 v0, v1;
	_ =	sdelay $0x1  }
0x2f4: {  	[tilespmem:s12+$0x40] =	vst v1  }
0x2f5: {  	v1 =	vld [tilespmem:s9+$0xFFFFFFE0];
	_ =	sdelay $0x4  }
0x2f6: {  	v1 =	vmul.f32 v0, v1;
	_ =	sdelay $0x1  }
0x2f7: {  	[tilespmem:s12+$0x50] =	vst v1  }
0x2f8: {  	v1 =	vld [tilespmem:s9+$0xFFFFFFF0];
	_ =	sdelay $0x4  }
0x2f9: {  	v1 =	vmul.f32 v0, v1;
	_ =	sdelay $0x1  }
0x2fa: {  	[tilespmem:s12+$0x60] =	vst v1  }
0x2fb: {  	v1 =	vld [tilespmem:s9+$0x0];
	_ =	sdelay $0x4  }
0x2fc: {  	v0 =	vmul.f32 v0, v1  }
0x2fd: {  	s30 =	sadd.s32 $0x1, s30  }
0x2fe: {  	p0 =	sne.s32 s30, $0x28;
	[tilespmem:s12+$0x70] =	vst v0  }
0x2ff: {  	[spmem:s2] =	stream.indirect.scatter.add.f32 [tilespmem:s25], [sflag:$0x5], $0x80, s26, s23, $0xb8;
	[tilespmem:$0x1E500] =	vst v63  }
.Ltmp4:
0x300: {  	_ = 	snop;
	(pc) =	sbr.rel @p0 .LBB2_2-.Ltmp4, $4  }
0x301: {  	s31 =	sadd.s32 s31, s11;
	_ =	swait.ge [sflag:s15], $0x2000  }
0x302: {  	s0 =	sshrl.u32 s31, $0x3;
	[sflag:s15] =	ssyncset.done $0x0  }
0x303: {  	s0 =	sadd.s32 s1, s0;
	[sflag:s15] =	ssyncadd.s32 $0xFFFFE000  }
0x304: {  	[tilespmem:s19], [sflag:$0x2] =	stream.linear.gather [hbm4b:s0+s4], $0x180, $0x38;
	[tilespmem:$0x1E500] =	vst v63  }
0x305: {  	_ =	swait.ge [sflag:s22], $0x4000  }
0x306: {  	[sflag:s22] =	ssyncset.done $0x0  }
0x307: {  	[sflag:s22] =	ssyncadd.s32 $0xFFFFC000  }
0x308: {  	_ =	swait.ge [sflag:s20], $0x180  }
0x309: {  	[sflag:s20] =	ssyncset.done $0x0  }
0x30a: {  	s29 =	sadd.s32 $0x1, s29;
	[sflag:s20] =	ssyncadd.s32 $0xFFFFFE80  }
0x30b: {  	p0 =	sne.s32 s29, s13;
	[bflag:$0x0] =	sbarrier.arrive $0xFFFF  }
.Ltmp5:
0x30c: {  	s0 =	rddreg [dreg:$0x6];
	(pc) =	sbr.rel @p0 .LBB2_1-.Ltmp5, $4  }
0x30d: {  	[hbm:s0], [sflag:s8] =	dma.local [spmem:s14], $0x2800  }
0x30e: {  	_ =	swait.ge [sflag:s15], $0x2800  }
0x30f: {  	[sflag:s15] =	ssyncset.done $0x0  }
0x310: {  	[sflag:s15] =	ssyncadd.s32 $0xFFFFD800  }
0x311: {  	_ =	sfence.sel $0x180000  }
0x312: {  	[bflag:$0x0] =	sbarrier.arrive $0xFFFF  }
0x313: {  	_ =	strace $0x90000050  }
0x314: {  	s0 =	stileid.u32;
	[bflag:$0x2] =	sbarrier.arrive $0xFFFF  }
0x315: {  	p0 =	sne.s32 s0, $0x0;
	s0 =	rddreg [dreg:$0x3]  }
0x316: {  	s0 =	sadd.s32 @!p0 $0x100000, s0  }
0x317: {  	[sflag:s0] =	ssyncadd.tile.s32 @!p0 $0x1;
	_ =	shalt  }
.Lfunc_end2:
_tile_overlayer_lowered:
.L_overlay_start_2:
0x318: {  	(tag) =	ssettag $0x2  }
0x319: {  	s0 =	rddreg [dreg:$0x0];
	s2 =	stileid.u32  }
0x31a: {  	s1 =	rddreg [dreg:$0x1];
	p0 =	sne.s32 s2, $0x0  }
0x31b: {  	s3 =	rddreg [dreg:$0x2];
	[bflag:$0x3] =	sbarrier.arrive $0xFFFF;
	s2 =	simm.s32 @!p0 $0x1C05  }
0x31c: {  	[timem:s3], [sflag:s2] =	dma.local @!p0 [hbm:s0], s1  }
0x31d: {  	s0 =	simm.s32 @!p0 $0x5  }
0x31e: {  	_ =	swait.ge @!p0 [sflag:s0], s1  }
0x31f: {  	s1 =	ssub.s32 @!p0 $0x0, s1;
	[sflag:s0] =	ssyncset.done @!p0 $0x0  }
0x320: {  	[sflag:s0] =	ssyncadd.s32 @!p0 s1  }
0x321: {  	[bflag:$0x3] =	sbarrier.arrive $0xFFFF  }
0x322: {  	_ =	shalt  }

// kernel: kernel.8.cloned.1.call-start
scs
__scs_entry_jumppad:
0x0: {  	(pc) =	sbr.rel $0x88, $3  }
0x1: {  	(tag) =	ssettag $0x0;
	lr =	simm.s32 $0x1  }
0x2: {  	[smem:$0x3F93] =	sst lr;
	_ =	strace $0xD0000000  }
0x3: {  	_ = 	snop  }
0x4: {  	_ = 	snop  }
0x5: {  	_ = 	snop  }
0x6: {  	_ = 	snop  }
0x7: {  	_ = 	snop  }
__scs_overlays_trampoline_lowered:
0x8: {  	[smem:$0x3FA2] =	sst s0  }
0x9: {  	[smem:$0x3FA3] =	sst s1  }
0xa: {  	[smem:$0x3FA4] =	sst s2  }
0xb: {  	[smem:$0x3FA5] =	sst s3  }
0xc: {  	[smem:$0x3FA6] =	sst s4  }
0xd: {  	[smem:$0x3FA7] =	sst s5  }
0xe: {  	[smem:$0x3FA8] =	sst s6  }
0xf: {  	[smem:$0x3FA9] =	sst s7  }
0x10: {  	[smem:$0x3FAA] =	sst s8  }
0x11: {  	[smem:$0x3FAB] =	sst s9;
	s0 =	simm.s32 @!p0 $0x0  }
0x12: {  	s1 =	sld [smem:$0x3F91];
	s0 =	simm.s32 @p0 $0x1  }
0x13: {  	[smem:$0x3FAC] =	sst s0;
	s0 =	simm.s32 @!p1 $0x0  }
0x14: {  	s2 =	sld [smem:$0x3F90];
	s0 =	simm.s32 @p1 $0x1  }
0x15: {  	[smem:$0x3FAD] =	sst s0;
	s0 =	simm.s32 @!p2 $0x0  }
0x16: {  	s3 =	sld [smem:$0x3FDB];
	s0 =	simm.s32 @p2 $0x1  }
0x17: {  	s4 =	simm.s32 $0x1BF5;
	[smem:$0x3FAF] =	sst s0  }
0x18: {  	s0 =	sld [smem:$0x3F92];
	_ =	swait.ge [sflag:s4], $0x0  }
0x19: {  	s7 =	sld [smem:$0x3F93]  }
0x1a: {  	s8 =	sadd.s32 $0xFFFFE003, lr  }
0x1b: {  	s9 =	sadd.s32 $0xFFFFFEF7, lr;
	s5 =	simm.s32 $0xFFFFFFFF;
	p2 =	slt.u32 s8, $0xFFFFF086  }
0x1c: {  	p1 =	slt.u32 s9, $0xF7A;
	s5 =	simm.s32 @!p2 $0x0  }
0x1d: {  	s5 =	simm.s32 @p1 $0x1;
	p0 =	seq.s32 s7, s2  }
0x1e: {  	s7 =	smul.u32 @!p0 $0xF7A, s2;
	p2 =	seq.s32 @!p0 s5, $0x0  }
0x1f: {  	s9 =	smul.u32 $0xF7A, s1;
	s8 =	simm.s32 @!p0 $0x1BF5;
	p2 =	por !p2, p0  }
0x20: {  	[sflag:s8] =	ssyncset.s32 @!p0 $0xFFFFF086;
	s6 =	sadd.s32 @!p0 s3, s7;
	s7 =	simm.s32 @!p0 $0x108  }
0x21: {  	s3 =	sadd.s32 s3, s9;
	s6 =	sadd.s32 @!p0 $0x88, s6;
	s7 =	simm.s32 @p2 $0x1082  }
0x22: {  	[simem:s7], [sflag:s8] =	dma.local @!p0 [hbm:s6], $0xF7A  }
0x23: {  	s9 =	sor.u32 $0xD0000000, s2;
	s6 =	simm.s32 $0x108;
	_ =	swait.ge @!p0 [sflag:s8], $0x0  }
0x24: {  	s3 =	sadd.s32 $0x88, s3;
	s6 =	simm.s32 @!p1 $0x1082;
	[sflag:s4] =	ssyncset.s32 $0xFFFFF086  }
0x25: {  	[simem:s6], [sflag:s4] =	dma.local [hbm:s3], $0xF7A  }
0x26: {  	[smem:$0x3F93] =	sst s1;
	(tag) =	ssettag s2;
	_ =	strace s9  }
0x27: {  	s1 =	sld [smem:$0x3FA3]  }
0x28: {  	s2 =	sld [smem:$0x3FA4]  }
0x29: {  	s4 =	sld [smem:$0x3FA6]  }
0x2a: {  	p0 =	seq.s32 s5, $0x0;
	s5 =	sld [smem:$0x3FA7]  }
0x2b: {  	s6 =	sld [smem:$0x3FA8]  }
0x2c: {  	s7 =	sld [smem:$0x3FA9]  }
0x2d: {  	s3 =	simm.s32 $0x108;
	s8 =	sld [smem:$0x3FAA]  }
0x2e: {  	s3 =	simm.s32 @!p0 $0x1082;
	s9 =	sld [smem:$0x3FAB]  }
0x2f: {  	lr =	sadd.s32 s0, s3;
	s0 =	sld [smem:$0x3FA2]  }
0x30: {  	s3 =	sld [smem:$0x3FA5]  }
0x31: {  	[smem:$0x3FAE] =	sst s10  }
0x32: {  	s10 =	sld [smem:$0x3FAC];
	_ =	sdelay $0x3  }
0x33: {  	p0 =	seq.s32 s10, $0x1;
	s10 =	sld [smem:$0x3FAE];
	_ =	sdelay $0x3  }
0x34: {  	[smem:$0x3FAE] =	sst s10  }
0x35: {  	s10 =	sld [smem:$0x3FAD];
	_ =	sdelay $0x3  }
0x36: {  	p1 =	seq.s32 s10, $0x1;
	s10 =	sld [smem:$0x3FAE];
	_ =	sdelay $0x3  }
0x37: {  	[smem:$0x3FAE] =	sst s10  }
0x38: {  	s10 =	sld [smem:$0x3FAF]  }
0x39: {  	_ = 	snop;
	(pc) =	sbr.ind lr, $3  }
0x3a: {  	_ = 	snop  }
0x3b: {  	_ = 	snop  }
0x3c: {  	p2 =	seq.s32 s10, $0x1;
	s10 =	sld [smem:$0x3FAE]  }
0x3d: {  	_ =	shalt  }
0x3e: {  	_ =	shalt  }
0x3f: {  	_ =	shalt  }
0x40: {  	_ =	shalt  }
0x41: {  	_ =	shalt  }
0x42: {  	_ =	shalt  }
0x43: {  	_ =	shalt  }
0x44: {  	_ =	shalt  }
0x45: {  	_ =	shalt  }
0x46: {  	_ =	shalt  }
0x47: {  	_ =	shalt  }
0x48: {  	_ =	shalt  }
0x49: {  	_ =	shalt  }
0x4a: {  	_ =	shalt  }
0x4b: {  	_ =	shalt  }
0x4c: {  	_ =	shalt  }
0x4d: {  	_ =	shalt  }
0x4e: {  	_ =	shalt  }
0x4f: {  	_ =	shalt  }
0x50: {  	_ =	shalt  }
0x51: {  	_ =	shalt  }
0x52: {  	_ =	shalt  }
0x53: {  	_ =	shalt  }
0x54: {  	_ =	shalt  }
0x55: {  	_ =	shalt  }
0x56: {  	_ =	shalt  }
0x57: {  	_ =	shalt  }
0x58: {  	_ =	shalt  }
0x59: {  	_ =	shalt  }
0x5a: {  	_ =	shalt  }
0x5b: {  	_ =	shalt  }
0x5c: {  	_ =	shalt  }
0x5d: {  	_ =	shalt  }
0x5e: {  	_ =	shalt  }
0x5f: {  	_ =	shalt  }
0x60: {  	_ =	shalt  }
0x61: {  	_ =	shalt  }
0x62: {  	_ =	shalt  }
0x63: {  	_ =	shalt  }
0x64: {  	_ =	shalt  }
0x65: {  	_ =	shalt  }
0x66: {  	_ =	shalt  }
0x67: {  	_ =	shalt  }
0x68: {  	_ =	shalt  }
0x69: {  	_ =	shalt  }
0x6a: {  	_ =	shalt  }
0x6b: {  	_ =	shalt  }
0x6c: {  	_ =	shalt  }
0x6d: {  	_ =	shalt  }
0x6e: {  	_ =	shalt  }
0x6f: {  	_ =	shalt  }
0x70: {  	_ =	shalt  }
0x71: {  	_ =	shalt  }
0x72: {  	_ =	shalt  }
0x73: {  	_ =	shalt  }
0x74: {  	_ =	shalt  }
0x75: {  	_ =	shalt  }
0x76: {  	_ =	shalt  }
0x77: {  	_ =	shalt  }
0x78: {  	_ =	shalt  }
0x79: {  	_ =	shalt  }
0x7a: {  	_ =	shalt  }
0x7b: {  	_ =	shalt  }
0x7c: {  	_ =	shalt  }
0x7d: {  	_ =	shalt  }
0x7e: {  	_ =	shalt  }
0x7f: {  	_ =	shalt  }
0x80: {  	_ =	shalt  }
0x81: {  	_ =	shalt  }
0x82: {  	_ =	shalt  }
0x83: {  	_ =	shalt  }
0x84: {  	_ =	shalt  }
0x85: {  	_ =	shalt  }
0x86: {  	_ =	shalt  }
0x87: {  	_ =	shalt  }
.Lfunc_end0:
.L_simem_size_0:
called_computation.1_lowered:
.L_overlay_start_0:
0x88: {  	s2 =	sld [smem:$0x3FD9]  }
0x89: {  	s3 =	sld [smem:$0x3FFE];
	_ =	sdelay $0x1  }
0x8a: {  	s1 =	srdreg.scid  }
0x8b: {  	s0 =	sand.u32 $0x1, s1  }
0x8c: {  	s16 =	sshll.u32 s0, $0xA;
	s2 =	sadd.s32 s3, s2  }
0x8d: {  	s2 =	sadd.s32 s2, s16  }
0x8e: {  	[smem:$0x3FBA] =	sst s2  }
0x8f: {  	_ = 	snop  }
0x90: {  	(tm) =	ssettm $0x1  }
0x91: {  	s17 =	sld [smem:$0x3FFB];
	_ =	sdelay $0x3  }
0x92: {  	_ =	strace s17  }
0x93: {  	s2 =	sld [smem:$0x3FFC];
	_ =	sdelay $0x3  }
0x94: {  	_ =	strace s2  }
0x95: {  	s2 =	sld [smem:$0x3FFD];
	_ =	sdelay $0x3  }
0x96: {  	_ =	strace s2  }
0x97: {  	_ =	strace $0x8FFFFFFF  }
0x98: {  	s18 =	sld [smem:$0x3FDB];
	_ =	sdelay $0x1  }
0x99: {  	s19 =	simm.s32 $_scs_section_size  }
0x9a: {  	s4 =	simm.s32 $_size__tile_overlayer_lowered;
	s5 =	simm.s32 $_tile_overlayer_lowered  }
0x9b: {  	s22 =	simm.s32 $0x1BFF;
	s21 =	sshll.u32 s5, $0x1;
	s2 =	sadd.s32 s19, s18  }
0x9c: {  	s6 =	simm.s32 $0x0;
	s20 =	sshll.u32 s4, $0x1;
	s4 =	sadd.s32 s21, s2  }
0x9d: {  	[timem:s6], [sflag:s22] =	dma.local [hbm:s4], s20  }
0x9e: {  	_ =	swait.ge [sflag:s22], s20  }
0x9f: {  	s3 =	ssub.s32 $0x0, s20;
	[sflag:s22] =	ssyncset.done $0x0  }
0xa0: {  	[sflag:s22] =	ssyncadd.s32 s3;
	_ =	sdelay $0x1  }
0xa1: {  	s23 =	simm.s32 $0x1B8B  }
0xa2: {  	_ =	swait.ge [sflag:s23], $0x1  }
0xa3: {  	[sflag:s23] =	ssyncset.done $0x0  }
0xa4: {  	s25 =	simm.s32 $0x1B8E;
	s24 =	sld [smem:$0x3FFE];
	[sflag:s23] =	ssyncadd.s32 $0xFFFFFFFF  }
0xa5: {  	s26 =	simm.s32 $execute0_lowered;
	[smem:$0x3FD2] =	sst s25  }
0xa6: {  	s4 =	sshll.u32 s26, $0x1;
	_ =	strace $0x80000046;
	[dreg:$0x1] =	wrdreg $0xFFFFFFFF  }
0xa7: {  	s28 =	simm.s32 $_size_execute0_lowered;
	s2 =	sadd.s32 s2, s4;
	[dreg:$0x0] =	wrdreg $0x0  }
0xa8: {  	s4 =	sshll.u32 s28, $0x1;
	[dreg:$0x2] =	wrdreg s2  }
0xa9: {  	[dreg:$0x3] =	wrdreg s4  }
0xaa: {  	[dreg:$0x4] =	wrdreg $0xC0  }
0xab: {  	_ =	task [dreg:s6], $0x5FFFF  }
0xac: {  	[dreg:$0x1] =	wrdreg $0xFFFFFFFF  }
0xad: {  	[dreg:$0x0] =	wrdreg $0x60  }
0xae: {  	[dreg:$0x2] =	wrdreg s24  }
0xaf: {  	[dreg:$0x3] =	wrdreg $0x58000  }
0xb0: {  	[dreg:$0x4] =	wrdreg $0xA  }
0xb1: {  	_ =	task.clear_ibuf [dreg:s6], $0x5FFFF;
	_ =	strace $0x90000046  }
0xb2: {  	s29 =	simm.s32 $0xA;
	_ =	strace $0x80000048  }
0xb3: {  	_ =	swait.ge [sflag:s29], $0x1  }
0xb4: {  	[sflag:s29] =	ssyncadd.s32 $0xFFFFFFFF  }
0xb5: {  	_ =	strace $0x90000048  }
0xb6: {  	_ =	sfence  }
0xb7: {  	s30 =	sld [smem:$0x0];
	_ =	sdelay $0x2  }
0xb8: {  	s31 =	sshll.u32 s1, $0xD;
	s1 =	sshrl.u32 s1, $0x2  }
0xb9: {  	s3 =	sand.u32 $0x4000, s31;
	s1 =	sadd.s32 s1, s30  }
0xba: {  	s0 =	sor.u32 s3, s0;
	s1 =	sshll.u32 s1, $0x11  }
0xbb: {  	s0 =	sor.u32 s1, s0  }
0xbc: {  	s0 =	sadd.s32 $0x8F2B, s0  }
0xbd: {  	[sflag:s0] =	ssyncadd.remote.s32 $0x1  }
0xbe: {  	_ =	sfence.sel $0xFFFF  }
0xbf: {  	[dreg:$0x0] =	wrdreg $0xFFFFFFFF;
	(pc) =	sbr.abs _section_cstart, $3  }
0xc0: {  	[dreg:$0x1] =	wrdreg $0xFFFFFFFF  }
0xc1: {  	_ =	task.clear_ibuf [dreg:s6], $0x2FFFF;
	_ =	strace $0x9FFFFFFF  }
0xc2: {  	(tm) =	ssettm $0x7FFFFFFF  }
0xc3: {  	_ =	shalt  }
tec
execute0_lowered:
.L_overlay_start_1:
0x0: {  	(tag) =	ssettag $0x1  }
0x1: {  	s1 =	srdreg.scid;
	s6 =	rddreg [dreg:$0x0]  }
0x2: {  	s0 =	stileid.u32;
	s2 =	rddreg [dreg:$0x1]  }
0x3: {  	s3 =	simm.s32 $0x0;
	s13 =	simm.s32 $0x80;
	s14 =	simm.s32 $0x0  }
0x4: {  	s5 =	sand.u32 $0x1, s1;
	s30 =	sshll.u32 s0, $0x1;
	s7 =	smul.u32 $0x280, s0  }
0x5: {  	[smem:$0x7FF] =	sst s3;
	s1 =	sor.u32 s5, s30;
	s8 =	smul.u32 $0x2800, s5  }
0x6: {  	s10 =	sshll.u32 s0, $0x6;
	s5 =	ssub.s32 $0x2, s5;
	s4 =	smul.u32 $0x580, s1  }
0x7: {  	s1 =	rddreg [dreg:$0x2];
	_ =	strace $0x80000047;
	s31 =	sshrl.u32 s5, $0x1  }
0x8: {  	s12 =	sadd.s32 s7, s2;
	s8 =	sadd.s32 s7, s8;
	s11 =	ssub.s32 s5, s31  }
0x9: {  	s5 =	sor.u32 $0x1C01, s10;
	s10 =	sshrl.u32 s12, $0x3;
	s12 =	simm.s32 $0x2C00  }
0xa: {  	s9 =	sadd.s32 s4, s6;
	s4 =	sadd.s32 $0x23C00, s6;
	s8 =	sshrl.u32 s8, $0x3  }
0xb: {  	s8 =	sadd.s32 s8, s6;
	s6 =	sadd.s32 $0xDC00, s9;
	s7 =	sadd.s32 $0x18C00, s9  }
0xc: {  	s9 =	smax.u32 s11, $0x1;
	s11 =	simm.s32 $0x1;
	s8 =	sadd.s32 $0x23E00, s8  }
.LBB2_1:
0xd: {  	[spmem:s10], [sflag:s5] =	dma.local [hbm:s4], $0x50  }
0xe: {  	_ =	swait.ge [sflag:s11], $0x50  }
0xf: {  	[sflag:s11] =	ssyncset.done $0x0  }
0x10: {  	[sflag:s11] =	ssyncadd.s32 $0xFFFFFFB0  }
0x11: {  	[bflag:$0x0] =	sbarrier.arrive $0xFFFF  }
0x12: {  	[tilespmem:s3], [sflag:$0x1] =	stream.linear.gather [hbm4b:s6+s3], $0x2900, $0x38;
	[tilespmem:$0x5A80] =	vst v63  }
0x13: {  	_ =	swait.ge [sflag:s11], $0x2900  }
0x14: {  	[sflag:s11] =	ssyncset.done $0x0  }
0x15: {  	[sflag:s11] =	ssyncadd.s32 $0xFFFFD700  }
0x16: {  	[tilespmem:s12], [sflag:$0x1] =	stream.linear.gather [hbm4b:s7+s3], $0x2900, $0x38;
	[tilespmem:$0x5A80] =	vst v63  }
0x17: {  	_ =	swait.ge [sflag:s11], $0x2900  }
0x18: {  	[sflag:s11] =	ssyncset.done $0x0  }
0x19: {  	s15 =	simm.s32 $0x0;
	s16 =	simm.s32 $0x2C00;
	[sflag:s11] =	ssyncadd.s32 $0xFFFFD700  }
0x1a: {  	[spmem:s2] =	stream.indirect.scatter.add.f32 [tilespmem:s16], [sflag:$0x1], $0x1, s15, s13, $0xb8;
	[tilespmem:$0x5A80] =	vst v63  }
0x1b: {  	s15 =	simm.s32 $0x200;
	_ =	swait.ge [sflag:s11], $0x80  }
.LBB2_2:
0x1c: {  	s16 =	sshra.s32 s15, $0x2;
	[sflag:s11] =	ssyncset.done $0x0;
	p0 =	sne.s32 s15, $0xA200  }
.Ltmp0:
0x1d: {  	s17 =	sadd.s32 $0x2C00, s16;
	[sflag:s11] =	ssyncadd.s32 $0xFFFFFF80;
	(pc) =	sbr.rel @p0 .LBB2_2-.Ltmp0, $3  }
0x1e: {  	[spmem:s2] =	stream.indirect.scatter.add.f32 [tilespmem:s17], [sflag:$0x1], $0x1, s16, s13, $0xb8;
	[tilespmem:$0x5A80] =	vst v63  }
0x1f: {  	s15 =	sadd.s32 $0x200, s15;
	_ =	sdelay $0x1  }
0x20: {  	_ =	swait.ge [sflag:s11], $0x80  }
0x21: {  	[sflag:s11] =	ssyncset.done $0x0;
	s14 =	sadd.s32 $0x1, s14  }
0x22: {  	[sflag:s11] =	ssyncadd.s32 $0xFFFFFF80;
	p0 =	sne.s32 s14, s9  }
.Ltmp1:
0x23: {  	[bflag:$0x0] =	sbarrier.arrive $0xFFFF;
	(pc) =	sbr.rel @p0 .LBB2_1-.Ltmp1, $4  }
0x24: {  	[hbm:s8], [sflag:s5] =	dma.local [spmem:s10], $0x50  }
0x25: {  	_ =	swait.ge [sflag:s11], $0x50  }
0x26: {  	[sflag:s11] =	ssyncset.done $0x0  }
0x27: {  	[sflag:s11] =	ssyncadd.s32 $0xFFFFFFB0  }
0x28: {  	_ =	sfence.sel $0x180000  }
0x29: {  	[bflag:$0x0] =	sbarrier.arrive $0xFFFF  }
0x2a: {  	p0 =	sne.s32 s0, $0x0;
	_ =	strace $0x90000047  }
0x2b: {  	s0 =	sadd.s32 @!p0 $0x100000, s1;
	[bflag:$0x2] =	sbarrier.arrive $0xFFFF  }
0x2c: {  	[sflag:s0] =	ssyncadd.tile.s32 @!p0 $0x1;
	_ =	shalt  }
.Lfunc_end2:
_tile_overlayer_lowered:
.L_overlay_start_2:
0x2d: {  	(tag) =	ssettag $0x2  }
0x2e: {  	s0 =	rddreg [dreg:$0x0];
	s2 =	stileid.u32  }
0x2f: {  	s1 =	rddreg [dreg:$0x1];
	p0 =	sne.s32 s2, $0x0  }
0x30: {  	s3 =	rddreg [dreg:$0x2];
	[bflag:$0x3] =	sbarrier.arrive $0xFFFF;
	s2 =	simm.s32 @!p0 $0x1C01  }
0x31: {  	[timem:s3], [sflag:s2] =	dma.local @!p0 [hbm:s0], s1  }
0x32: {  	s0 =	simm.s32 @!p0 $0x1  }
0x33: {  	_ =	swait.ge @!p0 [sflag:s0], s1  }
0x34: {  	s1 =	ssub.s32 @!p0 $0x0, s1;
	[sflag:s0] =	ssyncset.done @!p0 $0x0  }
0x35: {  	[sflag:s0] =	ssyncadd.s32 @!p0 s1  }
0x36: {  	[bflag:$0x3] =	sbarrier.arrive $0xFFFF  }
0x37: {  	_ =	shalt  }

// kernel: sparse-core-data-format-call.cloned.1.call-start
scs
called_computation_lowered:
.L_overlay_start_0:
0x0: {  	s2 =	sld [smem:$0x3FD9]  }
0x1: {  	s3 =	sld [smem:$0x3FFE];
	_ =	sdelay $0x1  }
0x2: {  	s1 =	srdreg.scid  }
0x3: {  	s0 =	sand.u32 $0x1, s1  }
0x4: {  	s18 =	sshll.u32 s0, $0xA;
	s2 =	sadd.s32 s3, s2  }
0x5: {  	s2 =	sadd.s32 s2, s18  }
0x6: {  	[smem:$0x3FBA] =	sst s2  }
0x7: {  	_ = 	snop  }
0x8: {  	s19 =	sld [smem:$0x3FC9];
	(tm) =	ssettm $0x1  }
0x9: {  	s20 =	sld [smem:$0x3FFB];
	_ =	sdelay $0x3  }
0xa: {  	_ =	strace s20  }
0xb: {  	s2 =	sld [smem:$0x3FFC];
	_ =	sdelay $0x3  }
0xc: {  	_ =	strace s2  }
0xd: {  	s2 =	sld [smem:$0x3FFD];
	_ =	sdelay $0x3  }
0xe: {  	_ =	strace s2  }
0xf: {  	_ =	strace $0x8FFFFFFF  }
0x10: {  	s21 =	sld [smem:$0x3FDB];
	_ =	sdelay $0x1  }
0x11: {  	s4 =	simm.s32 $_scs_section_size  }
0x12: {  	s5 =	simm.s32 $_size__tile_overlayer_lowered;
	s6 =	simm.s32 $_tile_overlayer_lowered  }
0x13: {  	s7 =	simm.s32 $0x1BFF;
	s22 =	sshll.u32 s6, $0x1;
	s4 =	sadd.s32 s4, s21  }
0x14: {  	s23 =	simm.s32 $0x0;
	s5 =	sshll.u32 s5, $0x1;
	s6 =	sadd.s32 s22, s4  }
0x15: {  	[timem:s23], [sflag:s7] =	dma.local [hbm:s6], s5  }
0x16: {  	_ =	swait.ge [sflag:s7], s5  }
0x17: {  	s5 =	ssub.s32 $0x0, s5;
	[sflag:s7] =	ssyncset.done $0x0  }
0x18: {  	[sflag:s7] =	ssyncadd.s32 s5;
	_ =	sdelay $0x1  }
0x19: {  	s24 =	simm.s32 $0x1B8B  }
0x1a: {  	_ =	swait.ge [sflag:s24], $0x1  }
0x1b: {  	[sflag:s24] =	ssyncset.done $0x0  }
0x1c: {  	[sflag:s24] =	ssyncadd.s32 $0xFFFFFFFF  }
0x1d: {  	s5 =	sld [smem:$0x0]  }
0x1e: {  	s6 =	sand.u32 $0xFFFFFFFE, s1  }
0x1f: {  	p0 =	sne.s32 s1, s6  }
0x20: {  	s6 =	sshll.u32 @p0 s6, $0xE  }
0x21: {  	s6 =	sadd.s32 @p0 $0x11B8D, s6;
	s7 =	sshll.u32 @p0 s5, $0x11  }
0x22: {  	s6 =	sor.u32 @p0 s7, s6  }
0x23: {  	[sflag:s6] =	ssyncadd.remote.s32 @p0 $0x1;
	_ =	sdelay $0x1  }
0x24: {  	s6 =	simm.s32 @p0 $0x1B8D  }
0x25: {  	_ =	swait.eq @p0 [sflag:s6], $0x1  }
0x26: {  	[sflag:s6] =	ssyncadd.s32 @p0 $0xFFFFFFFF  }
0x27: {  	s7 =	sshll.u32 @!p0 s1, $0xE  }
0x28: {  	s7 =	sor.u32 @!p0 $0x4000, s7;
	s6 =	simm.s32 @!p0 $0x1B8D  }
0x29: {  	s5 =	sshll.u32 @!p0 s5, $0x11;
	s7 =	sadd.s32 @!p0 $0x11B8D, s7;
	_ =	swait.eq @!p0 [sflag:s6], $0x1  }
0x2a: {  	s5 =	sor.u32 @!p0 s5, s7;
	[sflag:s6] =	ssyncadd.s32 @!p0 $0xFFFFFFFF  }
0x2b: {  	s26 =	simm.s32 $0x1B8E;
	s25 =	sld [smem:$0x3FFE];
	[sflag:s5] =	ssyncadd.remote.s32 @!p0 $0x1  }
0x2c: {  	s27 =	simm.s32 $execute0_lowered;
	[smem:$0x3FD2] =	sst s26  }
0x2d: {  	s6 =	sshll.u32 s27, $0x1;
	_ =	strace $0x80000049;
	[dreg:$0x1] =	wrdreg $0xFFFFFFFF  }
0x2e: {  	s28 =	simm.s32 $_size_execute0_lowered;
	s4 =	sadd.s32 s4, s6;
	[dreg:$0x0] =	wrdreg $0x0  }
0x2f: {  	s6 =	sshll.u32 s28, $0x1;
	[dreg:$0x2] =	wrdreg s4  }
0x30: {  	[dreg:$0x3] =	wrdreg s6  }
0x31: {  	[dreg:$0x4] =	wrdreg $0xC0  }
0x32: {  	_ =	task [dreg:s23], $0x5FFFF  }
0x33: {  	[dreg:$0x1] =	wrdreg $0xFFFFFFFF  }
0x34: {  	[dreg:$0x0] =	wrdreg $0x60  }
0x35: {  	[dreg:$0x2] =	wrdreg s19  }
0x36: {  	[dreg:$0x3] =	wrdreg s25  }
0x37: {  	[dreg:$0x4] =	wrdreg $0x9  }
0x38: {  	_ =	task.clear_ibuf [dreg:s23], $0x5FFFF;
	_ =	strace $0x90000049  }
0x39: {  	s29 =	simm.s32 $0x9;
	_ =	strace $0x8000004B  }
0x3a: {  	_ =	swait.ge [sflag:s29], $0x1  }
0x3b: {  	[sflag:s29] =	ssyncadd.s32 $0xFFFFFFFF  }
0x3c: {  	_ =	strace $0x9000004B  }
0x3d: {  	_ =	sfence  }
0x3e: {  	s30 =	sld [smem:$0x0];
	_ =	sdelay $0x2  }
0x3f: {  	s31 =	sshll.u32 s1, $0xD;
	s1 =	sshrl.u32 s1, $0x2  }
0x40: {  	s4 =	sand.u32 $0x4000, s31;
	s1 =	sadd.s32 s1, s30  }
0x41: {  	s0 =	sor.u32 s4, s0;
	s1 =	sshll.u32 s1, $0x11  }
0x42: {  	s0 =	sor.u32 s1, s0  }
0x43: {  	s0 =	sadd.s32 $0x8F2B, s0  }
0x44: {  	[sflag:s0] =	ssyncadd.remote.s32 $0x1  }
0x45: {  	_ =	sfence.sel $0xFFFF  }
0x46: {  	[dreg:$0x0] =	wrdreg $0xFFFFFFFF;
	(pc) =	sbr.abs _section_cstart, $3  }
0x47: {  	[dreg:$0x1] =	wrdreg $0xFFFFFFFF  }
0x48: {  	_ =	task.clear_ibuf [dreg:s23], $0x2FFFF;
	_ =	strace $0x9FFFFFFF  }
0x49: {  	(tm) =	ssettm $0x7FFFFFFF  }
tec
execute0_lowered:
.L_overlay_start_1:
0x0: {  	(tag) =	ssettag $0x1  }
0x1: {  	s0 =	srdreg.scid  }
0x2: {  	s0 =	sshll.u32 s0, $0x4  }
0x3: {  	s1 =	stileid.u32;
	s3 =	rddreg [dreg:$0x0];
	s0 =	sand.u32 $0x10, s0  }
0x4: {  	s6 =	rddreg [dreg:$0x1];
	s0 =	sor.u32 s1, s0  }
0x5: {  	_ =	strace $0x8000004A;
	s4 =	simm.s32 $0x1;
	s2 =	sshll.u32 s0, $0x1  }
0x6: {  	s31 =	simm.s32 $0x2;
	s16 =	simm.s32 $0x0;
	s0 =	ssub.s32 $0x4E2, s2  }
0x7: {  	s9 =	simm.s32 $0x0;
	s15 =	simm.s32 $0x0;
	s30 =	sand.u32 $0x3E, s0  }
0x8: {  	s18 =	simm.s32 $0x0;
	s1 =	simm.s32 $0x1;
	p0 =	sne.s32 s30, $0x0  }
.Ltmp0:
0x9: {  	s0 =	sshrl.u32 s0, $0x6;
	s1 =	simm.s32 @!p0 $0x0;
	(pc) =	sbr.rel .LBB1_1-.Ltmp0, $4  }
0xa: {  	s17 =	simm.s32 $0x0;
	s10 =	simm.s32 $0x0;
	s0 =	sadd.s32 s1, s0  }
0xb: {  	s11 =	simm.s32 $0x0;
	s12 =	simm.s32 $0x0;
	s5 =	smul.u32 $0x3, s0  }
0xc: {  	s14 =	simm.s32 $0x0;
	s6 =	sadd.s32 $0x24800, s6;
	[sflag:s4] =	ssyncpa.u1 $0x0  }
0xd: {  	[sflag:s31] =	ssyncpa.u1 $0x0;
	s13 =	smov.u32 s2;
	s7 =	sadd.s32 $0x1, s5  }
.LBB1_9:
0xe: {  	s0 =	sadd.s32 $0x100, s10  }
0xf: {  	s1 =	sadd.s32 $0x4, s11;
	s8 =	smov.u32 s11;
	p1 =	sgt.s32 s0, $0x2FF  }
0x10: {  	s8 =	smov.u32 @p1 s1  }
0x11: {  	s19 =	smov.u32 s12;
	s1 =	sadd.s32 $0x8, s12;
	p2 =	sgt.s32 s8, $0x3  }
0x12: {  	s19 =	smov.u32 @p2 s1  }
0x13: {  	s20 =	smov.u32 s13;
	s1 =	sadd.s32 $0x40, s13;
	p3 =	sgt.s32 s19, $0x7  }
0x14: {  	p0 =	slt.u32 s14, $0x2;
	s20 =	smov.u32 @p3 s1  }
0x15: {  	s16 =	smov.u32 s10;
	s0 =	simm.s32 @p1 $0x0;
	p1 =	sgt.s32 s20, $0x4E1  }
0x16: {  	s15 =	smov.u32 s11;
	s20 =	smov.u32 @p1 s2;
	p1 =	sne.s32 s14, s7  }
.Ltmp1:
0x17: {  	s18 =	smov.u32 s12;
	s17 =	smov.u32 s13;
	(pc) =	sbr.rel @!p1 .LBB1_10-.Ltmp1, $4  }
0x18: {  	s9 =	sadd.s32 $0x4000, s9;
	s10 =	smov.u32 s0;
	s1 =	simm.s32 @!p0 $0x2  }
0x19: {  	s8 =	simm.s32 @p2 $0x0;
	s19 =	simm.s32 @p3 $0x0;
	_ =	swait.ge @!p0 [sflag:s1], $0x4000  }
0x1a: {  	s11 =	smov.u32 s8;
	s12 =	smov.u32 s19;
	[sflag:s1] =	ssyncset.done @!p0 $0x0  }
0x1b: {  	s14 =	sadd.s32 $0x1, s14;
	[sflag:s1] =	ssyncadd.s32 @!p0 $0xFFFFC000;
	s13 =	smov.u32 s20  }
.LBB1_1:
0x1c: {  	p0 =	sge.u32 s14, s5  }
0x1d: {  	s0 =	sshrl.u32 @!p0 s11, $0x2  }
0x1e: {  	s1 =	sshll.u32 @!p0 s10, $0x2;
	s0 =	smul.u32 @!p0 $0xC00, s0  }
0x1f: {  	s8 =	sshll.u32 @!p0 s11, $0x7;
	s1 =	sand.u32 @!p0 $0xFFFFFE00, s1  }
0x20: {  	s0 =	sadd.s32 @!p0 s0, s1;
	s1 =	sand.u32 @!p0 $0x180, s8  }
0x21: {  	s8 =	sand.u32 @!p0 $0x7F, s10;
	s0 =	sor.u32 @!p0 s1, s0  }
0x22: {  	s1 =	sor.u32 @!p0 s8, s0  }
0x23: {  	s8 =	smulhi.u32 @!p0 $0xAAAAAAAB, s1  }
0x24: {  	s0 =	smulhi.u32 @!p0 $0xAAAAAAAB, s0  }
0x25: {  	s31 =	sadd.s32 $0xFFFFFFFF, s14;
	s20 =	smul.u32 @!p0 $0xC00, s13;
	s8 =	sshrl.u32 @!p0 s8, $0x9  }
0x26: {  	s19 =	sxor.u32 @!p0 $0xFFFFFFFF, s14;
	s0 =	sshrl.u32 @!p0 s0, $0x9;
	s8 =	smul.u32 @!p0 $0x300, s8  }
0x27: {  	s21 =	smul.u32 @!p0 $0x180, s12;
	s19 =	sshll.u32 @!p0 s19, $0xE;
	s0 =	sand.u32 @!p0 $0x3, s0  }
0x28: {  	s0 =	smul.u32 @!p0 $0x60, s0;
	s1 =	ssub.s32 @!p0 s1, s8;
	s8 =	sadd.s32 @!p0 s3, s20  }
0x29: {  	s19 =	sand.u32 @!p0 $0x4000, s19;
	s8 =	sadd.s32 @!p0 s21, s8;
	s20 =	sand.u32 @!p0 $0x7, s1  }
0x2a: {  	s1 =	sshrl.u32 @!p0 s1, $0x3;
	s0 =	sadd.s32 @!p0 s0, s8;
	s8 =	sshll.u32 @!p0 s20, $0x12  }
0x2b: {  	s0 =	sadd.s32 @!p0 s1, s0;
	s1 =	sor.u32 @!p0 $0x400, s8;
	s8 =	simm.s32 @!p0 $0xC00  }
0x2c: {  	[tilespmem:s19], [sflag:$0x1] =	stream.strided.gather @!p0 [hbm4b:s0+s1], $0x4000, s8, s1, $0x38;
	[tilespmem:$0x10000] =	vst v63  }
0x2d: {  	p0 =	sge.u32 s31, s5  }
.Ltmp2:
0x2e: {  	_ = 	snop;
	(pc) =	sbr.rel @p0 .LBB1_9-.Ltmp2, $1  }
0x2f: {  	_ =	sdelay $0x3  }
0x30: {  	s0 =	sshll.u32 s9, $0x2  }
0x31: {  	_ =	swait.ge [sflag:s4], $0x4000;
	s1 =	sshll.u32 s14, $0xE;
	s24 =	simm.s32 $0x0  }
0x32: {  	p1 =	por $0x1, $0x1;
	s0 =	sand.u32 $0x10000, s0;
	[sflag:s4] =	ssyncset.done $0x0  }
0x33: {  	s21 =	sand.u32 $0x4000, s1;
	s20 =	sshrl.u32 s0, $0x2;
	[sflag:s4] =	ssyncadd.s32 $0xFFFFC000  }
0x34: {  	s19 =	sor.u32 $0x8000, s21;
	s22 =	sor.u32 $0x8000, s20;
	s23 =	sadd.s32 $0x8400, s20  }
.LBB1_3:
0x35: {  	s0 =	sshll.u32 s24, $0x2  }
0x36: {  	s0 =	sshrl.u32 s0, $0x2  }
0x37: {  	v0 =	vmov s0;
	_ =	sdelay $0x2  }
0x38: {  	p0 =	por p1, p1;
	p1 =	por $0x0, $0x0;
	s25 =	smov.u32 s22  }
0x39: {  	s26 =	simm.s32 $0x0;
	s27 =	smov.u32 s20;
	s28 =	simm.s32 $0x0  }
.LBB1_4:
0x3a: {  	_ =	sdelay $0x3  }
0x3b: {  	v2 =	vld.idx.msk [tilespmem:v0+s27+$0x10 ss:$0x1], $0xffff  }
0x3c: {  	v3 =	vld.idx.msk [tilespmem:v0+s27+$0x270 ss:$0x1], $0xffff  }
0x3d: {  	s0 =	sshll.u32 s28, $0xA;
	v5 =	vld.idx.msk [tilespmem:v0+s27+$0x20 ss:$0x1], $0xffff  }
0x3e: {  	v8 =	vld.idx.msk [tilespmem:v0+s27+$0x30 ss:$0x1], $0xffff;
	s0 =	sadd.s32 s24, s0  }
0x3f: {  	v9 =	vld.idx.msk [tilespmem:v0+s27+$0x40 ss:$0x1], $0xffff;
	v1 =	vmov s0  }
0x40: {  	s8 =	simm.s32 $0x0;
	v10 =	vld.idx.msk [tilespmem:v0+s27+$0x50 ss:$0x1], $0xffff  }
0x41: {  	v11 =	vld.idx.msk [tilespmem:v0+s27+$0x60 ss:$0x1], $0xffff;
	s1 =	sand.u32 $0x100, s8  }
0x42: {  	v12 =	vld.idx.msk [tilespmem:v0+s27+$0x70 ss:$0x1], $0xffff;
	s0 =	sand.u32 $0x80, s8;
	s1 =	sadd.s32 s1, s21;
	[tilespmem:v0+s25+$0x470 ss:$0x1] =	vst.idx.msk $0xffff, v3  }
0x43: {  	v7 =	vld.idx.msk [tilespmem:v0+s27+$0x210 ss:$0x1], $0xffff;
	s0 =	sadd.s32 s0, s1;
	s1 =	simm.s32 $0x1;
	[tilespmem:v0+s25+$0x10 ss:$0x1] =	vst.idx.msk $0xffff, v2  }
0x44: {  	s8 =	sshll.u32 s26, $0x2;
	s1 =	simm.s32 @!p1 $0x0;
	[tilespmem:v0+s25+$0x20 ss:$0x1] =	vst.idx.msk $0xffff, v5;
	v4 =	vld.idx.msk [tilespmem:v1+s0+$0x200 ss:$0x1], $0xffff  }
0x45: {  	v6 =	vld.idx.msk [tilespmem:v0+s27+$0x220 ss:$0x1], $0xffff;
	s1 =	sshll.u32 s1, $0x9;
	[tilespmem:v0+s25+$0x30 ss:$0x1] =	vst.idx.msk $0xffff, v8;
	s0 =	sand.u32 $0xFFFFFC00, s8  }
0x46: {  	v3 =	vld.idx.msk [tilespmem:v0+s27+$0x230 ss:$0x1], $0xffff;
	[tilespmem:v0+s25+$0x40 ss:$0x1] =	vst.idx.msk $0xffff, v9;
	s0 =	sor.u32 s1, s0  }
0x47: {  	[tilespmem:v0+s25+$0x50 ss:$0x1] =	vst.idx.msk $0xffff, v10;
	v5 =	vld.idx.msk [tilespmem:v0+s27+$0x250 ss:$0x1], $0xffff;
	s0 =	sshrl.u32 s0, $0x2  }
0x48: {  	[tilespmem:v0+s25+$0x60 ss:$0x1] =	vst.idx.msk $0xffff, v11;
	v2 =	vld.idx.msk [tilespmem:v0+s27+$0x260 ss:$0x1], $0xffff;
	s29 =	sadd.s32 s0, s23  }
0x49: {  	s30 =	sadd.s32 $0x80, s27;
	s0 =	simm.s32 $0x80;
	[tilespmem:v0+s29+$0x0 ss:$0x1] =	vst.idx.msk $0xffff, v4;
	v4 =	vld.idx.msk [tilespmem:v0+s27+$0x240 ss:$0x1], $0xffff  }
0x4a: {  	s31 =	smov.u32 s25;
	v8 =	vld.idx.msk [tilespmem:v0+s27+$0x0 ss:$0x1], $0xffff;
	[tilespmem:v0+s25+$0x70 ss:$0x1] =	vst.idx.msk $0xffff, v12;
	s1 =	simm.s32 $0x100;
	s8 =	sand.u32 $0x100, s0  }
.LBB1_5:
0x4b: {  	p2 =	sne.s32 s1, $0x180;
	v9 =	vld.idx.msk [tilespmem:v0+s30+$0x10 ss:$0x1], $0xffff;
	s0 =	sand.u32 $0x80, s0;
	s8 =	sadd.s32 s8, s21;
	[tilespmem:v0+s31+$0x410 ss:$0x1] =	vst.idx.msk $0xffff, v7  }
0x4c: {  	s8 =	sadd.s32 s0, s8;
	v7 =	vld.idx.msk [tilespmem:v0+s30+$0x270 ss:$0x1], $0xffff;
	[tilespmem:v0+s31+$0x420 ss:$0x1] =	vst.idx.msk $0xffff, v6;
	s0 =	smov.u32 s1  }
0x4d: {  	v6 =	vld.idx.msk [tilespmem:v1+s8+$0x200 ss:$0x1], $0xffff;
	[tilespmem:v0+s31+$0x430 ss:$0x1] =	vst.idx.msk $0xffff, v3  }
0x4e: {  	v3 =	vld.idx.msk [tilespmem:v0+s30+$0x20 ss:$0x1], $0xffff;
	[tilespmem:v0+s31+$0x440 ss:$0x1] =	vst.idx.msk $0xffff, v4  }
0x4f: {  	v4 =	vld.idx.msk [tilespmem:v0+s30+$0x30 ss:$0x1], $0xffff;
	[tilespmem:v0+s31+$0x450 ss:$0x1] =	vst.idx.msk $0xffff, v5  }
0x50: {  	v5 =	vld.idx.msk [tilespmem:v0+s30+$0x40 ss:$0x1], $0xffff;
	[tilespmem:v0+s31+$0x0 ss:$0x1] =	vst.idx.msk $0xffff, v8  }
0x51: {  	v8 =	vld.idx.msk [tilespmem:v0+s30+$0x50 ss:$0x1], $0xffff;
	[tilespmem:v0+s31+$0x460 ss:$0x1] =	vst.idx.msk $0xffff, v2;
	s31 =	sadd.s32 $0x800, s31  }
0x52: {  	s29 =	sadd.s32 $0x800, s29;
	v2 =	vld.idx.msk [tilespmem:v0+s30+$0x60 ss:$0x1], $0xffff;
	[tilespmem:v0+s31+$0x470 ss:$0x1] =	vst.idx.msk $0xffff, v7  }
0x53: {  	v10 =	vld.idx.msk [tilespmem:v0+s30+$0x70 ss:$0x1], $0xffff;
	[tilespmem:v0+s29+$0x0 ss:$0x1] =	vst.idx.msk $0xffff, v6  }
0x54: {  	[tilespmem:v0+s31+$0x10 ss:$0x1] =	vst.idx.msk $0xffff, v9;
	v7 =	vld.idx.msk [tilespmem:v0+s30+$0x210 ss:$0x1], $0xffff  }
0x55: {  	[tilespmem:v0+s31+$0x20 ss:$0x1] =	vst.idx.msk $0xffff, v3;
	v6 =	vld.idx.msk [tilespmem:v0+s30+$0x220 ss:$0x1], $0xffff  }
.Ltmp3:
0x56: {  	[tilespmem:v0+s31+$0x30 ss:$0x1] =	vst.idx.msk $0xffff, v4;
	v3 =	vld.idx.msk [tilespmem:v0+s30+$0x230 ss:$0x1], $0xffff;
	(pc) =	sbr.rel @p2 .LBB1_5-.Ltmp3, $4  }
0x57: {  	[tilespmem:v0+s31+$0x40 ss:$0x1] =	vst.idx.msk $0xffff, v5;
	v4 =	vld.idx.msk [tilespmem:v0+s30+$0x240 ss:$0x1], $0xffff  }
0x58: {  	[tilespmem:v0+s31+$0x50 ss:$0x1] =	vst.idx.msk $0xffff, v8;
	v5 =	vld.idx.msk [tilespmem:v0+s30+$0x250 ss:$0x1], $0xffff  }
0x59: {  	[tilespmem:v0+s31+$0x60 ss:$0x1] =	vst.idx.msk $0xffff, v2;
	v2 =	vld.idx.msk [tilespmem:v0+s30+$0x260 ss:$0x1], $0xffff  }
0x5a: {  	s1 =	sadd.s32 $0x80, s1;
	s8 =	sand.u32 $0x100, s0;
	v8 =	vld.idx.msk [tilespmem:v0+s30+$0x0 ss:$0x1], $0xffff;
	[tilespmem:v0+s31+$0x70 ss:$0x1] =	vst.idx.msk $0xffff, v10;
	s30 =	sadd.s32 $0x80, s30  }
0x5b: {  	_ =	sdelay $0x3  }
0x5c: {  	[tilespmem:v0+s31+$0x410 ss:$0x1] =	vst.idx.msk $0xffff, v7  }
0x5d: {  	[tilespmem:v0+s31+$0x420 ss:$0x1] =	vst.idx.msk $0xffff, v6  }
0x5e: {  	v56 =	vld.idx.msk [tilespmem:v0+s30+$0x270 ss:$0x1], $0xffff;
	[tilespmem:v0+s31+$0x430 ss:$0x1] =	vst.idx.msk $0xffff, v3  }
0x5f: {  	v3 =	vld.idx.msk [tilespmem:v0+s30+$0x10 ss:$0x1], $0xffff;
	[tilespmem:v0+s31+$0x440 ss:$0x1] =	vst.idx.msk $0xffff, v4  }
0x60: {  	v57 =	vld.idx.msk [tilespmem:v0+s30+$0x20 ss:$0x1], $0xffff;
	[tilespmem:v0+s31+$0x450 ss:$0x1] =	vst.idx.msk $0xffff, v5  }
0x61: {  	s0 =	sand.u32 $0x80, s0;
	s1 =	sadd.s32 s8, s21;
	v58 =	vld.idx.msk [tilespmem:v0+s30+$0x30 ss:$0x1], $0xffff;
	[tilespmem:v0+s31+$0x460 ss:$0x1] =	vst.idx.msk $0xffff, v2  }
0x62: {  	s8 =	sadd.s32 $0x800, s31;
	v59 =	vld.idx.msk [tilespmem:v0+s30+$0x50 ss:$0x1], $0xffff;
	s0 =	sadd.s32 s0, s1;
	[tilespmem:v0+s31+$0x0 ss:$0x1] =	vst.idx.msk $0xffff, v8  }
0x63: {  	v1 =	vld.idx.msk [tilespmem:v1+s0+$0x200 ss:$0x1], $0xffff;
	[tilespmem:v0+s8+$0x470 ss:$0x1] =	vst.idx.msk $0xffff, v56  }
0x64: {  	v60 =	vld.idx.msk [tilespmem:v0+s30+$0x210 ss:$0x1], $0xffff;
	[tilespmem:v0+s8+$0x10 ss:$0x1] =	vst.idx.msk $0xffff, v3  }
0x65: {  	v61 =	vld.idx.msk [tilespmem:v0+s30+$0x220 ss:$0x1], $0xffff;
	[tilespmem:v0+s8+$0x20 ss:$0x1] =	vst.idx.msk $0xffff, v57  }
0x66: {  	v2 =	vld.idx.msk [tilespmem:v0+s30+$0x40 ss:$0x1], $0xffff;
	[tilespmem:v0+s8+$0x30 ss:$0x1] =	vst.idx.msk $0xffff, v58  }
0x67: {  	s31 =	sadd.s32 $0x800, s29;
	v3 =	vld.idx.msk [tilespmem:v0+s30+$0x70 ss:$0x1], $0xffff;
	[tilespmem:v0+s8+$0x50 ss:$0x1] =	vst.idx.msk $0xffff, v59  }
0x68: {  	[tilespmem:v0+s31+$0x0 ss:$0x1] =	vst.idx.msk $0xffff, v1;
	v1 =	vld.idx.msk [tilespmem:v0+s30+$0x60 ss:$0x1], $0xffff  }
0x69: {  	v62 =	vld.idx.msk [tilespmem:v0+s30+$0x240 ss:$0x1], $0xffff;
	[tilespmem:v0+s8+$0x410 ss:$0x1] =	vst.idx.msk $0xffff, v60  }
0x6a: {  	v63 =	vld.idx.msk [tilespmem:v0+s30+$0x260 ss:$0x1], $0xffff;
	[tilespmem:v0+s8+$0x420 ss:$0x1] =	vst.idx.msk $0xffff, v61  }
0x6b: {  	[tilespmem:v0+s8+$0x40 ss:$0x1] =	vst.idx.msk $0xffff, v2;
	v2 =	vld.idx.msk [tilespmem:v0+s30+$0x230 ss:$0x1], $0xffff  }
0x6c: {  	s28 =	sadd.s32 $0x1, s28;
	[tilespmem:v0+s8+$0x70 ss:$0x1] =	vst.idx.msk $0xffff, v3;
	v3 =	vld.idx.msk [tilespmem:v0+s30+$0x0 ss:$0x1], $0xffff  }
0x6d: {  	p2 =	sne.s32 s28, $0x8;
	[tilespmem:v0+s8+$0x60 ss:$0x1] =	vst.idx.msk $0xffff, v1;
	v1 =	vld.idx.msk [tilespmem:v0+s30+$0x250 ss:$0x1], $0xffff  }
.Ltmp4:
0x6e: {  	[tilespmem:v0+s8+$0x440 ss:$0x1] =	vst.idx.msk $0xffff, v62;
	(pc) =	sbr.rel @p2 .LBB1_4-.Ltmp4, $4  }
0x6f: {  	[tilespmem:v0+s8+$0x460 ss:$0x1] =	vst.idx.msk $0xffff, v63  }
0x70: {  	[tilespmem:v0+s8+$0x430 ss:$0x1] =	vst.idx.msk $0xffff, v2  }
0x71: {  	s27 =	sadd.s32 $0x400, s27;
	[tilespmem:v0+s8+$0x0 ss:$0x1] =	vst.idx.msk $0xffff, v3  }
0x72: {  	s26 =	sadd.s32 $0x80, s26;
	p1 =	por !p1, !p1;
	s25 =	sadd.s32 $0x80, s25;
	[tilespmem:v0+s8+$0x450 ss:$0x1] =	vst.idx.msk $0xffff, v1  }
.Ltmp5:
0x73: {  	(pc) =	sbr.rel @p0 .LBB1_3-.Ltmp5, $2  }
0x74: {  	_ =	sdelay $0x2  }
0x75: {  	s24 =	simm.s32 $0x2000;
	p1 =	por $0x0, $0x0  }
0x76: {  	s0 =	sshrl.u32 s18, $0x3  }
0x77: {  	s1 =	sshll.u32 s16, $0x3;
	s0 =	smul.u32 $0x1800, s0  }
0x78: {  	s8 =	sshll.u32 s18, $0x7;
	s1 =	sand.u32 $0xFFFFFC00, s1  }
0x79: {  	s24 =	sand.u32 $0x380, s8;
	s0 =	sadd.s32 s0, s1  }
0x7a: {  	s25 =	sand.u32 $0x7F, s16;
	s0 =	sor.u32 s24, s0  }
0x7b: {  	s1 =	sor.u32 s25, s0;
	s0 =	smulhi.u32 $0xAAAAAAAB, s0  }
0x7c: {  	s8 =	smulhi.u32 $0xAAAAAAAB, s1  }
0x7d: {  	s26 =	smul.u32 $0xC00, s17  }
0x7e: {  	s15 =	smul.u32 $0x300, s15;
	s0 =	sshrl.u32 s0, $0x9;
	s8 =	sshrl.u32 s8, $0x9  }
0x7f: {  	s0 =	sand.u32 $0x7, s0;
	s8 =	smul.u32 $0x300, s8  }
0x80: {  	s0 =	smul.u32 $0x60, s0  }
.Ltmp6:
0x81: {  	s27 =	sadd.s32 s6, s26;
	s1 =	ssub.s32 s1, s8;
	(pc) =	sbr.rel .LBB1_9-.Ltmp6, $4  }
0x82: {  	s8 =	sadd.s32 s15, s27;
	s28 =	sand.u32 $0x7, s1  }
0x83: {  	s1 =	sshrl.u32 s1, $0x3;
	s0 =	sadd.s32 s0, s8;
	s29 =	sshll.u32 s28, $0x12  }
0x84: {  	s31 =	simm.s32 $0x1800;
	s0 =	sadd.s32 s1, s0;
	s30 =	sor.u32 $0x800, s29  }
0x85: {  	[hbm4b:s0+s30] =	stream.strided.scatter [tilespmem:s19], [sflag:$0x2], $0x4000, s31, s30, $0x38;
	[tilespmem:$0x10000] =	vst v63  }
.LBB1_10:
0x86: {  	_ =	sfence.sel $0x180000  }
0x87: {  	s0 =	simm.s32 $0x1;
	[bflag:$0x0] =	sbarrier.arrive $0xFFFF  }
0x88: {  	s30 =	simm.s32 $0x2;
	[sflag:s0] =	ssyncpa.u1 $0x1  }
0x89: {  	[sflag:s30] =	ssyncpa.u1 $0x1  }
0x8a: {  	_ =	strace $0x9000004A  }
0x8b: {  	s31 =	stileid.u32;
	[bflag:$0x2] =	sbarrier.arrive $0xFFFF  }
0x8c: {  	p0 =	sne.s32 s31, $0x0;
	s0 =	rddreg [dreg:$0x2]  }
0x8d: {  	s0 =	sadd.s32 @!p0 $0x100000, s0  }
0x8e: {  	[sflag:s0] =	ssyncadd.tile.s32 @!p0 $0x1;
	_ =	shalt  }
.Lfunc_end1:
_tile_overlayer_lowered:
.L_overlay_start_2:
0x8f: {  	(tag) =	ssettag $0x2  }
0x90: {  	s0 =	rddreg [dreg:$0x0];
	s2 =	stileid.u32  }
0x91: {  	s1 =	rddreg [dreg:$0x1];
	p0 =	sne.s32 s2, $0x0  }
0x92: {  	s3 =	rddreg [dreg:$0x2];
	[bflag:$0x3] =	sbarrier.arrive $0xFFFF;
	s2 =	simm.s32 @!p0 $0x1C01  }
0x93: {  	[timem:s3], [sflag:s2] =	dma.local @!p0 [hbm:s0], s1  }
0x94: {  	s0 =	simm.s32 @!p0 $0x1  }
0x95: {  	_ =	swait.ge @!p0 [sflag:s0], s1  }
0x96: {  	s1 =	ssub.s32 @!p0 $0x0, s1;
	[sflag:s0] =	ssyncset.done @!p0 $0x0  }
0x97: {  	[sflag:s0] =	ssyncadd.s32 @!p0 s1  }
0x98: {  	[bflag:$0x3] =	sbarrier.arrive $0xFFFF  }
0x99: {  	_ =	shalt  }

</sc_bundles>
